<compile_context>
chip_gen: v7x
topology: tpu7x:2x2x1
jax: 0.10.2.dev20260603
libtpu: 0.0.44.dev20260713+nightly
codegen_flags: <defaults>
</compile_context>

<pallas_src>
import jax
import jax.numpy as jnp
from jax import lax
from jax.experimental import pallas as pl
from jax.experimental.pallas import tpu as pltpu
from jax.experimental.pallas import tpu_sc as plsc

N = 10000
D = 128
E = 320000
HALF = D // 2
N_LAYERS = 2
K = N // 2
EROWS = E // 128
EROWS_PAD = 2560
N_PAD = 10240
N_SUB = 16
RPT = N // N_SUB
RPS = EROWS_PAD // N_SUB
GRP = 4
NG = RPS // GRP
NDUMMY = 8


def _sc_body(feat_lo, feat_hi, src2d, dst2d, zagg, zdeg, onesb,
             out_lo, out_hi, outd0, outd1,
             agg_s, deg_s, idxs, idxd, rows_b, ones_v,
             gsem0, gsem1, ssem0, ssem1, dsem0, dsem1):
    c = lax.axis_index("c")
    s = lax.axis_index("s")
    sl = pl.ds(s * RPT, RPT)
    pltpu.sync_copy(zagg, agg_s.at[sl])
    pltpu.sync_copy(zdeg, deg_s.at[sl])
    pltpu.sync_copy(onesb, ones_v)
    plsc.subcore_barrier()

    gsem = (gsem0, gsem1)
    ssem = (ssem0, ssem1)
    dsem = (dsem0, dsem1)
    row_base = s * RPS

    def load_idx(p, g):
        row0 = row_base + g * GRP

        @pl.when(row0 < EROWS)
        def _():
            pltpu.sync_copy(src2d.at[pl.ds(row0, GRP)], idxs.at[p])
            pltpu.sync_copy(dst2d.at[pl.ds(row0, GRP)], idxd.at[p])

    def issue_gathers(p, g):
        @pl.when(row_base + g * GRP < EROWS)
        def _():
            for b in range(GRP):
                @pl.when(c == 0)
                def _():
                    pltpu.async_copy(feat_lo.at[idxs.at[p, b]],
                                     rows_b.at[p, b], gsem[p])

                @pl.when(c == 1)
                def _():
                    pltpu.async_copy(feat_hi.at[idxs.at[p, b]],
                                     rows_b.at[p, b], gsem[p])

    def wait_gathers(p, g):
        @pl.when(row_base + g * GRP < EROWS)
        def _():
            for b in range(GRP):
                pltpu.make_async_copy(feat_lo.at[idxs.at[p, b]],
                                      rows_b.at[p, b], gsem[p]).wait()

    def issue_scatters(p, g):
        @pl.when(row_base + g * GRP < EROWS)
        def _():
            for b in range(GRP):
                pltpu.async_copy(rows_b.at[p, b], agg_s.at[idxd.at[p, b]],
                                 ssem[p], add=True)

                @pl.when(c == b % 2)
                def _():
                    pltpu.async_copy(ones_v, deg_s.at[idxd.at[p, b]],
                                     dsem[p], add=True)

    def wait_scatters(p, g):
        @pl.when(row_base + g * GRP < EROWS)
        def _():
            for b in range(GRP):
                pltpu.make_async_copy(rows_b.at[p, b], agg_s.at[idxd.at[p, b]],
                                      ssem[p]).wait()

                @pl.when(c == b % 2)
                def _():
                    pltpu.make_async_copy(ones_v, deg_s.at[idxd.at[p, b]],
                                          dsem[p]).wait()

    load_idx(0, 0)
    issue_gathers(0, 0)

    @pl.loop(0, NG, step=2)
    def _grp(gg):
        load_idx(1, gg + 1)
        wait_gathers(0, gg)
        issue_scatters(0, gg)
        issue_gathers(1, gg + 1)
        wait_scatters(0, gg)

        @pl.when(gg < NG - 2)
        def _():
            load_idx(0, gg + 2)

        wait_gathers(1, gg + 1)
        issue_scatters(1, gg + 1)

        @pl.when(gg < NG - 2)
        def _():
            issue_gathers(0, gg + 2)

        wait_scatters(1, gg + 1)

    plsc.subcore_barrier()

    @pl.when(c == 0)
    def _():
        pltpu.sync_copy(agg_s.at[sl], out_lo.at[sl])
        pltpu.sync_copy(deg_s.at[sl], outd0.at[sl])

    @pl.when(c == 1)
    def _():
        pltpu.sync_copy(agg_s.at[sl], out_hi.at[sl])
        pltpu.sync_copy(deg_s.at[sl], outd1.at[sl])


def _sc_aggregate(feat_lo, feat_hi, src2d, dst2d):
    f32 = jnp.float32
    zagg = jnp.zeros((RPT, HALF), f32)
    zdeg = jnp.zeros((RPT, 16), f32)
    onesb = jnp.zeros((128, 16), f32).at[:, 0].set(1.0)
    run = pl.kernel(
        _sc_body,
        out_type=(
            jax.ShapeDtypeStruct((N, HALF), f32),
            jax.ShapeDtypeStruct((N, HALF), f32),
            jax.ShapeDtypeStruct((N, 16), f32),
            jax.ShapeDtypeStruct((N, 16), f32),
        ),
        mesh=plsc.VectorSubcoreMesh(core_axis_name="c", subcore_axis_name="s"),
        compiler_params=pltpu.CompilerParams(use_tc_tiling_on_sc=False),
        scratch_types=(
            pltpu.VMEM_SHARED((N + NDUMMY, HALF), f32),
            pltpu.VMEM_SHARED((N + NDUMMY, 16), f32),
            pltpu.VMEM((2, GRP, 128), jnp.int32),
            pltpu.VMEM((2, GRP, 128), jnp.int32),
            pltpu.VMEM((2, GRP, 128, HALF), f32),
            pltpu.VMEM((128, 16), f32),
            pltpu.SemaphoreType.DMA,
            pltpu.SemaphoreType.DMA,
            pltpu.SemaphoreType.DMA,
            pltpu.SemaphoreType.DMA,
            pltpu.SemaphoreType.DMA,
            pltpu.SemaphoreType.DMA,
        ),
    )
    return run(feat_lo, feat_hi, src2d, dst2d, zagg, zdeg, onesb)


def _sim_body(slo, shi, d0, d1, ori, sim):
    deg = d0[:, 0:1] + d1[:, 0:1]
    degc = jnp.maximum(deg, 1.0)
    agg_lo = slo[...] / degc
    agg_hi = shi[...] / degc
    o = ori[...]
    o_lo = o[:, :HALF]
    o_hi = o[:, HALF:]
    num = (jnp.sum(agg_lo * o_lo, axis=1, keepdims=True)
           + jnp.sum(agg_hi * o_hi, axis=1, keepdims=True))
    ssq = (jnp.sum(agg_lo * agg_lo, axis=1, keepdims=True)
           + jnp.sum(agg_hi * agg_hi, axis=1, keepdims=True))
    osq = jnp.sum(o * o, axis=1, keepdims=True)
    denom = jnp.sqrt(ssq + 1e-12) * jnp.sqrt(osq + 1e-12) + 1e-8
    sim[...] = num / denom


def _tc_sims(sum_lo, sum_hi, deg0, deg1, ori):
    bm = 1000
    grid = N // bm
    return pl.pallas_call(
        _sim_body,
        grid=(grid,),
        in_specs=[
            pl.BlockSpec((bm, HALF), lambda i: (i, 0)),
            pl.BlockSpec((bm, HALF), lambda i: (i, 0)),
            pl.BlockSpec((bm, 16), lambda i: (i, 0)),
            pl.BlockSpec((bm, 16), lambda i: (i, 0)),
            pl.BlockSpec((bm, D), lambda i: (i, 0)),
        ],
        out_specs=pl.BlockSpec((bm, 1), lambda i: (i, 0)),
        out_shape=jax.ShapeDtypeStruct((N, 1), jnp.float32),
    )(sum_lo, sum_hi, deg0, deg1, ori)


def _mask_body(sim80, mask80):
    sim = sim80[...]
    b = lax.bitcast_convert_type(sim, jnp.int32)
    key = jnp.where(b < 0, b ^ jnp.int32(0x7FFFFFFF), b)
    u = lax.bitcast_convert_type(key, jnp.uint32) ^ jnp.uint32(0x80000000)

    def bit_step(i, prefix):
        bit = lax.shift_left(jnp.uint32(1),
                             jnp.uint32(31) - i.astype(jnp.uint32))
        cand = prefix | bit
        cnt = jnp.sum((u >= cand).astype(jnp.int32))
        return jnp.where(cnt >= K, cand, prefix)

    thr = lax.fori_loop(0, 32, bit_step, jnp.uint32(0))
    cnt_gt = jnp.sum((u > thr).astype(jnp.int32))
    need = K - cnt_gt
    tie = u == thr
    idx = (lax.broadcasted_iota(jnp.int32, sim.shape, 0) * 128
           + lax.broadcasted_iota(jnp.int32, sim.shape, 1))

    def m_step(i, m):
        bit = lax.shift_left(jnp.int32(1), jnp.int32(13) - i)
        cand = m | bit
        cnt = jnp.sum((tie & (idx < cand)).astype(jnp.int32))
        return jnp.where(cnt < need, cand, m)

    last = lax.fori_loop(0, 14, m_step, jnp.int32(0))
    keep = (u > thr) | (tie & (idx <= last))
    mask80[...] = keep.astype(jnp.float32)


def _tc_mask(sim80):
    return pl.pallas_call(
        _mask_body,
        out_shape=jax.ShapeDtypeStruct((N_PAD // 128, 128), jnp.float32),
    )(sim80)


def _sel_body(slo, shi, d0, d1, m, xlo, xhi, olo, ohi):
    deg = d0[:, 0:1] + d1[:, 0:1]
    degc = jnp.maximum(deg, 1.0)
    keep = m[...] > 0.0
    olo[...] = jnp.where(keep, slo[...] / degc, xlo[...])
    ohi[...] = jnp.where(keep, shi[...] / degc, xhi[...])


def _tc_select(sum_lo, sum_hi, deg0, deg1, maskn, x_lo, x_hi):
    bm = 1000
    grid = N // bm
    bs_h = pl.BlockSpec((bm, HALF), lambda i: (i, 0))
    bs_d = pl.BlockSpec((bm, 16), lambda i: (i, 0))
    bs_1 = pl.BlockSpec((bm, 1), lambda i: (i, 0))
    return pl.pallas_call(
        _sel_body,
        grid=(grid,),
        in_specs=[bs_h, bs_h, bs_d, bs_d, bs_1, bs_h, bs_h],
        out_specs=(bs_h, bs_h),
        out_shape=(
            jax.ShapeDtypeStruct((N, HALF), jnp.float32),
            jax.ShapeDtypeStruct((N, HALF), jnp.float32),
        ),
    )(sum_lo, sum_hi, deg0, deg1, maskn, x_lo, x_hi)


def _layer(x_lo, x_hi, ori, src2d, dst2d):
    sum_lo, sum_hi, deg0, deg1 = _sc_aggregate(x_lo, x_hi, src2d, dst2d)
    sim = _tc_sims(sum_lo, sum_hi, deg0, deg1, ori)
    sim_pad = jnp.concatenate(
        [sim.reshape(N), jnp.full((N_PAD - N,), -jnp.inf, jnp.float32)])
    mask80 = _tc_mask(sim_pad.reshape(N_PAD // 128, 128))
    maskn = mask80.reshape(N_PAD)[:N].reshape(N, 1)
    return _tc_select(sum_lo, sum_hi, deg0, deg1, maskn, x_lo, x_hi)


def kernel(features, adj_lst):
    ori = features
    x_lo = features[:, :HALF]
    x_hi = features[:, HALF:]
    for i in range(N_LAYERS):
        src2d = adj_lst[i, 0].reshape(EROWS, 128)
        dst2d = adj_lst[i, 1].reshape(EROWS, 128)
        x_lo, x_hi = _layer(x_lo, x_hi, ori, src2d, dst2d)
    return jnp.concatenate([x_lo, x_hi], axis=1)

# --- scband reference (transcript-rebuilt; emitter-appended) ---
"""Pipeline reference for scband-propagation-net-sim-ratio-71811853189806 (READ-ONLY COPY).

The authoritative reference and input builder live on the scoring server;
editing this copy changes nothing except your own understanding.
"""

import jax, jax.numpy as jnp
import numpy as np

N_NODES = 10000
N_EDGES = 320000
D = 128
KEEP_RATIO = 0.5
N_LAYERS = 2  # 2 * n_hop


def setup_inputs(seed: int = 0) -> dict:
    key = jax.random.key(seed)
    k1, k2 = jax.random.split(key)
    features = jax.random.normal(k1, (N_NODES, D), dtype=jnp.float32)
    adj_lst = jax.random.randint(k2, (N_LAYERS, 2, N_EDGES), 0, N_NODES, dtype=jnp.int32)
    return {"features": features, "adj_lst": adj_lst}


def _safe_norm(x, axis):
    return jnp.sqrt(jnp.sum(x * x, axis=axis) + 1e-12)


def _prop_layer(features, ori_features, src, dst):
    n = features.shape[0]
    # mean aggregation over incoming edges (gather + scatter-add)
    msgs = features[src]
    agg = jnp.zeros_like(features).at[dst].add(msgs)
    deg = jnp.zeros((n,), features.dtype).at[dst].add(1.0)
    agg = agg / jnp.clip(deg, 1.0, None)[:, None]
    # cosine similarity between propagated features and original features
    num = jnp.sum(agg * ori_features, axis=1)
    denom = _safe_norm(agg, 1) * _safe_norm(ori_features, 1) + 1e-8
    sim = num / denom
    # keep propagated features only for the top keep_ratio fraction of nodes
    k = int(KEEP_RATIO * n)
    _, idx = jax.lax.top_k(sim, k)
    mask = jnp.zeros((n,), dtype=bool).at[idx].set(True)
    return jnp.where(mask[:, None], agg, features)


def reference(features, adj_lst):
    ori_features = features
    x = features
    for i in range(N_LAYERS):
        src = adj_lst[i, 0]
        dst = adj_lst[i, 1]
        x = _prop_layer(x, ori_features, src, dst)
    return x

if __name__ == "__main__":
    import jax
    _d = setup_inputs()
    print(jax.jit(kernel)(*tuple(_d.values())))

</pallas_src>

<mosaic_0001>
#map = affine_map<(d0, d1) -> (0, 0)>
module attributes {stable_mosaic.version = 14 : i64} {
  func.func @_sc_body(%arg0: i32, %arg1: i32, %arg2: memref<10000x64xf32, #tpu.memory_space<hbm>>, %arg3: memref<10000x64xf32, #tpu.memory_space<hbm>>, %arg4: memref<2500x128xi32, #tpu.memory_space<hbm>>, %arg5: memref<2500x128xi32, #tpu.memory_space<hbm>>, %arg6: memref<625x64xf32, #tpu.memory_space<hbm>>, %arg7: memref<625x16xf32, #tpu.memory_space<hbm>>, %arg8: memref<128x16xf32, #tpu.memory_space<hbm>>, %arg9: memref<10000x64xf32, #tpu.memory_space<hbm>>, %arg10: memref<10000x64xf32, #tpu.memory_space<hbm>>, %arg11: memref<10000x16xf32, #tpu.memory_space<hbm>>, %arg12: memref<10000x16xf32, #tpu.memory_space<hbm>>, %arg13: memref<10008x64xf32, #tpu.memory_space<vmem_shared>>, %arg14: memref<10008x16xf32, #tpu.memory_space<vmem_shared>>, %arg15: memref<2x4x128xi32, #tpu.memory_space<vmem>>, %arg16: memref<2x4x128xi32, #tpu.memory_space<vmem>>, %arg17: memref<2x4x128x64xf32, #tpu.memory_space<vmem>>, %arg18: memref<128x16xf32, #tpu.memory_space<vmem>>, %arg19: memref<!tpu.dma_semaphore, #tpu.memory_space<semaphore_mem>>, %arg20: memref<!tpu.dma_semaphore, #tpu.memory_space<semaphore_mem>>, %arg21: memref<!tpu.dma_semaphore, #tpu.memory_space<semaphore_mem>>, %arg22: memref<!tpu.dma_semaphore, #tpu.memory_space<semaphore_mem>>, %arg23: memref<!tpu.dma_semaphore, #tpu.memory_space<semaphore_mem>>, %arg24: memref<!tpu.dma_semaphore, #tpu.memory_space<semaphore_mem>>) attributes {dimension_semantics = [#tpu.dimension_semantics<core_parallel>, #tpu.dimension_semantics<subcore_parallel>], iteration_bounds = array<i64: 2, 16>, scalar_prefetch = 0 : i64, scratch_operands = 12 : i64, tpu.core_type = #tpu.core_type<sc_vector_subcore>, window_params = [{transform_indices = #map}, {transform_indices = #map}, {transform_indices = #map}, {transform_indices = #map}, {transform_indices = #map}, {transform_indices = #map}, {transform_indices = #map}, {transform_indices = #map}, {transform_indices = #map}, {transform_indices = #map}, {transform_indices = #map}]} {
    %mul3A = arith.constant 625 : i32
    %mul3A_0 = arith.muli %arg1, %mul3A : i32
    "tpu.region"() ({
      %run_scoped3A = tpu.sem_alloc : memref<!tpu.dma_semaphore, #tpu.memory_space<semaphore_mem>>
      %dma_start3A = arith.constant 0 : i32
      %dma_start3A_27 = tpu.memref_slice %arg13[%mul3A_0, %dma_start3A] : memref<10008x64xf32, #tpu.memory_space<vmem_shared>> -> memref<625x64xf32, #tpu.memory_space<vmem_shared>>
      tpu.enqueue_dma source(%arg6 : memref<625x64xf32, #tpu.memory_space<hbm>>) target(%dma_start3A_27 : memref<625x64xf32, #tpu.memory_space<vmem_shared>>) target_semaphore(%run_scoped3A : memref<!tpu.dma_semaphore, #tpu.memory_space<semaphore_mem>>)
      %dma_wait3A = arith.constant 0 : i32
      %dma_wait3A_28 = tpu.memref_slice %arg13[%mul3A_0, %dma_wait3A] : memref<10008x64xf32, #tpu.memory_space<vmem_shared>> -> memref<625x64xf32, #tpu.memory_space<vmem_shared>>
      tpu.wait_dma2 semaphore(%run_scoped3A : memref<!tpu.dma_semaphore, #tpu.memory_space<semaphore_mem>>) src(%arg6 : memref<625x64xf32, #tpu.memory_space<hbm>>) dst(%dma_wait3A_28 : memref<625x64xf32, #tpu.memory_space<vmem_shared>>)
      tpu.yield
    }) : () -> ()
    "tpu.region"() ({
      %run_scoped3A = tpu.sem_alloc : memref<!tpu.dma_semaphore, #tpu.memory_space<semaphore_mem>>
      %dma_start3A = arith.constant 0 : i32
      %dma_start3A_27 = tpu.memref_slice %arg14[%mul3A_0, %dma_start3A] : memref<10008x16xf32, #tpu.memory_space<vmem_shared>> -> memref<625x16xf32, #tpu.memory_space<vmem_shared>>
      tpu.enqueue_dma source(%arg7 : memref<625x16xf32, #tpu.memory_space<hbm>>) target(%dma_start3A_27 : memref<625x16xf32, #tpu.memory_space<vmem_shared>>) target_semaphore(%run_scoped3A : memref<!tpu.dma_semaphore, #tpu.memory_space<semaphore_mem>>)
      %dma_wait3A = arith.constant 0 : i32
      %dma_wait3A_28 = tpu.memref_slice %arg14[%mul3A_0, %dma_wait3A] : memref<10008x16xf32, #tpu.memory_space<vmem_shared>> -> memref<625x16xf32, #tpu.memory_space<vmem_shared>>
      tpu.wait_dma2 semaphore(%run_scoped3A : memref<!tpu.dma_semaphore, #tpu.memory_space<semaphore_mem>>) src(%arg7 : memref<625x16xf32, #tpu.memory_space<hbm>>) dst(%dma_wait3A_28 : memref<625x16xf32, #tpu.memory_space<vmem_shared>>)
      tpu.yield
    }) : () -> ()
    "tpu.region"() ({
      %run_scoped3A = tpu.sem_alloc : memref<!tpu.dma_semaphore, #tpu.memory_space<semaphore_mem>>
      tpu.enqueue_dma source(%arg8 : memref<128x16xf32, #tpu.memory_space<hbm>>) target(%arg18 : memref<128x16xf32, #tpu.memory_space<vmem>>) target_semaphore(%run_scoped3A : memref<!tpu.dma_semaphore, #tpu.memory_space<semaphore_mem>>)
      tpu.wait_dma2 semaphore(%run_scoped3A : memref<!tpu.dma_semaphore, #tpu.memory_space<semaphore_mem>>) src(%arg8 : memref<128x16xf32, #tpu.memory_space<hbm>>) dst(%arg18 : memref<128x16xf32, #tpu.memory_space<vmem>>)
      tpu.yield
    }) : () -> ()
    %barrier3A = arith.constant 0 : index
    tpu.barrier barrier_id(%barrier3A)
    %mul3A_1 = arith.constant 160 : i32
    %mul3A_2 = arith.muli %arg1, %mul3A_1 : i32
    %add3A = arith.constant 0 : i32
    %add3A_3 = arith.addi %mul3A_2, %add3A : i32
    %lt3A = arith.constant 2500 : i32
    %lt3A_4 = arith.cmpi slt, %add3A_3, %lt3A : i32
    %convert_element_type3A = arith.extui %lt3A_4 : i1 to i32
    %cond3A = arith.constant 0 : i32
    %cond3A_5 = arith.cmpi ne, %convert_element_type3A, %cond3A : i32
    scf.if %cond3A_5 {
      %run_scoped3A = arith.constant 0 : i32
      "tpu.region"() ({
        %run_scoped3A_28 = tpu.sem_alloc : memref<!tpu.dma_semaphore, #tpu.memory_space<semaphore_mem>>
        %dma_start3A = arith.constant 0 : i32
        %dma_start3A_29 = arith.constant 0 : i32
        %dma_start3A_30 = tpu.memref_slice %arg15[%run_scoped3A, %dma_start3A, %dma_start3A_29] : memref<2x4x128xi32, #tpu.memory_space<vmem>> -> memref<1x4x128xi32, #tpu.memory_space<vmem>>
        %dma_start3A_31 = tpu.memref_squeeze %dma_start3A_30 : memref<1x4x128xi32, #tpu.memory_space<vmem>> -> memref<4x128xi32, #tpu.memory_space<vmem>>
        %dma_start3A_32 = arith.constant 0 : i32
        %dma_start3A_33 = tpu.memref_slice %arg4[%add3A_3, %dma_start3A_32] : memref<2500x128xi32, #tpu.memory_space<hbm>> -> memref<4x128xi32, #tpu.memory_space<hbm>>
        %dma_start3A_34 = arith.constant 0 : i32
        %dma_start3A_35 = arith.constant 0 : i32
        %dma_start3A_36 = tpu.memref_slice %arg15[%run_scoped3A, %dma_start3A_34, %dma_start3A_35] : memref<2x4x128xi32, #tpu.memory_space<vmem>> -> memref<1x4x128xi32, #tpu.memory_space<vmem>>
        %dma_start3A_37 = tpu.memref_squeeze %dma_start3A_36 : memref<1x4x128xi32, #tpu.memory_space<vmem>> -> memref<4x128xi32, #tpu.memory_space<vmem>>
        %dma_start3A_38 = arith.constant 0 : i32
        %dma_start3A_39 = tpu.memref_slice %arg4[%add3A_3, %dma_start3A_38] : memref<2500x128xi32, #tpu.memory_space<hbm>> -> memref<4x128xi32, #tpu.memory_space<hbm>>
        tpu.enqueue_dma source(%dma_start3A_39 : memref<4x128xi32, #tpu.memory_space<hbm>>) target(%dma_start3A_37 : memref<4x128xi32, #tpu.memory_space<vmem>>) target_semaphore(%run_scoped3A_28 : memref<!tpu.dma_semaphore, #tpu.memory_space<semaphore_mem>>)
        %dma_wait3A = arith.constant 0 : i32
        %dma_wait3A_40 = arith.constant 0 : i32
        %dma_wait3A_41 = tpu.memref_slice %arg15[%run_scoped3A, %dma_wait3A, %dma_wait3A_40] : memref<2x4x128xi32, #tpu.memory_space<vmem>> -> memref<1x4x128xi32, #tpu.memory_space<vmem>>
        %dma_wait3A_42 = tpu.memref_squeeze %dma_wait3A_41 : memref<1x4x128xi32, #tpu.memory_space<vmem>> -> memref<4x128xi32, #tpu.memory_space<vmem>>
        %dma_wait3A_43 = arith.constant 0 : i32
        %dma_wait3A_44 = tpu.memref_slice %arg4[%add3A_3, %dma_wait3A_43] : memref<2500x128xi32, #tpu.memory_space<hbm>> -> memref<4x128xi32, #tpu.memory_space<hbm>>
        %dma_wait3A_45 = arith.constant 0 : i32
        %dma_wait3A_46 = arith.constant 0 : i32
        %dma_wait3A_47 = tpu.memref_slice %arg15[%run_scoped3A, %dma_wait3A_45, %dma_wait3A_46] : memref<2x4x128xi32, #tpu.memory_space<vmem>> -> memref<1x4x128xi32, #tpu.memory_space<vmem>>
        %dma_wait3A_48 = tpu.memref_squeeze %dma_wait3A_47 : memref<1x4x128xi32, #tpu.memory_space<vmem>> -> memref<4x128xi32, #tpu.memory_space<vmem>>
        %dma_wait3A_49 = arith.constant 0 : i32
        %dma_wait3A_50 = tpu.memref_slice %arg4[%add3A_3, %dma_wait3A_49] : memref<2500x128xi32, #tpu.memory_space<hbm>> -> memref<4x128xi32, #tpu.memory_space<hbm>>
        tpu.wait_dma2 semaphore(%run_scoped3A_28 : memref<!tpu.dma_semaphore, #tpu.memory_space<semaphore_mem>>) src(%dma_wait3A_50 : memref<4x128xi32, #tpu.memory_space<hbm>>) dst(%dma_wait3A_48 : memref<4x128xi32, #tpu.memory_space<vmem>>)
        tpu.yield
      }) : () -> ()
      %run_scoped3A_27 = arith.constant 0 : i32
      "tpu.region"() ({
        %run_scoped3A_28 = tpu.sem_alloc : memref<!tpu.dma_semaphore, #tpu.memory_space<semaphore_mem>>
        %dma_start3A = arith.constant 0 : i32
        %dma_start3A_29 = arith.constant 0 : i32
        %dma_start3A_30 = tpu.memref_slice %arg16[%run_scoped3A_27, %dma_start3A, %dma_start3A_29] : memref<2x4x128xi32, #tpu.memory_space<vmem>> -> memref<1x4x128xi32, #tpu.memory_space<vmem>>
        %dma_start3A_31 = tpu.memref_squeeze %dma_start3A_30 : memref<1x4x128xi32, #tpu.memory_space<vmem>> -> memref<4x128xi32, #tpu.memory_space<vmem>>
        %dma_start3A_32 = arith.constant 0 : i32
        %dma_start3A_33 = tpu.memref_slice %arg5[%add3A_3, %dma_start3A_32] : memref<2500x128xi32, #tpu.memory_space<hbm>> -> memref<4x128xi32, #tpu.memory_space<hbm>>
        %dma_start3A_34 = arith.constant 0 : i32
        %dma_start3A_35 = arith.constant 0 : i32
        %dma_start3A_36 = tpu.memref_slice %arg16[%run_scoped3A_27, %dma_start3A_34, %dma_start3A_35] : memref<2x4x128xi32, #tpu.memory_space<vmem>> -> memref<1x4x128xi32, #tpu.memory_space<vmem>>
        %dma_start3A_37 = tpu.memref_squeeze %dma_start3A_36 : memref<1x4x128xi32, #tpu.memory_space<vmem>> -> memref<4x128xi32, #tpu.memory_space<vmem>>
        %dma_start3A_38 = arith.constant 0 : i32
        %dma_start3A_39 = tpu.memref_slice %arg5[%add3A_3, %dma_start3A_38] : memref<2500x128xi32, #tpu.memory_space<hbm>> -> memref<4x128xi32, #tpu.memory_space<hbm>>
        tpu.enqueue_dma source(%dma_start3A_39 : memref<4x128xi32, #tpu.memory_space<hbm>>) target(%dma_start3A_37 : memref<4x128xi32, #tpu.memory_space<vmem>>) target_semaphore(%run_scoped3A_28 : memref<!tpu.dma_semaphore, #tpu.memory_space<semaphore_mem>>)
        %dma_wait3A = arith.constant 0 : i32
        %dma_wait3A_40 = arith.constant 0 : i32
        %dma_wait3A_41 = tpu.memref_slice %arg16[%run_scoped3A_27, %dma_wait3A, %dma_wait3A_40] : memref<2x4x128xi32, #tpu.memory_space<vmem>> -> memref<1x4x128xi32, #tpu.memory_space<vmem>>
        %dma_wait3A_42 = tpu.memref_squeeze %dma_wait3A_41 : memref<1x4x128xi32, #tpu.memory_space<vmem>> -> memref<4x128xi32, #tpu.memory_space<vmem>>
        %dma_wait3A_43 = arith.constant 0 : i32
        %dma_wait3A_44 = tpu.memref_slice %arg5[%add3A_3, %dma_wait3A_43] : memref<2500x128xi32, #tpu.memory_space<hbm>> -> memref<4x128xi32, #tpu.memory_space<hbm>>
        %dma_wait3A_45 = arith.constant 0 : i32
        %dma_wait3A_46 = arith.constant 0 : i32
        %dma_wait3A_47 = tpu.memref_slice %arg16[%run_scoped3A_27, %dma_wait3A_45, %dma_wait3A_46] : memref<2x4x128xi32, #tpu.memory_space<vmem>> -> memref<1x4x128xi32, #tpu.memory_space<vmem>>
        %dma_wait3A_48 = tpu.memref_squeeze %dma_wait3A_47 : memref<1x4x128xi32, #tpu.memory_space<vmem>> -> memref<4x128xi32, #tpu.memory_space<vmem>>
        %dma_wait3A_49 = arith.constant 0 : i32
        %dma_wait3A_50 = tpu.memref_slice %arg5[%add3A_3, %dma_wait3A_49] : memref<2500x128xi32, #tpu.memory_space<hbm>> -> memref<4x128xi32, #tpu.memory_space<hbm>>
        tpu.wait_dma2 semaphore(%run_scoped3A_28 : memref<!tpu.dma_semaphore, #tpu.memory_space<semaphore_mem>>) src(%dma_wait3A_50 : memref<4x128xi32, #tpu.memory_space<hbm>>) dst(%dma_wait3A_48 : memref<4x128xi32, #tpu.memory_space<vmem>>)
        tpu.yield
      }) : () -> ()
    } else {
    }
    %add3A_6 = arith.constant 0 : i32
    %add3A_7 = arith.addi %mul3A_2, %add3A_6 : i32
    %lt3A_8 = arith.constant 2500 : i32
    %lt3A_9 = arith.cmpi slt, %add3A_7, %lt3A_8 : i32
    %convert_element_type3A_10 = arith.extui %lt3A_9 : i1 to i32
    %cond3A_11 = arith.constant 0 : i32
    %cond3A_12 = arith.cmpi ne, %convert_element_type3A_10, %cond3A_11 : i32
    scf.if %cond3A_12 {
      %eq3A_27 = arith.constant 0 : i32
      %eq3A_28 = arith.cmpi eq, %arg0, %eq3A_27 : i32
      %convert_element_type3A_29 = arith.extui %eq3A_28 : i1 to i32
      %cond3A_30 = arith.constant 0 : i32
      %cond3A_31 = arith.cmpi ne, %convert_element_type3A_29, %cond3A_30 : i32
      scf.if %cond3A_31 {
        %dma_start3A = arith.constant 0 : i32
        %dma_start3A_67 = arith.constant 0 : i32
        %dma_start3A_68 = arith.constant 0 : i32
        %dma_start3A_69 = arith.constant 0 : i32
        %dma_start3A_70 = arith.constant 0 : i32
        %dma_start3A_71 = arith.constant 0 : i32
        %dma_start3A_72 = tpu.memref_slice %arg17[%dma_start3A_68, %dma_start3A_69, %dma_start3A_70, %dma_start3A_71] : memref<2x4x128x64xf32, #tpu.memory_space<vmem>> -> memref<1x1x128x64xf32, #tpu.memory_space<vmem>>
        %dma_start3A_73 = tpu.memref_squeeze %dma_start3A_72 : memref<1x1x128x64xf32, #tpu.memory_space<vmem>> -> memref<128x64xf32, #tpu.memory_space<vmem>>
        %dma_start3A_74 = arith.constant 0 : i32
        %dma_start3A_75 = tpu.memref_slice %arg15[%dma_start3A, %dma_start3A_67, %dma_start3A_74] : memref<2x4x128xi32, #tpu.memory_space<vmem>> -> memref<1x1x128xi32, #tpu.memory_space<vmem>>
        %dma_start3A_76 = tpu.memref_squeeze %dma_start3A_75 : memref<1x1x128xi32, #tpu.memory_space<vmem>> -> memref<128xi32, #tpu.memory_space<vmem>>
        %dma_start3A_77 = arith.constant 0 : i32
        %dma_start3A_78 = arith.constant 0 : i32
        %dma_start3A_79 = tpu.memref_slice %arg2[%dma_start3A_77, %dma_start3A_78] : memref<10000x64xf32, #tpu.memory_space<hbm>> -> memref<10000x64xf32, #tpu.memory_space<hbm>>
        tpu.enqueue_indirect_dma source(%dma_start3A_79 : memref<10000x64xf32, #tpu.memory_space<hbm>>) target(%dma_start3A_73 : memref<128x64xf32, #tpu.memory_space<vmem>>) offsets(%dma_start3A_76 : memref<128xi32, #tpu.memory_space<vmem>>) semaphore(%arg19 : memref<!tpu.dma_semaphore, #tpu.memory_space<semaphore_mem>>)
      } else {
      }
      %eq3A_32 = arith.constant 1 : i32
      %eq3A_33 = arith.cmpi eq, %arg0, %eq3A_32 : i32
      %convert_element_type3A_34 = arith.extui %eq3A_33 : i1 to i32
      %cond3A_35 = arith.constant 0 : i32
      %cond3A_36 = arith.cmpi ne, %convert_element_type3A_34, %cond3A_35 : i32
      scf.if %cond3A_36 {
        %dma_start3A = arith.constant 0 : i32
        %dma_start3A_67 = arith.constant 0 : i32
        %dma_start3A_68 = arith.constant 0 : i32
        %dma_start3A_69 = arith.constant 0 : i32
        %dma_start3A_70 = arith.constant 0 : i32
        %dma_start3A_71 = arith.constant 0 : i32
        %dma_start3A_72 = tpu.memref_slice %arg17[%dma_start3A_68, %dma_start3A_69, %dma_start3A_70, %dma_start3A_71] : memref<2x4x128x64xf32, #tpu.memory_space<vmem>> -> memref<1x1x128x64xf32, #tpu.memory_space<vmem>>
        %dma_start3A_73 = tpu.memref_squeeze %dma_start3A_72 : memref<1x1x128x64xf32, #tpu.memory_space<vmem>> -> memref<128x64xf32, #tpu.memory_space<vmem>>
        %dma_start3A_74 = arith.constant 0 : i32
        %dma_start3A_75 = tpu.memref_slice %arg15[%dma_start3A, %dma_start3A_67, %dma_start3A_74] : memref<2x4x128xi32, #tpu.memory_space<vmem>> -> memref<1x1x128xi32, #tpu.memory_space<vmem>>
        %dma_start3A_76 = tpu.memref_squeeze %dma_start3A_75 : memref<1x1x128xi32, #tpu.memory_space<vmem>> -> memref<128xi32, #tpu.memory_space<vmem>>
        %dma_start3A_77 = arith.constant 0 : i32
        %dma_start3A_78 = arith.constant 0 : i32
        %dma_start3A_79 = tpu.memref_slice %arg3[%dma_start3A_77, %dma_start3A_78] : memref<10000x64xf32, #tpu.memory_space<hbm>> -> memref<10000x64xf32, #tpu.memory_space<hbm>>
        tpu.enqueue_indirect_dma source(%dma_start3A_79 : memref<10000x64xf32, #tpu.memory_space<hbm>>) target(%dma_start3A_73 : memref<128x64xf32, #tpu.memory_space<vmem>>) offsets(%dma_start3A_76 : memref<128xi32, #tpu.memory_space<vmem>>) semaphore(%arg19 : memref<!tpu.dma_semaphore, #tpu.memory_space<semaphore_mem>>)
      } else {
      }
      %eq3A_37 = arith.constant 0 : i32
      %eq3A_38 = arith.cmpi eq, %arg0, %eq3A_37 : i32
      %convert_element_type3A_39 = arith.extui %eq3A_38 : i1 to i32
      %cond3A_40 = arith.constant 0 : i32
      %cond3A_41 = arith.cmpi ne, %convert_element_type3A_39, %cond3A_40 : i32
      scf.if %cond3A_41 {
        %dma_start3A = arith.constant 0 : i32
        %dma_start3A_67 = arith.constant 1 : i32
        %dma_start3A_68 = arith.constant 0 : i32
        %dma_start3A_69 = arith.constant 1 : i32
        %dma_start3A_70 = arith.constant 0 : i32
        %dma_start3A_71 = arith.constant 0 : i32
        %dma_start3A_72 = tpu.memref_slice %arg17[%dma_start3A_68, %dma_start3A_69, %dma_start3A_70, %dma_start3A_71] : memref<2x4x128x64xf32, #tpu.memory_space<vmem>> -> memref<1x1x128x64xf32, #tpu.memory_space<vmem>>
        %dma_start3A_73 = tpu.memref_squeeze %dma_start3A_72 : memref<1x1x128x64xf32, #tpu.memory_space<vmem>> -> memref<128x64xf32, #tpu.memory_space<vmem>>
        %dma_start3A_74 = arith.constant 0 : i32
        %dma_start3A_75 = tpu.memref_slice %arg15[%dma_start3A, %dma_start3A_67, %dma_start3A_74] : memref<2x4x128xi32, #tpu.memory_space<vmem>> -> memref<1x1x128xi32, #tpu.memory_space<vmem>>
        %dma_start3A_76 = tpu.memref_squeeze %dma_start3A_75 : memref<1x1x128xi32, #tpu.memory_space<vmem>> -> memref<128xi32, #tpu.memory_space<vmem>>
        %dma_start3A_77 = arith.constant 0 : i32
        %dma_start3A_78 = arith.constant 0 : i32
        %dma_start3A_79 = tpu.memref_slice %arg2[%dma_start3A_77, %dma_start3A_78] : memref<10000x64xf32, #tpu.memory_space<hbm>> -> memref<10000x64xf32, #tpu.memory_space<hbm>>
        tpu.enqueue_indirect_dma source(%dma_start3A_79 : memref<10000x64xf32, #tpu.memory_space<hbm>>) target(%dma_start3A_73 : memref<128x64xf32, #tpu.memory_space<vmem>>) offsets(%dma_start3A_76 : memref<128xi32, #tpu.memory_space<vmem>>) semaphore(%arg19 : memref<!tpu.dma_semaphore, #tpu.memory_space<semaphore_mem>>)
      } else {
      }
      %eq3A_42 = arith.constant 1 : i32
      %eq3A_43 = arith.cmpi eq, %arg0, %eq3A_42 : i32
      %convert_element_type3A_44 = arith.extui %eq3A_43 : i1 to i32
      %cond3A_45 = arith.constant 0 : i32
      %cond3A_46 = arith.cmpi ne, %convert_element_type3A_44, %cond3A_45 : i32
      scf.if %cond3A_46 {
        %dma_start3A = arith.constant 0 : i32
        %dma_start3A_67 = arith.constant 1 : i32
        %dma_start3A_68 = arith.constant 0 : i32
        %dma_start3A_69 = arith.constant 1 : i32
        %dma_start3A_70 = arith.constant 0 : i32
        %dma_start3A_71 = arith.constant 0 : i32
        %dma_start3A_72 = tpu.memref_slice %arg17[%dma_start3A_68, %dma_start3A_69, %dma_start3A_70, %dma_start3A_71] : memref<2x4x128x64xf32, #tpu.memory_space<vmem>> -> memref<1x1x128x64xf32, #tpu.memory_space<vmem>>
        %dma_start3A_73 = tpu.memref_squeeze %dma_start3A_72 : memref<1x1x128x64xf32, #tpu.memory_space<vmem>> -> memref<128x64xf32, #tpu.memory_space<vmem>>
        %dma_start3A_74 = arith.constant 0 : i32
        %dma_start3A_75 = tpu.memref_slice %arg15[%dma_start3A, %dma_start3A_67, %dma_start3A_74] : memref<2x4x128xi32, #tpu.memory_space<vmem>> -> memref<1x1x128xi32, #tpu.memory_space<vmem>>
        %dma_start3A_76 = tpu.memref_squeeze %dma_start3A_75 : memref<1x1x128xi32, #tpu.memory_space<vmem>> -> memref<128xi32, #tpu.memory_space<vmem>>
        %dma_start3A_77 = arith.constant 0 : i32
        %dma_start3A_78 = arith.constant 0 : i32
        %dma_start3A_79 = tpu.memref_slice %arg3[%dma_start3A_77, %dma_start3A_78] : memref<10000x64xf32, #tpu.memory_space<hbm>> -> memref<10000x64xf32, #tpu.memory_space<hbm>>
        tpu.enqueue_indirect_dma source(%dma_start3A_79 : memref<10000x64xf32, #tpu.memory_space<hbm>>) target(%dma_start3A_73 : memref<128x64xf32, #tpu.memory_space<vmem>>) offsets(%dma_start3A_76 : memref<128xi32, #tpu.memory_space<vmem>>) semaphore(%arg19 : memref<!tpu.dma_semaphore, #tpu.memory_space<semaphore_mem>>)
      } else {
      }
      %eq3A_47 = arith.constant 0 : i32
      %eq3A_48 = arith.cmpi eq, %arg0, %eq3A_47 : i32
      %convert_element_type3A_49 = arith.extui %eq3A_48 : i1 to i32
      %cond3A_50 = arith.constant 0 : i32
      %cond3A_51 = arith.cmpi ne, %convert_element_type3A_49, %cond3A_50 : i32
      scf.if %cond3A_51 {
        %dma_start3A = arith.constant 0 : i32
        %dma_start3A_67 = arith.constant 2 : i32
        %dma_start3A_68 = arith.constant 0 : i32
        %dma_start3A_69 = arith.constant 2 : i32
        %dma_start3A_70 = arith.constant 0 : i32
        %dma_start3A_71 = arith.constant 0 : i32
        %dma_start3A_72 = tpu.memref_slice %arg17[%dma_start3A_68, %dma_start3A_69, %dma_start3A_70, %dma_start3A_71] : memref<2x4x128x64xf32, #tpu.memory_space<vmem>> -> memref<1x1x128x64xf32, #tpu.memory_space<vmem>>
        %dma_start3A_73 = tpu.memref_squeeze %dma_start3A_72 : memref<1x1x128x64xf32, #tpu.memory_space<vmem>> -> memref<128x64xf32, #tpu.memory_space<vmem>>
        %dma_start3A_74 = arith.constant 0 : i32
        %dma_start3A_75 = tpu.memref_slice %arg15[%dma_start3A, %dma_start3A_67, %dma_start3A_74] : memref<2x4x128xi32, #tpu.memory_space<vmem>> -> memref<1x1x128xi32, #tpu.memory_space<vmem>>
        %dma_start3A_76 = tpu.memref_squeeze %dma_start3A_75 : memref<1x1x128xi32, #tpu.memory_space<vmem>> -> memref<128xi32, #tpu.memory_space<vmem>>
        %dma_start3A_77 = arith.constant 0 : i32
        %dma_start3A_78 = arith.constant 0 : i32
        %dma_start3A_79 = tpu.memref_slice %arg2[%dma_start3A_77, %dma_start3A_78] : memref<10000x64xf32, #tpu.memory_space<hbm>> -> memref<10000x64xf32, #tpu.memory_space<hbm>>
        tpu.enqueue_indirect_dma source(%dma_start3A_79 : memref<10000x64xf32, #tpu.memory_space<hbm>>) target(%dma_start3A_73 : memref<128x64xf32, #tpu.memory_space<vmem>>) offsets(%dma_start3A_76 : memref<128xi32, #tpu.memory_space<vmem>>) semaphore(%arg19 : memref<!tpu.dma_semaphore, #tpu.memory_space<semaphore_mem>>)
      } else {
      }
      %eq3A_52 = arith.constant 1 : i32
      %eq3A_53 = arith.cmpi eq, %arg0, %eq3A_52 : i32
      %convert_element_type3A_54 = arith.extui %eq3A_53 : i1 to i32
      %cond3A_55 = arith.constant 0 : i32
      %cond3A_56 = arith.cmpi ne, %convert_element_type3A_54, %cond3A_55 : i32
      scf.if %cond3A_56 {
        %dma_start3A = arith.constant 0 : i32
        %dma_start3A_67 = arith.constant 2 : i32
        %dma_start3A_68 = arith.constant 0 : i32
        %dma_start3A_69 = arith.constant 2 : i32
        %dma_start3A_70 = arith.constant 0 : i32
        %dma_start3A_71 = arith.constant 0 : i32
        %dma_start3A_72 = tpu.memref_slice %arg17[%dma_start3A_68, %dma_start3A_69, %dma_start3A_70, %dma_start3A_71] : memref<2x4x128x64xf32, #tpu.memory_space<vmem>> -> memref<1x1x128x64xf32, #tpu.memory_space<vmem>>
        %dma_start3A_73 = tpu.memref_squeeze %dma_start3A_72 : memref<1x1x128x64xf32, #tpu.memory_space<vmem>> -> memref<128x64xf32, #tpu.memory_space<vmem>>
        %dma_start3A_74 = arith.constant 0 : i32
        %dma_start3A_75 = tpu.memref_slice %arg15[%dma_start3A, %dma_start3A_67, %dma_start3A_74] : memref<2x4x128xi32, #tpu.memory_space<vmem>> -> memref<1x1x128xi32, #tpu.memory_space<vmem>>
        %dma_start3A_76 = tpu.memref_squeeze %dma_start3A_75 : memref<1x1x128xi32, #tpu.memory_space<vmem>> -> memref<128xi32, #tpu.memory_space<vmem>>
        %dma_start3A_77 = arith.constant 0 : i32
        %dma_start3A_78 = arith.constant 0 : i32
        %dma_start3A_79 = tpu.memref_slice %arg3[%dma_start3A_77, %dma_start3A_78] : memref<10000x64xf32, #tpu.memory_space<hbm>> -> memref<10000x64xf32, #tpu.memory_space<hbm>>
        tpu.enqueue_indirect_dma source(%dma_start3A_79 : memref<10000x64xf32, #tpu.memory_space<hbm>>) target(%dma_start3A_73 : memref<128x64xf32, #tpu.memory_space<vmem>>) offsets(%dma_start3A_76 : memref<128xi32, #tpu.memory_space<vmem>>) semaphore(%arg19 : memref<!tpu.dma_semaphore, #tpu.memory_space<semaphore_mem>>)
      } else {
      }
      %eq3A_57 = arith.constant 0 : i32
      %eq3A_58 = arith.cmpi eq, %arg0, %eq3A_57 : i32
      %convert_element_type3A_59 = arith.extui %eq3A_58 : i1 to i32
      %cond3A_60 = arith.constant 0 : i32
      %cond3A_61 = arith.cmpi ne, %convert_element_type3A_59, %cond3A_60 : i32
      scf.if %cond3A_61 {
        %dma_start3A = arith.constant 0 : i32
        %dma_start3A_67 = arith.constant 3 : i32
        %dma_start3A_68 = arith.constant 0 : i32
        %dma_start3A_69 = arith.constant 3 : i32
        %dma_start3A_70 = arith.constant 0 : i32
        %dma_start3A_71 = arith.constant 0 : i32
        %dma_start3A_72 = tpu.memref_slice %arg17[%dma_start3A_68, %dma_start3A_69, %dma_start3A_70, %dma_start3A_71] : memref<2x4x128x64xf32, #tpu.memory_space<vmem>> -> memref<1x1x128x64xf32, #tpu.memory_space<vmem>>
        %dma_start3A_73 = tpu.memref_squeeze %dma_start3A_72 : memref<1x1x128x64xf32, #tpu.memory_space<vmem>> -> memref<128x64xf32, #tpu.memory_space<vmem>>
        %dma_start3A_74 = arith.constant 0 : i32
        %dma_start3A_75 = tpu.memref_slice %arg15[%dma_start3A, %dma_start3A_67, %dma_start3A_74] : memref<2x4x128xi32, #tpu.memory_space<vmem>> -> memref<1x1x128xi32, #tpu.memory_space<vmem>>
        %dma_start3A_76 = tpu.memref_squeeze %dma_start3A_75 : memref<1x1x128xi32, #tpu.memory_space<vmem>> -> memref<128xi32, #tpu.memory_space<vmem>>
        %dma_start3A_77 = arith.constant 0 : i32
        %dma_start3A_78 = arith.constant 0 : i32
        %dma_start3A_79 = tpu.memref_slice %arg2[%dma_start3A_77, %dma_start3A_78] : memref<10000x64xf32, #tpu.memory_space<hbm>> -> memref<10000x64xf32, #tpu.memory_space<hbm>>
        tpu.enqueue_indirect_dma source(%dma_start3A_79 : memref<10000x64xf32, #tpu.memory_space<hbm>>) target(%dma_start3A_73 : memref<128x64xf32, #tpu.memory_space<vmem>>) offsets(%dma_start3A_76 : memref<128xi32, #tpu.memory_space<vmem>>) semaphore(%arg19 : memref<!tpu.dma_semaphore, #tpu.memory_space<semaphore_mem>>)
      } else {
      }
      %eq3A_62 = arith.constant 1 : i32
      %eq3A_63 = arith.cmpi eq, %arg0, %eq3A_62 : i32
      %convert_element_type3A_64 = arith.extui %eq3A_63 : i1 to i32
      %cond3A_65 = arith.constant 0 : i32
      %cond3A_66 = arith.cmpi ne, %convert_element_type3A_64, %cond3A_65 : i32
      scf.if %cond3A_66 {
        %dma_start3A = arith.constant 0 : i32
        %dma_start3A_67 = arith.constant 3 : i32
        %dma_start3A_68 = arith.constant 0 : i32
        %dma_start3A_69 = arith.constant 3 : i32
        %dma_start3A_70 = arith.constant 0 : i32
        %dma_start3A_71 = arith.constant 0 : i32
        %dma_start3A_72 = tpu.memref_slice %arg17[%dma_start3A_68, %dma_start3A_69, %dma_start3A_70, %dma_start3A_71] : memref<2x4x128x64xf32, #tpu.memory_space<vmem>> -> memref<1x1x128x64xf32, #tpu.memory_space<vmem>>
        %dma_start3A_73 = tpu.memref_squeeze %dma_start3A_72 : memref<1x1x128x64xf32, #tpu.memory_space<vmem>> -> memref<128x64xf32, #tpu.memory_space<vmem>>
        %dma_start3A_74 = arith.constant 0 : i32
        %dma_start3A_75 = tpu.memref_slice %arg15[%dma_start3A, %dma_start3A_67, %dma_start3A_74] : memref<2x4x128xi32, #tpu.memory_space<vmem>> -> memref<1x1x128xi32, #tpu.memory_space<vmem>>
        %dma_start3A_76 = tpu.memref_squeeze %dma_start3A_75 : memref<1x1x128xi32, #tpu.memory_space<vmem>> -> memref<128xi32, #tpu.memory_space<vmem>>
        %dma_start3A_77 = arith.constant 0 : i32
        %dma_start3A_78 = arith.constant 0 : i32
        %dma_start3A_79 = tpu.memref_slice %arg3[%dma_start3A_77, %dma_start3A_78] : memref<10000x64xf32, #tpu.memory_space<hbm>> -> memref<10000x64xf32, #tpu.memory_space<hbm>>
        tpu.enqueue_indirect_dma source(%dma_start3A_79 : memref<10000x64xf32, #tpu.memory_space<hbm>>) target(%dma_start3A_73 : memref<128x64xf32, #tpu.memory_space<vmem>>) offsets(%dma_start3A_76 : memref<128xi32, #tpu.memory_space<vmem>>) semaphore(%arg19 : memref<!tpu.dma_semaphore, #tpu.memory_space<semaphore_mem>>)
      } else {
      }
    } else {
    }
    %scan3A = arith.constant 0 : i32
    %scan3A_13 = arith.constant 20 : i32
    %scan3A_14 = arith.addi %scan3A, %scan3A_13 : i32
    %scan3A_15 = arith.constant 1 : i32
    scf.for %scan3A_27 = %scan3A to %scan3A_14 step %scan3A_15  : i32 {
      %mul3A_28 = arith.constant 2 : i32
      %mul3A_29 = arith.muli %scan3A_27, %mul3A_28 : i32
      %add3A_30 = arith.constant 0 : i32
      %add3A_31 = arith.addi %add3A_30, %mul3A_29 : i32
      %add3A_32 = arith.constant 1 : i32
      %add3A_33 = arith.addi %add3A_31, %add3A_32 : i32
      %mul3A_34 = arith.constant 4 : i32
      %mul3A_35 = arith.muli %add3A_33, %mul3A_34 : i32
      %add3A_36 = arith.addi %mul3A_2, %mul3A_35 : i32
      %lt3A_37 = arith.constant 2500 : i32
      %lt3A_38 = arith.cmpi slt, %add3A_36, %lt3A_37 : i32
      %convert_element_type3A_39 = arith.extui %lt3A_38 : i1 to i32
      %cond3A_40 = arith.constant 0 : i32
      %cond3A_41 = arith.cmpi ne, %convert_element_type3A_39, %cond3A_40 : i32
      scf.if %cond3A_41 {
        %run_scoped3A = arith.constant 1 : i32
        "tpu.region"() ({
          %run_scoped3A_117 = tpu.sem_alloc : memref<!tpu.dma_semaphore, #tpu.memory_space<semaphore_mem>>
          %dma_start3A = arith.constant 0 : i32
          %dma_start3A_118 = arith.constant 0 : i32
          %dma_start3A_119 = tpu.memref_slice %arg15[%run_scoped3A, %dma_start3A, %dma_start3A_118] : memref<2x4x128xi32, #tpu.memory_space<vmem>> -> memref<1x4x128xi32, #tpu.memory_space<vmem>>
          %dma_start3A_120 = tpu.memref_squeeze %dma_start3A_119 : memref<1x4x128xi32, #tpu.memory_space<vmem>> -> memref<4x128xi32, #tpu.memory_space<vmem>>
          %dma_start3A_121 = arith.constant 0 : i32
          %dma_start3A_122 = tpu.memref_slice %arg4[%add3A_36, %dma_start3A_121] : memref<2500x128xi32, #tpu.memory_space<hbm>> -> memref<4x128xi32, #tpu.memory_space<hbm>>
          %dma_start3A_123 = arith.constant 0 : i32
          %dma_start3A_124 = arith.constant 0 : i32
          %dma_start3A_125 = tpu.memref_slice %arg15[%run_scoped3A, %dma_start3A_123, %dma_start3A_124] : memref<2x4x128xi32, #tpu.memory_space<vmem>> -> memref<1x4x128xi32, #tpu.memory_space<vmem>>
          %dma_start3A_126 = tpu.memref_squeeze %dma_start3A_125 : memref<1x4x128xi32, #tpu.memory_space<vmem>> -> memref<4x128xi32, #tpu.memory_space<vmem>>
          %dma_start3A_127 = arith.constant 0 : i32
          %dma_start3A_128 = tpu.memref_slice %arg4[%add3A_36, %dma_start3A_127] : memref<2500x128xi32, #tpu.memory_space<hbm>> -> memref<4x128xi32, #tpu.memory_space<hbm>>
          tpu.enqueue_dma source(%dma_start3A_128 : memref<4x128xi32, #tpu.memory_space<hbm>>) target(%dma_start3A_126 : memref<4x128xi32, #tpu.memory_space<vmem>>) target_semaphore(%run_scoped3A_117 : memref<!tpu.dma_semaphore, #tpu.memory_space<semaphore_mem>>)
          %dma_wait3A = arith.constant 0 : i32
          %dma_wait3A_129 = arith.constant 0 : i32
          %dma_wait3A_130 = tpu.memref_slice %arg15[%run_scoped3A, %dma_wait3A, %dma_wait3A_129] : memref<2x4x128xi32, #tpu.memory_space<vmem>> -> memref<1x4x128xi32, #tpu.memory_space<vmem>>
          %dma_wait3A_131 = tpu.memref_squeeze %dma_wait3A_130 : memref<1x4x128xi32, #tpu.memory_space<vmem>> -> memref<4x128xi32, #tpu.memory_space<vmem>>
          %dma_wait3A_132 = arith.constant 0 : i32
          %dma_wait3A_133 = tpu.memref_slice %arg4[%add3A_36, %dma_wait3A_132] : memref<2500x128xi32, #tpu.memory_space<hbm>> -> memref<4x128xi32, #tpu.memory_space<hbm>>
          %dma_wait3A_134 = arith.constant 0 : i32
          %dma_wait3A_135 = arith.constant 0 : i32
          %dma_wait3A_136 = tpu.memref_slice %arg15[%run_scoped3A, %dma_wait3A_134, %dma_wait3A_135] : memref<2x4x128xi32, #tpu.memory_space<vmem>> -> memref<1x4x128xi32, #tpu.memory_space<vmem>>
          %dma_wait3A_137 = tpu.memref_squeeze %dma_wait3A_136 : memref<1x4x128xi32, #tpu.memory_space<vmem>> -> memref<4x128xi32, #tpu.memory_space<vmem>>
          %dma_wait3A_138 = arith.constant 0 : i32
          %dma_wait3A_139 = tpu.memref_slice %arg4[%add3A_36, %dma_wait3A_138] : memref<2500x128xi32, #tpu.memory_space<hbm>> -> memref<4x128xi32, #tpu.memory_space<hbm>>
          tpu.wait_dma2 semaphore(%run_scoped3A_117 : memref<!tpu.dma_semaphore, #tpu.memory_space<semaphore_mem>>) src(%dma_wait3A_139 : memref<4x128xi32, #tpu.memory_space<hbm>>) dst(%dma_wait3A_137 : memref<4x128xi32, #tpu.memory_space<vmem>>)
          tpu.yield
        }) : () -> ()
        %run_scoped3A_116 = arith.constant 1 : i32
        "tpu.region"() ({
          %run_scoped3A_117 = tpu.sem_alloc : memref<!tpu.dma_semaphore, #tpu.memory_space<semaphore_mem>>
          %dma_start3A = arith.constant 0 : i32
          %dma_start3A_118 = arith.constant 0 : i32
          %dma_start3A_119 = tpu.memref_slice %arg16[%run_scoped3A_116, %dma_start3A, %dma_start3A_118] : memref<2x4x128xi32, #tpu.memory_space<vmem>> -> memref<1x4x128xi32, #tpu.memory_space<vmem>>
          %dma_start3A_120 = tpu.memref_squeeze %dma_start3A_119 : memref<1x4x128xi32, #tpu.memory_space<vmem>> -> memref<4x128xi32, #tpu.memory_space<vmem>>
          %dma_start3A_121 = arith.constant 0 : i32
          %dma_start3A_122 = tpu.memref_slice %arg5[%add3A_36, %dma_start3A_121] : memref<2500x128xi32, #tpu.memory_space<hbm>> -> memref<4x128xi32, #tpu.memory_space<hbm>>
          %dma_start3A_123 = arith.constant 0 : i32
          %dma_start3A_124 = arith.constant 0 : i32
          %dma_start3A_125 = tpu.memref_slice %arg16[%run_scoped3A_116, %dma_start3A_123, %dma_start3A_124] : memref<2x4x128xi32, #tpu.memory_space<vmem>> -> memref<1x4x128xi32, #tpu.memory_space<vmem>>
          %dma_start3A_126 = tpu.memref_squeeze %dma_start3A_125 : memref<1x4x128xi32, #tpu.memory_space<vmem>> -> memref<4x128xi32, #tpu.memory_space<vmem>>
          %dma_start3A_127 = arith.constant 0 : i32
          %dma_start3A_128 = tpu.memref_slice %arg5[%add3A_36, %dma_start3A_127] : memref<2500x128xi32, #tpu.memory_space<hbm>> -> memref<4x128xi32, #tpu.memory_space<hbm>>
          tpu.enqueue_dma source(%dma_start3A_128 : memref<4x128xi32, #tpu.memory_space<hbm>>) target(%dma_start3A_126 : memref<4x128xi32, #tpu.memory_space<vmem>>) target_semaphore(%run_scoped3A_117 : memref<!tpu.dma_semaphore, #tpu.memory_space<semaphore_mem>>)
          %dma_wait3A = arith.constant 0 : i32
          %dma_wait3A_129 = arith.constant 0 : i32
          %dma_wait3A_130 = tpu.memref_slice %arg16[%run_scoped3A_116, %dma_wait3A, %dma_wait3A_129] : memref<2x4x128xi32, #tpu.memory_space<vmem>> -> memref<1x4x128xi32, #tpu.memory_space<vmem>>
          %dma_wait3A_131 = tpu.memref_squeeze %dma_wait3A_130 : memref<1x4x128xi32, #tpu.memory_space<vmem>> -> memref<4x128xi32, #tpu.memory_space<vmem>>
          %dma_wait3A_132 = arith.constant 0 : i32
          %dma_wait3A_133 = tpu.memref_slice %arg5[%add3A_36, %dma_wait3A_132] : memref<2500x128xi32, #tpu.memory_space<hbm>> -> memref<4x128xi32, #tpu.memory_space<hbm>>
          %dma_wait3A_134 = arith.constant 0 : i32
          %dma_wait3A_135 = arith.constant 0 : i32
          %dma_wait3A_136 = tpu.memref_slice %arg16[%run_scoped3A_116, %dma_wait3A_134, %dma_wait3A_135] : memref<2x4x128xi32, #tpu.memory_space<vmem>> -> memref<1x4x128xi32, #tpu.memory_space<vmem>>
          %dma_wait3A_137 = tpu.memref_squeeze %dma_wait3A_136 : memref<1x4x128xi32, #tpu.memory_space<vmem>> -> memref<4x128xi32, #tpu.memory_space<vmem>>
          %dma_wait3A_138 = arith.constant 0 : i32
          %dma_wait3A_139 = tpu.memref_slice %arg5[%add3A_36, %dma_wait3A_138] : memref<2500x128xi32, #tpu.memory_space<hbm>> -> memref<4x128xi32, #tpu.memory_space<hbm>>
          tpu.wait_dma2 semaphore(%run_scoped3A_117 : memref<!tpu.dma_semaphore, #tpu.memory_space<semaphore_mem>>) src(%dma_wait3A_139 : memref<4x128xi32, #tpu.memory_space<hbm>>) dst(%dma_wait3A_137 : memref<4x128xi32, #tpu.memory_space<vmem>>)
          tpu.yield
        }) : () -> ()
      } else {
      }
      %mul3A_42 = arith.constant 4 : i32
      %mul3A_43 = arith.muli %add3A_31, %mul3A_42 : i32
      %add3A_44 = arith.addi %mul3A_2, %mul3A_43 : i32
      %lt3A_45 = arith.constant 2500 : i32
      %lt3A_46 = arith.cmpi slt, %add3A_44, %lt3A_45 : i32
      %convert_element_type3A_47 = arith.extui %lt3A_46 : i1 to i32
      %cond3A_48 = arith.constant 0 : i32
      %cond3A_49 = arith.cmpi ne, %convert_element_type3A_47, %cond3A_48 : i32
      scf.if %cond3A_49 {
        %dma_wait3A = arith.constant 0 : i32
        %dma_wait3A_116 = arith.constant 0 : i32
        %dma_wait3A_117 = arith.constant 0 : i32
        %dma_wait3A_118 = arith.constant 0 : i32
        %dma_wait3A_119 = arith.constant 0 : i32
        %dma_wait3A_120 = arith.constant 0 : i32
        %dma_wait3A_121 = tpu.memref_slice %arg17[%dma_wait3A_117, %dma_wait3A_118, %dma_wait3A_119, %dma_wait3A_120] : memref<2x4x128x64xf32, #tpu.memory_space<vmem>> -> memref<1x1x128x64xf32, #tpu.memory_space<vmem>>
        %dma_wait3A_122 = tpu.memref_squeeze %dma_wait3A_121 : memref<1x1x128x64xf32, #tpu.memory_space<vmem>> -> memref<128x64xf32, #tpu.memory_space<vmem>>
        %dma_wait3A_123 = arith.constant 0 : i32
        %dma_wait3A_124 = tpu.memref_slice %arg15[%dma_wait3A, %dma_wait3A_116, %dma_wait3A_123] : memref<2x4x128xi32, #tpu.memory_space<vmem>> -> memref<1x1x128xi32, #tpu.memory_space<vmem>>
        %dma_wait3A_125 = tpu.memref_squeeze %dma_wait3A_124 : memref<1x1x128xi32, #tpu.memory_space<vmem>> -> memref<128xi32, #tpu.memory_space<vmem>>
        %dma_wait3A_126 = arith.constant 0 : i32
        %dma_wait3A_127 = arith.constant 0 : i32
        %dma_wait3A_128 = tpu.memref_slice %arg2[%dma_wait3A_126, %dma_wait3A_127] : memref<10000x64xf32, #tpu.memory_space<hbm>> -> memref<10000x64xf32, #tpu.memory_space<hbm>>
        tpu.wait_indirect_dma semaphore(%arg19 : memref<!tpu.dma_semaphore, #tpu.memory_space<semaphore_mem>>) src(%dma_wait3A_128 : memref<10000x64xf32, #tpu.memory_space<hbm>>) dst(%dma_wait3A_122 : memref<128x64xf32, #tpu.memory_space<vmem>>)
        %dma_wait3A_129 = arith.constant 0 : i32
        %dma_wait3A_130 = arith.constant 1 : i32
        %dma_wait3A_131 = arith.constant 0 : i32
        %dma_wait3A_132 = arith.constant 1 : i32
        %dma_wait3A_133 = arith.constant 0 : i32
        %dma_wait3A_134 = arith.constant 0 : i32
        %dma_wait3A_135 = tpu.memref_slice %arg17[%dma_wait3A_131, %dma_wait3A_132, %dma_wait3A_133, %dma_wait3A_134] : memref<2x4x128x64xf32, #tpu.memory_space<vmem>> -> memref<1x1x128x64xf32, #tpu.memory_space<vmem>>
        %dma_wait3A_136 = tpu.memref_squeeze %dma_wait3A_135 : memref<1x1x128x64xf32, #tpu.memory_space<vmem>> -> memref<128x64xf32, #tpu.memory_space<vmem>>
        %dma_wait3A_137 = arith.constant 0 : i32
        %dma_wait3A_138 = tpu.memref_slice %arg15[%dma_wait3A_129, %dma_wait3A_130, %dma_wait3A_137] : memref<2x4x128xi32, #tpu.memory_space<vmem>> -> memref<1x1x128xi32, #tpu.memory_space<vmem>>
        %dma_wait3A_139 = tpu.memref_squeeze %dma_wait3A_138 : memref<1x1x128xi32, #tpu.memory_space<vmem>> -> memref<128xi32, #tpu.memory_space<vmem>>
        %dma_wait3A_140 = arith.constant 0 : i32
        %dma_wait3A_141 = arith.constant 0 : i32
        %dma_wait3A_142 = tpu.memref_slice %arg2[%dma_wait3A_140, %dma_wait3A_141] : memref<10000x64xf32, #tpu.memory_space<hbm>> -> memref<10000x64xf32, #tpu.memory_space<hbm>>
        tpu.wait_indirect_dma semaphore(%arg19 : memref<!tpu.dma_semaphore, #tpu.memory_space<semaphore_mem>>) src(%dma_wait3A_142 : memref<10000x64xf32, #tpu.memory_space<hbm>>) dst(%dma_wait3A_136 : memref<128x64xf32, #tpu.memory_space<vmem>>)
        %dma_wait3A_143 = arith.constant 0 : i32
        %dma_wait3A_144 = arith.constant 2 : i32
        %dma_wait3A_145 = arith.constant 0 : i32
        %dma_wait3A_146 = arith.constant 2 : i32
        %dma_wait3A_147 = arith.constant 0 : i32
        %dma_wait3A_148 = arith.constant 0 : i32
        %dma_wait3A_149 = tpu.memref_slice %arg17[%dma_wait3A_145, %dma_wait3A_146, %dma_wait3A_147, %dma_wait3A_148] : memref<2x4x128x64xf32, #tpu.memory_space<vmem>> -> memref<1x1x128x64xf32, #tpu.memory_space<vmem>>
        %dma_wait3A_150 = tpu.memref_squeeze %dma_wait3A_149 : memref<1x1x128x64xf32, #tpu.memory_space<vmem>> -> memref<128x64xf32, #tpu.memory_space<vmem>>
        %dma_wait3A_151 = arith.constant 0 : i32
        %dma_wait3A_152 = tpu.memref_slice %arg15[%dma_wait3A_143, %dma_wait3A_144, %dma_wait3A_151] : memref<2x4x128xi32, #tpu.memory_space<vmem>> -> memref<1x1x128xi32, #tpu.memory_space<vmem>>
        %dma_wait3A_153 = tpu.memref_squeeze %dma_wait3A_152 : memref<1x1x128xi32, #tpu.memory_space<vmem>> -> memref<128xi32, #tpu.memory_space<vmem>>
        %dma_wait3A_154 = arith.constant 0 : i32
        %dma_wait3A_155 = arith.constant 0 : i32
        %dma_wait3A_156 = tpu.memref_slice %arg2[%dma_wait3A_154, %dma_wait3A_155] : memref<10000x64xf32, #tpu.memory_space<hbm>> -> memref<10000x64xf32, #tpu.memory_space<hbm>>
        tpu.wait_indirect_dma semaphore(%arg19 : memref<!tpu.dma_semaphore, #tpu.memory_space<semaphore_mem>>) src(%dma_wait3A_156 : memref<10000x64xf32, #tpu.memory_space<hbm>>) dst(%dma_wait3A_150 : memref<128x64xf32, #tpu.memory_space<vmem>>)
        %dma_wait3A_157 = arith.constant 0 : i32
        %dma_wait3A_158 = arith.constant 3 : i32
        %dma_wait3A_159 = arith.constant 0 : i32
        %dma_wait3A_160 = arith.constant 3 : i32
        %dma_wait3A_161 = arith.constant 0 : i32
        %dma_wait3A_162 = arith.constant 0 : i32
        %dma_wait3A_163 = tpu.memref_slice %arg17[%dma_wait3A_159, %dma_wait3A_160, %dma_wait3A_161, %dma_wait3A_162] : memref<2x4x128x64xf32, #tpu.memory_space<vmem>> -> memref<1x1x128x64xf32, #tpu.memory_space<vmem>>
        %dma_wait3A_164 = tpu.memref_squeeze %dma_wait3A_163 : memref<1x1x128x64xf32, #tpu.memory_space<vmem>> -> memref<128x64xf32, #tpu.memory_space<vmem>>
        %dma_wait3A_165 = arith.constant 0 : i32
        %dma_wait3A_166 = tpu.memref_slice %arg15[%dma_wait3A_157, %dma_wait3A_158, %dma_wait3A_165] : memref<2x4x128xi32, #tpu.memory_space<vmem>> -> memref<1x1x128xi32, #tpu.memory_space<vmem>>
        %dma_wait3A_167 = tpu.memref_squeeze %dma_wait3A_166 : memref<1x1x128xi32, #tpu.memory_space<vmem>> -> memref<128xi32, #tpu.memory_space<vmem>>
        %dma_wait3A_168 = arith.constant 0 : i32
        %dma_wait3A_169 = arith.constant 0 : i32
        %dma_wait3A_170 = tpu.memref_slice %arg2[%dma_wait3A_168, %dma_wait3A_169] : memref<10000x64xf32, #tpu.memory_space<hbm>> -> memref<10000x64xf32, #tpu.memory_space<hbm>>
        tpu.wait_indirect_dma semaphore(%arg19 : memref<!tpu.dma_semaphore, #tpu.memory_space<semaphore_mem>>) src(%dma_wait3A_170 : memref<10000x64xf32, #tpu.memory_space<hbm>>) dst(%dma_wait3A_164 : memref<128x64xf32, #tpu.memory_space<vmem>>)
      } else {
      }
      %mul3A_50 = arith.constant 4 : i32
      %mul3A_51 = arith.muli %add3A_31, %mul3A_50 : i32
      %add3A_52 = arith.addi %mul3A_2, %mul3A_51 : i32
      %lt3A_53 = arith.constant 2500 : i32
      %lt3A_54 = arith.cmpi slt, %add3A_52, %lt3A_53 : i32
      %convert_element_type3A_55 = arith.extui %lt3A_54 : i1 to i32
      %cond3A_56 = arith.constant 0 : i32
      %cond3A_57 = arith.cmpi ne, %convert_element_type3A_55, %cond3A_56 : i32
      scf.if %cond3A_57 {
        %dma_start3A = arith.constant 0 : i32
        %dma_start3A_116 = arith.constant 0 : i32
        %dma_start3A_117 = arith.constant 0 : i32
        %dma_start3A_118 = arith.constant 0 : i32
        %dma_start3A_119 = arith.constant 0 : i32
        %dma_start3A_120 = arith.constant 0 : i32
        %dma_start3A_121 = tpu.memref_slice %arg17[%dma_start3A, %dma_start3A_116, %dma_start3A_119, %dma_start3A_120] : memref<2x4x128x64xf32, #tpu.memory_space<vmem>> -> memref<1x1x128x64xf32, #tpu.memory_space<vmem>>
        %dma_start3A_122 = tpu.memref_squeeze %dma_start3A_121 : memref<1x1x128x64xf32, #tpu.memory_space<vmem>> -> memref<128x64xf32, #tpu.memory_space<vmem>>
        %dma_start3A_123 = arith.constant 0 : i32
        %dma_start3A_124 = tpu.memref_slice %arg16[%dma_start3A_117, %dma_start3A_118, %dma_start3A_123] : memref<2x4x128xi32, #tpu.memory_space<vmem>> -> memref<1x1x128xi32, #tpu.memory_space<vmem>>
        %dma_start3A_125 = tpu.memref_squeeze %dma_start3A_124 : memref<1x1x128xi32, #tpu.memory_space<vmem>> -> memref<128xi32, #tpu.memory_space<vmem>>
        %dma_start3A_126 = arith.constant 0 : i32
        %dma_start3A_127 = arith.constant 0 : i32
        %dma_start3A_128 = tpu.memref_slice %arg13[%dma_start3A_126, %dma_start3A_127] : memref<10008x64xf32, #tpu.memory_space<vmem_shared>> -> memref<10008x64xf32, #tpu.memory_space<vmem_shared>>
        tpu.enqueue_indirect_dma source(%dma_start3A_122 : memref<128x64xf32, #tpu.memory_space<vmem>>) target(%dma_start3A_128 : memref<10008x64xf32, #tpu.memory_space<vmem_shared>>) offsets(%dma_start3A_125 : memref<128xi32, #tpu.memory_space<vmem>>) semaphore(%arg21 : memref<!tpu.dma_semaphore, #tpu.memory_space<semaphore_mem>>) {add = true}
        %eq3A_129 = arith.constant 0 : i32
        %eq3A_130 = arith.cmpi eq, %arg0, %eq3A_129 : i32
        %convert_element_type3A_131 = arith.extui %eq3A_130 : i1 to i32
        %cond3A_132 = arith.constant 0 : i32
        %cond3A_133 = arith.cmpi ne, %convert_element_type3A_131, %cond3A_132 : i32
        scf.if %cond3A_133 {
          %dma_start3A_191 = arith.constant 0 : i32
          %dma_start3A_192 = arith.constant 0 : i32
          %dma_start3A_193 = arith.constant 0 : i32
          %dma_start3A_194 = tpu.memref_slice %arg16[%dma_start3A_191, %dma_start3A_192, %dma_start3A_193] : memref<2x4x128xi32, #tpu.memory_space<vmem>> -> memref<1x1x128xi32, #tpu.memory_space<vmem>>
          %dma_start3A_195 = tpu.memref_squeeze %dma_start3A_194 : memref<1x1x128xi32, #tpu.memory_space<vmem>> -> memref<128xi32, #tpu.memory_space<vmem>>
          %dma_start3A_196 = arith.constant 0 : i32
          %dma_start3A_197 = arith.constant 0 : i32
          %dma_start3A_198 = tpu.memref_slice %arg14[%dma_start3A_196, %dma_start3A_197] : memref<10008x16xf32, #tpu.memory_space<vmem_shared>> -> memref<10008x16xf32, #tpu.memory_space<vmem_shared>>
          tpu.enqueue_indirect_dma source(%arg18 : memref<128x16xf32, #tpu.memory_space<vmem>>) target(%dma_start3A_198 : memref<10008x16xf32, #tpu.memory_space<vmem_shared>>) offsets(%dma_start3A_195 : memref<128xi32, #tpu.memory_space<vmem>>) semaphore(%arg23 : memref<!tpu.dma_semaphore, #tpu.memory_space<semaphore_mem>>) {add = true}
        } else {
        }
        %dma_start3A_134 = arith.constant 0 : i32
        %dma_start3A_135 = arith.constant 1 : i32
        %dma_start3A_136 = arith.constant 0 : i32
        %dma_start3A_137 = arith.constant 1 : i32
        %dma_start3A_138 = arith.constant 0 : i32
        %dma_start3A_139 = arith.constant 0 : i32
        %dma_start3A_140 = tpu.memref_slice %arg17[%dma_start3A_134, %dma_start3A_135, %dma_start3A_138, %dma_start3A_139] : memref<2x4x128x64xf32, #tpu.memory_space<vmem>> -> memref<1x1x128x64xf32, #tpu.memory_space<vmem>>
        %dma_start3A_141 = tpu.memref_squeeze %dma_start3A_140 : memref<1x1x128x64xf32, #tpu.memory_space<vmem>> -> memref<128x64xf32, #tpu.memory_space<vmem>>
        %dma_start3A_142 = arith.constant 0 : i32
        %dma_start3A_143 = tpu.memref_slice %arg16[%dma_start3A_136, %dma_start3A_137, %dma_start3A_142] : memref<2x4x128xi32, #tpu.memory_space<vmem>> -> memref<1x1x128xi32, #tpu.memory_space<vmem>>
        %dma_start3A_144 = tpu.memref_squeeze %dma_start3A_143 : memref<1x1x128xi32, #tpu.memory_space<vmem>> -> memref<128xi32, #tpu.memory_space<vmem>>
        %dma_start3A_145 = arith.constant 0 : i32
        %dma_start3A_146 = arith.constant 0 : i32
        %dma_start3A_147 = tpu.memref_slice %arg13[%dma_start3A_145, %dma_start3A_146] : memref<10008x64xf32, #tpu.memory_space<vmem_shared>> -> memref<10008x64xf32, #tpu.memory_space<vmem_shared>>
        tpu.enqueue_indirect_dma source(%dma_start3A_141 : memref<128x64xf32, #tpu.memory_space<vmem>>) target(%dma_start3A_147 : memref<10008x64xf32, #tpu.memory_space<vmem_shared>>) offsets(%dma_start3A_144 : memref<128xi32, #tpu.memory_space<vmem>>) semaphore(%arg21 : memref<!tpu.dma_semaphore, #tpu.memory_space<semaphore_mem>>) {add = true}
        %eq3A_148 = arith.constant 1 : i32
        %eq3A_149 = arith.cmpi eq, %arg0, %eq3A_148 : i32
        %convert_element_type3A_150 = arith.extui %eq3A_149 : i1 to i32
        %cond3A_151 = arith.constant 0 : i32
        %cond3A_152 = arith.cmpi ne, %convert_element_type3A_150, %cond3A_151 : i32
        scf.if %cond3A_152 {
          %dma_start3A_191 = arith.constant 0 : i32
          %dma_start3A_192 = arith.constant 1 : i32
          %dma_start3A_193 = arith.constant 0 : i32
          %dma_start3A_194 = tpu.memref_slice %arg16[%dma_start3A_191, %dma_start3A_192, %dma_start3A_193] : memref<2x4x128xi32, #tpu.memory_space<vmem>> -> memref<1x1x128xi32, #tpu.memory_space<vmem>>
          %dma_start3A_195 = tpu.memref_squeeze %dma_start3A_194 : memref<1x1x128xi32, #tpu.memory_space<vmem>> -> memref<128xi32, #tpu.memory_space<vmem>>
          %dma_start3A_196 = arith.constant 0 : i32
          %dma_start3A_197 = arith.constant 0 : i32
          %dma_start3A_198 = tpu.memref_slice %arg14[%dma_start3A_196, %dma_start3A_197] : memref<10008x16xf32, #tpu.memory_space<vmem_shared>> -> memref<10008x16xf32, #tpu.memory_space<vmem_shared>>
          tpu.enqueue_indirect_dma source(%arg18 : memref<128x16xf32, #tpu.memory_space<vmem>>) target(%dma_start3A_198 : memref<10008x16xf32, #tpu.memory_space<vmem_shared>>) offsets(%dma_start3A_195 : memref<128xi32, #tpu.memory_space<vmem>>) semaphore(%arg23 : memref<!tpu.dma_semaphore, #tpu.memory_space<semaphore_mem>>) {add = true}
        } else {
        }
        %dma_start3A_153 = arith.constant 0 : i32
        %dma_start3A_154 = arith.constant 2 : i32
        %dma_start3A_155 = arith.constant 0 : i32
        %dma_start3A_156 = arith.constant 2 : i32
        %dma_start3A_157 = arith.constant 0 : i32
        %dma_start3A_158 = arith.constant 0 : i32
        %dma_start3A_159 = tpu.memref_slice %arg17[%dma_start3A_153, %dma_start3A_154, %dma_start3A_157, %dma_start3A_158] : memref<2x4x128x64xf32, #tpu.memory_space<vmem>> -> memref<1x1x128x64xf32, #tpu.memory_space<vmem>>
        %dma_start3A_160 = tpu.memref_squeeze %dma_start3A_159 : memref<1x1x128x64xf32, #tpu.memory_space<vmem>> -> memref<128x64xf32, #tpu.memory_space<vmem>>
        %dma_start3A_161 = arith.constant 0 : i32
        %dma_start3A_162 = tpu.memref_slice %arg16[%dma_start3A_155, %dma_start3A_156, %dma_start3A_161] : memref<2x4x128xi32, #tpu.memory_space<vmem>> -> memref<1x1x128xi32, #tpu.memory_space<vmem>>
        %dma_start3A_163 = tpu.memref_squeeze %dma_start3A_162 : memref<1x1x128xi32, #tpu.memory_space<vmem>> -> memref<128xi32, #tpu.memory_space<vmem>>
        %dma_start3A_164 = arith.constant 0 : i32
        %dma_start3A_165 = arith.constant 0 : i32
        %dma_start3A_166 = tpu.memref_slice %arg13[%dma_start3A_164, %dma_start3A_165] : memref<10008x64xf32, #tpu.memory_space<vmem_shared>> -> memref<10008x64xf32, #tpu.memory_space<vmem_shared>>
        tpu.enqueue_indirect_dma source(%dma_start3A_160 : memref<128x64xf32, #tpu.memory_space<vmem>>) target(%dma_start3A_166 : memref<10008x64xf32, #tpu.memory_space<vmem_shared>>) offsets(%dma_start3A_163 : memref<128xi32, #tpu.memory_space<vmem>>) semaphore(%arg21 : memref<!tpu.dma_semaphore, #tpu.memory_space<semaphore_mem>>) {add = true}
        %eq3A_167 = arith.constant 0 : i32
        %eq3A_168 = arith.cmpi eq, %arg0, %eq3A_167 : i32
        %convert_element_type3A_169 = arith.extui %eq3A_168 : i1 to i32
        %cond3A_170 = arith.constant 0 : i32
        %cond3A_171 = arith.cmpi ne, %convert_element_type3A_169, %cond3A_170 : i32
        scf.if %cond3A_171 {
          %dma_start3A_191 = arith.constant 0 : i32
          %dma_start3A_192 = arith.constant 2 : i32
          %dma_start3A_193 = arith.constant 0 : i32
          %dma_start3A_194 = tpu.memref_slice %arg16[%dma_start3A_191, %dma_start3A_192, %dma_start3A_193] : memref<2x4x128xi32, #tpu.memory_space<vmem>> -> memref<1x1x128xi32, #tpu.memory_space<vmem>>
          %dma_start3A_195 = tpu.memref_squeeze %dma_start3A_194 : memref<1x1x128xi32, #tpu.memory_space<vmem>> -> memref<128xi32, #tpu.memory_space<vmem>>
          %dma_start3A_196 = arith.constant 0 : i32
          %dma_start3A_197 = arith.constant 0 : i32
          %dma_start3A_198 = tpu.memref_slice %arg14[%dma_start3A_196, %dma_start3A_197] : memref<10008x16xf32, #tpu.memory_space<vmem_shared>> -> memref<10008x16xf32, #tpu.memory_space<vmem_shared>>
          tpu.enqueue_indirect_dma source(%arg18 : memref<128x16xf32, #tpu.memory_space<vmem>>) target(%dma_start3A_198 : memref<10008x16xf32, #tpu.memory_space<vmem_shared>>) offsets(%dma_start3A_195 : memref<128xi32, #tpu.memory_space<vmem>>) semaphore(%arg23 : memref<!tpu.dma_semaphore, #tpu.memory_space<semaphore_mem>>) {add = true}
        } else {
        }
        %dma_start3A_172 = arith.constant 0 : i32
        %dma_start3A_173 = arith.constant 3 : i32
        %dma_start3A_174 = arith.constant 0 : i32
        %dma_start3A_175 = arith.constant 3 : i32
        %dma_start3A_176 = arith.constant 0 : i32
        %dma_start3A_177 = arith.constant 0 : i32
        %dma_start3A_178 = tpu.memref_slice %arg17[%dma_start3A_172, %dma_start3A_173, %dma_start3A_176, %dma_start3A_177] : memref<2x4x128x64xf32, #tpu.memory_space<vmem>> -> memref<1x1x128x64xf32, #tpu.memory_space<vmem>>
        %dma_start3A_179 = tpu.memref_squeeze %dma_start3A_178 : memref<1x1x128x64xf32, #tpu.memory_space<vmem>> -> memref<128x64xf32, #tpu.memory_space<vmem>>
        %dma_start3A_180 = arith.constant 0 : i32
        %dma_start3A_181 = tpu.memref_slice %arg16[%dma_start3A_174, %dma_start3A_175, %dma_start3A_180] : memref<2x4x128xi32, #tpu.memory_space<vmem>> -> memref<1x1x128xi32, #tpu.memory_space<vmem>>
        %dma_start3A_182 = tpu.memref_squeeze %dma_start3A_181 : memref<1x1x128xi32, #tpu.memory_space<vmem>> -> memref<128xi32, #tpu.memory_space<vmem>>
        %dma_start3A_183 = arith.constant 0 : i32
        %dma_start3A_184 = arith.constant 0 : i32
        %dma_start3A_185 = tpu.memref_slice %arg13[%dma_start3A_183, %dma_start3A_184] : memref<10008x64xf32, #tpu.memory_space<vmem_shared>> -> memref<10008x64xf32, #tpu.memory_space<vmem_shared>>
        tpu.enqueue_indirect_dma source(%dma_start3A_179 : memref<128x64xf32, #tpu.memory_space<vmem>>) target(%dma_start3A_185 : memref<10008x64xf32, #tpu.memory_space<vmem_shared>>) offsets(%dma_start3A_182 : memref<128xi32, #tpu.memory_space<vmem>>) semaphore(%arg21 : memref<!tpu.dma_semaphore, #tpu.memory_space<semaphore_mem>>) {add = true}
        %eq3A_186 = arith.constant 1 : i32
        %eq3A_187 = arith.cmpi eq, %arg0, %eq3A_186 : i32
        %convert_element_type3A_188 = arith.extui %eq3A_187 : i1 to i32
        %cond3A_189 = arith.constant 0 : i32
        %cond3A_190 = arith.cmpi ne, %convert_element_type3A_188, %cond3A_189 : i32
        scf.if %cond3A_190 {
          %dma_start3A_191 = arith.constant 0 : i32
          %dma_start3A_192 = arith.constant 3 : i32
          %dma_start3A_193 = arith.constant 0 : i32
          %dma_start3A_194 = tpu.memref_slice %arg16[%dma_start3A_191, %dma_start3A_192, %dma_start3A_193] : memref<2x4x128xi32, #tpu.memory_space<vmem>> -> memref<1x1x128xi32, #tpu.memory_space<vmem>>
          %dma_start3A_195 = tpu.memref_squeeze %dma_start3A_194 : memref<1x1x128xi32, #tpu.memory_space<vmem>> -> memref<128xi32, #tpu.memory_space<vmem>>
          %dma_start3A_196 = arith.constant 0 : i32
          %dma_start3A_197 = arith.constant 0 : i32
          %dma_start3A_198 = tpu.memref_slice %arg14[%dma_start3A_196, %dma_start3A_197] : memref<10008x16xf32, #tpu.memory_space<vmem_shared>> -> memref<10008x16xf32, #tpu.memory_space<vmem_shared>>
          tpu.enqueue_indirect_dma source(%arg18 : memref<128x16xf32, #tpu.memory_space<vmem>>) target(%dma_start3A_198 : memref<10008x16xf32, #tpu.memory_space<vmem_shared>>) offsets(%dma_start3A_195 : memref<128xi32, #tpu.memory_space<vmem>>) semaphore(%arg23 : memref<!tpu.dma_semaphore, #tpu.memory_space<semaphore_mem>>) {add = true}
        } else {
        }
      } else {
      }
      %add3A_58 = arith.constant 1 : i32
      %add3A_59 = arith.addi %add3A_31, %add3A_58 : i32
      %mul3A_60 = arith.constant 4 : i32
      %mul3A_61 = arith.muli %add3A_59, %mul3A_60 : i32
      %add3A_62 = arith.addi %mul3A_2, %mul3A_61 : i32
      %lt3A_63 = arith.constant 2500 : i32
      %lt3A_64 = arith.cmpi slt, %add3A_62, %lt3A_63 : i32
      %convert_element_type3A_65 = arith.extui %lt3A_64 : i1 to i32
      %cond3A_66 = arith.constant 0 : i32
      %cond3A_67 = arith.cmpi ne, %convert_element_type3A_65, %cond3A_66 : i32
      scf.if %cond3A_67 {
        %eq3A_116 = arith.constant 0 : i32
        %eq3A_117 = arith.cmpi eq, %arg0, %eq3A_116 : i32
        %convert_element_type3A_118 = arith.extui %eq3A_117 : i1 to i32
        %cond3A_119 = arith.constant 0 : i32
        %cond3A_120 = arith.cmpi ne, %convert_element_type3A_118, %cond3A_119 : i32
        scf.if %cond3A_120 {
          %dma_start3A = arith.constant 1 : i32
          %dma_start3A_156 = arith.constant 0 : i32
          %dma_start3A_157 = arith.constant 1 : i32
          %dma_start3A_158 = arith.constant 0 : i32
          %dma_start3A_159 = arith.constant 0 : i32
          %dma_start3A_160 = arith.constant 0 : i32
          %dma_start3A_161 = tpu.memref_slice %arg17[%dma_start3A_157, %dma_start3A_158, %dma_start3A_159, %dma_start3A_160] : memref<2x4x128x64xf32, #tpu.memory_space<vmem>> -> memref<1x1x128x64xf32, #tpu.memory_space<vmem>>
          %dma_start3A_162 = tpu.memref_squeeze %dma_start3A_161 : memref<1x1x128x64xf32, #tpu.memory_space<vmem>> -> memref<128x64xf32, #tpu.memory_space<vmem>>
          %dma_start3A_163 = arith.constant 0 : i32
          %dma_start3A_164 = tpu.memref_slice %arg15[%dma_start3A, %dma_start3A_156, %dma_start3A_163] : memref<2x4x128xi32, #tpu.memory_space<vmem>> -> memref<1x1x128xi32, #tpu.memory_space<vmem>>
          %dma_start3A_165 = tpu.memref_squeeze %dma_start3A_164 : memref<1x1x128xi32, #tpu.memory_space<vmem>> -> memref<128xi32, #tpu.memory_space<vmem>>
          %dma_start3A_166 = arith.constant 0 : i32
          %dma_start3A_167 = arith.constant 0 : i32
          %dma_start3A_168 = tpu.memref_slice %arg2[%dma_start3A_166, %dma_start3A_167] : memref<10000x64xf32, #tpu.memory_space<hbm>> -> memref<10000x64xf32, #tpu.memory_space<hbm>>
          tpu.enqueue_indirect_dma source(%dma_start3A_168 : memref<10000x64xf32, #tpu.memory_space<hbm>>) target(%dma_start3A_162 : memref<128x64xf32, #tpu.memory_space<vmem>>) offsets(%dma_start3A_165 : memref<128xi32, #tpu.memory_space<vmem>>) semaphore(%arg20 : memref<!tpu.dma_semaphore, #tpu.memory_space<semaphore_mem>>)
        } else {
        }
        %eq3A_121 = arith.constant 1 : i32
        %eq3A_122 = arith.cmpi eq, %arg0, %eq3A_121 : i32
        %convert_element_type3A_123 = arith.extui %eq3A_122 : i1 to i32
        %cond3A_124 = arith.constant 0 : i32
        %cond3A_125 = arith.cmpi ne, %convert_element_type3A_123, %cond3A_124 : i32
        scf.if %cond3A_125 {
          %dma_start3A = arith.constant 1 : i32
          %dma_start3A_156 = arith.constant 0 : i32
          %dma_start3A_157 = arith.constant 1 : i32
          %dma_start3A_158 = arith.constant 0 : i32
          %dma_start3A_159 = arith.constant 0 : i32
          %dma_start3A_160 = arith.constant 0 : i32
          %dma_start3A_161 = tpu.memref_slice %arg17[%dma_start3A_157, %dma_start3A_158, %dma_start3A_159, %dma_start3A_160] : memref<2x4x128x64xf32, #tpu.memory_space<vmem>> -> memref<1x1x128x64xf32, #tpu.memory_space<vmem>>
          %dma_start3A_162 = tpu.memref_squeeze %dma_start3A_161 : memref<1x1x128x64xf32, #tpu.memory_space<vmem>> -> memref<128x64xf32, #tpu.memory_space<vmem>>
          %dma_start3A_163 = arith.constant 0 : i32
          %dma_start3A_164 = tpu.memref_slice %arg15[%dma_start3A, %dma_start3A_156, %dma_start3A_163] : memref<2x4x128xi32, #tpu.memory_space<vmem>> -> memref<1x1x128xi32, #tpu.memory_space<vmem>>
          %dma_start3A_165 = tpu.memref_squeeze %dma_start3A_164 : memref<1x1x128xi32, #tpu.memory_space<vmem>> -> memref<128xi32, #tpu.memory_space<vmem>>
          %dma_start3A_166 = arith.constant 0 : i32
          %dma_start3A_167 = arith.constant 0 : i32
          %dma_start3A_168 = tpu.memref_slice %arg3[%dma_start3A_166, %dma_start3A_167] : memref<10000x64xf32, #tpu.memory_space<hbm>> -> memref<10000x64xf32, #tpu.memory_space<hbm>>
          tpu.enqueue_indirect_dma source(%dma_start3A_168 : memref<10000x64xf32, #tpu.memory_space<hbm>>) target(%dma_start3A_162 : memref<128x64xf32, #tpu.memory_space<vmem>>) offsets(%dma_start3A_165 : memref<128xi32, #tpu.memory_space<vmem>>) semaphore(%arg20 : memref<!tpu.dma_semaphore, #tpu.memory_space<semaphore_mem>>)
        } else {
        }
        %eq3A_126 = arith.constant 0 : i32
        %eq3A_127 = arith.cmpi eq, %arg0, %eq3A_126 : i32
        %convert_element_type3A_128 = arith.extui %eq3A_127 : i1 to i32
        %cond3A_129 = arith.constant 0 : i32
        %cond3A_130 = arith.cmpi ne, %convert_element_type3A_128, %cond3A_129 : i32
        scf.if %cond3A_130 {
          %dma_start3A = arith.constant 1 : i32
          %dma_start3A_156 = arith.constant 1 : i32
          %dma_start3A_157 = arith.constant 1 : i32
          %dma_start3A_158 = arith.constant 1 : i32
          %dma_start3A_159 = arith.constant 0 : i32
          %dma_start3A_160 = arith.constant 0 : i32
          %dma_start3A_161 = tpu.memref_slice %arg17[%dma_start3A_157, %dma_start3A_158, %dma_start3A_159, %dma_start3A_160] : memref<2x4x128x64xf32, #tpu.memory_space<vmem>> -> memref<1x1x128x64xf32, #tpu.memory_space<vmem>>
          %dma_start3A_162 = tpu.memref_squeeze %dma_start3A_161 : memref<1x1x128x64xf32, #tpu.memory_space<vmem>> -> memref<128x64xf32, #tpu.memory_space<vmem>>
          %dma_start3A_163 = arith.constant 0 : i32
          %dma_start3A_164 = tpu.memref_slice %arg15[%dma_start3A, %dma_start3A_156, %dma_start3A_163] : memref<2x4x128xi32, #tpu.memory_space<vmem>> -> memref<1x1x128xi32, #tpu.memory_space<vmem>>
          %dma_start3A_165 = tpu.memref_squeeze %dma_start3A_164 : memref<1x1x128xi32, #tpu.memory_space<vmem>> -> memref<128xi32, #tpu.memory_space<vmem>>
          %dma_start3A_166 = arith.constant 0 : i32
          %dma_start3A_167 = arith.constant 0 : i32
          %dma_start3A_168 = tpu.memref_slice %arg2[%dma_start3A_166, %dma_start3A_167] : memref<10000x64xf32, #tpu.memory_space<hbm>> -> memref<10000x64xf32, #tpu.memory_space<hbm>>
          tpu.enqueue_indirect_dma source(%dma_start3A_168 : memref<10000x64xf32, #tpu.memory_space<hbm>>) target(%dma_start3A_162 : memref<128x64xf32, #tpu.memory_space<vmem>>) offsets(%dma_start3A_165 : memref<128xi32, #tpu.memory_space<vmem>>) semaphore(%arg20 : memref<!tpu.dma_semaphore, #tpu.memory_space<semaphore_mem>>)
        } else {
        }
        %eq3A_131 = arith.constant 1 : i32
        %eq3A_132 = arith.cmpi eq, %arg0, %eq3A_131 : i32
        %convert_element_type3A_133 = arith.extui %eq3A_132 : i1 to i32
        %cond3A_134 = arith.constant 0 : i32
        %cond3A_135 = arith.cmpi ne, %convert_element_type3A_133, %cond3A_134 : i32
        scf.if %cond3A_135 {
          %dma_start3A = arith.constant 1 : i32
          %dma_start3A_156 = arith.constant 1 : i32
          %dma_start3A_157 = arith.constant 1 : i32
          %dma_start3A_158 = arith.constant 1 : i32
          %dma_start3A_159 = arith.constant 0 : i32
          %dma_start3A_160 = arith.constant 0 : i32
          %dma_start3A_161 = tpu.memref_slice %arg17[%dma_start3A_157, %dma_start3A_158, %dma_start3A_159, %dma_start3A_160] : memref<2x4x128x64xf32, #tpu.memory_space<vmem>> -> memref<1x1x128x64xf32, #tpu.memory_space<vmem>>
          %dma_start3A_162 = tpu.memref_squeeze %dma_start3A_161 : memref<1x1x128x64xf32, #tpu.memory_space<vmem>> -> memref<128x64xf32, #tpu.memory_space<vmem>>
          %dma_start3A_163 = arith.constant 0 : i32
          %dma_start3A_164 = tpu.memref_slice %arg15[%dma_start3A, %dma_start3A_156, %dma_start3A_163] : memref<2x4x128xi32, #tpu.memory_space<vmem>> -> memref<1x1x128xi32, #tpu.memory_space<vmem>>
          %dma_start3A_165 = tpu.memref_squeeze %dma_start3A_164 : memref<1x1x128xi32, #tpu.memory_space<vmem>> -> memref<128xi32, #tpu.memory_space<vmem>>
          %dma_start3A_166 = arith.constant 0 : i32
          %dma_start3A_167 = arith.constant 0 : i32
          %dma_start3A_168 = tpu.memref_slice %arg3[%dma_start3A_166, %dma_start3A_167] : memref<10000x64xf32, #tpu.memory_space<hbm>> -> memref<10000x64xf32, #tpu.memory_space<hbm>>
          tpu.enqueue_indirect_dma source(%dma_start3A_168 : memref<10000x64xf32, #tpu.memory_space<hbm>>) target(%dma_start3A_162 : memref<128x64xf32, #tpu.memory_space<vmem>>) offsets(%dma_start3A_165 : memref<128xi32, #tpu.memory_space<vmem>>) semaphore(%arg20 : memref<!tpu.dma_semaphore, #tpu.memory_space<semaphore_mem>>)
        } else {
        }
        %eq3A_136 = arith.constant 0 : i32
        %eq3A_137 = arith.cmpi eq, %arg0, %eq3A_136 : i32
        %convert_element_type3A_138 = arith.extui %eq3A_137 : i1 to i32
        %cond3A_139 = arith.constant 0 : i32
        %cond3A_140 = arith.cmpi ne, %convert_element_type3A_138, %cond3A_139 : i32
        scf.if %cond3A_140 {
          %dma_start3A = arith.constant 1 : i32
          %dma_start3A_156 = arith.constant 2 : i32
          %dma_start3A_157 = arith.constant 1 : i32
          %dma_start3A_158 = arith.constant 2 : i32
          %dma_start3A_159 = arith.constant 0 : i32
          %dma_start3A_160 = arith.constant 0 : i32
          %dma_start3A_161 = tpu.memref_slice %arg17[%dma_start3A_157, %dma_start3A_158, %dma_start3A_159, %dma_start3A_160] : memref<2x4x128x64xf32, #tpu.memory_space<vmem>> -> memref<1x1x128x64xf32, #tpu.memory_space<vmem>>
          %dma_start3A_162 = tpu.memref_squeeze %dma_start3A_161 : memref<1x1x128x64xf32, #tpu.memory_space<vmem>> -> memref<128x64xf32, #tpu.memory_space<vmem>>
          %dma_start3A_163 = arith.constant 0 : i32
          %dma_start3A_164 = tpu.memref_slice %arg15[%dma_start3A, %dma_start3A_156, %dma_start3A_163] : memref<2x4x128xi32, #tpu.memory_space<vmem>> -> memref<1x1x128xi32, #tpu.memory_space<vmem>>
          %dma_start3A_165 = tpu.memref_squeeze %dma_start3A_164 : memref<1x1x128xi32, #tpu.memory_space<vmem>> -> memref<128xi32, #tpu.memory_space<vmem>>
          %dma_start3A_166 = arith.constant 0 : i32
          %dma_start3A_167 = arith.constant 0 : i32
          %dma_start3A_168 = tpu.memref_slice %arg2[%dma_start3A_166, %dma_start3A_167] : memref<10000x64xf32, #tpu.memory_space<hbm>> -> memref<10000x64xf32, #tpu.memory_space<hbm>>
          tpu.enqueue_indirect_dma source(%dma_start3A_168 : memref<10000x64xf32, #tpu.memory_space<hbm>>) target(%dma_start3A_162 : memref<128x64xf32, #tpu.memory_space<vmem>>) offsets(%dma_start3A_165 : memref<128xi32, #tpu.memory_space<vmem>>) semaphore(%arg20 : memref<!tpu.dma_semaphore, #tpu.memory_space<semaphore_mem>>)
        } else {
        }
        %eq3A_141 = arith.constant 1 : i32
        %eq3A_142 = arith.cmpi eq, %arg0, %eq3A_141 : i32
        %convert_element_type3A_143 = arith.extui %eq3A_142 : i1 to i32
        %cond3A_144 = arith.constant 0 : i32
        %cond3A_145 = arith.cmpi ne, %convert_element_type3A_143, %cond3A_144 : i32
        scf.if %cond3A_145 {
          %dma_start3A = arith.constant 1 : i32
          %dma_start3A_156 = arith.constant 2 : i32
          %dma_start3A_157 = arith.constant 1 : i32
          %dma_start3A_158 = arith.constant 2 : i32
          %dma_start3A_159 = arith.constant 0 : i32
          %dma_start3A_160 = arith.constant 0 : i32
          %dma_start3A_161 = tpu.memref_slice %arg17[%dma_start3A_157, %dma_start3A_158, %dma_start3A_159, %dma_start3A_160] : memref<2x4x128x64xf32, #tpu.memory_space<vmem>> -> memref<1x1x128x64xf32, #tpu.memory_space<vmem>>
          %dma_start3A_162 = tpu.memref_squeeze %dma_start3A_161 : memref<1x1x128x64xf32, #tpu.memory_space<vmem>> -> memref<128x64xf32, #tpu.memory_space<vmem>>
          %dma_start3A_163 = arith.constant 0 : i32
          %dma_start3A_164 = tpu.memref_slice %arg15[%dma_start3A, %dma_start3A_156, %dma_start3A_163] : memref<2x4x128xi32, #tpu.memory_space<vmem>> -> memref<1x1x128xi32, #tpu.memory_space<vmem>>
          %dma_start3A_165 = tpu.memref_squeeze %dma_start3A_164 : memref<1x1x128xi32, #tpu.memory_space<vmem>> -> memref<128xi32, #tpu.memory_space<vmem>>
          %dma_start3A_166 = arith.constant 0 : i32
          %dma_start3A_167 = arith.constant 0 : i32
          %dma_start3A_168 = tpu.memref_slice %arg3[%dma_start3A_166, %dma_start3A_167] : memref<10000x64xf32, #tpu.memory_space<hbm>> -> memref<10000x64xf32, #tpu.memory_space<hbm>>
          tpu.enqueue_indirect_dma source(%dma_start3A_168 : memref<10000x64xf32, #tpu.memory_space<hbm>>) target(%dma_start3A_162 : memref<128x64xf32, #tpu.memory_space<vmem>>) offsets(%dma_start3A_165 : memref<128xi32, #tpu.memory_space<vmem>>) semaphore(%arg20 : memref<!tpu.dma_semaphore, #tpu.memory_space<semaphore_mem>>)
        } else {
        }
        %eq3A_146 = arith.constant 0 : i32
        %eq3A_147 = arith.cmpi eq, %arg0, %eq3A_146 : i32
        %convert_element_type3A_148 = arith.extui %eq3A_147 : i1 to i32
        %cond3A_149 = arith.constant 0 : i32
        %cond3A_150 = arith.cmpi ne, %convert_element_type3A_148, %cond3A_149 : i32
        scf.if %cond3A_150 {
          %dma_start3A = arith.constant 1 : i32
          %dma_start3A_156 = arith.constant 3 : i32
          %dma_start3A_157 = arith.constant 1 : i32
          %dma_start3A_158 = arith.constant 3 : i32
          %dma_start3A_159 = arith.constant 0 : i32
          %dma_start3A_160 = arith.constant 0 : i32
          %dma_start3A_161 = tpu.memref_slice %arg17[%dma_start3A_157, %dma_start3A_158, %dma_start3A_159, %dma_start3A_160] : memref<2x4x128x64xf32, #tpu.memory_space<vmem>> -> memref<1x1x128x64xf32, #tpu.memory_space<vmem>>
          %dma_start3A_162 = tpu.memref_squeeze %dma_start3A_161 : memref<1x1x128x64xf32, #tpu.memory_space<vmem>> -> memref<128x64xf32, #tpu.memory_space<vmem>>
          %dma_start3A_163 = arith.constant 0 : i32
          %dma_start3A_164 = tpu.memref_slice %arg15[%dma_start3A, %dma_start3A_156, %dma_start3A_163] : memref<2x4x128xi32, #tpu.memory_space<vmem>> -> memref<1x1x128xi32, #tpu.memory_space<vmem>>
          %dma_start3A_165 = tpu.memref_squeeze %dma_start3A_164 : memref<1x1x128xi32, #tpu.memory_space<vmem>> -> memref<128xi32, #tpu.memory_space<vmem>>
          %dma_start3A_166 = arith.constant 0 : i32
          %dma_start3A_167 = arith.constant 0 : i32
          %dma_start3A_168 = tpu.memref_slice %arg2[%dma_start3A_166, %dma_start3A_167] : memref<10000x64xf32, #tpu.memory_space<hbm>> -> memref<10000x64xf32, #tpu.memory_space<hbm>>
          tpu.enqueue_indirect_dma source(%dma_start3A_168 : memref<10000x64xf32, #tpu.memory_space<hbm>>) target(%dma_start3A_162 : memref<128x64xf32, #tpu.memory_space<vmem>>) offsets(%dma_start3A_165 : memref<128xi32, #tpu.memory_space<vmem>>) semaphore(%arg20 : memref<!tpu.dma_semaphore, #tpu.memory_space<semaphore_mem>>)
        } else {
        }
        %eq3A_151 = arith.constant 1 : i32
        %eq3A_152 = arith.cmpi eq, %arg0, %eq3A_151 : i32
        %convert_element_type3A_153 = arith.extui %eq3A_152 : i1 to i32
        %cond3A_154 = arith.constant 0 : i32
        %cond3A_155 = arith.cmpi ne, %convert_element_type3A_153, %cond3A_154 : i32
        scf.if %cond3A_155 {
          %dma_start3A = arith.constant 1 : i32
          %dma_start3A_156 = arith.constant 3 : i32
          %dma_start3A_157 = arith.constant 1 : i32
          %dma_start3A_158 = arith.constant 3 : i32
          %dma_start3A_159 = arith.constant 0 : i32
          %dma_start3A_160 = arith.constant 0 : i32
          %dma_start3A_161 = tpu.memref_slice %arg17[%dma_start3A_157, %dma_start3A_158, %dma_start3A_159, %dma_start3A_160] : memref<2x4x128x64xf32, #tpu.memory_space<vmem>> -> memref<1x1x128x64xf32, #tpu.memory_space<vmem>>
          %dma_start3A_162 = tpu.memref_squeeze %dma_start3A_161 : memref<1x1x128x64xf32, #tpu.memory_space<vmem>> -> memref<128x64xf32, #tpu.memory_space<vmem>>
          %dma_start3A_163 = arith.constant 0 : i32
          %dma_start3A_164 = tpu.memref_slice %arg15[%dma_start3A, %dma_start3A_156, %dma_start3A_163] : memref<2x4x128xi32, #tpu.memory_space<vmem>> -> memref<1x1x128xi32, #tpu.memory_space<vmem>>
          %dma_start3A_165 = tpu.memref_squeeze %dma_start3A_164 : memref<1x1x128xi32, #tpu.memory_space<vmem>> -> memref<128xi32, #tpu.memory_space<vmem>>
          %dma_start3A_166 = arith.constant 0 : i32
          %dma_start3A_167 = arith.constant 0 : i32
          %dma_start3A_168 = tpu.memref_slice %arg3[%dma_start3A_166, %dma_start3A_167] : memref<10000x64xf32, #tpu.memory_space<hbm>> -> memref<10000x64xf32, #tpu.memory_space<hbm>>
          tpu.enqueue_indirect_dma source(%dma_start3A_168 : memref<10000x64xf32, #tpu.memory_space<hbm>>) target(%dma_start3A_162 : memref<128x64xf32, #tpu.memory_space<vmem>>) offsets(%dma_start3A_165 : memref<128xi32, #tpu.memory_space<vmem>>) semaphore(%arg20 : memref<!tpu.dma_semaphore, #tpu.memory_space<semaphore_mem>>)
        } else {
        }
      } else {
      }
      %mul3A_68 = arith.constant 4 : i32
      %mul3A_69 = arith.muli %add3A_31, %mul3A_68 : i32
      %add3A_70 = arith.addi %mul3A_2, %mul3A_69 : i32
      %lt3A_71 = arith.constant 2500 : i32
      %lt3A_72 = arith.cmpi slt, %add3A_70, %lt3A_71 : i32
      %convert_element_type3A_73 = arith.extui %lt3A_72 : i1 to i32
      %cond3A_74 = arith.constant 0 : i32
      %cond3A_75 = arith.cmpi ne, %convert_element_type3A_73, %cond3A_74 : i32
      scf.if %cond3A_75 {
        %dma_wait3A = arith.constant 0 : i32
        %dma_wait3A_116 = arith.constant 0 : i32
        %dma_wait3A_117 = arith.constant 0 : i32
        %dma_wait3A_118 = arith.constant 0 : i32
        %dma_wait3A_119 = arith.constant 0 : i32
        %dma_wait3A_120 = arith.constant 0 : i32
        %dma_wait3A_121 = tpu.memref_slice %arg17[%dma_wait3A, %dma_wait3A_116, %dma_wait3A_119, %dma_wait3A_120] : memref<2x4x128x64xf32, #tpu.memory_space<vmem>> -> memref<1x1x128x64xf32, #tpu.memory_space<vmem>>
        %dma_wait3A_122 = tpu.memref_squeeze %dma_wait3A_121 : memref<1x1x128x64xf32, #tpu.memory_space<vmem>> -> memref<128x64xf32, #tpu.memory_space<vmem>>
        %dma_wait3A_123 = arith.constant 0 : i32
        %dma_wait3A_124 = tpu.memref_slice %arg16[%dma_wait3A_117, %dma_wait3A_118, %dma_wait3A_123] : memref<2x4x128xi32, #tpu.memory_space<vmem>> -> memref<1x1x128xi32, #tpu.memory_space<vmem>>
        %dma_wait3A_125 = tpu.memref_squeeze %dma_wait3A_124 : memref<1x1x128xi32, #tpu.memory_space<vmem>> -> memref<128xi32, #tpu.memory_space<vmem>>
        %dma_wait3A_126 = arith.constant 0 : i32
        %dma_wait3A_127 = arith.constant 0 : i32
        %dma_wait3A_128 = tpu.memref_slice %arg13[%dma_wait3A_126, %dma_wait3A_127] : memref<10008x64xf32, #tpu.memory_space<vmem_shared>> -> memref<10008x64xf32, #tpu.memory_space<vmem_shared>>
        tpu.wait_indirect_dma semaphore(%arg21 : memref<!tpu.dma_semaphore, #tpu.memory_space<semaphore_mem>>) src(%dma_wait3A_122 : memref<128x64xf32, #tpu.memory_space<vmem>>) dst(%dma_wait3A_128 : memref<10008x64xf32, #tpu.memory_space<vmem_shared>>)
        %eq3A_129 = arith.constant 0 : i32
        %eq3A_130 = arith.cmpi eq, %arg0, %eq3A_129 : i32
        %convert_element_type3A_131 = arith.extui %eq3A_130 : i1 to i32
        %cond3A_132 = arith.constant 0 : i32
        %cond3A_133 = arith.cmpi ne, %convert_element_type3A_131, %cond3A_132 : i32
        scf.if %cond3A_133 {
          %dma_wait3A_191 = arith.constant 0 : i32
          %dma_wait3A_192 = arith.constant 0 : i32
          %dma_wait3A_193 = arith.constant 0 : i32
          %dma_wait3A_194 = tpu.memref_slice %arg16[%dma_wait3A_191, %dma_wait3A_192, %dma_wait3A_193] : memref<2x4x128xi32, #tpu.memory_space<vmem>> -> memref<1x1x128xi32, #tpu.memory_space<vmem>>
          %dma_wait3A_195 = tpu.memref_squeeze %dma_wait3A_194 : memref<1x1x128xi32, #tpu.memory_space<vmem>> -> memref<128xi32, #tpu.memory_space<vmem>>
          %dma_wait3A_196 = arith.constant 0 : i32
          %dma_wait3A_197 = arith.constant 0 : i32
          %dma_wait3A_198 = tpu.memref_slice %arg14[%dma_wait3A_196, %dma_wait3A_197] : memref<10008x16xf32, #tpu.memory_space<vmem_shared>> -> memref<10008x16xf32, #tpu.memory_space<vmem_shared>>
          tpu.wait_indirect_dma semaphore(%arg23 : memref<!tpu.dma_semaphore, #tpu.memory_space<semaphore_mem>>) src(%arg18 : memref<128x16xf32, #tpu.memory_space<vmem>>) dst(%dma_wait3A_198 : memref<10008x16xf32, #tpu.memory_space<vmem_shared>>)
        } else {
        }
        %dma_wait3A_134 = arith.constant 0 : i32
        %dma_wait3A_135 = arith.constant 1 : i32
        %dma_wait3A_136 = arith.constant 0 : i32
        %dma_wait3A_137 = arith.constant 1 : i32
        %dma_wait3A_138 = arith.constant 0 : i32
        %dma_wait3A_139 = arith.constant 0 : i32
        %dma_wait3A_140 = tpu.memref_slice %arg17[%dma_wait3A_134, %dma_wait3A_135, %dma_wait3A_138, %dma_wait3A_139] : memref<2x4x128x64xf32, #tpu.memory_space<vmem>> -> memref<1x1x128x64xf32, #tpu.memory_space<vmem>>
        %dma_wait3A_141 = tpu.memref_squeeze %dma_wait3A_140 : memref<1x1x128x64xf32, #tpu.memory_space<vmem>> -> memref<128x64xf32, #tpu.memory_space<vmem>>
        %dma_wait3A_142 = arith.constant 0 : i32
        %dma_wait3A_143 = tpu.memref_slice %arg16[%dma_wait3A_136, %dma_wait3A_137, %dma_wait3A_142] : memref<2x4x128xi32, #tpu.memory_space<vmem>> -> memref<1x1x128xi32, #tpu.memory_space<vmem>>
        %dma_wait3A_144 = tpu.memref_squeeze %dma_wait3A_143 : memref<1x1x128xi32, #tpu.memory_space<vmem>> -> memref<128xi32, #tpu.memory_space<vmem>>
        %dma_wait3A_145 = arith.constant 0 : i32
        %dma_wait3A_146 = arith.constant 0 : i32
        %dma_wait3A_147 = tpu.memref_slice %arg13[%dma_wait3A_145, %dma_wait3A_146] : memref<10008x64xf32, #tpu.memory_space<vmem_shared>> -> memref<10008x64xf32, #tpu.memory_space<vmem_shared>>
        tpu.wait_indirect_dma semaphore(%arg21 : memref<!tpu.dma_semaphore, #tpu.memory_space<semaphore_mem>>) src(%dma_wait3A_141 : memref<128x64xf32, #tpu.memory_space<vmem>>) dst(%dma_wait3A_147 : memref<10008x64xf32, #tpu.memory_space<vmem_shared>>)
        %eq3A_148 = arith.constant 1 : i32
        %eq3A_149 = arith.cmpi eq, %arg0, %eq3A_148 : i32
        %convert_element_type3A_150 = arith.extui %eq3A_149 : i1 to i32
        %cond3A_151 = arith.constant 0 : i32
        %cond3A_152 = arith.cmpi ne, %convert_element_type3A_150, %cond3A_151 : i32
        scf.if %cond3A_152 {
          %dma_wait3A_191 = arith.constant 0 : i32
          %dma_wait3A_192 = arith.constant 1 : i32
          %dma_wait3A_193 = arith.constant 0 : i32
          %dma_wait3A_194 = tpu.memref_slice %arg16[%dma_wait3A_191, %dma_wait3A_192, %dma_wait3A_193] : memref<2x4x128xi32, #tpu.memory_space<vmem>> -> memref<1x1x128xi32, #tpu.memory_space<vmem>>
          %dma_wait3A_195 = tpu.memref_squeeze %dma_wait3A_194 : memref<1x1x128xi32, #tpu.memory_space<vmem>> -> memref<128xi32, #tpu.memory_space<vmem>>
          %dma_wait3A_196 = arith.constant 0 : i32
          %dma_wait3A_197 = arith.constant 0 : i32
          %dma_wait3A_198 = tpu.memref_slice %arg14[%dma_wait3A_196, %dma_wait3A_197] : memref<10008x16xf32, #tpu.memory_space<vmem_shared>> -> memref<10008x16xf32, #tpu.memory_space<vmem_shared>>
          tpu.wait_indirect_dma semaphore(%arg23 : memref<!tpu.dma_semaphore, #tpu.memory_space<semaphore_mem>>) src(%arg18 : memref<128x16xf32, #tpu.memory_space<vmem>>) dst(%dma_wait3A_198 : memref<10008x16xf32, #tpu.memory_space<vmem_shared>>)
        } else {
        }
        %dma_wait3A_153 = arith.constant 0 : i32
        %dma_wait3A_154 = arith.constant 2 : i32
        %dma_wait3A_155 = arith.constant 0 : i32
        %dma_wait3A_156 = arith.constant 2 : i32
        %dma_wait3A_157 = arith.constant 0 : i32
        %dma_wait3A_158 = arith.constant 0 : i32
        %dma_wait3A_159 = tpu.memref_slice %arg17[%dma_wait3A_153, %dma_wait3A_154, %dma_wait3A_157, %dma_wait3A_158] : memref<2x4x128x64xf32, #tpu.memory_space<vmem>> -> memref<1x1x128x64xf32, #tpu.memory_space<vmem>>
        %dma_wait3A_160 = tpu.memref_squeeze %dma_wait3A_159 : memref<1x1x128x64xf32, #tpu.memory_space<vmem>> -> memref<128x64xf32, #tpu.memory_space<vmem>>
        %dma_wait3A_161 = arith.constant 0 : i32
        %dma_wait3A_162 = tpu.memref_slice %arg16[%dma_wait3A_155, %dma_wait3A_156, %dma_wait3A_161] : memref<2x4x128xi32, #tpu.memory_space<vmem>> -> memref<1x1x128xi32, #tpu.memory_space<vmem>>
        %dma_wait3A_163 = tpu.memref_squeeze %dma_wait3A_162 : memref<1x1x128xi32, #tpu.memory_space<vmem>> -> memref<128xi32, #tpu.memory_space<vmem>>
        %dma_wait3A_164 = arith.constant 0 : i32
        %dma_wait3A_165 = arith.constant 0 : i32
        %dma_wait3A_166 = tpu.memref_slice %arg13[%dma_wait3A_164, %dma_wait3A_165] : memref<10008x64xf32, #tpu.memory_space<vmem_shared>> -> memref<10008x64xf32, #tpu.memory_space<vmem_shared>>
        tpu.wait_indirect_dma semaphore(%arg21 : memref<!tpu.dma_semaphore, #tpu.memory_space<semaphore_mem>>) src(%dma_wait3A_160 : memref<128x64xf32, #tpu.memory_space<vmem>>) dst(%dma_wait3A_166 : memref<10008x64xf32, #tpu.memory_space<vmem_shared>>)
        %eq3A_167 = arith.constant 0 : i32
        %eq3A_168 = arith.cmpi eq, %arg0, %eq3A_167 : i32
        %convert_element_type3A_169 = arith.extui %eq3A_168 : i1 to i32
        %cond3A_170 = arith.constant 0 : i32
        %cond3A_171 = arith.cmpi ne, %convert_element_type3A_169, %cond3A_170 : i32
        scf.if %cond3A_171 {
          %dma_wait3A_191 = arith.constant 0 : i32
          %dma_wait3A_192 = arith.constant 2 : i32
          %dma_wait3A_193 = arith.constant 0 : i32
          %dma_wait3A_194 = tpu.memref_slice %arg16[%dma_wait3A_191, %dma_wait3A_192, %dma_wait3A_193] : memref<2x4x128xi32, #tpu.memory_space<vmem>> -> memref<1x1x128xi32, #tpu.memory_space<vmem>>
          %dma_wait3A_195 = tpu.memref_squeeze %dma_wait3A_194 : memref<1x1x128xi32, #tpu.memory_space<vmem>> -> memref<128xi32, #tpu.memory_space<vmem>>
          %dma_wait3A_196 = arith.constant 0 : i32
          %dma_wait3A_197 = arith.constant 0 : i32
          %dma_wait3A_198 = tpu.memref_slice %arg14[%dma_wait3A_196, %dma_wait3A_197] : memref<10008x16xf32, #tpu.memory_space<vmem_shared>> -> memref<10008x16xf32, #tpu.memory_space<vmem_shared>>
          tpu.wait_indirect_dma semaphore(%arg23 : memref<!tpu.dma_semaphore, #tpu.memory_space<semaphore_mem>>) src(%arg18 : memref<128x16xf32, #tpu.memory_space<vmem>>) dst(%dma_wait3A_198 : memref<10008x16xf32, #tpu.memory_space<vmem_shared>>)
        } else {
        }
        %dma_wait3A_172 = arith.constant 0 : i32
        %dma_wait3A_173 = arith.constant 3 : i32
        %dma_wait3A_174 = arith.constant 0 : i32
        %dma_wait3A_175 = arith.constant 3 : i32
        %dma_wait3A_176 = arith.constant 0 : i32
        %dma_wait3A_177 = arith.constant 0 : i32
        %dma_wait3A_178 = tpu.memref_slice %arg17[%dma_wait3A_172, %dma_wait3A_173, %dma_wait3A_176, %dma_wait3A_177] : memref<2x4x128x64xf32, #tpu.memory_space<vmem>> -> memref<1x1x128x64xf32, #tpu.memory_space<vmem>>
        %dma_wait3A_179 = tpu.memref_squeeze %dma_wait3A_178 : memref<1x1x128x64xf32, #tpu.memory_space<vmem>> -> memref<128x64xf32, #tpu.memory_space<vmem>>
        %dma_wait3A_180 = arith.constant 0 : i32
        %dma_wait3A_181 = tpu.memref_slice %arg16[%dma_wait3A_174, %dma_wait3A_175, %dma_wait3A_180] : memref<2x4x128xi32, #tpu.memory_space<vmem>> -> memref<1x1x128xi32, #tpu.memory_space<vmem>>
        %dma_wait3A_182 = tpu.memref_squeeze %dma_wait3A_181 : memref<1x1x128xi32, #tpu.memory_space<vmem>> -> memref<128xi32, #tpu.memory_space<vmem>>
        %dma_wait3A_183 = arith.constant 0 : i32
        %dma_wait3A_184 = arith.constant 0 : i32
        %dma_wait3A_185 = tpu.memref_slice %arg13[%dma_wait3A_183, %dma_wait3A_184] : memref<10008x64xf32, #tpu.memory_space<vmem_shared>> -> memref<10008x64xf32, #tpu.memory_space<vmem_shared>>
        tpu.wait_indirect_dma semaphore(%arg21 : memref<!tpu.dma_semaphore, #tpu.memory_space<semaphore_mem>>) src(%dma_wait3A_179 : memref<128x64xf32, #tpu.memory_space<vmem>>) dst(%dma_wait3A_185 : memref<10008x64xf32, #tpu.memory_space<vmem_shared>>)
        %eq3A_186 = arith.constant 1 : i32
        %eq3A_187 = arith.cmpi eq, %arg0, %eq3A_186 : i32
        %convert_element_type3A_188 = arith.extui %eq3A_187 : i1 to i32
        %cond3A_189 = arith.constant 0 : i32
        %cond3A_190 = arith.cmpi ne, %convert_element_type3A_188, %cond3A_189 : i32
        scf.if %cond3A_190 {
          %dma_wait3A_191 = arith.constant 0 : i32
          %dma_wait3A_192 = arith.constant 3 : i32
          %dma_wait3A_193 = arith.constant 0 : i32
          %dma_wait3A_194 = tpu.memref_slice %arg16[%dma_wait3A_191, %dma_wait3A_192, %dma_wait3A_193] : memref<2x4x128xi32, #tpu.memory_space<vmem>> -> memref<1x1x128xi32, #tpu.memory_space<vmem>>
          %dma_wait3A_195 = tpu.memref_squeeze %dma_wait3A_194 : memref<1x1x128xi32, #tpu.memory_space<vmem>> -> memref<128xi32, #tpu.memory_space<vmem>>
          %dma_wait3A_196 = arith.constant 0 : i32
          %dma_wait3A_197 = arith.constant 0 : i32
          %dma_wait3A_198 = tpu.memref_slice %arg14[%dma_wait3A_196, %dma_wait3A_197] : memref<10008x16xf32, #tpu.memory_space<vmem_shared>> -> memref<10008x16xf32, #tpu.memory_space<vmem_shared>>
          tpu.wait_indirect_dma semaphore(%arg23 : memref<!tpu.dma_semaphore, #tpu.memory_space<semaphore_mem>>) src(%arg18 : memref<128x16xf32, #tpu.memory_space<vmem>>) dst(%dma_wait3A_198 : memref<10008x16xf32, #tpu.memory_space<vmem_shared>>)
        } else {
        }
      } else {
      }
      %lt3A_76 = arith.constant 38 : i32
      %lt3A_77 = arith.cmpi slt, %add3A_31, %lt3A_76 : i32
      %convert_element_type3A_78 = arith.extui %lt3A_77 : i1 to i32
      %cond3A_79 = arith.constant 0 : i32
      %cond3A_80 = arith.cmpi ne, %convert_element_type3A_78, %cond3A_79 : i32
      scf.if %cond3A_80 {
        %add3A_116 = arith.constant 2 : i32
        %add3A_117 = arith.addi %add3A_31, %add3A_116 : i32
        %mul3A_118 = arith.constant 4 : i32
        %mul3A_119 = arith.muli %add3A_117, %mul3A_118 : i32
        %add3A_120 = arith.addi %mul3A_2, %mul3A_119 : i32
        %lt3A_121 = arith.constant 2500 : i32
        %lt3A_122 = arith.cmpi slt, %add3A_120, %lt3A_121 : i32
        %convert_element_type3A_123 = arith.extui %lt3A_122 : i1 to i32
        %cond3A_124 = arith.constant 0 : i32
        %cond3A_125 = arith.cmpi ne, %convert_element_type3A_123, %cond3A_124 : i32
        scf.if %cond3A_125 {
          %run_scoped3A = arith.constant 0 : i32
          "tpu.region"() ({
            %run_scoped3A_127 = tpu.sem_alloc : memref<!tpu.dma_semaphore, #tpu.memory_space<semaphore_mem>>
            %dma_start3A = arith.constant 0 : i32
            %dma_start3A_128 = arith.constant 0 : i32
            %dma_start3A_129 = tpu.memref_slice %arg15[%run_scoped3A, %dma_start3A, %dma_start3A_128] : memref<2x4x128xi32, #tpu.memory_space<vmem>> -> memref<1x4x128xi32, #tpu.memory_space<vmem>>
            %dma_start3A_130 = tpu.memref_squeeze %dma_start3A_129 : memref<1x4x128xi32, #tpu.memory_space<vmem>> -> memref<4x128xi32, #tpu.memory_space<vmem>>
            %dma_start3A_131 = arith.constant 0 : i32
            %dma_start3A_132 = tpu.memref_slice %arg4[%add3A_120, %dma_start3A_131] : memref<2500x128xi32, #tpu.memory_space<hbm>> -> memref<4x128xi32, #tpu.memory_space<hbm>>
            %dma_start3A_133 = arith.constant 0 : i32
            %dma_start3A_134 = arith.constant 0 : i32
            %dma_start3A_135 = tpu.memref_slice %arg15[%run_scoped3A, %dma_start3A_133, %dma_start3A_134] : memref<2x4x128xi32, #tpu.memory_space<vmem>> -> memref<1x4x128xi32, #tpu.memory_space<vmem>>
            %dma_start3A_136 = tpu.memref_squeeze %dma_start3A_135 : memref<1x4x128xi32, #tpu.memory_space<vmem>> -> memref<4x128xi32, #tpu.memory_space<vmem>>
            %dma_start3A_137 = arith.constant 0 : i32
            %dma_start3A_138 = tpu.memref_slice %arg4[%add3A_120, %dma_start3A_137] : memref<2500x128xi32, #tpu.memory_space<hbm>> -> memref<4x128xi32, #tpu.memory_space<hbm>>
            tpu.enqueue_dma source(%dma_start3A_138 : memref<4x128xi32, #tpu.memory_space<hbm>>) target(%dma_start3A_136 : memref<4x128xi32, #tpu.memory_space<vmem>>) target_semaphore(%run_scoped3A_127 : memref<!tpu.dma_semaphore, #tpu.memory_space<semaphore_mem>>)
            %dma_wait3A = arith.constant 0 : i32
            %dma_wait3A_139 = arith.constant 0 : i32
            %dma_wait3A_140 = tpu.memref_slice %arg15[%run_scoped3A, %dma_wait3A, %dma_wait3A_139] : memref<2x4x128xi32, #tpu.memory_space<vmem>> -> memref<1x4x128xi32, #tpu.memory_space<vmem>>
            %dma_wait3A_141 = tpu.memref_squeeze %dma_wait3A_140 : memref<1x4x128xi32, #tpu.memory_space<vmem>> -> memref<4x128xi32, #tpu.memory_space<vmem>>
            %dma_wait3A_142 = arith.constant 0 : i32
            %dma_wait3A_143 = tpu.memref_slice %arg4[%add3A_120, %dma_wait3A_142] : memref<2500x128xi32, #tpu.memory_space<hbm>> -> memref<4x128xi32, #tpu.memory_space<hbm>>
            %dma_wait3A_144 = arith.constant 0 : i32
            %dma_wait3A_145 = arith.constant 0 : i32
            %dma_wait3A_146 = tpu.memref_slice %arg15[%run_scoped3A, %dma_wait3A_144, %dma_wait3A_145] : memref<2x4x128xi32, #tpu.memory_space<vmem>> -> memref<1x4x128xi32, #tpu.memory_space<vmem>>
            %dma_wait3A_147 = tpu.memref_squeeze %dma_wait3A_146 : memref<1x4x128xi32, #tpu.memory_space<vmem>> -> memref<4x128xi32, #tpu.memory_space<vmem>>
            %dma_wait3A_148 = arith.constant 0 : i32
            %dma_wait3A_149 = tpu.memref_slice %arg4[%add3A_120, %dma_wait3A_148] : memref<2500x128xi32, #tpu.memory_space<hbm>> -> memref<4x128xi32, #tpu.memory_space<hbm>>
            tpu.wait_dma2 semaphore(%run_scoped3A_127 : memref<!tpu.dma_semaphore, #tpu.memory_space<semaphore_mem>>) src(%dma_wait3A_149 : memref<4x128xi32, #tpu.memory_space<hbm>>) dst(%dma_wait3A_147 : memref<4x128xi32, #tpu.memory_space<vmem>>)
            tpu.yield
          }) : () -> ()
          %run_scoped3A_126 = arith.constant 0 : i32
          "tpu.region"() ({
            %run_scoped3A_127 = tpu.sem_alloc : memref<!tpu.dma_semaphore, #tpu.memory_space<semaphore_mem>>
            %dma_start3A = arith.constant 0 : i32
            %dma_start3A_128 = arith.constant 0 : i32
            %dma_start3A_129 = tpu.memref_slice %arg16[%run_scoped3A_126, %dma_start3A, %dma_start3A_128] : memref<2x4x128xi32, #tpu.memory_space<vmem>> -> memref<1x4x128xi32, #tpu.memory_space<vmem>>
            %dma_start3A_130 = tpu.memref_squeeze %dma_start3A_129 : memref<1x4x128xi32, #tpu.memory_space<vmem>> -> memref<4x128xi32, #tpu.memory_space<vmem>>
            %dma_start3A_131 = arith.constant 0 : i32
            %dma_start3A_132 = tpu.memref_slice %arg5[%add3A_120, %dma_start3A_131] : memref<2500x128xi32, #tpu.memory_space<hbm>> -> memref<4x128xi32, #tpu.memory_space<hbm>>
            %dma_start3A_133 = arith.constant 0 : i32
            %dma_start3A_134 = arith.constant 0 : i32
            %dma_start3A_135 = tpu.memref_slice %arg16[%run_scoped3A_126, %dma_start3A_133, %dma_start3A_134] : memref<2x4x128xi32, #tpu.memory_space<vmem>> -> memref<1x4x128xi32, #tpu.memory_space<vmem>>
            %dma_start3A_136 = tpu.memref_squeeze %dma_start3A_135 : memref<1x4x128xi32, #tpu.memory_space<vmem>> -> memref<4x128xi32, #tpu.memory_space<vmem>>
            %dma_start3A_137 = arith.constant 0 : i32
            %dma_start3A_138 = tpu.memref_slice %arg5[%add3A_120, %dma_start3A_137] : memref<2500x128xi32, #tpu.memory_space<hbm>> -> memref<4x128xi32, #tpu.memory_space<hbm>>
            tpu.enqueue_dma source(%dma_start3A_138 : memref<4x128xi32, #tpu.memory_space<hbm>>) target(%dma_start3A_136 : memref<4x128xi32, #tpu.memory_space<vmem>>) target_semaphore(%run_scoped3A_127 : memref<!tpu.dma_semaphore, #tpu.memory_space<semaphore_mem>>)
            %dma_wait3A = arith.constant 0 : i32
            %dma_wait3A_139 = arith.constant 0 : i32
            %dma_wait3A_140 = tpu.memref_slice %arg16[%run_scoped3A_126, %dma_wait3A, %dma_wait3A_139] : memref<2x4x128xi32, #tpu.memory_space<vmem>> -> memref<1x4x128xi32, #tpu.memory_space<vmem>>
            %dma_wait3A_141 = tpu.memref_squeeze %dma_wait3A_140 : memref<1x4x128xi32, #tpu.memory_space<vmem>> -> memref<4x128xi32, #tpu.memory_space<vmem>>
            %dma_wait3A_142 = arith.constant 0 : i32
            %dma_wait3A_143 = tpu.memref_slice %arg5[%add3A_120, %dma_wait3A_142] : memref<2500x128xi32, #tpu.memory_space<hbm>> -> memref<4x128xi32, #tpu.memory_space<hbm>>
            %dma_wait3A_144 = arith.constant 0 : i32
            %dma_wait3A_145 = arith.constant 0 : i32
            %dma_wait3A_146 = tpu.memref_slice %arg16[%run_scoped3A_126, %dma_wait3A_144, %dma_wait3A_145] : memref<2x4x128xi32, #tpu.memory_space<vmem>> -> memref<1x4x128xi32, #tpu.memory_space<vmem>>
            %dma_wait3A_147 = tpu.memref_squeeze %dma_wait3A_146 : memref<1x4x128xi32, #tpu.memory_space<vmem>> -> memref<4x128xi32, #tpu.memory_space<vmem>>
            %dma_wait3A_148 = arith.constant 0 : i32
            %dma_wait3A_149 = tpu.memref_slice %arg5[%add3A_120, %dma_wait3A_148] : memref<2500x128xi32, #tpu.memory_space<hbm>> -> memref<4x128xi32, #tpu.memory_space<hbm>>
            tpu.wait_dma2 semaphore(%run_scoped3A_127 : memref<!tpu.dma_semaphore, #tpu.memory_space<semaphore_mem>>) src(%dma_wait3A_149 : memref<4x128xi32, #tpu.memory_space<hbm>>) dst(%dma_wait3A_147 : memref<4x128xi32, #tpu.memory_space<vmem>>)
            tpu.yield
          }) : () -> ()
        } else {
        }
      } else {
      }
      %add3A_81 = arith.constant 1 : i32
      %add3A_82 = arith.addi %add3A_31, %add3A_81 : i32
      %mul3A_83 = arith.constant 4 : i32
      %mul3A_84 = arith.muli %add3A_82, %mul3A_83 : i32
      %add3A_85 = arith.addi %mul3A_2, %mul3A_84 : i32
      %lt3A_86 = arith.constant 2500 : i32
      %lt3A_87 = arith.cmpi slt, %add3A_85, %lt3A_86 : i32
      %convert_element_type3A_88 = arith.extui %lt3A_87 : i1 to i32
      %cond3A_89 = arith.constant 0 : i32
      %cond3A_90 = arith.cmpi ne, %convert_element_type3A_88, %cond3A_89 : i32
      scf.if %cond3A_90 {
        %dma_wait3A = arith.constant 1 : i32
        %dma_wait3A_116 = arith.constant 0 : i32
        %dma_wait3A_117 = arith.constant 1 : i32
        %dma_wait3A_118 = arith.constant 0 : i32
        %dma_wait3A_119 = arith.constant 0 : i32
        %dma_wait3A_120 = arith.constant 0 : i32
        %dma_wait3A_121 = tpu.memref_slice %arg17[%dma_wait3A_117, %dma_wait3A_118, %dma_wait3A_119, %dma_wait3A_120] : memref<2x4x128x64xf32, #tpu.memory_space<vmem>> -> memref<1x1x128x64xf32, #tpu.memory_space<vmem>>
        %dma_wait3A_122 = tpu.memref_squeeze %dma_wait3A_121 : memref<1x1x128x64xf32, #tpu.memory_space<vmem>> -> memref<128x64xf32, #tpu.memory_space<vmem>>
        %dma_wait3A_123 = arith.constant 0 : i32
        %dma_wait3A_124 = tpu.memref_slice %arg15[%dma_wait3A, %dma_wait3A_116, %dma_wait3A_123] : memref<2x4x128xi32, #tpu.memory_space<vmem>> -> memref<1x1x128xi32, #tpu.memory_space<vmem>>
        %dma_wait3A_125 = tpu.memref_squeeze %dma_wait3A_124 : memref<1x1x128xi32, #tpu.memory_space<vmem>> -> memref<128xi32, #tpu.memory_space<vmem>>
        %dma_wait3A_126 = arith.constant 0 : i32
        %dma_wait3A_127 = arith.constant 0 : i32
        %dma_wait3A_128 = tpu.memref_slice %arg2[%dma_wait3A_126, %dma_wait3A_127] : memref<10000x64xf32, #tpu.memory_space<hbm>> -> memref<10000x64xf32, #tpu.memory_space<hbm>>
        tpu.wait_indirect_dma semaphore(%arg20 : memref<!tpu.dma_semaphore, #tpu.memory_space<semaphore_mem>>) src(%dma_wait3A_128 : memref<10000x64xf32, #tpu.memory_space<hbm>>) dst(%dma_wait3A_122 : memref<128x64xf32, #tpu.memory_space<vmem>>)
        %dma_wait3A_129 = arith.constant 1 : i32
        %dma_wait3A_130 = arith.constant 1 : i32
        %dma_wait3A_131 = arith.constant 1 : i32
        %dma_wait3A_132 = arith.constant 1 : i32
        %dma_wait3A_133 = arith.constant 0 : i32
        %dma_wait3A_134 = arith.constant 0 : i32
        %dma_wait3A_135 = tpu.memref_slice %arg17[%dma_wait3A_131, %dma_wait3A_132, %dma_wait3A_133, %dma_wait3A_134] : memref<2x4x128x64xf32, #tpu.memory_space<vmem>> -> memref<1x1x128x64xf32, #tpu.memory_space<vmem>>
        %dma_wait3A_136 = tpu.memref_squeeze %dma_wait3A_135 : memref<1x1x128x64xf32, #tpu.memory_space<vmem>> -> memref<128x64xf32, #tpu.memory_space<vmem>>
        %dma_wait3A_137 = arith.constant 0 : i32
        %dma_wait3A_138 = tpu.memref_slice %arg15[%dma_wait3A_129, %dma_wait3A_130, %dma_wait3A_137] : memref<2x4x128xi32, #tpu.memory_space<vmem>> -> memref<1x1x128xi32, #tpu.memory_space<vmem>>
        %dma_wait3A_139 = tpu.memref_squeeze %dma_wait3A_138 : memref<1x1x128xi32, #tpu.memory_space<vmem>> -> memref<128xi32, #tpu.memory_space<vmem>>
        %dma_wait3A_140 = arith.constant 0 : i32
        %dma_wait3A_141 = arith.constant 0 : i32
        %dma_wait3A_142 = tpu.memref_slice %arg2[%dma_wait3A_140, %dma_wait3A_141] : memref<10000x64xf32, #tpu.memory_space<hbm>> -> memref<10000x64xf32, #tpu.memory_space<hbm>>
        tpu.wait_indirect_dma semaphore(%arg20 : memref<!tpu.dma_semaphore, #tpu.memory_space<semaphore_mem>>) src(%dma_wait3A_142 : memref<10000x64xf32, #tpu.memory_space<hbm>>) dst(%dma_wait3A_136 : memref<128x64xf32, #tpu.memory_space<vmem>>)
        %dma_wait3A_143 = arith.constant 1 : i32
        %dma_wait3A_144 = arith.constant 2 : i32
        %dma_wait3A_145 = arith.constant 1 : i32
        %dma_wait3A_146 = arith.constant 2 : i32
        %dma_wait3A_147 = arith.constant 0 : i32
        %dma_wait3A_148 = arith.constant 0 : i32
        %dma_wait3A_149 = tpu.memref_slice %arg17[%dma_wait3A_145, %dma_wait3A_146, %dma_wait3A_147, %dma_wait3A_148] : memref<2x4x128x64xf32, #tpu.memory_space<vmem>> -> memref<1x1x128x64xf32, #tpu.memory_space<vmem>>
        %dma_wait3A_150 = tpu.memref_squeeze %dma_wait3A_149 : memref<1x1x128x64xf32, #tpu.memory_space<vmem>> -> memref<128x64xf32, #tpu.memory_space<vmem>>
        %dma_wait3A_151 = arith.constant 0 : i32
        %dma_wait3A_152 = tpu.memref_slice %arg15[%dma_wait3A_143, %dma_wait3A_144, %dma_wait3A_151] : memref<2x4x128xi32, #tpu.memory_space<vmem>> -> memref<1x1x128xi32, #tpu.memory_space<vmem>>
        %dma_wait3A_153 = tpu.memref_squeeze %dma_wait3A_152 : memref<1x1x128xi32, #tpu.memory_space<vmem>> -> memref<128xi32, #tpu.memory_space<vmem>>
        %dma_wait3A_154 = arith.constant 0 : i32
        %dma_wait3A_155 = arith.constant 0 : i32
        %dma_wait3A_156 = tpu.memref_slice %arg2[%dma_wait3A_154, %dma_wait3A_155] : memref<10000x64xf32, #tpu.memory_space<hbm>> -> memref<10000x64xf32, #tpu.memory_space<hbm>>
        tpu.wait_indirect_dma semaphore(%arg20 : memref<!tpu.dma_semaphore, #tpu.memory_space<semaphore_mem>>) src(%dma_wait3A_156 : memref<10000x64xf32, #tpu.memory_space<hbm>>) dst(%dma_wait3A_150 : memref<128x64xf32, #tpu.memory_space<vmem>>)
        %dma_wait3A_157 = arith.constant 1 : i32
        %dma_wait3A_158 = arith.constant 3 : i32
        %dma_wait3A_159 = arith.constant 1 : i32
        %dma_wait3A_160 = arith.constant 3 : i32
        %dma_wait3A_161 = arith.constant 0 : i32
        %dma_wait3A_162 = arith.constant 0 : i32
        %dma_wait3A_163 = tpu.memref_slice %arg17[%dma_wait3A_159, %dma_wait3A_160, %dma_wait3A_161, %dma_wait3A_162] : memref<2x4x128x64xf32, #tpu.memory_space<vmem>> -> memref<1x1x128x64xf32, #tpu.memory_space<vmem>>
        %dma_wait3A_164 = tpu.memref_squeeze %dma_wait3A_163 : memref<1x1x128x64xf32, #tpu.memory_space<vmem>> -> memref<128x64xf32, #tpu.memory_space<vmem>>
        %dma_wait3A_165 = arith.constant 0 : i32
        %dma_wait3A_166 = tpu.memref_slice %arg15[%dma_wait3A_157, %dma_wait3A_158, %dma_wait3A_165] : memref<2x4x128xi32, #tpu.memory_space<vmem>> -> memref<1x1x128xi32, #tpu.memory_space<vmem>>
        %dma_wait3A_167 = tpu.memref_squeeze %dma_wait3A_166 : memref<1x1x128xi32, #tpu.memory_space<vmem>> -> memref<128xi32, #tpu.memory_space<vmem>>
        %dma_wait3A_168 = arith.constant 0 : i32
        %dma_wait3A_169 = arith.constant 0 : i32
        %dma_wait3A_170 = tpu.memref_slice %arg2[%dma_wait3A_168, %dma_wait3A_169] : memref<10000x64xf32, #tpu.memory_space<hbm>> -> memref<10000x64xf32, #tpu.memory_space<hbm>>
        tpu.wait_indirect_dma semaphore(%arg20 : memref<!tpu.dma_semaphore, #tpu.memory_space<semaphore_mem>>) src(%dma_wait3A_170 : memref<10000x64xf32, #tpu.memory_space<hbm>>) dst(%dma_wait3A_164 : memref<128x64xf32, #tpu.memory_space<vmem>>)
      } else {
      }
      %add3A_91 = arith.constant 1 : i32
      %add3A_92 = arith.addi %add3A_31, %add3A_91 : i32
      %mul3A_93 = arith.constant 4 : i32
      %mul3A_94 = arith.muli %add3A_92, %mul3A_93 : i32
      %add3A_95 = arith.addi %mul3A_2, %mul3A_94 : i32
      %lt3A_96 = arith.constant 2500 : i32
      %lt3A_97 = arith.cmpi slt, %add3A_95, %lt3A_96 : i32
      %convert_element_type3A_98 = arith.extui %lt3A_97 : i1 to i32
      %cond3A_99 = arith.constant 0 : i32
      %cond3A_100 = arith.cmpi ne, %convert_element_type3A_98, %cond3A_99 : i32
      scf.if %cond3A_100 {
        %dma_start3A = arith.constant 1 : i32
        %dma_start3A_116 = arith.constant 0 : i32
        %dma_start3A_117 = arith.constant 1 : i32
        %dma_start3A_118 = arith.constant 0 : i32
        %dma_start3A_119 = arith.constant 0 : i32
        %dma_start3A_120 = arith.constant 0 : i32
        %dma_start3A_121 = tpu.memref_slice %arg17[%dma_start3A, %dma_start3A_116, %dma_start3A_119, %dma_start3A_120] : memref<2x4x128x64xf32, #tpu.memory_space<vmem>> -> memref<1x1x128x64xf32, #tpu.memory_space<vmem>>
        %dma_start3A_122 = tpu.memref_squeeze %dma_start3A_121 : memref<1x1x128x64xf32, #tpu.memory_space<vmem>> -> memref<128x64xf32, #tpu.memory_space<vmem>>
        %dma_start3A_123 = arith.constant 0 : i32
        %dma_start3A_124 = tpu.memref_slice %arg16[%dma_start3A_117, %dma_start3A_118, %dma_start3A_123] : memref<2x4x128xi32, #tpu.memory_space<vmem>> -> memref<1x1x128xi32, #tpu.memory_space<vmem>>
        %dma_start3A_125 = tpu.memref_squeeze %dma_start3A_124 : memref<1x1x128xi32, #tpu.memory_space<vmem>> -> memref<128xi32, #tpu.memory_space<vmem>>
        %dma_start3A_126 = arith.constant 0 : i32
        %dma_start3A_127 = arith.constant 0 : i32
        %dma_start3A_128 = tpu.memref_slice %arg13[%dma_start3A_126, %dma_start3A_127] : memref<10008x64xf32, #tpu.memory_space<vmem_shared>> -> memref<10008x64xf32, #tpu.memory_space<vmem_shared>>
        tpu.enqueue_indirect_dma source(%dma_start3A_122 : memref<128x64xf32, #tpu.memory_space<vmem>>) target(%dma_start3A_128 : memref<10008x64xf32, #tpu.memory_space<vmem_shared>>) offsets(%dma_start3A_125 : memref<128xi32, #tpu.memory_space<vmem>>) semaphore(%arg22 : memref<!tpu.dma_semaphore, #tpu.memory_space<semaphore_mem>>) {add = true}
        %eq3A_129 = arith.constant 0 : i32
        %eq3A_130 = arith.cmpi eq, %arg0, %eq3A_129 : i32
        %convert_element_type3A_131 = arith.extui %eq3A_130 : i1 to i32
        %cond3A_132 = arith.constant 0 : i32
        %cond3A_133 = arith.cmpi ne, %convert_element_type3A_131, %cond3A_132 : i32
        scf.if %cond3A_133 {
          %dma_start3A_191 = arith.constant 1 : i32
          %dma_start3A_192 = arith.constant 0 : i32
          %dma_start3A_193 = arith.constant 0 : i32
          %dma_start3A_194 = tpu.memref_slice %arg16[%dma_start3A_191, %dma_start3A_192, %dma_start3A_193] : memref<2x4x128xi32, #tpu.memory_space<vmem>> -> memref<1x1x128xi32, #tpu.memory_space<vmem>>
          %dma_start3A_195 = tpu.memref_squeeze %dma_start3A_194 : memref<1x1x128xi32, #tpu.memory_space<vmem>> -> memref<128xi32, #tpu.memory_space<vmem>>
          %dma_start3A_196 = arith.constant 0 : i32
          %dma_start3A_197 = arith.constant 0 : i32
          %dma_start3A_198 = tpu.memref_slice %arg14[%dma_start3A_196, %dma_start3A_197] : memref<10008x16xf32, #tpu.memory_space<vmem_shared>> -> memref<10008x16xf32, #tpu.memory_space<vmem_shared>>
          tpu.enqueue_indirect_dma source(%arg18 : memref<128x16xf32, #tpu.memory_space<vmem>>) target(%dma_start3A_198 : memref<10008x16xf32, #tpu.memory_space<vmem_shared>>) offsets(%dma_start3A_195 : memref<128xi32, #tpu.memory_space<vmem>>) semaphore(%arg24 : memref<!tpu.dma_semaphore, #tpu.memory_space<semaphore_mem>>) {add = true}
        } else {
        }
        %dma_start3A_134 = arith.constant 1 : i32
        %dma_start3A_135 = arith.constant 1 : i32
        %dma_start3A_136 = arith.constant 1 : i32
        %dma_start3A_137 = arith.constant 1 : i32
        %dma_start3A_138 = arith.constant 0 : i32
        %dma_start3A_139 = arith.constant 0 : i32
        %dma_start3A_140 = tpu.memref_slice %arg17[%dma_start3A_134, %dma_start3A_135, %dma_start3A_138, %dma_start3A_139] : memref<2x4x128x64xf32, #tpu.memory_space<vmem>> -> memref<1x1x128x64xf32, #tpu.memory_space<vmem>>
        %dma_start3A_141 = tpu.memref_squeeze %dma_start3A_140 : memref<1x1x128x64xf32, #tpu.memory_space<vmem>> -> memref<128x64xf32, #tpu.memory_space<vmem>>
        %dma_start3A_142 = arith.constant 0 : i32
        %dma_start3A_143 = tpu.memref_slice %arg16[%dma_start3A_136, %dma_start3A_137, %dma_start3A_142] : memref<2x4x128xi32, #tpu.memory_space<vmem>> -> memref<1x1x128xi32, #tpu.memory_space<vmem>>
        %dma_start3A_144 = tpu.memref_squeeze %dma_start3A_143 : memref<1x1x128xi32, #tpu.memory_space<vmem>> -> memref<128xi32, #tpu.memory_space<vmem>>
        %dma_start3A_145 = arith.constant 0 : i32
        %dma_start3A_146 = arith.constant 0 : i32
        %dma_start3A_147 = tpu.memref_slice %arg13[%dma_start3A_145, %dma_start3A_146] : memref<10008x64xf32, #tpu.memory_space<vmem_shared>> -> memref<10008x64xf32, #tpu.memory_space<vmem_shared>>
        tpu.enqueue_indirect_dma source(%dma_start3A_141 : memref<128x64xf32, #tpu.memory_space<vmem>>) target(%dma_start3A_147 : memref<10008x64xf32, #tpu.memory_space<vmem_shared>>) offsets(%dma_start3A_144 : memref<128xi32, #tpu.memory_space<vmem>>) semaphore(%arg22 : memref<!tpu.dma_semaphore, #tpu.memory_space<semaphore_mem>>) {add = true}
        %eq3A_148 = arith.constant 1 : i32
        %eq3A_149 = arith.cmpi eq, %arg0, %eq3A_148 : i32
        %convert_element_type3A_150 = arith.extui %eq3A_149 : i1 to i32
        %cond3A_151 = arith.constant 0 : i32
        %cond3A_152 = arith.cmpi ne, %convert_element_type3A_150, %cond3A_151 : i32
        scf.if %cond3A_152 {
          %dma_start3A_191 = arith.constant 1 : i32
          %dma_start3A_192 = arith.constant 1 : i32
          %dma_start3A_193 = arith.constant 0 : i32
          %dma_start3A_194 = tpu.memref_slice %arg16[%dma_start3A_191, %dma_start3A_192, %dma_start3A_193] : memref<2x4x128xi32, #tpu.memory_space<vmem>> -> memref<1x1x128xi32, #tpu.memory_space<vmem>>
          %dma_start3A_195 = tpu.memref_squeeze %dma_start3A_194 : memref<1x1x128xi32, #tpu.memory_space<vmem>> -> memref<128xi32, #tpu.memory_space<vmem>>
          %dma_start3A_196 = arith.constant 0 : i32
          %dma_start3A_197 = arith.constant 0 : i32
          %dma_start3A_198 = tpu.memref_slice %arg14[%dma_start3A_196, %dma_start3A_197] : memref<10008x16xf32, #tpu.memory_space<vmem_shared>> -> memref<10008x16xf32, #tpu.memory_space<vmem_shared>>
          tpu.enqueue_indirect_dma source(%arg18 : memref<128x16xf32, #tpu.memory_space<vmem>>) target(%dma_start3A_198 : memref<10008x16xf32, #tpu.memory_space<vmem_shared>>) offsets(%dma_start3A_195 : memref<128xi32, #tpu.memory_space<vmem>>) semaphore(%arg24 : memref<!tpu.dma_semaphore, #tpu.memory_space<semaphore_mem>>) {add = true}
        } else {
        }
        %dma_start3A_153 = arith.constant 1 : i32
        %dma_start3A_154 = arith.constant 2 : i32
        %dma_start3A_155 = arith.constant 1 : i32
        %dma_start3A_156 = arith.constant 2 : i32
        %dma_start3A_157 = arith.constant 0 : i32
        %dma_start3A_158 = arith.constant 0 : i32
        %dma_start3A_159 = tpu.memref_slice %arg17[%dma_start3A_153, %dma_start3A_154, %dma_start3A_157, %dma_start3A_158] : memref<2x4x128x64xf32, #tpu.memory_space<vmem>> -> memref<1x1x128x64xf32, #tpu.memory_space<vmem>>
        %dma_start3A_160 = tpu.memref_squeeze %dma_start3A_159 : memref<1x1x128x64xf32, #tpu.memory_space<vmem>> -> memref<128x64xf32, #tpu.memory_space<vmem>>
        %dma_start3A_161 = arith.constant 0 : i32
        %dma_start3A_162 = tpu.memref_slice %arg16[%dma_start3A_155, %dma_start3A_156, %dma_start3A_161] : memref<2x4x128xi32, #tpu.memory_space<vmem>> -> memref<1x1x128xi32, #tpu.memory_space<vmem>>
        %dma_start3A_163 = tpu.memref_squeeze %dma_start3A_162 : memref<1x1x128xi32, #tpu.memory_space<vmem>> -> memref<128xi32, #tpu.memory_space<vmem>>
        %dma_start3A_164 = arith.constant 0 : i32
        %dma_start3A_165 = arith.constant 0 : i32
        %dma_start3A_166 = tpu.memref_slice %arg13[%dma_start3A_164, %dma_start3A_165] : memref<10008x64xf32, #tpu.memory_space<vmem_shared>> -> memref<10008x64xf32, #tpu.memory_space<vmem_shared>>
        tpu.enqueue_indirect_dma source(%dma_start3A_160 : memref<128x64xf32, #tpu.memory_space<vmem>>) target(%dma_start3A_166 : memref<10008x64xf32, #tpu.memory_space<vmem_shared>>) offsets(%dma_start3A_163 : memref<128xi32, #tpu.memory_space<vmem>>) semaphore(%arg22 : memref<!tpu.dma_semaphore, #tpu.memory_space<semaphore_mem>>) {add = true}
        %eq3A_167 = arith.constant 0 : i32
        %eq3A_168 = arith.cmpi eq, %arg0, %eq3A_167 : i32
        %convert_element_type3A_169 = arith.extui %eq3A_168 : i1 to i32
        %cond3A_170 = arith.constant 0 : i32
        %cond3A_171 = arith.cmpi ne, %convert_element_type3A_169, %cond3A_170 : i32
        scf.if %cond3A_171 {
          %dma_start3A_191 = arith.constant 1 : i32
          %dma_start3A_192 = arith.constant 2 : i32
          %dma_start3A_193 = arith.constant 0 : i32
          %dma_start3A_194 = tpu.memref_slice %arg16[%dma_start3A_191, %dma_start3A_192, %dma_start3A_193] : memref<2x4x128xi32, #tpu.memory_space<vmem>> -> memref<1x1x128xi32, #tpu.memory_space<vmem>>
          %dma_start3A_195 = tpu.memref_squeeze %dma_start3A_194 : memref<1x1x128xi32, #tpu.memory_space<vmem>> -> memref<128xi32, #tpu.memory_space<vmem>>
          %dma_start3A_196 = arith.constant 0 : i32
          %dma_start3A_197 = arith.constant 0 : i32
          %dma_start3A_198 = tpu.memref_slice %arg14[%dma_start3A_196, %dma_start3A_197] : memref<10008x16xf32, #tpu.memory_space<vmem_shared>> -> memref<10008x16xf32, #tpu.memory_space<vmem_shared>>
          tpu.enqueue_indirect_dma source(%arg18 : memref<128x16xf32, #tpu.memory_space<vmem>>) target(%dma_start3A_198 : memref<10008x16xf32, #tpu.memory_space<vmem_shared>>) offsets(%dma_start3A_195 : memref<128xi32, #tpu.memory_space<vmem>>) semaphore(%arg24 : memref<!tpu.dma_semaphore, #tpu.memory_space<semaphore_mem>>) {add = true}
        } else {
        }
        %dma_start3A_172 = arith.constant 1 : i32
        %dma_start3A_173 = arith.constant 3 : i32
        %dma_start3A_174 = arith.constant 1 : i32
        %dma_start3A_175 = arith.constant 3 : i32
        %dma_start3A_176 = arith.constant 0 : i32
        %dma_start3A_177 = arith.constant 0 : i32
        %dma_start3A_178 = tpu.memref_slice %arg17[%dma_start3A_172, %dma_start3A_173, %dma_start3A_176, %dma_start3A_177] : memref<2x4x128x64xf32, #tpu.memory_space<vmem>> -> memref<1x1x128x64xf32, #tpu.memory_space<vmem>>
        %dma_start3A_179 = tpu.memref_squeeze %dma_start3A_178 : memref<1x1x128x64xf32, #tpu.memory_space<vmem>> -> memref<128x64xf32, #tpu.memory_space<vmem>>
        %dma_start3A_180 = arith.constant 0 : i32
        %dma_start3A_181 = tpu.memref_slice %arg16[%dma_start3A_174, %dma_start3A_175, %dma_start3A_180] : memref<2x4x128xi32, #tpu.memory_space<vmem>> -> memref<1x1x128xi32, #tpu.memory_space<vmem>>
        %dma_start3A_182 = tpu.memref_squeeze %dma_start3A_181 : memref<1x1x128xi32, #tpu.memory_space<vmem>> -> memref<128xi32, #tpu.memory_space<vmem>>
        %dma_start3A_183 = arith.constant 0 : i32
        %dma_start3A_184 = arith.constant 0 : i32
        %dma_start3A_185 = tpu.memref_slice %arg13[%dma_start3A_183, %dma_start3A_184] : memref<10008x64xf32, #tpu.memory_space<vmem_shared>> -> memref<10008x64xf32, #tpu.memory_space<vmem_shared>>
        tpu.enqueue_indirect_dma source(%dma_start3A_179 : memref<128x64xf32, #tpu.memory_space<vmem>>) target(%dma_start3A_185 : memref<10008x64xf32, #tpu.memory_space<vmem_shared>>) offsets(%dma_start3A_182 : memref<128xi32, #tpu.memory_space<vmem>>) semaphore(%arg22 : memref<!tpu.dma_semaphore, #tpu.memory_space<semaphore_mem>>) {add = true}
        %eq3A_186 = arith.constant 1 : i32
        %eq3A_187 = arith.cmpi eq, %arg0, %eq3A_186 : i32
        %convert_element_type3A_188 = arith.extui %eq3A_187 : i1 to i32
        %cond3A_189 = arith.constant 0 : i32
        %cond3A_190 = arith.cmpi ne, %convert_element_type3A_188, %cond3A_189 : i32
        scf.if %cond3A_190 {
          %dma_start3A_191 = arith.constant 1 : i32
          %dma_start3A_192 = arith.constant 3 : i32
          %dma_start3A_193 = arith.constant 0 : i32
          %dma_start3A_194 = tpu.memref_slice %arg16[%dma_start3A_191, %dma_start3A_192, %dma_start3A_193] : memref<2x4x128xi32, #tpu.memory_space<vmem>> -> memref<1x1x128xi32, #tpu.memory_space<vmem>>
          %dma_start3A_195 = tpu.memref_squeeze %dma_start3A_194 : memref<1x1x128xi32, #tpu.memory_space<vmem>> -> memref<128xi32, #tpu.memory_space<vmem>>
          %dma_start3A_196 = arith.constant 0 : i32
          %dma_start3A_197 = arith.constant 0 : i32
          %dma_start3A_198 = tpu.memref_slice %arg14[%dma_start3A_196, %dma_start3A_197] : memref<10008x16xf32, #tpu.memory_space<vmem_shared>> -> memref<10008x16xf32, #tpu.memory_space<vmem_shared>>
          tpu.enqueue_indirect_dma source(%arg18 : memref<128x16xf32, #tpu.memory_space<vmem>>) target(%dma_start3A_198 : memref<10008x16xf32, #tpu.memory_space<vmem_shared>>) offsets(%dma_start3A_195 : memref<128xi32, #tpu.memory_space<vmem>>) semaphore(%arg24 : memref<!tpu.dma_semaphore, #tpu.memory_space<semaphore_mem>>) {add = true}
        } else {
        }
      } else {
      }
      %lt3A_101 = arith.constant 38 : i32
      %lt3A_102 = arith.cmpi slt, %add3A_31, %lt3A_101 : i32
      %convert_element_type3A_103 = arith.extui %lt3A_102 : i1 to i32
      %cond3A_104 = arith.constant 0 : i32
      %cond3A_105 = arith.cmpi ne, %convert_element_type3A_103, %cond3A_104 : i32
      scf.if %cond3A_105 {
        %add3A_116 = arith.constant 2 : i32
        %add3A_117 = arith.addi %add3A_31, %add3A_116 : i32
        %mul3A_118 = arith.constant 4 : i32
        %mul3A_119 = arith.muli %add3A_117, %mul3A_118 : i32
        %add3A_120 = arith.addi %mul3A_2, %mul3A_119 : i32
        %lt3A_121 = arith.constant 2500 : i32
        %lt3A_122 = arith.cmpi slt, %add3A_120, %lt3A_121 : i32
        %convert_element_type3A_123 = arith.extui %lt3A_122 : i1 to i32
        %cond3A_124 = arith.constant 0 : i32
        %cond3A_125 = arith.cmpi ne, %convert_element_type3A_123, %cond3A_124 : i32
        scf.if %cond3A_125 {
          %eq3A_126 = arith.constant 0 : i32
          %eq3A_127 = arith.cmpi eq, %arg0, %eq3A_126 : i32
          %convert_element_type3A_128 = arith.extui %eq3A_127 : i1 to i32
          %cond3A_129 = arith.constant 0 : i32
          %cond3A_130 = arith.cmpi ne, %convert_element_type3A_128, %cond3A_129 : i32
          scf.if %cond3A_130 {
            %dma_start3A = arith.constant 0 : i32
            %dma_start3A_166 = arith.constant 0 : i32
            %dma_start3A_167 = arith.constant 0 : i32
            %dma_start3A_168 = arith.constant 0 : i32
            %dma_start3A_169 = arith.constant 0 : i32
            %dma_start3A_170 = arith.constant 0 : i32
            %dma_start3A_171 = tpu.memref_slice %arg17[%dma_start3A_167, %dma_start3A_168, %dma_start3A_169, %dma_start3A_170] : memref<2x4x128x64xf32, #tpu.memory_space<vmem>> -> memref<1x1x128x64xf32, #tpu.memory_space<vmem>>
            %dma_start3A_172 = tpu.memref_squeeze %dma_start3A_171 : memref<1x1x128x64xf32, #tpu.memory_space<vmem>> -> memref<128x64xf32, #tpu.memory_space<vmem>>
            %dma_start3A_173 = arith.constant 0 : i32
            %dma_start3A_174 = tpu.memref_slice %arg15[%dma_start3A, %dma_start3A_166, %dma_start3A_173] : memref<2x4x128xi32, #tpu.memory_space<vmem>> -> memref<1x1x128xi32, #tpu.memory_space<vmem>>
            %dma_start3A_175 = tpu.memref_squeeze %dma_start3A_174 : memref<1x1x128xi32, #tpu.memory_space<vmem>> -> memref<128xi32, #tpu.memory_space<vmem>>
            %dma_start3A_176 = arith.constant 0 : i32
            %dma_start3A_177 = arith.constant 0 : i32
            %dma_start3A_178 = tpu.memref_slice %arg2[%dma_start3A_176, %dma_start3A_177] : memref<10000x64xf32, #tpu.memory_space<hbm>> -> memref<10000x64xf32, #tpu.memory_space<hbm>>
            tpu.enqueue_indirect_dma source(%dma_start3A_178 : memref<10000x64xf32, #tpu.memory_space<hbm>>) target(%dma_start3A_172 : memref<128x64xf32, #tpu.memory_space<vmem>>) offsets(%dma_start3A_175 : memref<128xi32, #tpu.memory_space<vmem>>) semaphore(%arg19 : memref<!tpu.dma_semaphore, #tpu.memory_space<semaphore_mem>>)
          } else {
          }
          %eq3A_131 = arith.constant 1 : i32
          %eq3A_132 = arith.cmpi eq, %arg0, %eq3A_131 : i32
          %convert_element_type3A_133 = arith.extui %eq3A_132 : i1 to i32
          %cond3A_134 = arith.constant 0 : i32
          %cond3A_135 = arith.cmpi ne, %convert_element_type3A_133, %cond3A_134 : i32
          scf.if %cond3A_135 {
            %dma_start3A = arith.constant 0 : i32
            %dma_start3A_166 = arith.constant 0 : i32
            %dma_start3A_167 = arith.constant 0 : i32
            %dma_start3A_168 = arith.constant 0 : i32
            %dma_start3A_169 = arith.constant 0 : i32
            %dma_start3A_170 = arith.constant 0 : i32
            %dma_start3A_171 = tpu.memref_slice %arg17[%dma_start3A_167, %dma_start3A_168, %dma_start3A_169, %dma_start3A_170] : memref<2x4x128x64xf32, #tpu.memory_space<vmem>> -> memref<1x1x128x64xf32, #tpu.memory_space<vmem>>
            %dma_start3A_172 = tpu.memref_squeeze %dma_start3A_171 : memref<1x1x128x64xf32, #tpu.memory_space<vmem>> -> memref<128x64xf32, #tpu.memory_space<vmem>>
            %dma_start3A_173 = arith.constant 0 : i32
            %dma_start3A_174 = tpu.memref_slice %arg15[%dma_start3A, %dma_start3A_166, %dma_start3A_173] : memref<2x4x128xi32, #tpu.memory_space<vmem>> -> memref<1x1x128xi32, #tpu.memory_space<vmem>>
            %dma_start3A_175 = tpu.memref_squeeze %dma_start3A_174 : memref<1x1x128xi32, #tpu.memory_space<vmem>> -> memref<128xi32, #tpu.memory_space<vmem>>
            %dma_start3A_176 = arith.constant 0 : i32
            %dma_start3A_177 = arith.constant 0 : i32
            %dma_start3A_178 = tpu.memref_slice %arg3[%dma_start3A_176, %dma_start3A_177] : memref<10000x64xf32, #tpu.memory_space<hbm>> -> memref<10000x64xf32, #tpu.memory_space<hbm>>
            tpu.enqueue_indirect_dma source(%dma_start3A_178 : memref<10000x64xf32, #tpu.memory_space<hbm>>) target(%dma_start3A_172 : memref<128x64xf32, #tpu.memory_space<vmem>>) offsets(%dma_start3A_175 : memref<128xi32, #tpu.memory_space<vmem>>) semaphore(%arg19 : memref<!tpu.dma_semaphore, #tpu.memory_space<semaphore_mem>>)
          } else {
          }
          %eq3A_136 = arith.constant 0 : i32
          %eq3A_137 = arith.cmpi eq, %arg0, %eq3A_136 : i32
          %convert_element_type3A_138 = arith.extui %eq3A_137 : i1 to i32
          %cond3A_139 = arith.constant 0 : i32
          %cond3A_140 = arith.cmpi ne, %convert_element_type3A_138, %cond3A_139 : i32
          scf.if %cond3A_140 {
            %dma_start3A = arith.constant 0 : i32
            %dma_start3A_166 = arith.constant 1 : i32
            %dma_start3A_167 = arith.constant 0 : i32
            %dma_start3A_168 = arith.constant 1 : i32
            %dma_start3A_169 = arith.constant 0 : i32
            %dma_start3A_170 = arith.constant 0 : i32
            %dma_start3A_171 = tpu.memref_slice %arg17[%dma_start3A_167, %dma_start3A_168, %dma_start3A_169, %dma_start3A_170] : memref<2x4x128x64xf32, #tpu.memory_space<vmem>> -> memref<1x1x128x64xf32, #tpu.memory_space<vmem>>
            %dma_start3A_172 = tpu.memref_squeeze %dma_start3A_171 : memref<1x1x128x64xf32, #tpu.memory_space<vmem>> -> memref<128x64xf32, #tpu.memory_space<vmem>>
            %dma_start3A_173 = arith.constant 0 : i32
            %dma_start3A_174 = tpu.memref_slice %arg15[%dma_start3A, %dma_start3A_166, %dma_start3A_173] : memref<2x4x128xi32, #tpu.memory_space<vmem>> -> memref<1x1x128xi32, #tpu.memory_space<vmem>>
            %dma_start3A_175 = tpu.memref_squeeze %dma_start3A_174 : memref<1x1x128xi32, #tpu.memory_space<vmem>> -> memref<128xi32, #tpu.memory_space<vmem>>
            %dma_start3A_176 = arith.constant 0 : i32
            %dma_start3A_177 = arith.constant 0 : i32
            %dma_start3A_178 = tpu.memref_slice %arg2[%dma_start3A_176, %dma_start3A_177] : memref<10000x64xf32, #tpu.memory_space<hbm>> -> memref<10000x64xf32, #tpu.memory_space<hbm>>
            tpu.enqueue_indirect_dma source(%dma_start3A_178 : memref<10000x64xf32, #tpu.memory_space<hbm>>) target(%dma_start3A_172 : memref<128x64xf32, #tpu.memory_space<vmem>>) offsets(%dma_start3A_175 : memref<128xi32, #tpu.memory_space<vmem>>) semaphore(%arg19 : memref<!tpu.dma_semaphore, #tpu.memory_space<semaphore_mem>>)
          } else {
          }
          %eq3A_141 = arith.constant 1 : i32
          %eq3A_142 = arith.cmpi eq, %arg0, %eq3A_141 : i32
          %convert_element_type3A_143 = arith.extui %eq3A_142 : i1 to i32
          %cond3A_144 = arith.constant 0 : i32
          %cond3A_145 = arith.cmpi ne, %convert_element_type3A_143, %cond3A_144 : i32
          scf.if %cond3A_145 {
            %dma_start3A = arith.constant 0 : i32
            %dma_start3A_166 = arith.constant 1 : i32
            %dma_start3A_167 = arith.constant 0 : i32
            %dma_start3A_168 = arith.constant 1 : i32
            %dma_start3A_169 = arith.constant 0 : i32
            %dma_start3A_170 = arith.constant 0 : i32
            %dma_start3A_171 = tpu.memref_slice %arg17[%dma_start3A_167, %dma_start3A_168, %dma_start3A_169, %dma_start3A_170] : memref<2x4x128x64xf32, #tpu.memory_space<vmem>> -> memref<1x1x128x64xf32, #tpu.memory_space<vmem>>
            %dma_start3A_172 = tpu.memref_squeeze %dma_start3A_171 : memref<1x1x128x64xf32, #tpu.memory_space<vmem>> -> memref<128x64xf32, #tpu.memory_space<vmem>>
            %dma_start3A_173 = arith.constant 0 : i32
            %dma_start3A_174 = tpu.memref_slice %arg15[%dma_start3A, %dma_start3A_166, %dma_start3A_173] : memref<2x4x128xi32, #tpu.memory_space<vmem>> -> memref<1x1x128xi32, #tpu.memory_space<vmem>>
            %dma_start3A_175 = tpu.memref_squeeze %dma_start3A_174 : memref<1x1x128xi32, #tpu.memory_space<vmem>> -> memref<128xi32, #tpu.memory_space<vmem>>
            %dma_start3A_176 = arith.constant 0 : i32
            %dma_start3A_177 = arith.constant 0 : i32
            %dma_start3A_178 = tpu.memref_slice %arg3[%dma_start3A_176, %dma_start3A_177] : memref<10000x64xf32, #tpu.memory_space<hbm>> -> memref<10000x64xf32, #tpu.memory_space<hbm>>
            tpu.enqueue_indirect_dma source(%dma_start3A_178 : memref<10000x64xf32, #tpu.memory_space<hbm>>) target(%dma_start3A_172 : memref<128x64xf32, #tpu.memory_space<vmem>>) offsets(%dma_start3A_175 : memref<128xi32, #tpu.memory_space<vmem>>) semaphore(%arg19 : memref<!tpu.dma_semaphore, #tpu.memory_space<semaphore_mem>>)
          } else {
          }
          %eq3A_146 = arith.constant 0 : i32
          %eq3A_147 = arith.cmpi eq, %arg0, %eq3A_146 : i32
          %convert_element_type3A_148 = arith.extui %eq3A_147 : i1 to i32
          %cond3A_149 = arith.constant 0 : i32
          %cond3A_150 = arith.cmpi ne, %convert_element_type3A_148, %cond3A_149 : i32
          scf.if %cond3A_150 {
            %dma_start3A = arith.constant 0 : i32
            %dma_start3A_166 = arith.constant 2 : i32
            %dma_start3A_167 = arith.constant 0 : i32
            %dma_start3A_168 = arith.constant 2 : i32
            %dma_start3A_169 = arith.constant 0 : i32
            %dma_start3A_170 = arith.constant 0 : i32
            %dma_start3A_171 = tpu.memref_slice %arg17[%dma_start3A_167, %dma_start3A_168, %dma_start3A_169, %dma_start3A_170] : memref<2x4x128x64xf32, #tpu.memory_space<vmem>> -> memref<1x1x128x64xf32, #tpu.memory_space<vmem>>
            %dma_start3A_172 = tpu.memref_squeeze %dma_start3A_171 : memref<1x1x128x64xf32, #tpu.memory_space<vmem>> -> memref<128x64xf32, #tpu.memory_space<vmem>>
            %dma_start3A_173 = arith.constant 0 : i32
            %dma_start3A_174 = tpu.memref_slice %arg15[%dma_start3A, %dma_start3A_166, %dma_start3A_173] : memref<2x4x128xi32, #tpu.memory_space<vmem>> -> memref<1x1x128xi32, #tpu.memory_space<vmem>>
            %dma_start3A_175 = tpu.memref_squeeze %dma_start3A_174 : memref<1x1x128xi32, #tpu.memory_space<vmem>> -> memref<128xi32, #tpu.memory_space<vmem>>
            %dma_start3A_176 = arith.constant 0 : i32
            %dma_start3A_177 = arith.constant 0 : i32
            %dma_start3A_178 = tpu.memref_slice %arg2[%dma_start3A_176, %dma_start3A_177] : memref<10000x64xf32, #tpu.memory_space<hbm>> -> memref<10000x64xf32, #tpu.memory_space<hbm>>
            tpu.enqueue_indirect_dma source(%dma_start3A_178 : memref<10000x64xf32, #tpu.memory_space<hbm>>) target(%dma_start3A_172 : memref<128x64xf32, #tpu.memory_space<vmem>>) offsets(%dma_start3A_175 : memref<128xi32, #tpu.memory_space<vmem>>) semaphore(%arg19 : memref<!tpu.dma_semaphore, #tpu.memory_space<semaphore_mem>>)
          } else {
          }
          %eq3A_151 = arith.constant 1 : i32
          %eq3A_152 = arith.cmpi eq, %arg0, %eq3A_151 : i32
          %convert_element_type3A_153 = arith.extui %eq3A_152 : i1 to i32
          %cond3A_154 = arith.constant 0 : i32
          %cond3A_155 = arith.cmpi ne, %convert_element_type3A_153, %cond3A_154 : i32
          scf.if %cond3A_155 {
            %dma_start3A = arith.constant 0 : i32
            %dma_start3A_166 = arith.constant 2 : i32
            %dma_start3A_167 = arith.constant 0 : i32
            %dma_start3A_168 = arith.constant 2 : i32
            %dma_start3A_169 = arith.constant 0 : i32
            %dma_start3A_170 = arith.constant 0 : i32
            %dma_start3A_171 = tpu.memref_slice %arg17[%dma_start3A_167, %dma_start3A_168, %dma_start3A_169, %dma_start3A_170] : memref<2x4x128x64xf32, #tpu.memory_space<vmem>> -> memref<1x1x128x64xf32, #tpu.memory_space<vmem>>
            %dma_start3A_172 = tpu.memref_squeeze %dma_start3A_171 : memref<1x1x128x64xf32, #tpu.memory_space<vmem>> -> memref<128x64xf32, #tpu.memory_space<vmem>>
            %dma_start3A_173 = arith.constant 0 : i32
            %dma_start3A_174 = tpu.memref_slice %arg15[%dma_start3A, %dma_start3A_166, %dma_start3A_173] : memref<2x4x128xi32, #tpu.memory_space<vmem>> -> memref<1x1x128xi32, #tpu.memory_space<vmem>>
            %dma_start3A_175 = tpu.memref_squeeze %dma_start3A_174 : memref<1x1x128xi32, #tpu.memory_space<vmem>> -> memref<128xi32, #tpu.memory_space<vmem>>
            %dma_start3A_176 = arith.constant 0 : i32
            %dma_start3A_177 = arith.constant 0 : i32
            %dma_start3A_178 = tpu.memref_slice %arg3[%dma_start3A_176, %dma_start3A_177] : memref<10000x64xf32, #tpu.memory_space<hbm>> -> memref<10000x64xf32, #tpu.memory_space<hbm>>
            tpu.enqueue_indirect_dma source(%dma_start3A_178 : memref<10000x64xf32, #tpu.memory_space<hbm>>) target(%dma_start3A_172 : memref<128x64xf32, #tpu.memory_space<vmem>>) offsets(%dma_start3A_175 : memref<128xi32, #tpu.memory_space<vmem>>) semaphore(%arg19 : memref<!tpu.dma_semaphore, #tpu.memory_space<semaphore_mem>>)
          } else {
          }
          %eq3A_156 = arith.constant 0 : i32
          %eq3A_157 = arith.cmpi eq, %arg0, %eq3A_156 : i32
          %convert_element_type3A_158 = arith.extui %eq3A_157 : i1 to i32
          %cond3A_159 = arith.constant 0 : i32
          %cond3A_160 = arith.cmpi ne, %convert_element_type3A_158, %cond3A_159 : i32
          scf.if %cond3A_160 {
            %dma_start3A = arith.constant 0 : i32
            %dma_start3A_166 = arith.constant 3 : i32
            %dma_start3A_167 = arith.constant 0 : i32
            %dma_start3A_168 = arith.constant 3 : i32
            %dma_start3A_169 = arith.constant 0 : i32
            %dma_start3A_170 = arith.constant 0 : i32
            %dma_start3A_171 = tpu.memref_slice %arg17[%dma_start3A_167, %dma_start3A_168, %dma_start3A_169, %dma_start3A_170] : memref<2x4x128x64xf32, #tpu.memory_space<vmem>> -> memref<1x1x128x64xf32, #tpu.memory_space<vmem>>
            %dma_start3A_172 = tpu.memref_squeeze %dma_start3A_171 : memref<1x1x128x64xf32, #tpu.memory_space<vmem>> -> memref<128x64xf32, #tpu.memory_space<vmem>>
            %dma_start3A_173 = arith.constant 0 : i32
            %dma_start3A_174 = tpu.memref_slice %arg15[%dma_start3A, %dma_start3A_166, %dma_start3A_173] : memref<2x4x128xi32, #tpu.memory_space<vmem>> -> memref<1x1x128xi32, #tpu.memory_space<vmem>>
            %dma_start3A_175 = tpu.memref_squeeze %dma_start3A_174 : memref<1x1x128xi32, #tpu.memory_space<vmem>> -> memref<128xi32, #tpu.memory_space<vmem>>
            %dma_start3A_176 = arith.constant 0 : i32
            %dma_start3A_177 = arith.constant 0 : i32
            %dma_start3A_178 = tpu.memref_slice %arg2[%dma_start3A_176, %dma_start3A_177] : memref<10000x64xf32, #tpu.memory_space<hbm>> -> memref<10000x64xf32, #tpu.memory_space<hbm>>
            tpu.enqueue_indirect_dma source(%dma_start3A_178 : memref<10000x64xf32, #tpu.memory_space<hbm>>) target(%dma_start3A_172 : memref<128x64xf32, #tpu.memory_space<vmem>>) offsets(%dma_start3A_175 : memref<128xi32, #tpu.memory_space<vmem>>) semaphore(%arg19 : memref<!tpu.dma_semaphore, #tpu.memory_space<semaphore_mem>>)
          } else {
          }
          %eq3A_161 = arith.constant 1 : i32
          %eq3A_162 = arith.cmpi eq, %arg0, %eq3A_161 : i32
          %convert_element_type3A_163 = arith.extui %eq3A_162 : i1 to i32
          %cond3A_164 = arith.constant 0 : i32
          %cond3A_165 = arith.cmpi ne, %convert_element_type3A_163, %cond3A_164 : i32
          scf.if %cond3A_165 {
            %dma_start3A = arith.constant 0 : i32
            %dma_start3A_166 = arith.constant 3 : i32
            %dma_start3A_167 = arith.constant 0 : i32
            %dma_start3A_168 = arith.constant 3 : i32
            %dma_start3A_169 = arith.constant 0 : i32
            %dma_start3A_170 = arith.constant 0 : i32
            %dma_start3A_171 = tpu.memref_slice %arg17[%dma_start3A_167, %dma_start3A_168, %dma_start3A_169, %dma_start3A_170] : memref<2x4x128x64xf32, #tpu.memory_space<vmem>> -> memref<1x1x128x64xf32, #tpu.memory_space<vmem>>
            %dma_start3A_172 = tpu.memref_squeeze %dma_start3A_171 : memref<1x1x128x64xf32, #tpu.memory_space<vmem>> -> memref<128x64xf32, #tpu.memory_space<vmem>>
            %dma_start3A_173 = arith.constant 0 : i32
            %dma_start3A_174 = tpu.memref_slice %arg15[%dma_start3A, %dma_start3A_166, %dma_start3A_173] : memref<2x4x128xi32, #tpu.memory_space<vmem>> -> memref<1x1x128xi32, #tpu.memory_space<vmem>>
            %dma_start3A_175 = tpu.memref_squeeze %dma_start3A_174 : memref<1x1x128xi32, #tpu.memory_space<vmem>> -> memref<128xi32, #tpu.memory_space<vmem>>
            %dma_start3A_176 = arith.constant 0 : i32
            %dma_start3A_177 = arith.constant 0 : i32
            %dma_start3A_178 = tpu.memref_slice %arg3[%dma_start3A_176, %dma_start3A_177] : memref<10000x64xf32, #tpu.memory_space<hbm>> -> memref<10000x64xf32, #tpu.memory_space<hbm>>
            tpu.enqueue_indirect_dma source(%dma_start3A_178 : memref<10000x64xf32, #tpu.memory_space<hbm>>) target(%dma_start3A_172 : memref<128x64xf32, #tpu.memory_space<vmem>>) offsets(%dma_start3A_175 : memref<128xi32, #tpu.memory_space<vmem>>) semaphore(%arg19 : memref<!tpu.dma_semaphore, #tpu.memory_space<semaphore_mem>>)
          } else {
          }
        } else {
        }
      } else {
      }
      %add3A_106 = arith.constant 1 : i32
      %add3A_107 = arith.addi %add3A_31, %add3A_106 : i32
      %mul3A_108 = arith.constant 4 : i32
      %mul3A_109 = arith.muli %add3A_107, %mul3A_108 : i32
      %add3A_110 = arith.addi %mul3A_2, %mul3A_109 : i32
      %lt3A_111 = arith.constant 2500 : i32
      %lt3A_112 = arith.cmpi slt, %add3A_110, %lt3A_111 : i32
      %convert_element_type3A_113 = arith.extui %lt3A_112 : i1 to i32
      %cond3A_114 = arith.constant 0 : i32
      %cond3A_115 = arith.cmpi ne, %convert_element_type3A_113, %cond3A_114 : i32
      scf.if %cond3A_115 {
        %dma_wait3A = arith.constant 1 : i32
        %dma_wait3A_116 = arith.constant 0 : i32
        %dma_wait3A_117 = arith.constant 1 : i32
        %dma_wait3A_118 = arith.constant 0 : i32
        %dma_wait3A_119 = arith.constant 0 : i32
        %dma_wait3A_120 = arith.constant 0 : i32
        %dma_wait3A_121 = tpu.memref_slice %arg17[%dma_wait3A, %dma_wait3A_116, %dma_wait3A_119, %dma_wait3A_120] : memref<2x4x128x64xf32, #tpu.memory_space<vmem>> -> memref<1x1x128x64xf32, #tpu.memory_space<vmem>>
        %dma_wait3A_122 = tpu.memref_squeeze %dma_wait3A_121 : memref<1x1x128x64xf32, #tpu.memory_space<vmem>> -> memref<128x64xf32, #tpu.memory_space<vmem>>
        %dma_wait3A_123 = arith.constant 0 : i32
        %dma_wait3A_124 = tpu.memref_slice %arg16[%dma_wait3A_117, %dma_wait3A_118, %dma_wait3A_123] : memref<2x4x128xi32, #tpu.memory_space<vmem>> -> memref<1x1x128xi32, #tpu.memory_space<vmem>>
        %dma_wait3A_125 = tpu.memref_squeeze %dma_wait3A_124 : memref<1x1x128xi32, #tpu.memory_space<vmem>> -> memref<128xi32, #tpu.memory_space<vmem>>
        %dma_wait3A_126 = arith.constant 0 : i32
        %dma_wait3A_127 = arith.constant 0 : i32
        %dma_wait3A_128 = tpu.memref_slice %arg13[%dma_wait3A_126, %dma_wait3A_127] : memref<10008x64xf32, #tpu.memory_space<vmem_shared>> -> memref<10008x64xf32, #tpu.memory_space<vmem_shared>>
        tpu.wait_indirect_dma semaphore(%arg22 : memref<!tpu.dma_semaphore, #tpu.memory_space<semaphore_mem>>) src(%dma_wait3A_122 : memref<128x64xf32, #tpu.memory_space<vmem>>) dst(%dma_wait3A_128 : memref<10008x64xf32, #tpu.memory_space<vmem_shared>>)
        %eq3A_129 = arith.constant 0 : i32
        %eq3A_130 = arith.cmpi eq, %arg0, %eq3A_129 : i32
        %convert_element_type3A_131 = arith.extui %eq3A_130 : i1 to i32
        %cond3A_132 = arith.constant 0 : i32
        %cond3A_133 = arith.cmpi ne, %convert_element_type3A_131, %cond3A_132 : i32
        scf.if %cond3A_133 {
          %dma_wait3A_191 = arith.constant 1 : i32
          %dma_wait3A_192 = arith.constant 0 : i32
          %dma_wait3A_193 = arith.constant 0 : i32
          %dma_wait3A_194 = tpu.memref_slice %arg16[%dma_wait3A_191, %dma_wait3A_192, %dma_wait3A_193] : memref<2x4x128xi32, #tpu.memory_space<vmem>> -> memref<1x1x128xi32, #tpu.memory_space<vmem>>
          %dma_wait3A_195 = tpu.memref_squeeze %dma_wait3A_194 : memref<1x1x128xi32, #tpu.memory_space<vmem>> -> memref<128xi32, #tpu.memory_space<vmem>>
          %dma_wait3A_196 = arith.constant 0 : i32
          %dma_wait3A_197 = arith.constant 0 : i32
          %dma_wait3A_198 = tpu.memref_slice %arg14[%dma_wait3A_196, %dma_wait3A_197] : memref<10008x16xf32, #tpu.memory_space<vmem_shared>> -> memref<10008x16xf32, #tpu.memory_space<vmem_shared>>
          tpu.wait_indirect_dma semaphore(%arg24 : memref<!tpu.dma_semaphore, #tpu.memory_space<semaphore_mem>>) src(%arg18 : memref<128x16xf32, #tpu.memory_space<vmem>>) dst(%dma_wait3A_198 : memref<10008x16xf32, #tpu.memory_space<vmem_shared>>)
        } else {
        }
        %dma_wait3A_134 = arith.constant 1 : i32
        %dma_wait3A_135 = arith.constant 1 : i32
        %dma_wait3A_136 = arith.constant 1 : i32
        %dma_wait3A_137 = arith.constant 1 : i32
        %dma_wait3A_138 = arith.constant 0 : i32
        %dma_wait3A_139 = arith.constant 0 : i32
        %dma_wait3A_140 = tpu.memref_slice %arg17[%dma_wait3A_134, %dma_wait3A_135, %dma_wait3A_138, %dma_wait3A_139] : memref<2x4x128x64xf32, #tpu.memory_space<vmem>> -> memref<1x1x128x64xf32, #tpu.memory_space<vmem>>
        %dma_wait3A_141 = tpu.memref_squeeze %dma_wait3A_140 : memref<1x1x128x64xf32, #tpu.memory_space<vmem>> -> memref<128x64xf32, #tpu.memory_space<vmem>>
        %dma_wait3A_142 = arith.constant 0 : i32
        %dma_wait3A_143 = tpu.memref_slice %arg16[%dma_wait3A_136, %dma_wait3A_137, %dma_wait3A_142] : memref<2x4x128xi32, #tpu.memory_space<vmem>> -> memref<1x1x128xi32, #tpu.memory_space<vmem>>
        %dma_wait3A_144 = tpu.memref_squeeze %dma_wait3A_143 : memref<1x1x128xi32, #tpu.memory_space<vmem>> -> memref<128xi32, #tpu.memory_space<vmem>>
        %dma_wait3A_145 = arith.constant 0 : i32
        %dma_wait3A_146 = arith.constant 0 : i32
        %dma_wait3A_147 = tpu.memref_slice %arg13[%dma_wait3A_145, %dma_wait3A_146] : memref<10008x64xf32, #tpu.memory_space<vmem_shared>> -> memref<10008x64xf32, #tpu.memory_space<vmem_shared>>
        tpu.wait_indirect_dma semaphore(%arg22 : memref<!tpu.dma_semaphore, #tpu.memory_space<semaphore_mem>>) src(%dma_wait3A_141 : memref<128x64xf32, #tpu.memory_space<vmem>>) dst(%dma_wait3A_147 : memref<10008x64xf32, #tpu.memory_space<vmem_shared>>)
        %eq3A_148 = arith.constant 1 : i32
        %eq3A_149 = arith.cmpi eq, %arg0, %eq3A_148 : i32
        %convert_element_type3A_150 = arith.extui %eq3A_149 : i1 to i32
        %cond3A_151 = arith.constant 0 : i32
        %cond3A_152 = arith.cmpi ne, %convert_element_type3A_150, %cond3A_151 : i32
        scf.if %cond3A_152 {
          %dma_wait3A_191 = arith.constant 1 : i32
          %dma_wait3A_192 = arith.constant 1 : i32
          %dma_wait3A_193 = arith.constant 0 : i32
          %dma_wait3A_194 = tpu.memref_slice %arg16[%dma_wait3A_191, %dma_wait3A_192, %dma_wait3A_193] : memref<2x4x128xi32, #tpu.memory_space<vmem>> -> memref<1x1x128xi32, #tpu.memory_space<vmem>>
          %dma_wait3A_195 = tpu.memref_squeeze %dma_wait3A_194 : memref<1x1x128xi32, #tpu.memory_space<vmem>> -> memref<128xi32, #tpu.memory_space<vmem>>
          %dma_wait3A_196 = arith.constant 0 : i32
          %dma_wait3A_197 = arith.constant 0 : i32
          %dma_wait3A_198 = tpu.memref_slice %arg14[%dma_wait3A_196, %dma_wait3A_197] : memref<10008x16xf32, #tpu.memory_space<vmem_shared>> -> memref<10008x16xf32, #tpu.memory_space<vmem_shared>>
          tpu.wait_indirect_dma semaphore(%arg24 : memref<!tpu.dma_semaphore, #tpu.memory_space<semaphore_mem>>) src(%arg18 : memref<128x16xf32, #tpu.memory_space<vmem>>) dst(%dma_wait3A_198 : memref<10008x16xf32, #tpu.memory_space<vmem_shared>>)
        } else {
        }
        %dma_wait3A_153 = arith.constant 1 : i32
        %dma_wait3A_154 = arith.constant 2 : i32
        %dma_wait3A_155 = arith.constant 1 : i32
        %dma_wait3A_156 = arith.constant 2 : i32
        %dma_wait3A_157 = arith.constant 0 : i32
        %dma_wait3A_158 = arith.constant 0 : i32
        %dma_wait3A_159 = tpu.memref_slice %arg17[%dma_wait3A_153, %dma_wait3A_154, %dma_wait3A_157, %dma_wait3A_158] : memref<2x4x128x64xf32, #tpu.memory_space<vmem>> -> memref<1x1x128x64xf32, #tpu.memory_space<vmem>>
        %dma_wait3A_160 = tpu.memref_squeeze %dma_wait3A_159 : memref<1x1x128x64xf32, #tpu.memory_space<vmem>> -> memref<128x64xf32, #tpu.memory_space<vmem>>
        %dma_wait3A_161 = arith.constant 0 : i32
        %dma_wait3A_162 = tpu.memref_slice %arg16[%dma_wait3A_155, %dma_wait3A_156, %dma_wait3A_161] : memref<2x4x128xi32, #tpu.memory_space<vmem>> -> memref<1x1x128xi32, #tpu.memory_space<vmem>>
        %dma_wait3A_163 = tpu.memref_squeeze %dma_wait3A_162 : memref<1x1x128xi32, #tpu.memory_space<vmem>> -> memref<128xi32, #tpu.memory_space<vmem>>
        %dma_wait3A_164 = arith.constant 0 : i32
        %dma_wait3A_165 = arith.constant 0 : i32
        %dma_wait3A_166 = tpu.memref_slice %arg13[%dma_wait3A_164, %dma_wait3A_165] : memref<10008x64xf32, #tpu.memory_space<vmem_shared>> -> memref<10008x64xf32, #tpu.memory_space<vmem_shared>>
        tpu.wait_indirect_dma semaphore(%arg22 : memref<!tpu.dma_semaphore, #tpu.memory_space<semaphore_mem>>) src(%dma_wait3A_160 : memref<128x64xf32, #tpu.memory_space<vmem>>) dst(%dma_wait3A_166 : memref<10008x64xf32, #tpu.memory_space<vmem_shared>>)
        %eq3A_167 = arith.constant 0 : i32
        %eq3A_168 = arith.cmpi eq, %arg0, %eq3A_167 : i32
        %convert_element_type3A_169 = arith.extui %eq3A_168 : i1 to i32
        %cond3A_170 = arith.constant 0 : i32
        %cond3A_171 = arith.cmpi ne, %convert_element_type3A_169, %cond3A_170 : i32
        scf.if %cond3A_171 {
          %dma_wait3A_191 = arith.constant 1 : i32
          %dma_wait3A_192 = arith.constant 2 : i32
          %dma_wait3A_193 = arith.constant 0 : i32
          %dma_wait3A_194 = tpu.memref_slice %arg16[%dma_wait3A_191, %dma_wait3A_192, %dma_wait3A_193] : memref<2x4x128xi32, #tpu.memory_space<vmem>> -> memref<1x1x128xi32, #tpu.memory_space<vmem>>
          %dma_wait3A_195 = tpu.memref_squeeze %dma_wait3A_194 : memref<1x1x128xi32, #tpu.memory_space<vmem>> -> memref<128xi32, #tpu.memory_space<vmem>>
          %dma_wait3A_196 = arith.constant 0 : i32
          %dma_wait3A_197 = arith.constant 0 : i32
          %dma_wait3A_198 = tpu.memref_slice %arg14[%dma_wait3A_196, %dma_wait3A_197] : memref<10008x16xf32, #tpu.memory_space<vmem_shared>> -> memref<10008x16xf32, #tpu.memory_space<vmem_shared>>
          tpu.wait_indirect_dma semaphore(%arg24 : memref<!tpu.dma_semaphore, #tpu.memory_space<semaphore_mem>>) src(%arg18 : memref<128x16xf32, #tpu.memory_space<vmem>>) dst(%dma_wait3A_198 : memref<10008x16xf32, #tpu.memory_space<vmem_shared>>)
        } else {
        }
        %dma_wait3A_172 = arith.constant 1 : i32
        %dma_wait3A_173 = arith.constant 3 : i32
        %dma_wait3A_174 = arith.constant 1 : i32
        %dma_wait3A_175 = arith.constant 3 : i32
        %dma_wait3A_176 = arith.constant 0 : i32
        %dma_wait3A_177 = arith.constant 0 : i32
        %dma_wait3A_178 = tpu.memref_slice %arg17[%dma_wait3A_172, %dma_wait3A_173, %dma_wait3A_176, %dma_wait3A_177] : memref<2x4x128x64xf32, #tpu.memory_space<vmem>> -> memref<1x1x128x64xf32, #tpu.memory_space<vmem>>
        %dma_wait3A_179 = tpu.memref_squeeze %dma_wait3A_178 : memref<1x1x128x64xf32, #tpu.memory_space<vmem>> -> memref<128x64xf32, #tpu.memory_space<vmem>>
        %dma_wait3A_180 = arith.constant 0 : i32
        %dma_wait3A_181 = tpu.memref_slice %arg16[%dma_wait3A_174, %dma_wait3A_175, %dma_wait3A_180] : memref<2x4x128xi32, #tpu.memory_space<vmem>> -> memref<1x1x128xi32, #tpu.memory_space<vmem>>
        %dma_wait3A_182 = tpu.memref_squeeze %dma_wait3A_181 : memref<1x1x128xi32, #tpu.memory_space<vmem>> -> memref<128xi32, #tpu.memory_space<vmem>>
        %dma_wait3A_183 = arith.constant 0 : i32
        %dma_wait3A_184 = arith.constant 0 : i32
        %dma_wait3A_185 = tpu.memref_slice %arg13[%dma_wait3A_183, %dma_wait3A_184] : memref<10008x64xf32, #tpu.memory_space<vmem_shared>> -> memref<10008x64xf32, #tpu.memory_space<vmem_shared>>
        tpu.wait_indirect_dma semaphore(%arg22 : memref<!tpu.dma_semaphore, #tpu.memory_space<semaphore_mem>>) src(%dma_wait3A_179 : memref<128x64xf32, #tpu.memory_space<vmem>>) dst(%dma_wait3A_185 : memref<10008x64xf32, #tpu.memory_space<vmem_shared>>)
        %eq3A_186 = arith.constant 1 : i32
        %eq3A_187 = arith.cmpi eq, %arg0, %eq3A_186 : i32
        %convert_element_type3A_188 = arith.extui %eq3A_187 : i1 to i32
        %cond3A_189 = arith.constant 0 : i32
        %cond3A_190 = arith.cmpi ne, %convert_element_type3A_188, %cond3A_189 : i32
        scf.if %cond3A_190 {
          %dma_wait3A_191 = arith.constant 1 : i32
          %dma_wait3A_192 = arith.constant 3 : i32
          %dma_wait3A_193 = arith.constant 0 : i32
          %dma_wait3A_194 = tpu.memref_slice %arg16[%dma_wait3A_191, %dma_wait3A_192, %dma_wait3A_193] : memref<2x4x128xi32, #tpu.memory_space<vmem>> -> memref<1x1x128xi32, #tpu.memory_space<vmem>>
          %dma_wait3A_195 = tpu.memref_squeeze %dma_wait3A_194 : memref<1x1x128xi32, #tpu.memory_space<vmem>> -> memref<128xi32, #tpu.memory_space<vmem>>
          %dma_wait3A_196 = arith.constant 0 : i32
          %dma_wait3A_197 = arith.constant 0 : i32
          %dma_wait3A_198 = tpu.memref_slice %arg14[%dma_wait3A_196, %dma_wait3A_197] : memref<10008x16xf32, #tpu.memory_space<vmem_shared>> -> memref<10008x16xf32, #tpu.memory_space<vmem_shared>>
          tpu.wait_indirect_dma semaphore(%arg24 : memref<!tpu.dma_semaphore, #tpu.memory_space<semaphore_mem>>) src(%arg18 : memref<128x16xf32, #tpu.memory_space<vmem>>) dst(%dma_wait3A_198 : memref<10008x16xf32, #tpu.memory_space<vmem_shared>>)
        } else {
        }
      } else {
      }
    }
    %scan3A_16 = arith.constant 20 : i32
    %barrier3A_17 = arith.constant 0 : index
    tpu.barrier barrier_id(%barrier3A_17)
    %eq3A = arith.constant 0 : i32
    %eq3A_18 = arith.cmpi eq, %arg0, %eq3A : i32
    %convert_element_type3A_19 = arith.extui %eq3A_18 : i1 to i32
    %cond3A_20 = arith.constant 0 : i32
    %cond3A_21 = arith.cmpi ne, %convert_element_type3A_19, %cond3A_20 : i32
    scf.if %cond3A_21 {
      "tpu.region"() ({
        %run_scoped3A = tpu.sem_alloc : memref<!tpu.dma_semaphore, #tpu.memory_space<semaphore_mem>>
        %dma_start3A = arith.constant 0 : i32
        %dma_start3A_27 = tpu.memref_slice %arg9[%mul3A_0, %dma_start3A] : memref<10000x64xf32, #tpu.memory_space<hbm>> -> memref<625x64xf32, #tpu.memory_space<hbm>>
        %dma_start3A_28 = arith.constant 0 : i32
        %dma_start3A_29 = tpu.memref_slice %arg13[%mul3A_0, %dma_start3A_28] : memref<10008x64xf32, #tpu.memory_space<vmem_shared>> -> memref<625x64xf32, #tpu.memory_space<vmem_shared>>
        tpu.enqueue_dma source(%dma_start3A_29 : memref<625x64xf32, #tpu.memory_space<vmem_shared>>) target(%dma_start3A_27 : memref<625x64xf32, #tpu.memory_space<hbm>>) target_semaphore(%run_scoped3A : memref<!tpu.dma_semaphore, #tpu.memory_space<semaphore_mem>>)
        %dma_wait3A = arith.constant 0 : i32
        %dma_wait3A_30 = tpu.memref_slice %arg9[%mul3A_0, %dma_wait3A] : memref<10000x64xf32, #tpu.memory_space<hbm>> -> memref<625x64xf32, #tpu.memory_space<hbm>>
        %dma_wait3A_31 = arith.constant 0 : i32
        %dma_wait3A_32 = tpu.memref_slice %arg13[%mul3A_0, %dma_wait3A_31] : memref<10008x64xf32, #tpu.memory_space<vmem_shared>> -> memref<625x64xf32, #tpu.memory_space<vmem_shared>>
        tpu.wait_dma2 semaphore(%run_scoped3A : memref<!tpu.dma_semaphore, #tpu.memory_space<semaphore_mem>>) src(%dma_wait3A_32 : memref<625x64xf32, #tpu.memory_space<vmem_shared>>) dst(%dma_wait3A_30 : memref<625x64xf32, #tpu.memory_space<hbm>>)
        tpu.yield
      }) : () -> ()
      "tpu.region"() ({
        %run_scoped3A = tpu.sem_alloc : memref<!tpu.dma_semaphore, #tpu.memory_space<semaphore_mem>>
        %dma_start3A = arith.constant 0 : i32
        %dma_start3A_27 = tpu.memref_slice %arg11[%mul3A_0, %dma_start3A] : memref<10000x16xf32, #tpu.memory_space<hbm>> -> memref<625x16xf32, #tpu.memory_space<hbm>>
        %dma_start3A_28 = arith.constant 0 : i32
        %dma_start3A_29 = tpu.memref_slice %arg14[%mul3A_0, %dma_start3A_28] : memref<10008x16xf32, #tpu.memory_space<vmem_shared>> -> memref<625x16xf32, #tpu.memory_space<vmem_shared>>
        tpu.enqueue_dma source(%dma_start3A_29 : memref<625x16xf32, #tpu.memory_space<vmem_shared>>) target(%dma_start3A_27 : memref<625x16xf32, #tpu.memory_space<hbm>>) target_semaphore(%run_scoped3A : memref<!tpu.dma_semaphore, #tpu.memory_space<semaphore_mem>>)
        %dma_wait3A = arith.constant 0 : i32
        %dma_wait3A_30 = tpu.memref_slice %arg11[%mul3A_0, %dma_wait3A] : memref<10000x16xf32, #tpu.memory_space<hbm>> -> memref<625x16xf32, #tpu.memory_space<hbm>>
        %dma_wait3A_31 = arith.constant 0 : i32
        %dma_wait3A_32 = tpu.memref_slice %arg14[%mul3A_0, %dma_wait3A_31] : memref<10008x16xf32, #tpu.memory_space<vmem_shared>> -> memref<625x16xf32, #tpu.memory_space<vmem_shared>>
        tpu.wait_dma2 semaphore(%run_scoped3A : memref<!tpu.dma_semaphore, #tpu.memory_space<semaphore_mem>>) src(%dma_wait3A_32 : memref<625x16xf32, #tpu.memory_space<vmem_shared>>) dst(%dma_wait3A_30 : memref<625x16xf32, #tpu.memory_space<hbm>>)
        tpu.yield
      }) : () -> ()
    } else {
    }
    %eq3A_22 = arith.constant 1 : i32
    %eq3A_23 = arith.cmpi eq, %arg0, %eq3A_22 : i32
    %convert_element_type3A_24 = arith.extui %eq3A_23 : i1 to i32
    %cond3A_25 = arith.constant 0 : i32
    %cond3A_26 = arith.cmpi ne, %convert_element_type3A_24, %cond3A_25 : i32
    scf.if %cond3A_26 {
      "tpu.region"() ({
        %run_scoped3A = tpu.sem_alloc : memref<!tpu.dma_semaphore, #tpu.memory_space<semaphore_mem>>
        %dma_start3A = arith.constant 0 : i32
        %dma_start3A_27 = tpu.memref_slice %arg10[%mul3A_0, %dma_start3A] : memref<10000x64xf32, #tpu.memory_space<hbm>> -> memref<625x64xf32, #tpu.memory_space<hbm>>
        %dma_start3A_28 = arith.constant 0 : i32
        %dma_start3A_29 = tpu.memref_slice %arg13[%mul3A_0, %dma_start3A_28] : memref<10008x64xf32, #tpu.memory_space<vmem_shared>> -> memref<625x64xf32, #tpu.memory_space<vmem_shared>>
        tpu.enqueue_dma source(%dma_start3A_29 : memref<625x64xf32, #tpu.memory_space<vmem_shared>>) target(%dma_start3A_27 : memref<625x64xf32, #tpu.memory_space<hbm>>) target_semaphore(%run_scoped3A : memref<!tpu.dma_semaphore, #tpu.memory_space<semaphore_mem>>)
        %dma_wait3A = arith.constant 0 : i32
        %dma_wait3A_30 = tpu.memref_slice %arg10[%mul3A_0, %dma_wait3A] : memref<10000x64xf32, #tpu.memory_space<hbm>> -> memref<625x64xf32, #tpu.memory_space<hbm>>
        %dma_wait3A_31 = arith.constant 0 : i32
        %dma_wait3A_32 = tpu.memref_slice %arg13[%mul3A_0, %dma_wait3A_31] : memref<10008x64xf32, #tpu.memory_space<vmem_shared>> -> memref<625x64xf32, #tpu.memory_space<vmem_shared>>
        tpu.wait_dma2 semaphore(%run_scoped3A : memref<!tpu.dma_semaphore, #tpu.memory_space<semaphore_mem>>) src(%dma_wait3A_32 : memref<625x64xf32, #tpu.memory_space<vmem_shared>>) dst(%dma_wait3A_30 : memref<625x64xf32, #tpu.memory_space<hbm>>)
        tpu.yield
      }) : () -> ()
      "tpu.region"() ({
        %run_scoped3A = tpu.sem_alloc : memref<!tpu.dma_semaphore, #tpu.memory_space<semaphore_mem>>
        %dma_start3A = arith.constant 0 : i32
        %dma_start3A_27 = tpu.memref_slice %arg12[%mul3A_0, %dma_start3A] : memref<10000x16xf32, #tpu.memory_space<hbm>> -> memref<625x16xf32, #tpu.memory_space<hbm>>
        %dma_start3A_28 = arith.constant 0 : i32
        %dma_start3A_29 = tpu.memref_slice %arg14[%mul3A_0, %dma_start3A_28] : memref<10008x16xf32, #tpu.memory_space<vmem_shared>> -> memref<625x16xf32, #tpu.memory_space<vmem_shared>>
        tpu.enqueue_dma source(%dma_start3A_29 : memref<625x16xf32, #tpu.memory_space<vmem_shared>>) target(%dma_start3A_27 : memref<625x16xf32, #tpu.memory_space<hbm>>) target_semaphore(%run_scoped3A : memref<!tpu.dma_semaphore, #tpu.memory_space<semaphore_mem>>)
        %dma_wait3A = arith.constant 0 : i32
        %dma_wait3A_30 = tpu.memref_slice %arg12[%mul3A_0, %dma_wait3A] : memref<10000x16xf32, #tpu.memory_space<hbm>> -> memref<625x16xf32, #tpu.memory_space<hbm>>
        %dma_wait3A_31 = arith.constant 0 : i32
        %dma_wait3A_32 = tpu.memref_slice %arg14[%mul3A_0, %dma_wait3A_31] : memref<10008x16xf32, #tpu.memory_space<vmem_shared>> -> memref<625x16xf32, #tpu.memory_space<vmem_shared>>
        tpu.wait_dma2 semaphore(%run_scoped3A : memref<!tpu.dma_semaphore, #tpu.memory_space<semaphore_mem>>) src(%dma_wait3A_32 : memref<625x16xf32, #tpu.memory_space<vmem_shared>>) dst(%dma_wait3A_30 : memref<625x16xf32, #tpu.memory_space<hbm>>)
        tpu.yield
      }) : () -> ()
    } else {
    }
    return
  }
}

#map = affine_map<(d0, d1) -> (0, 0)>
module attributes {stable_mosaic.version = 14 : i64} {
  func.func @_sc_body(%arg0: i32, %arg1: i32, %arg2: memref<10000x64xf32, #tpu.memory_space<hbm>>, %arg3: memref<10000x64xf32, #tpu.memory_space<hbm>>, %arg4: memref<2500x128xi32, #tpu.memory_space<hbm>>, %arg5: memref<2500x128xi32, #tpu.memory_space<hbm>>, %arg6: memref<625x64xf32, #tpu.memory_space<hbm>>, %arg7: memref<625x16xf32, #tpu.memory_space<hbm>>, %arg8: memref<128x16xf32, #tpu.memory_space<hbm>>, %arg9: memref<10000x64xf32, #tpu.memory_space<hbm>>, %arg10: memref<10000x64xf32, #tpu.memory_space<hbm>>, %arg11: memref<10000x16xf32, #tpu.memory_space<hbm>>, %arg12: memref<10000x16xf32, #tpu.memory_space<hbm>>, %arg13: memref<10008x64xf32, #tpu.memory_space<vmem_shared>>, %arg14: memref<10008x16xf32, #tpu.memory_space<vmem_shared>>, %arg15: memref<2x4x128xi32, #tpu.memory_space<vmem>>, %arg16: memref<2x4x128xi32, #tpu.memory_space<vmem>>, %arg17: memref<2x4x128x64xf32, #tpu.memory_space<vmem>>, %arg18: memref<128x16xf32, #tpu.memory_space<vmem>>, %arg19: memref<!tpu.dma_semaphore, #tpu.memory_space<semaphore_mem>>, %arg20: memref<!tpu.dma_semaphore, #tpu.memory_space<semaphore_mem>>, %arg21: memref<!tpu.dma_semaphore, #tpu.memory_space<semaphore_mem>>, %arg22: memref<!tpu.dma_semaphore, #tpu.memory_space<semaphore_mem>>, %arg23: memref<!tpu.dma_semaphore, #tpu.memory_space<semaphore_mem>>, %arg24: memref<!tpu.dma_semaphore, #tpu.memory_space<semaphore_mem>>) attributes {dimension_semantics = [#tpu.dimension_semantics<core_parallel>, #tpu.dimension_semantics<subcore_parallel>], iteration_bounds = array<i64: 2, 16>, scalar_prefetch = 0 : i64, scratch_operands = 12 : i64, tpu.core_type = #tpu.core_type<sc_vector_subcore>, window_params = [{transform_indices = #map}, {transform_indices = #map}, {transform_indices = #map}, {transform_indices = #map}, {transform_indices = #map}, {transform_indices = #map}, {transform_indices = #map}, {transform_indices = #map}, {transform_indices = #map}, {transform_indices = #map}, {transform_indices = #map}]} {
    %mul3A = arith.constant 625 : i32
    %mul3A_0 = arith.muli %arg1, %mul3A : i32
    "tpu.region"() ({
      %run_scoped3A = tpu.sem_alloc : memref<!tpu.dma_semaphore, #tpu.memory_space<semaphore_mem>>
      %dma_start3A = arith.constant 0 : i32
      %dma_start3A_27 = tpu.memref_slice %arg13[%mul3A_0, %dma_start3A] : memref<10008x64xf32, #tpu.memory_space<vmem_shared>> -> memref<625x64xf32, #tpu.memory_space<vmem_shared>>
      tpu.enqueue_dma source(%arg6 : memref<625x64xf32, #tpu.memory_space<hbm>>) target(%dma_start3A_27 : memref<625x64xf32, #tpu.memory_space<vmem_shared>>) target_semaphore(%run_scoped3A : memref<!tpu.dma_semaphore, #tpu.memory_space<semaphore_mem>>)
      %dma_wait3A = arith.constant 0 : i32
      %dma_wait3A_28 = tpu.memref_slice %arg13[%mul3A_0, %dma_wait3A] : memref<10008x64xf32, #tpu.memory_space<vmem_shared>> -> memref<625x64xf32, #tpu.memory_space<vmem_shared>>
      tpu.wait_dma2 semaphore(%run_scoped3A : memref<!tpu.dma_semaphore, #tpu.memory_space<semaphore_mem>>) src(%arg6 : memref<625x64xf32, #tpu.memory_space<hbm>>) dst(%dma_wait3A_28 : memref<625x64xf32, #tpu.memory_space<vmem_shared>>)
      tpu.yield
    }) : () -> ()
    "tpu.region"() ({
      %run_scoped3A = tpu.sem_alloc : memref<!tpu.dma_semaphore, #tpu.memory_space<semaphore_mem>>
      %dma_start3A = arith.constant 0 : i32
      %dma_start3A_27 = tpu.memref_slice %arg14[%mul3A_0, %dma_start3A] : memref<10008x16xf32, #tpu.memory_space<vmem_shared>> -> memref<625x16xf32, #tpu.memory_space<vmem_shared>>
      tpu.enqueue_dma source(%arg7 : memref<625x16xf32, #tpu.memory_space<hbm>>) target(%dma_start3A_27 : memref<625x16xf32, #tpu.memory_space<vmem_shared>>) target_semaphore(%run_scoped3A : memref<!tpu.dma_semaphore, #tpu.memory_space<semaphore_mem>>)
      %dma_wait3A = arith.constant 0 : i32
      %dma_wait3A_28 = tpu.memref_slice %arg14[%mul3A_0, %dma_wait3A] : memref<10008x16xf32, #tpu.memory_space<vmem_shared>> -> memref<625x16xf32, #tpu.memory_space<vmem_shared>>
      tpu.wait_dma2 semaphore(%run_scoped3A : memref<!tpu.dma_semaphore, #tpu.memory_space<semaphore_mem>>) src(%arg7 : memref<625x16xf32, #tpu.memory_space<hbm>>) dst(%dma_wait3A_28 : memref<625x16xf32, #tpu.memory_space<vmem_shared>>)
      tpu.yield
    }) : () -> ()
    "tpu.region"() ({
      %run_scoped3A = tpu.sem_alloc : memref<!tpu.dma_semaphore, #tpu.memory_space<semaphore_mem>>
      tpu.enqueue_dma source(%arg8 : memref<128x16xf32, #tpu.memory_space<hbm>>) target(%arg18 : memref<128x16xf32, #tpu.memory_space<vmem>>) target_semaphore(%run_scoped3A : memref<!tpu.dma_semaphore, #tpu.memory_space<semaphore_mem>>)
      tpu.wait_dma2 semaphore(%run_scoped3A : memref<!tpu.dma_semaphore, #tpu.memory_space<semaphore_mem>>) src(%arg8 : memref<128x16xf32, #tpu.memory_space<hbm>>) dst(%arg18 : memref<128x16xf32, #tpu.memory_space<vmem>>)
      tpu.yield
    }) : () -> ()
    %barrier3A = arith.constant 0 : index
    tpu.barrier barrier_id(%barrier3A)
    %mul3A_1 = arith.constant 160 : i32
    %mul3A_2 = arith.muli %arg1, %mul3A_1 : i32
    %add3A = arith.constant 0 : i32
    %add3A_3 = arith.addi %mul3A_2, %add3A : i32
    %lt3A = arith.constant 2500 : i32
    %lt3A_4 = arith.cmpi slt, %add3A_3, %lt3A : i32
    %convert_element_type3A = arith.extui %lt3A_4 : i1 to i32
    %cond3A = arith.constant 0 : i32
    %cond3A_5 = arith.cmpi ne, %convert_element_type3A, %cond3A : i32
    scf.if %cond3A_5 {
      %run_scoped3A = arith.constant 0 : i32
      "tpu.region"() ({
        %run_scoped3A_28 = tpu.sem_alloc : memref<!tpu.dma_semaphore, #tpu.memory_space<semaphore_mem>>
        %dma_start3A = arith.constant 0 : i32
        %dma_start3A_29 = arith.constant 0 : i32
        %dma_start3A_30 = tpu.memref_slice %arg15[%run_scoped3A, %dma_start3A, %dma_start3A_29] : memref<2x4x128xi32, #tpu.memory_space<vmem>> -> memref<1x4x128xi32, #tpu.memory_space<vmem>>
        %dma_start3A_31 = tpu.memref_squeeze %dma_start3A_30 : memref<1x4x128xi32, #tpu.memory_space<vmem>> -> memref<4x128xi32, #tpu.memory_space<vmem>>
        %dma_start3A_32 = arith.constant 0 : i32
        %dma_start3A_33 = tpu.memref_slice %arg4[%add3A_3, %dma_start3A_32] : memref<2500x128xi32, #tpu.memory_space<hbm>> -> memref<4x128xi32, #tpu.memory_space<hbm>>
        %dma_start3A_34 = arith.constant 0 : i32
        %dma_start3A_35 = arith.constant 0 : i32
        %dma_start3A_36 = tpu.memref_slice %arg15[%run_scoped3A, %dma_start3A_34, %dma_start3A_35] : memref<2x4x128xi32, #tpu.memory_space<vmem>> -> memref<1x4x128xi32, #tpu.memory_space<vmem>>
        %dma_start3A_37 = tpu.memref_squeeze %dma_start3A_36 : memref<1x4x128xi32, #tpu.memory_space<vmem>> -> memref<4x128xi32, #tpu.memory_space<vmem>>
        %dma_start3A_38 = arith.constant 0 : i32
        %dma_start3A_39 = tpu.memref_slice %arg4[%add3A_3, %dma_start3A_38] : memref<2500x128xi32, #tpu.memory_space<hbm>> -> memref<4x128xi32, #tpu.memory_space<hbm>>
        tpu.enqueue_dma source(%dma_start3A_39 : memref<4x128xi32, #tpu.memory_space<hbm>>) target(%dma_start3A_37 : memref<4x128xi32, #tpu.memory_space<vmem>>) target_semaphore(%run_scoped3A_28 : memref<!tpu.dma_semaphore, #tpu.memory_space<semaphore_mem>>)
        %dma_wait3A = arith.constant 0 : i32
        %dma_wait3A_40 = arith.constant 0 : i32
        %dma_wait3A_41 = tpu.memref_slice %arg15[%run_scoped3A, %dma_wait3A, %dma_wait3A_40] : memref<2x4x128xi32, #tpu.memory_space<vmem>> -> memref<1x4x128xi32, #tpu.memory_space<vmem>>
        %dma_wait3A_42 = tpu.memref_squeeze %dma_wait3A_41 : memref<1x4x128xi32, #tpu.memory_space<vmem>> -> memref<4x128xi32, #tpu.memory_space<vmem>>
        %dma_wait3A_43 = arith.constant 0 : i32
        %dma_wait3A_44 = tpu.memref_slice %arg4[%add3A_3, %dma_wait3A_43] : memref<2500x128xi32, #tpu.memory_space<hbm>> -> memref<4x128xi32, #tpu.memory_space<hbm>>
        %dma_wait3A_45 = arith.constant 0 : i32
        %dma_wait3A_46 = arith.constant 0 : i32
        %dma_wait3A_47 = tpu.memref_slice %arg15[%run_scoped3A, %dma_wait3A_45, %dma_wait3A_46] : memref<2x4x128xi32, #tpu.memory_space<vmem>> -> memref<1x4x128xi32, #tpu.memory_space<vmem>>
        %dma_wait3A_48 = tpu.memref_squeeze %dma_wait3A_47 : memref<1x4x128xi32, #tpu.memory_space<vmem>> -> memref<4x128xi32, #tpu.memory_space<vmem>>
        %dma_wait3A_49 = arith.constant 0 : i32
        %dma_wait3A_50 = tpu.memref_slice %arg4[%add3A_3, %dma_wait3A_49] : memref<2500x128xi32, #tpu.memory_space<hbm>> -> memref<4x128xi32, #tpu.memory_space<hbm>>
        tpu.wait_dma2 semaphore(%run_scoped3A_28 : memref<!tpu.dma_semaphore, #tpu.memory_space<semaphore_mem>>) src(%dma_wait3A_50 : memref<4x128xi32, #tpu.memory_space<hbm>>) dst(%dma_wait3A_48 : memref<4x128xi32, #tpu.memory_space<vmem>>)
        tpu.yield
      }) : () -> ()
      %run_scoped3A_27 = arith.constant 0 : i32
      "tpu.region"() ({
        %run_scoped3A_28 = tpu.sem_alloc : memref<!tpu.dma_semaphore, #tpu.memory_space<semaphore_mem>>
        %dma_start3A = arith.constant 0 : i32
        %dma_start3A_29 = arith.constant 0 : i32
        %dma_start3A_30 = tpu.memref_slice %arg16[%run_scoped3A_27, %dma_start3A, %dma_start3A_29] : memref<2x4x128xi32, #tpu.memory_space<vmem>> -> memref<1x4x128xi32, #tpu.memory_space<vmem>>
        %dma_start3A_31 = tpu.memref_squeeze %dma_start3A_30 : memref<1x4x128xi32, #tpu.memory_space<vmem>> -> memref<4x128xi32, #tpu.memory_space<vmem>>
        %dma_start3A_32 = arith.constant 0 : i32
        %dma_start3A_33 = tpu.memref_slice %arg5[%add3A_3, %dma_start3A_32] : memref<2500x128xi32, #tpu.memory_space<hbm>> -> memref<4x128xi32, #tpu.memory_space<hbm>>
        %dma_start3A_34 = arith.constant 0 : i32
        %dma_start3A_35 = arith.constant 0 : i32
        %dma_start3A_36 = tpu.memref_slice %arg16[%run_scoped3A_27, %dma_start3A_34, %dma_start3A_35] : memref<2x4x128xi32, #tpu.memory_space<vmem>> -> memref<1x4x128xi32, #tpu.memory_space<vmem>>
        %dma_start3A_37 = tpu.memref_squeeze %dma_start3A_36 : memref<1x4x128xi32, #tpu.memory_space<vmem>> -> memref<4x128xi32, #tpu.memory_space<vmem>>
        %dma_start3A_38 = arith.constant 0 : i32
        %dma_start3A_39 = tpu.memref_slice %arg5[%add3A_3, %dma_start3A_38] : memref<2500x128xi32, #tpu.memory_space<hbm>> -> memref<4x128xi32, #tpu.memory_space<hbm>>
        tpu.enqueue_dma source(%dma_start3A_39 : memref<4x128xi32, #tpu.memory_space<hbm>>) target(%dma_start3A_37 : memref<4x128xi32, #tpu.memory_space<vmem>>) target_semaphore(%run_scoped3A_28 : memref<!tpu.dma_semaphore, #tpu.memory_space<semaphore_mem>>)
        %dma_wait3A = arith.constant 0 : i32
        %dma_wait3A_40 = arith.constant 0 : i32
        %dma_wait3A_41 = tpu.memref_slice %arg16[%run_scoped3A_27, %dma_wait3A, %dma_wait3A_40] : memref<2x4x128xi32, #tpu.memory_space<vmem>> -> memref<1x4x128xi32, #tpu.memory_space<vmem>>
        %dma_wait3A_42 = tpu.memref_squeeze %dma_wait3A_41 : memref<1x4x128xi32, #tpu.memory_space<vmem>> -> memref<4x128xi32, #tpu.memory_space<vmem>>
        %dma_wait3A_43 = arith.constant 0 : i32
        %dma_wait3A_44 = tpu.memref_slice %arg5[%add3A_3, %dma_wait3A_43] : memref<2500x128xi32, #tpu.memory_space<hbm>> -> memref<4x128xi32, #tpu.memory_space<hbm>>
        %dma_wait3A_45 = arith.constant 0 : i32
        %dma_wait3A_46 = arith.constant 0 : i32
        %dma_wait3A_47 = tpu.memref_slice %arg16[%run_scoped3A_27, %dma_wait3A_45, %dma_wait3A_46] : memref<2x4x128xi32, #tpu.memory_space<vmem>> -> memref<1x4x128xi32, #tpu.memory_space<vmem>>
        %dma_wait3A_48 = tpu.memref_squeeze %dma_wait3A_47 : memref<1x4x128xi32, #tpu.memory_space<vmem>> -> memref<4x128xi32, #tpu.memory_space<vmem>>
        %dma_wait3A_49 = arith.constant 0 : i32
        %dma_wait3A_50 = tpu.memref_slice %arg5[%add3A_3, %dma_wait3A_49] : memref<2500x128xi32, #tpu.memory_space<hbm>> -> memref<4x128xi32, #tpu.memory_space<hbm>>
        tpu.wait_dma2 semaphore(%run_scoped3A_28 : memref<!tpu.dma_semaphore, #tpu.memory_space<semaphore_mem>>) src(%dma_wait3A_50 : memref<4x128xi32, #tpu.memory_space<hbm>>) dst(%dma_wait3A_48 : memref<4x128xi32, #tpu.memory_space<vmem>>)
        tpu.yield
      }) : () -> ()
    } else {
    }
    %add3A_6 = arith.constant 0 : i32
    %add3A_7 = arith.addi %mul3A_2, %add3A_6 : i32
    %lt3A_8 = arith.constant 2500 : i32
    %lt3A_9 = arith.cmpi slt, %add3A_7, %lt3A_8 : i32
    %convert_element_type3A_10 = arith.extui %lt3A_9 : i1 to i32
    %cond3A_11 = arith.constant 0 : i32
    %cond3A_12 = arith.cmpi ne, %convert_element_type3A_10, %cond3A_11 : i32
    scf.if %cond3A_12 {
      %eq3A_27 = arith.constant 0 : i32
      %eq3A_28 = arith.cmpi eq, %arg0, %eq3A_27 : i32
      %convert_element_type3A_29 = arith.extui %eq3A_28 : i1 to i32
      %cond3A_30 = arith.constant 0 : i32
      %cond3A_31 = arith.cmpi ne, %convert_element_type3A_29, %cond3A_30 : i32
      scf.if %cond3A_31 {
        %dma_start3A = arith.constant 0 : i32
        %dma_start3A_67 = arith.constant 0 : i32
        %dma_start3A_68 = arith.constant 0 : i32
        %dma_start3A_69 = arith.constant 0 : i32
        %dma_start3A_70 = arith.constant 0 : i32
        %dma_start3A_71 = arith.constant 0 : i32
        %dma_start3A_72 = tpu.memref_slice %arg17[%dma_start3A_68, %dma_start3A_69, %dma_start3A_70, %dma_start3A_71] : memref<2x4x128x64xf32, #tpu.memory_space<vmem>> -> memref<1x1x128x64xf32, #tpu.memory_space<vmem>>
        %dma_start3A_73 = tpu.memref_squeeze %dma_start3A_72 : memref<1x1x128x64xf32, #tpu.memory_space<vmem>> -> memref<128x64xf32, #tpu.memory_space<vmem>>
        %dma_start3A_74 = arith.constant 0 : i32
        %dma_start3A_75 = tpu.memref_slice %arg15[%dma_start3A, %dma_start3A_67, %dma_start3A_74] : memref<2x4x128xi32, #tpu.memory_space<vmem>> -> memref<1x1x128xi32, #tpu.memory_space<vmem>>
        %dma_start3A_76 = tpu.memref_squeeze %dma_start3A_75 : memref<1x1x128xi32, #tpu.memory_space<vmem>> -> memref<128xi32, #tpu.memory_space<vmem>>
        %dma_start3A_77 = arith.constant 0 : i32
        %dma_start3A_78 = arith.constant 0 : i32
        %dma_start3A_79 = tpu.memref_slice %arg2[%dma_start3A_77, %dma_start3A_78] : memref<10000x64xf32, #tpu.memory_space<hbm>> -> memref<10000x64xf32, #tpu.memory_space<hbm>>
        tpu.enqueue_indirect_dma source(%dma_start3A_79 : memref<10000x64xf32, #tpu.memory_space<hbm>>) target(%dma_start3A_73 : memref<128x64xf32, #tpu.memory_space<vmem>>) offsets(%dma_start3A_76 : memref<128xi32, #tpu.memory_space<vmem>>) semaphore(%arg19 : memref<!tpu.dma_semaphore, #tpu.memory_space<semaphore_mem>>)
      } else {
      }
      %eq3A_32 = arith.constant 1 : i32
      %eq3A_33 = arith.cmpi eq, %arg0, %eq3A_32 : i32
      %convert_element_type3A_34 = arith.extui %eq3A_33 : i1 to i32
      %cond3A_35 = arith.constant 0 : i32
      %cond3A_36 = arith.cmpi ne, %convert_element_type3A_34, %cond3A_35 : i32
      scf.if %cond3A_36 {
        %dma_start3A = arith.constant 0 : i32
        %dma_start3A_67 = arith.constant 0 : i32
        %dma_start3A_68 = arith.constant 0 : i32
        %dma_start3A_69 = arith.constant 0 : i32
        %dma_start3A_70 = arith.constant 0 : i32
        %dma_start3A_71 = arith.constant 0 : i32
        %dma_start3A_72 = tpu.memref_slice %arg17[%dma_start3A_68, %dma_start3A_69, %dma_start3A_70, %dma_start3A_71] : memref<2x4x128x64xf32, #tpu.memory_space<vmem>> -> memref<1x1x128x64xf32, #tpu.memory_space<vmem>>
        %dma_start3A_73 = tpu.memref_squeeze %dma_start3A_72 : memref<1x1x128x64xf32, #tpu.memory_space<vmem>> -> memref<128x64xf32, #tpu.memory_space<vmem>>
        %dma_start3A_74 = arith.constant 0 : i32
        %dma_start3A_75 = tpu.memref_slice %arg15[%dma_start3A, %dma_start3A_67, %dma_start3A_74] : memref<2x4x128xi32, #tpu.memory_space<vmem>> -> memref<1x1x128xi32, #tpu.memory_space<vmem>>
        %dma_start3A_76 = tpu.memref_squeeze %dma_start3A_75 : memref<1x1x128xi32, #tpu.memory_space<vmem>> -> memref<128xi32, #tpu.memory_space<vmem>>
        %dma_start3A_77 = arith.constant 0 : i32
        %dma_start3A_78 = arith.constant 0 : i32
        %dma_start3A_79 = tpu.memref_slice %arg3[%dma_start3A_77, %dma_start3A_78] : memref<10000x64xf32, #tpu.memory_space<hbm>> -> memref<10000x64xf32, #tpu.memory_space<hbm>>
        tpu.enqueue_indirect_dma source(%dma_start3A_79 : memref<10000x64xf32, #tpu.memory_space<hbm>>) target(%dma_start3A_73 : memref<128x64xf32, #tpu.memory_space<vmem>>) offsets(%dma_start3A_76 : memref<128xi32, #tpu.memory_space<vmem>>) semaphore(%arg19 : memref<!tpu.dma_semaphore, #tpu.memory_space<semaphore_mem>>)
      } else {
      }
      %eq3A_37 = arith.constant 0 : i32
      %eq3A_38 = arith.cmpi eq, %arg0, %eq3A_37 : i32
      %convert_element_type3A_39 = arith.extui %eq3A_38 : i1 to i32
      %cond3A_40 = arith.constant 0 : i32
      %cond3A_41 = arith.cmpi ne, %convert_element_type3A_39, %cond3A_40 : i32
      scf.if %cond3A_41 {
        %dma_start3A = arith.constant 0 : i32
        %dma_start3A_67 = arith.constant 1 : i32
        %dma_start3A_68 = arith.constant 0 : i32
        %dma_start3A_69 = arith.constant 1 : i32
        %dma_start3A_70 = arith.constant 0 : i32
        %dma_start3A_71 = arith.constant 0 : i32
        %dma_start3A_72 = tpu.memref_slice %arg17[%dma_start3A_68, %dma_start3A_69, %dma_start3A_70, %dma_start3A_71] : memref<2x4x128x64xf32, #tpu.memory_space<vmem>> -> memref<1x1x128x64xf32, #tpu.memory_space<vmem>>
        %dma_start3A_73 = tpu.memref_squeeze %dma_start3A_72 : memref<1x1x128x64xf32, #tpu.memory_space<vmem>> -> memref<128x64xf32, #tpu.memory_space<vmem>>
        %dma_start3A_74 = arith.constant 0 : i32
        %dma_start3A_75 = tpu.memref_slice %arg15[%dma_start3A, %dma_start3A_67, %dma_start3A_74] : memref<2x4x128xi32, #tpu.memory_space<vmem>> -> memref<1x1x128xi32, #tpu.memory_space<vmem>>
        %dma_start3A_76 = tpu.memref_squeeze %dma_start3A_75 : memref<1x1x128xi32, #tpu.memory_space<vmem>> -> memref<128xi32, #tpu.memory_space<vmem>>
        %dma_start3A_77 = arith.constant 0 : i32
        %dma_start3A_78 = arith.constant 0 : i32
        %dma_start3A_79 = tpu.memref_slice %arg2[%dma_start3A_77, %dma_start3A_78] : memref<10000x64xf32, #tpu.memory_space<hbm>> -> memref<10000x64xf32, #tpu.memory_space<hbm>>
        tpu.enqueue_indirect_dma source(%dma_start3A_79 : memref<10000x64xf32, #tpu.memory_space<hbm>>) target(%dma_start3A_73 : memref<128x64xf32, #tpu.memory_space<vmem>>) offsets(%dma_start3A_76 : memref<128xi32, #tpu.memory_space<vmem>>) semaphore(%arg19 : memref<!tpu.dma_semaphore, #tpu.memory_space<semaphore_mem>>)
      } else {
      }
      %eq3A_42 = arith.constant 1 : i32
      %eq3A_43 = arith.cmpi eq, %arg0, %eq3A_42 : i32
      %convert_element_type3A_44 = arith.extui %eq3A_43 : i1 to i32
      %cond3A_45 = arith.constant 0 : i32
      %cond3A_46 = arith.cmpi ne, %convert_element_type3A_44, %cond3A_45 : i32
      scf.if %cond3A_46 {
        %dma_start3A = arith.constant 0 : i32
        %dma_start3A_67 = arith.constant 1 : i32
        %dma_start3A_68 = arith.constant 0 : i32
        %dma_start3A_69 = arith.constant 1 : i32
        %dma_start3A_70 = arith.constant 0 : i32
        %dma_start3A_71 = arith.constant 0 : i32
        %dma_start3A_72 = tpu.memref_slice %arg17[%dma_start3A_68, %dma_start3A_69, %dma_start3A_70, %dma_start3A_71] : memref<2x4x128x64xf32, #tpu.memory_space<vmem>> -> memref<1x1x128x64xf32, #tpu.memory_space<vmem>>
        %dma_start3A_73 = tpu.memref_squeeze %dma_start3A_72 : memref<1x1x128x64xf32, #tpu.memory_space<vmem>> -> memref<128x64xf32, #tpu.memory_space<vmem>>
        %dma_start3A_74 = arith.constant 0 : i32
        %dma_start3A_75 = tpu.memref_slice %arg15[%dma_start3A, %dma_start3A_67, %dma_start3A_74] : memref<2x4x128xi32, #tpu.memory_space<vmem>> -> memref<1x1x128xi32, #tpu.memory_space<vmem>>
        %dma_start3A_76 = tpu.memref_squeeze %dma_start3A_75 : memref<1x1x128xi32, #tpu.memory_space<vmem>> -> memref<128xi32, #tpu.memory_space<vmem>>
        %dma_start3A_77 = arith.constant 0 : i32
        %dma_start3A_78 = arith.constant 0 : i32
        %dma_start3A_79 = tpu.memref_slice %arg3[%dma_start3A_77, %dma_start3A_78] : memref<10000x64xf32, #tpu.memory_space<hbm>> -> memref<10000x64xf32, #tpu.memory_space<hbm>>
        tpu.enqueue_indirect_dma source(%dma_start3A_79 : memref<10000x64xf32, #tpu.memory_space<hbm>>) target(%dma_start3A_73 : memref<128x64xf32, #tpu.memory_space<vmem>>) offsets(%dma_start3A_76 : memref<128xi32, #tpu.memory_space<vmem>>) semaphore(%arg19 : memref<!tpu.dma_semaphore, #tpu.memory_space<semaphore_mem>>)
      } else {
      }
      %eq3A_47 = arith.constant 0 : i32
      %eq3A_48 = arith.cmpi eq, %arg0, %eq3A_47 : i32
      %convert_element_type3A_49 = arith.extui %eq3A_48 : i1 to i32
      %cond3A_50 = arith.constant 0 : i32
      %cond3A_51 = arith.cmpi ne, %convert_element_type3A_49, %cond3A_50 : i32
      scf.if %cond3A_51 {
        %dma_start3A = arith.constant 0 : i32
        %dma_start3A_67 = arith.constant 2 : i32
        %dma_start3A_68 = arith.constant 0 : i32
        %dma_start3A_69 = arith.constant 2 : i32
        %dma_start3A_70 = arith.constant 0 : i32
        %dma_start3A_71 = arith.constant 0 : i32
        %dma_start3A_72 = tpu.memref_slice %arg17[%dma_start3A_68, %dma_start3A_69, %dma_start3A_70, %dma_start3A_71] : memref<2x4x128x64xf32, #tpu.memory_space<vmem>> -> memref<1x1x128x64xf32, #tpu.memory_space<vmem>>
        %dma_start3A_73 = tpu.memref_squeeze %dma_start3A_72 : memref<1x1x128x64xf32, #tpu.memory_space<vmem>> -> memref<128x64xf32, #tpu.memory_space<vmem>>
        %dma_start3A_74 = arith.constant 0 : i32
        %dma_start3A_75 = tpu.memref_slice %arg15[%dma_start3A, %dma_start3A_67, %dma_start3A_74] : memref<2x4x128xi32, #tpu.memory_space<vmem>> -> memref<1x1x128xi32, #tpu.memory_space<vmem>>
        %dma_start3A_76 = tpu.memref_squeeze %dma_start3A_75 : memref<1x1x128xi32, #tpu.memory_space<vmem>> -> memref<128xi32, #tpu.memory_space<vmem>>
        %dma_start3A_77 = arith.constant 0 : i32
        %dma_start3A_78 = arith.constant 0 : i32
        %dma_start3A_79 = tpu.memref_slice %arg2[%dma_start3A_77, %dma_start3A_78] : memref<10000x64xf32, #tpu.memory_space<hbm>> -> memref<10000x64xf32, #tpu.memory_space<hbm>>
        tpu.enqueue_indirect_dma source(%dma_start3A_79 : memref<10000x64xf32, #tpu.memory_space<hbm>>) target(%dma_start3A_73 : memref<128x64xf32, #tpu.memory_space<vmem>>) offsets(%dma_start3A_76 : memref<128xi32, #tpu.memory_space<vmem>>) semaphore(%arg19 : memref<!tpu.dma_semaphore, #tpu.memory_space<semaphore_mem>>)
      } else {
      }
      %eq3A_52 = arith.constant 1 : i32
      %eq3A_53 = arith.cmpi eq, %arg0, %eq3A_52 : i32
      %convert_element_type3A_54 = arith.extui %eq3A_53 : i1 to i32
      %cond3A_55 = arith.constant 0 : i32
      %cond3A_56 = arith.cmpi ne, %convert_element_type3A_54, %cond3A_55 : i32
      scf.if %cond3A_56 {
        %dma_start3A = arith.constant 0 : i32
        %dma_start3A_67 = arith.constant 2 : i32
        %dma_start3A_68 = arith.constant 0 : i32
        %dma_start3A_69 = arith.constant 2 : i32
        %dma_start3A_70 = arith.constant 0 : i32
        %dma_start3A_71 = arith.constant 0 : i32
        %dma_start3A_72 = tpu.memref_slice %arg17[%dma_start3A_68, %dma_start3A_69, %dma_start3A_70, %dma_start3A_71] : memref<2x4x128x64xf32, #tpu.memory_space<vmem>> -> memref<1x1x128x64xf32, #tpu.memory_space<vmem>>
        %dma_start3A_73 = tpu.memref_squeeze %dma_start3A_72 : memref<1x1x128x64xf32, #tpu.memory_space<vmem>> -> memref<128x64xf32, #tpu.memory_space<vmem>>
        %dma_start3A_74 = arith.constant 0 : i32
        %dma_start3A_75 = tpu.memref_slice %arg15[%dma_start3A, %dma_start3A_67, %dma_start3A_74] : memref<2x4x128xi32, #tpu.memory_space<vmem>> -> memref<1x1x128xi32, #tpu.memory_space<vmem>>
        %dma_start3A_76 = tpu.memref_squeeze %dma_start3A_75 : memref<1x1x128xi32, #tpu.memory_space<vmem>> -> memref<128xi32, #tpu.memory_space<vmem>>
        %dma_start3A_77 = arith.constant 0 : i32
        %dma_start3A_78 = arith.constant 0 : i32
        %dma_start3A_79 = tpu.memref_slice %arg3[%dma_start3A_77, %dma_start3A_78] : memref<10000x64xf32, #tpu.memory_space<hbm>> -> memref<10000x64xf32, #tpu.memory_space<hbm>>
        tpu.enqueue_indirect_dma source(%dma_start3A_79 : memref<10000x64xf32, #tpu.memory_space<hbm>>) target(%dma_start3A_73 : memref<128x64xf32, #tpu.memory_space<vmem>>) offsets(%dma_start3A_76 : memref<128xi32, #tpu.memory_space<vmem>>) semaphore(%arg19 : memref<!tpu.dma_semaphore, #tpu.memory_space<semaphore_mem>>)
      } else {
      }
      %eq3A_57 = arith.constant 0 : i32
      %eq3A_58 = arith.cmpi eq, %arg0, %eq3A_57 : i32
      %convert_element_type3A_59 = arith.extui %eq3A_58 : i1 to i32
      %cond3A_60 = arith.constant 0 : i32
      %cond3A_61 = arith.cmpi ne, %convert_element_type3A_59, %cond3A_60 : i32
      scf.if %cond3A_61 {
        %dma_start3A = arith.constant 0 : i32
        %dma_start3A_67 = arith.constant 3 : i32
        %dma_start3A_68 = arith.constant 0 : i32
        %dma_start3A_69 = arith.constant 3 : i32
        %dma_start3A_70 = arith.constant 0 : i32
        %dma_start3A_71 = arith.constant 0 : i32
        %dma_start3A_72 = tpu.memref_slice %arg17[%dma_start3A_68, %dma_start3A_69, %dma_start3A_70, %dma_start3A_71] : memref<2x4x128x64xf32, #tpu.memory_space<vmem>> -> memref<1x1x128x64xf32, #tpu.memory_space<vmem>>
        %dma_start3A_73 = tpu.memref_squeeze %dma_start3A_72 : memref<1x1x128x64xf32, #tpu.memory_space<vmem>> -> memref<128x64xf32, #tpu.memory_space<vmem>>
        %dma_start3A_74 = arith.constant 0 : i32
        %dma_start3A_75 = tpu.memref_slice %arg15[%dma_start3A, %dma_start3A_67, %dma_start3A_74] : memref<2x4x128xi32, #tpu.memory_space<vmem>> -> memref<1x1x128xi32, #tpu.memory_space<vmem>>
        %dma_start3A_76 = tpu.memref_squeeze %dma_start3A_75 : memref<1x1x128xi32, #tpu.memory_space<vmem>> -> memref<128xi32, #tpu.memory_space<vmem>>
        %dma_start3A_77 = arith.constant 0 : i32
        %dma_start3A_78 = arith.constant 0 : i32
        %dma_start3A_79 = tpu.memref_slice %arg2[%dma_start3A_77, %dma_start3A_78] : memref<10000x64xf32, #tpu.memory_space<hbm>> -> memref<10000x64xf32, #tpu.memory_space<hbm>>
        tpu.enqueue_indirect_dma source(%dma_start3A_79 : memref<10000x64xf32, #tpu.memory_space<hbm>>) target(%dma_start3A_73 : memref<128x64xf32, #tpu.memory_space<vmem>>) offsets(%dma_start3A_76 : memref<128xi32, #tpu.memory_space<vmem>>) semaphore(%arg19 : memref<!tpu.dma_semaphore, #tpu.memory_space<semaphore_mem>>)
      } else {
      }
      %eq3A_62 = arith.constant 1 : i32
      %eq3A_63 = arith.cmpi eq, %arg0, %eq3A_62 : i32
      %convert_element_type3A_64 = arith.extui %eq3A_63 : i1 to i32
      %cond3A_65 = arith.constant 0 : i32
      %cond3A_66 = arith.cmpi ne, %convert_element_type3A_64, %cond3A_65 : i32
      scf.if %cond3A_66 {
        %dma_start3A = arith.constant 0 : i32
        %dma_start3A_67 = arith.constant 3 : i32
        %dma_start3A_68 = arith.constant 0 : i32
        %dma_start3A_69 = arith.constant 3 : i32
        %dma_start3A_70 = arith.constant 0 : i32
        %dma_start3A_71 = arith.constant 0 : i32
        %dma_start3A_72 = tpu.memref_slice %arg17[%dma_start3A_68, %dma_start3A_69, %dma_start3A_70, %dma_start3A_71] : memref<2x4x128x64xf32, #tpu.memory_space<vmem>> -> memref<1x1x128x64xf32, #tpu.memory_space<vmem>>
        %dma_start3A_73 = tpu.memref_squeeze %dma_start3A_72 : memref<1x1x128x64xf32, #tpu.memory_space<vmem>> -> memref<128x64xf32, #tpu.memory_space<vmem>>
        %dma_start3A_74 = arith.constant 0 : i32
        %dma_start3A_75 = tpu.memref_slice %arg15[%dma_start3A, %dma_start3A_67, %dma_start3A_74] : memref<2x4x128xi32, #tpu.memory_space<vmem>> -> memref<1x1x128xi32, #tpu.memory_space<vmem>>
        %dma_start3A_76 = tpu.memref_squeeze %dma_start3A_75 : memref<1x1x128xi32, #tpu.memory_space<vmem>> -> memref<128xi32, #tpu.memory_space<vmem>>
        %dma_start3A_77 = arith.constant 0 : i32
        %dma_start3A_78 = arith.constant 0 : i32
        %dma_start3A_79 = tpu.memref_slice %arg3[%dma_start3A_77, %dma_start3A_78] : memref<10000x64xf32, #tpu.memory_space<hbm>> -> memref<10000x64xf32, #tpu.memory_space<hbm>>
        tpu.enqueue_indirect_dma source(%dma_start3A_79 : memref<10000x64xf32, #tpu.memory_space<hbm>>) target(%dma_start3A_73 : memref<128x64xf32, #tpu.memory_space<vmem>>) offsets(%dma_start3A_76 : memref<128xi32, #tpu.memory_space<vmem>>) semaphore(%arg19 : memref<!tpu.dma_semaphore, #tpu.memory_space<semaphore_mem>>)
      } else {
      }
    } else {
    }
    %scan3A = arith.constant 0 : i32
    %scan3A_13 = arith.constant 20 : i32
    %scan3A_14 = arith.addi %scan3A, %scan3A_13 : i32
    %scan3A_15 = arith.constant 1 : i32
    scf.for %scan3A_27 = %scan3A to %scan3A_14 step %scan3A_15  : i32 {
      %mul3A_28 = arith.constant 2 : i32
      %mul3A_29 = arith.muli %scan3A_27, %mul3A_28 : i32
      %add3A_30 = arith.constant 0 : i32
      %add3A_31 = arith.addi %add3A_30, %mul3A_29 : i32
      %add3A_32 = arith.constant 1 : i32
      %add3A_33 = arith.addi %add3A_31, %add3A_32 : i32
      %mul3A_34 = arith.constant 4 : i32
      %mul3A_35 = arith.muli %add3A_33, %mul3A_34 : i32
      %add3A_36 = arith.addi %mul3A_2, %mul3A_35 : i32
      %lt3A_37 = arith.constant 2500 : i32
      %lt3A_38 = arith.cmpi slt, %add3A_36, %lt3A_37 : i32
      %convert_element_type3A_39 = arith.extui %lt3A_38 : i1 to i32
      %cond3A_40 = arith.constant 0 : i32
      %cond3A_41 = arith.cmpi ne, %convert_element_type3A_39, %cond3A_40 : i32
      scf.if %cond3A_41 {
        %run_scoped3A = arith.constant 1 : i32
        "tpu.region"() ({
          %run_scoped3A_117 = tpu.sem_alloc : memref<!tpu.dma_semaphore, #tpu.memory_space<semaphore_mem>>
          %dma_start3A = arith.constant 0 : i32
          %dma_start3A_118 = arith.constant 0 : i32
          %dma_start3A_119 = tpu.memref_slice %arg15[%run_scoped3A, %dma_start3A, %dma_start3A_118] : memref<2x4x128xi32, #tpu.memory_space<vmem>> -> memref<1x4x128xi32, #tpu.memory_space<vmem>>
          %dma_start3A_120 = tpu.memref_squeeze %dma_start3A_119 : memref<1x4x128xi32, #tpu.memory_space<vmem>> -> memref<4x128xi32, #tpu.memory_space<vmem>>
          %dma_start3A_121 = arith.constant 0 : i32
          %dma_start3A_122 = tpu.memref_slice %arg4[%add3A_36, %dma_start3A_121] : memref<2500x128xi32, #tpu.memory_space<hbm>> -> memref<4x128xi32, #tpu.memory_space<hbm>>
          %dma_start3A_123 = arith.constant 0 : i32
          %dma_start3A_124 = arith.constant 0 : i32
          %dma_start3A_125 = tpu.memref_slice %arg15[%run_scoped3A, %dma_start3A_123, %dma_start3A_124] : memref<2x4x128xi32, #tpu.memory_space<vmem>> -> memref<1x4x128xi32, #tpu.memory_space<vmem>>
          %dma_start3A_126 = tpu.memref_squeeze %dma_start3A_125 : memref<1x4x128xi32, #tpu.memory_space<vmem>> -> memref<4x128xi32, #tpu.memory_space<vmem>>
          %dma_start3A_127 = arith.constant 0 : i32
          %dma_start3A_128 = tpu.memref_slice %arg4[%add3A_36, %dma_start3A_127] : memref<2500x128xi32, #tpu.memory_space<hbm>> -> memref<4x128xi32, #tpu.memory_space<hbm>>
          tpu.enqueue_dma source(%dma_start3A_128 : memref<4x128xi32, #tpu.memory_space<hbm>>) target(%dma_start3A_126 : memref<4x128xi32, #tpu.memory_space<vmem>>) target_semaphore(%run_scoped3A_117 : memref<!tpu.dma_semaphore, #tpu.memory_space<semaphore_mem>>)
          %dma_wait3A = arith.constant 0 : i32
          %dma_wait3A_129 = arith.constant 0 : i32
          %dma_wait3A_130 = tpu.memref_slice %arg15[%run_scoped3A, %dma_wait3A, %dma_wait3A_129] : memref<2x4x128xi32, #tpu.memory_space<vmem>> -> memref<1x4x128xi32, #tpu.memory_space<vmem>>
          %dma_wait3A_131 = tpu.memref_squeeze %dma_wait3A_130 : memref<1x4x128xi32, #tpu.memory_space<vmem>> -> memref<4x128xi32, #tpu.memory_space<vmem>>
          %dma_wait3A_132 = arith.constant 0 : i32
          %dma_wait3A_133 = tpu.memref_slice %arg4[%add3A_36, %dma_wait3A_132] : memref<2500x128xi32, #tpu.memory_space<hbm>> -> memref<4x128xi32, #tpu.memory_space<hbm>>
          %dma_wait3A_134 = arith.constant 0 : i32
          %dma_wait3A_135 = arith.constant 0 : i32
          %dma_wait3A_136 = tpu.memref_slice %arg15[%run_scoped3A, %dma_wait3A_134, %dma_wait3A_135] : memref<2x4x128xi32, #tpu.memory_space<vmem>> -> memref<1x4x128xi32, #tpu.memory_space<vmem>>
          %dma_wait3A_137 = tpu.memref_squeeze %dma_wait3A_136 : memref<1x4x128xi32, #tpu.memory_space<vmem>> -> memref<4x128xi32, #tpu.memory_space<vmem>>
          %dma_wait3A_138 = arith.constant 0 : i32
          %dma_wait3A_139 = tpu.memref_slice %arg4[%add3A_36, %dma_wait3A_138] : memref<2500x128xi32, #tpu.memory_space<hbm>> -> memref<4x128xi32, #tpu.memory_space<hbm>>
          tpu.wait_dma2 semaphore(%run_scoped3A_117 : memref<!tpu.dma_semaphore, #tpu.memory_space<semaphore_mem>>) src(%dma_wait3A_139 : memref<4x128xi32, #tpu.memory_space<hbm>>) dst(%dma_wait3A_137 : memref<4x128xi32, #tpu.memory_space<vmem>>)
          tpu.yield
        }) : () -> ()
        %run_scoped3A_116 = arith.constant 1 : i32
        "tpu.region"() ({
          %run_scoped3A_117 = tpu.sem_alloc : memref<!tpu.dma_semaphore, #tpu.memory_space<semaphore_mem>>
          %dma_start3A = arith.constant 0 : i32
          %dma_start3A_118 = arith.constant 0 : i32
          %dma_start3A_119 = tpu.memref_slice %arg16[%run_scoped3A_116, %dma_start3A, %dma_start3A_118] : memref<2x4x128xi32, #tpu.memory_space<vmem>> -> memref<1x4x128xi32, #tpu.memory_space<vmem>>
          %dma_start3A_120 = tpu.memref_squeeze %dma_start3A_119 : memref<1x4x128xi32, #tpu.memory_space<vmem>> -> memref<4x128xi32, #tpu.memory_space<vmem>>
          %dma_start3A_121 = arith.constant 0 : i32
          %dma_start3A_122 = tpu.memref_slice %arg5[%add3A_36, %dma_start3A_121] : memref<2500x128xi32, #tpu.memory_space<hbm>> -> memref<4x128xi32, #tpu.memory_space<hbm>>
          %dma_start3A_123 = arith.constant 0 : i32
          %dma_start3A_124 = arith.constant 0 : i32
          %dma_start3A_125 = tpu.memref_slice %arg16[%run_scoped3A_116, %dma_start3A_123, %dma_start3A_124] : memref<2x4x128xi32, #tpu.memory_space<vmem>> -> memref<1x4x128xi32, #tpu.memory_space<vmem>>
          %dma_start3A_126 = tpu.memref_squeeze %dma_start3A_125 : memref<1x4x128xi32, #tpu.memory_space<vmem>> -> memref<4x128xi32, #tpu.memory_space<vmem>>
          %dma_start3A_127 = arith.constant 0 : i32
          %dma_start3A_128 = tpu.memref_slice %arg5[%add3A_36, %dma_start3A_127] : memref<2500x128xi32, #tpu.memory_space<hbm>> -> memref<4x128xi32, #tpu.memory_space<hbm>>
          tpu.enqueue_dma source(%dma_start3A_128 : memref<4x128xi32, #tpu.memory_space<hbm>>) target(%dma_start3A_126 : memref<4x128xi32, #tpu.memory_space<vmem>>) target_semaphore(%run_scoped3A_117 : memref<!tpu.dma_semaphore, #tpu.memory_space<semaphore_mem>>)
          %dma_wait3A = arith.constant 0 : i32
          %dma_wait3A_129 = arith.constant 0 : i32
          %dma_wait3A_130 = tpu.memref_slice %arg16[%run_scoped3A_116, %dma_wait3A, %dma_wait3A_129] : memref<2x4x128xi32, #tpu.memory_space<vmem>> -> memref<1x4x128xi32, #tpu.memory_space<vmem>>
          %dma_wait3A_131 = tpu.memref_squeeze %dma_wait3A_130 : memref<1x4x128xi32, #tpu.memory_space<vmem>> -> memref<4x128xi32, #tpu.memory_space<vmem>>
          %dma_wait3A_132 = arith.constant 0 : i32
          %dma_wait3A_133 = tpu.memref_slice %arg5[%add3A_36, %dma_wait3A_132] : memref<2500x128xi32, #tpu.memory_space<hbm>> -> memref<4x128xi32, #tpu.memory_space<hbm>>
          %dma_wait3A_134 = arith.constant 0 : i32
          %dma_wait3A_135 = arith.constant 0 : i32
          %dma_wait3A_136 = tpu.memref_slice %arg16[%run_scoped3A_116, %dma_wait3A_134, %dma_wait3A_135] : memref<2x4x128xi32, #tpu.memory_space<vmem>> -> memref<1x4x128xi32, #tpu.memory_space<vmem>>
          %dma_wait3A_137 = tpu.memref_squeeze %dma_wait3A_136 : memref<1x4x128xi32, #tpu.memory_space<vmem>> -> memref<4x128xi32, #tpu.memory_space<vmem>>
          %dma_wait3A_138 = arith.constant 0 : i32
          %dma_wait3A_139 = tpu.memref_slice %arg5[%add3A_36, %dma_wait3A_138] : memref<2500x128xi32, #tpu.memory_space<hbm>> -> memref<4x128xi32, #tpu.memory_space<hbm>>
          tpu.wait_dma2 semaphore(%run_scoped3A_117 : memref<!tpu.dma_semaphore, #tpu.memory_space<semaphore_mem>>) src(%dma_wait3A_139 : memref<4x128xi32, #tpu.memory_space<hbm>>) dst(%dma_wait3A_137 : memref<4x128xi32, #tpu.memory_space<vmem>>)
          tpu.yield
        }) : () -> ()
      } else {
      }
      %mul3A_42 = arith.constant 4 : i32
      %mul3A_43 = arith.muli %add3A_31, %mul3A_42 : i32
      %add3A_44 = arith.addi %mul3A_2, %mul3A_43 : i32
      %lt3A_45 = arith.constant 2500 : i32
      %lt3A_46 = arith.cmpi slt, %add3A_44, %lt3A_45 : i32
      %convert_element_type3A_47 = arith.extui %lt3A_46 : i1 to i32
      %cond3A_48 = arith.constant 0 : i32
      %cond3A_49 = arith.cmpi ne, %convert_element_type3A_47, %cond3A_48 : i32
      scf.if %cond3A_49 {
        %dma_wait3A = arith.constant 0 : i32
        %dma_wait3A_116 = arith.constant 0 : i32
        %dma_wait3A_117 = arith.constant 0 : i32
        %dma_wait3A_118 = arith.constant 0 : i32
        %dma_wait3A_119 = arith.constant 0 : i32
        %dma_wait3A_120 = arith.constant 0 : i32
        %dma_wait3A_121 = tpu.memref_slice %arg17[%dma_wait3A_117, %dma_wait3A_118, %dma_wait3A_119, %dma_wait3A_120] : memref<2x4x128x64xf32, #tpu.memory_space<vmem>> -> memref<1x1x128x64xf32, #tpu.memory_space<vmem>>
        %dma_wait3A_122 = tpu.memref_squeeze %dma_wait3A_121 : memref<1x1x128x64xf32, #tpu.memory_space<vmem>> -> memref<128x64xf32, #tpu.memory_space<vmem>>
        %dma_wait3A_123 = arith.constant 0 : i32
        %dma_wait3A_124 = tpu.memref_slice %arg15[%dma_wait3A, %dma_wait3A_116, %dma_wait3A_123] : memref<2x4x128xi32, #tpu.memory_space<vmem>> -> memref<1x1x128xi32, #tpu.memory_space<vmem>>
        %dma_wait3A_125 = tpu.memref_squeeze %dma_wait3A_124 : memref<1x1x128xi32, #tpu.memory_space<vmem>> -> memref<128xi32, #tpu.memory_space<vmem>>
        %dma_wait3A_126 = arith.constant 0 : i32
        %dma_wait3A_127 = arith.constant 0 : i32
        %dma_wait3A_128 = tpu.memref_slice %arg2[%dma_wait3A_126, %dma_wait3A_127] : memref<10000x64xf32, #tpu.memory_space<hbm>> -> memref<10000x64xf32, #tpu.memory_space<hbm>>
        tpu.wait_indirect_dma semaphore(%arg19 : memref<!tpu.dma_semaphore, #tpu.memory_space<semaphore_mem>>) src(%dma_wait3A_128 : memref<10000x64xf32, #tpu.memory_space<hbm>>) dst(%dma_wait3A_122 : memref<128x64xf32, #tpu.memory_space<vmem>>)
        %dma_wait3A_129 = arith.constant 0 : i32
        %dma_wait3A_130 = arith.constant 1 : i32
        %dma_wait3A_131 = arith.constant 0 : i32
        %dma_wait3A_132 = arith.constant 1 : i32
        %dma_wait3A_133 = arith.constant 0 : i32
        %dma_wait3A_134 = arith.constant 0 : i32
        %dma_wait3A_135 = tpu.memref_slice %arg17[%dma_wait3A_131, %dma_wait3A_132, %dma_wait3A_133, %dma_wait3A_134] : memref<2x4x128x64xf32, #tpu.memory_space<vmem>> -> memref<1x1x128x64xf32, #tpu.memory_space<vmem>>
        %dma_wait3A_136 = tpu.memref_squeeze %dma_wait3A_135 : memref<1x1x128x64xf32, #tpu.memory_space<vmem>> -> memref<128x64xf32, #tpu.memory_space<vmem>>
        %dma_wait3A_137 = arith.constant 0 : i32
        %dma_wait3A_138 = tpu.memref_slice %arg15[%dma_wait3A_129, %dma_wait3A_130, %dma_wait3A_137] : memref<2x4x128xi32, #tpu.memory_space<vmem>> -> memref<1x1x128xi32, #tpu.memory_space<vmem>>
        %dma_wait3A_139 = tpu.memref_squeeze %dma_wait3A_138 : memref<1x1x128xi32, #tpu.memory_space<vmem>> -> memref<128xi32, #tpu.memory_space<vmem>>
        %dma_wait3A_140 = arith.constant 0 : i32
        %dma_wait3A_141 = arith.constant 0 : i32
        %dma_wait3A_142 = tpu.memref_slice %arg2[%dma_wait3A_140, %dma_wait3A_141] : memref<10000x64xf32, #tpu.memory_space<hbm>> -> memref<10000x64xf32, #tpu.memory_space<hbm>>
        tpu.wait_indirect_dma semaphore(%arg19 : memref<!tpu.dma_semaphore, #tpu.memory_space<semaphore_mem>>) src(%dma_wait3A_142 : memref<10000x64xf32, #tpu.memory_space<hbm>>) dst(%dma_wait3A_136 : memref<128x64xf32, #tpu.memory_space<vmem>>)
        %dma_wait3A_143 = arith.constant 0 : i32
        %dma_wait3A_144 = arith.constant 2 : i32
        %dma_wait3A_145 = arith.constant 0 : i32
        %dma_wait3A_146 = arith.constant 2 : i32
        %dma_wait3A_147 = arith.constant 0 : i32
        %dma_wait3A_148 = arith.constant 0 : i32
        %dma_wait3A_149 = tpu.memref_slice %arg17[%dma_wait3A_145, %dma_wait3A_146, %dma_wait3A_147, %dma_wait3A_148] : memref<2x4x128x64xf32, #tpu.memory_space<vmem>> -> memref<1x1x128x64xf32, #tpu.memory_space<vmem>>
        %dma_wait3A_150 = tpu.memref_squeeze %dma_wait3A_149 : memref<1x1x128x64xf32, #tpu.memory_space<vmem>> -> memref<128x64xf32, #tpu.memory_space<vmem>>
        %dma_wait3A_151 = arith.constant 0 : i32
        %dma_wait3A_152 = tpu.memref_slice %arg15[%dma_wait3A_143, %dma_wait3A_144, %dma_wait3A_151] : memref<2x4x128xi32, #tpu.memory_space<vmem>> -> memref<1x1x128xi32, #tpu.memory_space<vmem>>
        %dma_wait3A_153 = tpu.memref_squeeze %dma_wait3A_152 : memref<1x1x128xi32, #tpu.memory_space<vmem>> -> memref<128xi32, #tpu.memory_space<vmem>>
        %dma_wait3A_154 = arith.constant 0 : i32
        %dma_wait3A_155 = arith.constant 0 : i32
        %dma_wait3A_156 = tpu.memref_slice %arg2[%dma_wait3A_154, %dma_wait3A_155] : memref<10000x64xf32, #tpu.memory_space<hbm>> -> memref<10000x64xf32, #tpu.memory_space<hbm>>
        tpu.wait_indirect_dma semaphore(%arg19 : memref<!tpu.dma_semaphore, #tpu.memory_space<semaphore_mem>>) src(%dma_wait3A_156 : memref<10000x64xf32, #tpu.memory_space<hbm>>) dst(%dma_wait3A_150 : memref<128x64xf32, #tpu.memory_space<vmem>>)
        %dma_wait3A_157 = arith.constant 0 : i32
        %dma_wait3A_158 = arith.constant 3 : i32
        %dma_wait3A_159 = arith.constant 0 : i32
        %dma_wait3A_160 = arith.constant 3 : i32
        %dma_wait3A_161 = arith.constant 0 : i32
        %dma_wait3A_162 = arith.constant 0 : i32
        %dma_wait3A_163 = tpu.memref_slice %arg17[%dma_wait3A_159, %dma_wait3A_160, %dma_wait3A_161, %dma_wait3A_162] : memref<2x4x128x64xf32, #tpu.memory_space<vmem>> -> memref<1x1x128x64xf32, #tpu.memory_space<vmem>>
        %dma_wait3A_164 = tpu.memref_squeeze %dma_wait3A_163 : memref<1x1x128x64xf32, #tpu.memory_space<vmem>> -> memref<128x64xf32, #tpu.memory_space<vmem>>
        %dma_wait3A_165 = arith.constant 0 : i32
        %dma_wait3A_166 = tpu.memref_slice %arg15[%dma_wait3A_157, %dma_wait3A_158, %dma_wait3A_165] : memref<2x4x128xi32, #tpu.memory_space<vmem>> -> memref<1x1x128xi32, #tpu.memory_space<vmem>>
        %dma_wait3A_167 = tpu.memref_squeeze %dma_wait3A_166 : memref<1x1x128xi32, #tpu.memory_space<vmem>> -> memref<128xi32, #tpu.memory_space<vmem>>
        %dma_wait3A_168 = arith.constant 0 : i32
        %dma_wait3A_169 = arith.constant 0 : i32
        %dma_wait3A_170 = tpu.memref_slice %arg2[%dma_wait3A_168, %dma_wait3A_169] : memref<10000x64xf32, #tpu.memory_space<hbm>> -> memref<10000x64xf32, #tpu.memory_space<hbm>>
        tpu.wait_indirect_dma semaphore(%arg19 : memref<!tpu.dma_semaphore, #tpu.memory_space<semaphore_mem>>) src(%dma_wait3A_170 : memref<10000x64xf32, #tpu.memory_space<hbm>>) dst(%dma_wait3A_164 : memref<128x64xf32, #tpu.memory_space<vmem>>)
      } else {
      }
      %mul3A_50 = arith.constant 4 : i32
      %mul3A_51 = arith.muli %add3A_31, %mul3A_50 : i32
      %add3A_52 = arith.addi %mul3A_2, %mul3A_51 : i32
      %lt3A_53 = arith.constant 2500 : i32
      %lt3A_54 = arith.cmpi slt, %add3A_52, %lt3A_53 : i32
      %convert_element_type3A_55 = arith.extui %lt3A_54 : i1 to i32
      %cond3A_56 = arith.constant 0 : i32
      %cond3A_57 = arith.cmpi ne, %convert_element_type3A_55, %cond3A_56 : i32
      scf.if %cond3A_57 {
        %dma_start3A = arith.constant 0 : i32
        %dma_start3A_116 = arith.constant 0 : i32
        %dma_start3A_117 = arith.constant 0 : i32
        %dma_start3A_118 = arith.constant 0 : i32
        %dma_start3A_119 = arith.constant 0 : i32
        %dma_start3A_120 = arith.constant 0 : i32
        %dma_start3A_121 = tpu.memref_slice %arg17[%dma_start3A, %dma_start3A_116, %dma_start3A_119, %dma_start3A_120] : memref<2x4x128x64xf32, #tpu.memory_space<vmem>> -> memref<1x1x128x64xf32, #tpu.memory_space<vmem>>
        %dma_start3A_122 = tpu.memref_squeeze %dma_start3A_121 : memref<1x1x128x64xf32, #tpu.memory_space<vmem>> -> memref<128x64xf32, #tpu.memory_space<vmem>>
        %dma_start3A_123 = arith.constant 0 : i32
        %dma_start3A_124 = tpu.memref_slice %arg16[%dma_start3A_117, %dma_start3A_118, %dma_start3A_123] : memref<2x4x128xi32, #tpu.memory_space<vmem>> -> memref<1x1x128xi32, #tpu.memory_space<vmem>>
        %dma_start3A_125 = tpu.memref_squeeze %dma_start3A_124 : memref<1x1x128xi32, #tpu.memory_space<vmem>> -> memref<128xi32, #tpu.memory_space<vmem>>
        %dma_start3A_126 = arith.constant 0 : i32
        %dma_start3A_127 = arith.constant 0 : i32
        %dma_start3A_128 = tpu.memref_slice %arg13[%dma_start3A_126, %dma_start3A_127] : memref<10008x64xf32, #tpu.memory_space<vmem_shared>> -> memref<10008x64xf32, #tpu.memory_space<vmem_shared>>
        tpu.enqueue_indirect_dma source(%dma_start3A_122 : memref<128x64xf32, #tpu.memory_space<vmem>>) target(%dma_start3A_128 : memref<10008x64xf32, #tpu.memory_space<vmem_shared>>) offsets(%dma_start3A_125 : memref<128xi32, #tpu.memory_space<vmem>>) semaphore(%arg21 : memref<!tpu.dma_semaphore, #tpu.memory_space<semaphore_mem>>) {add = true}
        %eq3A_129 = arith.constant 0 : i32
        %eq3A_130 = arith.cmpi eq, %arg0, %eq3A_129 : i32
        %convert_element_type3A_131 = arith.extui %eq3A_130 : i1 to i32
        %cond3A_132 = arith.constant 0 : i32
        %cond3A_133 = arith.cmpi ne, %convert_element_type3A_131, %cond3A_132 : i32
        scf.if %cond3A_133 {
          %dma_start3A_191 = arith.constant 0 : i32
          %dma_start3A_192 = arith.constant 0 : i32
          %dma_start3A_193 = arith.constant 0 : i32
          %dma_start3A_194 = tpu.memref_slice %arg16[%dma_start3A_191, %dma_start3A_192, %dma_start3A_193] : memref<2x4x128xi32, #tpu.memory_space<vmem>> -> memref<1x1x128xi32, #tpu.memory_space<vmem>>
          %dma_start3A_195 = tpu.memref_squeeze %dma_start3A_194 : memref<1x1x128xi32, #tpu.memory_space<vmem>> -> memref<128xi32, #tpu.memory_space<vmem>>
          %dma_start3A_196 = arith.constant 0 : i32
          %dma_start3A_197 = arith.constant 0 : i32
          %dma_start3A_198 = tpu.memref_slice %arg14[%dma_start3A_196, %dma_start3A_197] : memref<10008x16xf32, #tpu.memory_space<vmem_shared>> -> memref<10008x16xf32, #tpu.memory_space<vmem_shared>>
          tpu.enqueue_indirect_dma source(%arg18 : memref<128x16xf32, #tpu.memory_space<vmem>>) target(%dma_start3A_198 : memref<10008x16xf32, #tpu.memory_space<vmem_shared>>) offsets(%dma_start3A_195 : memref<128xi32, #tpu.memory_space<vmem>>) semaphore(%arg23 : memref<!tpu.dma_semaphore, #tpu.memory_space<semaphore_mem>>) {add = true}
        } else {
        }
        %dma_start3A_134 = arith.constant 0 : i32
        %dma_start3A_135 = arith.constant 1 : i32
        %dma_start3A_136 = arith.constant 0 : i32
        %dma_start3A_137 = arith.constant 1 : i32
        %dma_start3A_138 = arith.constant 0 : i32
        %dma_start3A_139 = arith.constant 0 : i32
        %dma_start3A_140 = tpu.memref_slice %arg17[%dma_start3A_134, %dma_start3A_135, %dma_start3A_138, %dma_start3A_139] : memref<2x4x128x64xf32, #tpu.memory_space<vmem>> -> memref<1x1x128x64xf32, #tpu.memory_space<vmem>>
        %dma_start3A_141 = tpu.memref_squeeze %dma_start3A_140 : memref<1x1x128x64xf32, #tpu.memory_space<vmem>> -> memref<128x64xf32, #tpu.memory_space<vmem>>
        %dma_start3A_142 = arith.constant 0 : i32
        %dma_start3A_143 = tpu.memref_slice %arg16[%dma_start3A_136, %dma_start3A_137, %dma_start3A_142] : memref<2x4x128xi32, #tpu.memory_space<vmem>> -> memref<1x1x128xi32, #tpu.memory_space<vmem>>
        %dma_start3A_144 = tpu.memref_squeeze %dma_start3A_143 : memref<1x1x128xi32, #tpu.memory_space<vmem>> -> memref<128xi32, #tpu.memory_space<vmem>>
        %dma_start3A_145 = arith.constant 0 : i32
        %dma_start3A_146 = arith.constant 0 : i32
        %dma_start3A_147 = tpu.memref_slice %arg13[%dma_start3A_145, %dma_start3A_146] : memref<10008x64xf32, #tpu.memory_space<vmem_shared>> -> memref<10008x64xf32, #tpu.memory_space<vmem_shared>>
        tpu.enqueue_indirect_dma source(%dma_start3A_141 : memref<128x64xf32, #tpu.memory_space<vmem>>) target(%dma_start3A_147 : memref<10008x64xf32, #tpu.memory_space<vmem_shared>>) offsets(%dma_start3A_144 : memref<128xi32, #tpu.memory_space<vmem>>) semaphore(%arg21 : memref<!tpu.dma_semaphore, #tpu.memory_space<semaphore_mem>>) {add = true}
        %eq3A_148 = arith.constant 1 : i32
        %eq3A_149 = arith.cmpi eq, %arg0, %eq3A_148 : i32
        %convert_element_type3A_150 = arith.extui %eq3A_149 : i1 to i32
        %cond3A_151 = arith.constant 0 : i32
        %cond3A_152 = arith.cmpi ne, %convert_element_type3A_150, %cond3A_151 : i32
        scf.if %cond3A_152 {
          %dma_start3A_191 = arith.constant 0 : i32
          %dma_start3A_192 = arith.constant 1 : i32
          %dma_start3A_193 = arith.constant 0 : i32
          %dma_start3A_194 = tpu.memref_slice %arg16[%dma_start3A_191, %dma_start3A_192, %dma_start3A_193] : memref<2x4x128xi32, #tpu.memory_space<vmem>> -> memref<1x1x128xi32, #tpu.memory_space<vmem>>
          %dma_start3A_195 = tpu.memref_squeeze %dma_start3A_194 : memref<1x1x128xi32, #tpu.memory_space<vmem>> -> memref<128xi32, #tpu.memory_space<vmem>>
          %dma_start3A_196 = arith.constant 0 : i32
          %dma_start3A_197 = arith.constant 0 : i32
          %dma_start3A_198 = tpu.memref_slice %arg14[%dma_start3A_196, %dma_start3A_197] : memref<10008x16xf32, #tpu.memory_space<vmem_shared>> -> memref<10008x16xf32, #tpu.memory_space<vmem_shared>>
          tpu.enqueue_indirect_dma source(%arg18 : memref<128x16xf32, #tpu.memory_space<vmem>>) target(%dma_start3A_198 : memref<10008x16xf32, #tpu.memory_space<vmem_shared>>) offsets(%dma_start3A_195 : memref<128xi32, #tpu.memory_space<vmem>>) semaphore(%arg23 : memref<!tpu.dma_semaphore, #tpu.memory_space<semaphore_mem>>) {add = true}
        } else {
        }
        %dma_start3A_153 = arith.constant 0 : i32
        %dma_start3A_154 = arith.constant 2 : i32
        %dma_start3A_155 = arith.constant 0 : i32
        %dma_start3A_156 = arith.constant 2 : i32
        %dma_start3A_157 = arith.constant 0 : i32
        %dma_start3A_158 = arith.constant 0 : i32
        %dma_start3A_159 = tpu.memref_slice %arg17[%dma_start3A_153, %dma_start3A_154, %dma_start3A_157, %dma_start3A_158] : memref<2x4x128x64xf32, #tpu.memory_space<vmem>> -> memref<1x1x128x64xf32, #tpu.memory_space<vmem>>
        %dma_start3A_160 = tpu.memref_squeeze %dma_start3A_159 : memref<1x1x128x64xf32, #tpu.memory_space<vmem>> -> memref<128x64xf32, #tpu.memory_space<vmem>>
        %dma_start3A_161 = arith.constant 0 : i32
        %dma_start3A_162 = tpu.memref_slice %arg16[%dma_start3A_155, %dma_start3A_156, %dma_start3A_161] : memref<2x4x128xi32, #tpu.memory_space<vmem>> -> memref<1x1x128xi32, #tpu.memory_space<vmem>>
        %dma_start3A_163 = tpu.memref_squeeze %dma_start3A_162 : memref<1x1x128xi32, #tpu.memory_space<vmem>> -> memref<128xi32, #tpu.memory_space<vmem>>
        %dma_start3A_164 = arith.constant 0 : i32
        %dma_start3A_165 = arith.constant 0 : i32
        %dma_start3A_166 = tpu.memref_slice %arg13[%dma_start3A_164, %dma_start3A_165] : memref<10008x64xf32, #tpu.memory_space<vmem_shared>> -> memref<10008x64xf32, #tpu.memory_space<vmem_shared>>
        tpu.enqueue_indirect_dma source(%dma_start3A_160 : memref<128x64xf32, #tpu.memory_space<vmem>>) target(%dma_start3A_166 : memref<10008x64xf32, #tpu.memory_space<vmem_shared>>) offsets(%dma_start3A_163 : memref<128xi32, #tpu.memory_space<vmem>>) semaphore(%arg21 : memref<!tpu.dma_semaphore, #tpu.memory_space<semaphore_mem>>) {add = true}
        %eq3A_167 = arith.constant 0 : i32
        %eq3A_168 = arith.cmpi eq, %arg0, %eq3A_167 : i32
        %convert_element_type3A_169 = arith.extui %eq3A_168 : i1 to i32
        %cond3A_170 = arith.constant 0 : i32
        %cond3A_171 = arith.cmpi ne, %convert_element_type3A_169, %cond3A_170 : i32
        scf.if %cond3A_171 {
          %dma_start3A_191 = arith.constant 0 : i32
          %dma_start3A_192 = arith.constant 2 : i32
          %dma_start3A_193 = arith.constant 0 : i32
          %dma_start3A_194 = tpu.memref_slice %arg16[%dma_start3A_191, %dma_start3A_192, %dma_start3A_193] : memref<2x4x128xi32, #tpu.memory_space<vmem>> -> memref<1x1x128xi32, #tpu.memory_space<vmem>>
          %dma_start3A_195 = tpu.memref_squeeze %dma_start3A_194 : memref<1x1x128xi32, #tpu.memory_space<vmem>> -> memref<128xi32, #tpu.memory_space<vmem>>
          %dma_start3A_196 = arith.constant 0 : i32
          %dma_start3A_197 = arith.constant 0 : i32
          %dma_start3A_198 = tpu.memref_slice %arg14[%dma_start3A_196, %dma_start3A_197] : memref<10008x16xf32, #tpu.memory_space<vmem_shared>> -> memref<10008x16xf32, #tpu.memory_space<vmem_shared>>
          tpu.enqueue_indirect_dma source(%arg18 : memref<128x16xf32, #tpu.memory_space<vmem>>) target(%dma_start3A_198 : memref<10008x16xf32, #tpu.memory_space<vmem_shared>>) offsets(%dma_start3A_195 : memref<128xi32, #tpu.memory_space<vmem>>) semaphore(%arg23 : memref<!tpu.dma_semaphore, #tpu.memory_space<semaphore_mem>>) {add = true}
        } else {
        }
        %dma_start3A_172 = arith.constant 0 : i32
        %dma_start3A_173 = arith.constant 3 : i32
        %dma_start3A_174 = arith.constant 0 : i32
        %dma_start3A_175 = arith.constant 3 : i32
        %dma_start3A_176 = arith.constant 0 : i32
        %dma_start3A_177 = arith.constant 0 : i32
        %dma_start3A_178 = tpu.memref_slice %arg17[%dma_start3A_172, %dma_start3A_173, %dma_start3A_176, %dma_start3A_177] : memref<2x4x128x64xf32, #tpu.memory_space<vmem>> -> memref<1x1x128x64xf32, #tpu.memory_space<vmem>>
        %dma_start3A_179 = tpu.memref_squeeze %dma_start3A_178 : memref<1x1x128x64xf32, #tpu.memory_space<vmem>> -> memref<128x64xf32, #tpu.memory_space<vmem>>
        %dma_start3A_180 = arith.constant 0 : i32
        %dma_start3A_181 = tpu.memref_slice %arg16[%dma_start3A_174, %dma_start3A_175, %dma_start3A_180] : memref<2x4x128xi32, #tpu.memory_space<vmem>> -> memref<1x1x128xi32, #tpu.memory_space<vmem>>
        %dma_start3A_182 = tpu.memref_squeeze %dma_start3A_181 : memref<1x1x128xi32, #tpu.memory_space<vmem>> -> memref<128xi32, #tpu.memory_space<vmem>>
        %dma_start3A_183 = arith.constant 0 : i32
        %dma_start3A_184 = arith.constant 0 : i32
        %dma_start3A_185 = tpu.memref_slice %arg13[%dma_start3A_183, %dma_start3A_184] : memref<10008x64xf32, #tpu.memory_space<vmem_shared>> -> memref<10008x64xf32, #tpu.memory_space<vmem_shared>>
        tpu.enqueue_indirect_dma source(%dma_start3A_179 : memref<128x64xf32, #tpu.memory_space<vmem>>) target(%dma_start3A_185 : memref<10008x64xf32, #tpu.memory_space<vmem_shared>>) offsets(%dma_start3A_182 : memref<128xi32, #tpu.memory_space<vmem>>) semaphore(%arg21 : memref<!tpu.dma_semaphore, #tpu.memory_space<semaphore_mem>>) {add = true}
        %eq3A_186 = arith.constant 1 : i32
        %eq3A_187 = arith.cmpi eq, %arg0, %eq3A_186 : i32
        %convert_element_type3A_188 = arith.extui %eq3A_187 : i1 to i32
        %cond3A_189 = arith.constant 0 : i32
        %cond3A_190 = arith.cmpi ne, %convert_element_type3A_188, %cond3A_189 : i32
        scf.if %cond3A_190 {
          %dma_start3A_191 = arith.constant 0 : i32
          %dma_start3A_192 = arith.constant 3 : i32
          %dma_start3A_193 = arith.constant 0 : i32
          %dma_start3A_194 = tpu.memref_slice %arg16[%dma_start3A_191, %dma_start3A_192, %dma_start3A_193] : memref<2x4x128xi32, #tpu.memory_space<vmem>> -> memref<1x1x128xi32, #tpu.memory_space<vmem>>
          %dma_start3A_195 = tpu.memref_squeeze %dma_start3A_194 : memref<1x1x128xi32, #tpu.memory_space<vmem>> -> memref<128xi32, #tpu.memory_space<vmem>>
          %dma_start3A_196 = arith.constant 0 : i32
          %dma_start3A_197 = arith.constant 0 : i32
          %dma_start3A_198 = tpu.memref_slice %arg14[%dma_start3A_196, %dma_start3A_197] : memref<10008x16xf32, #tpu.memory_space<vmem_shared>> -> memref<10008x16xf32, #tpu.memory_space<vmem_shared>>
          tpu.enqueue_indirect_dma source(%arg18 : memref<128x16xf32, #tpu.memory_space<vmem>>) target(%dma_start3A_198 : memref<10008x16xf32, #tpu.memory_space<vmem_shared>>) offsets(%dma_start3A_195 : memref<128xi32, #tpu.memory_space<vmem>>) semaphore(%arg23 : memref<!tpu.dma_semaphore, #tpu.memory_space<semaphore_mem>>) {add = true}
        } else {
        }
      } else {
      }
      %add3A_58 = arith.constant 1 : i32
      %add3A_59 = arith.addi %add3A_31, %add3A_58 : i32
      %mul3A_60 = arith.constant 4 : i32
      %mul3A_61 = arith.muli %add3A_59, %mul3A_60 : i32
      %add3A_62 = arith.addi %mul3A_2, %mul3A_61 : i32
      %lt3A_63 = arith.constant 2500 : i32
      %lt3A_64 = arith.cmpi slt, %add3A_62, %lt3A_63 : i32
      %convert_element_type3A_65 = arith.extui %lt3A_64 : i1 to i32
      %cond3A_66 = arith.constant 0 : i32
      %cond3A_67 = arith.cmpi ne, %convert_element_type3A_65, %cond3A_66 : i32
      scf.if %cond3A_67 {
        %eq3A_116 = arith.constant 0 : i32
        %eq3A_117 = arith.cmpi eq, %arg0, %eq3A_116 : i32
        %convert_element_type3A_118 = arith.extui %eq3A_117 : i1 to i32
        %cond3A_119 = arith.constant 0 : i32
        %cond3A_120 = arith.cmpi ne, %convert_element_type3A_118, %cond3A_119 : i32
        scf.if %cond3A_120 {
          %dma_start3A = arith.constant 1 : i32
          %dma_start3A_156 = arith.constant 0 : i32
          %dma_start3A_157 = arith.constant 1 : i32
          %dma_start3A_158 = arith.constant 0 : i32
          %dma_start3A_159 = arith.constant 0 : i32
          %dma_start3A_160 = arith.constant 0 : i32
          %dma_start3A_161 = tpu.memref_slice %arg17[%dma_start3A_157, %dma_start3A_158, %dma_start3A_159, %dma_start3A_160] : memref<2x4x128x64xf32, #tpu.memory_space<vmem>> -> memref<1x1x128x64xf32, #tpu.memory_space<vmem>>
          %dma_start3A_162 = tpu.memref_squeeze %dma_start3A_161 : memref<1x1x128x64xf32, #tpu.memory_space<vmem>> -> memref<128x64xf32, #tpu.memory_space<vmem>>
          %dma_start3A_163 = arith.constant 0 : i32
          %dma_start3A_164 = tpu.memref_slice %arg15[%dma_start3A, %dma_start3A_156, %dma_start3A_163] : memref<2x4x128xi32, #tpu.memory_space<vmem>> -> memref<1x1x128xi32, #tpu.memory_space<vmem>>
          %dma_start3A_165 = tpu.memref_squeeze %dma_start3A_164 : memref<1x1x128xi32, #tpu.memory_space<vmem>> -> memref<128xi32, #tpu.memory_space<vmem>>
          %dma_start3A_166 = arith.constant 0 : i32
          %dma_start3A_167 = arith.constant 0 : i32
          %dma_start3A_168 = tpu.memref_slice %arg2[%dma_start3A_166, %dma_start3A_167] : memref<10000x64xf32, #tpu.memory_space<hbm>> -> memref<10000x64xf32, #tpu.memory_space<hbm>>
          tpu.enqueue_indirect_dma source(%dma_start3A_168 : memref<10000x64xf32, #tpu.memory_space<hbm>>) target(%dma_start3A_162 : memref<128x64xf32, #tpu.memory_space<vmem>>) offsets(%dma_start3A_165 : memref<128xi32, #tpu.memory_space<vmem>>) semaphore(%arg20 : memref<!tpu.dma_semaphore, #tpu.memory_space<semaphore_mem>>)
        } else {
        }
        %eq3A_121 = arith.constant 1 : i32
        %eq3A_122 = arith.cmpi eq, %arg0, %eq3A_121 : i32
        %convert_element_type3A_123 = arith.extui %eq3A_122 : i1 to i32
        %cond3A_124 = arith.constant 0 : i32
        %cond3A_125 = arith.cmpi ne, %convert_element_type3A_123, %cond3A_124 : i32
        scf.if %cond3A_125 {
          %dma_start3A = arith.constant 1 : i32
          %dma_start3A_156 = arith.constant 0 : i32
          %dma_start3A_157 = arith.constant 1 : i32
          %dma_start3A_158 = arith.constant 0 : i32
          %dma_start3A_159 = arith.constant 0 : i32
          %dma_start3A_160 = arith.constant 0 : i32
          %dma_start3A_161 = tpu.memref_slice %arg17[%dma_start3A_157, %dma_start3A_158, %dma_start3A_159, %dma_start3A_160] : memref<2x4x128x64xf32, #tpu.memory_space<vmem>> -> memref<1x1x128x64xf32, #tpu.memory_space<vmem>>
          %dma_start3A_162 = tpu.memref_squeeze %dma_start3A_161 : memref<1x1x128x64xf32, #tpu.memory_space<vmem>> -> memref<128x64xf32, #tpu.memory_space<vmem>>
          %dma_start3A_163 = arith.constant 0 : i32
          %dma_start3A_164 = tpu.memref_slice %arg15[%dma_start3A, %dma_start3A_156, %dma_start3A_163] : memref<2x4x128xi32, #tpu.memory_space<vmem>> -> memref<1x1x128xi32, #tpu.memory_space<vmem>>
          %dma_start3A_165 = tpu.memref_squeeze %dma_start3A_164 : memref<1x1x128xi32, #tpu.memory_space<vmem>> -> memref<128xi32, #tpu.memory_space<vmem>>
          %dma_start3A_166 = arith.constant 0 : i32
          %dma_start3A_167 = arith.constant 0 : i32
          %dma_start3A_168 = tpu.memref_slice %arg3[%dma_start3A_166, %dma_start3A_167] : memref<10000x64xf32, #tpu.memory_space<hbm>> -> memref<10000x64xf32, #tpu.memory_space<hbm>>
          tpu.enqueue_indirect_dma source(%dma_start3A_168 : memref<10000x64xf32, #tpu.memory_space<hbm>>) target(%dma_start3A_162 : memref<128x64xf32, #tpu.memory_space<vmem>>) offsets(%dma_start3A_165 : memref<128xi32, #tpu.memory_space<vmem>>) semaphore(%arg20 : memref<!tpu.dma_semaphore, #tpu.memory_space<semaphore_mem>>)
        } else {
        }
        %eq3A_126 = arith.constant 0 : i32
        %eq3A_127 = arith.cmpi eq, %arg0, %eq3A_126 : i32
        %convert_element_type3A_128 = arith.extui %eq3A_127 : i1 to i32
        %cond3A_129 = arith.constant 0 : i32
        %cond3A_130 = arith.cmpi ne, %convert_element_type3A_128, %cond3A_129 : i32
        scf.if %cond3A_130 {
          %dma_start3A = arith.constant 1 : i32
          %dma_start3A_156 = arith.constant 1 : i32
          %dma_start3A_157 = arith.constant 1 : i32
          %dma_start3A_158 = arith.constant 1 : i32
          %dma_start3A_159 = arith.constant 0 : i32
          %dma_start3A_160 = arith.constant 0 : i32
          %dma_start3A_161 = tpu.memref_slice %arg17[%dma_start3A_157, %dma_start3A_158, %dma_start3A_159, %dma_start3A_160] : memref<2x4x128x64xf32, #tpu.memory_space<vmem>> -> memref<1x1x128x64xf32, #tpu.memory_space<vmem>>
          %dma_start3A_162 = tpu.memref_squeeze %dma_start3A_161 : memref<1x1x128x64xf32, #tpu.memory_space<vmem>> -> memref<128x64xf32, #tpu.memory_space<vmem>>
          %dma_start3A_163 = arith.constant 0 : i32
          %dma_start3A_164 = tpu.memref_slice %arg15[%dma_start3A, %dma_start3A_156, %dma_start3A_163] : memref<2x4x128xi32, #tpu.memory_space<vmem>> -> memref<1x1x128xi32, #tpu.memory_space<vmem>>
          %dma_start3A_165 = tpu.memref_squeeze %dma_start3A_164 : memref<1x1x128xi32, #tpu.memory_space<vmem>> -> memref<128xi32, #tpu.memory_space<vmem>>
          %dma_start3A_166 = arith.constant 0 : i32
          %dma_start3A_167 = arith.constant 0 : i32
          %dma_start3A_168 = tpu.memref_slice %arg2[%dma_start3A_166, %dma_start3A_167] : memref<10000x64xf32, #tpu.memory_space<hbm>> -> memref<10000x64xf32, #tpu.memory_space<hbm>>
          tpu.enqueue_indirect_dma source(%dma_start3A_168 : memref<10000x64xf32, #tpu.memory_space<hbm>>) target(%dma_start3A_162 : memref<128x64xf32, #tpu.memory_space<vmem>>) offsets(%dma_start3A_165 : memref<128xi32, #tpu.memory_space<vmem>>) semaphore(%arg20 : memref<!tpu.dma_semaphore, #tpu.memory_space<semaphore_mem>>)
        } else {
        }
        %eq3A_131 = arith.constant 1 : i32
        %eq3A_132 = arith.cmpi eq, %arg0, %eq3A_131 : i32
        %convert_element_type3A_133 = arith.extui %eq3A_132 : i1 to i32
        %cond3A_134 = arith.constant 0 : i32
        %cond3A_135 = arith.cmpi ne, %convert_element_type3A_133, %cond3A_134 : i32
        scf.if %cond3A_135 {
          %dma_start3A = arith.constant 1 : i32
          %dma_start3A_156 = arith.constant 1 : i32
          %dma_start3A_157 = arith.constant 1 : i32
          %dma_start3A_158 = arith.constant 1 : i32
          %dma_start3A_159 = arith.constant 0 : i32
          %dma_start3A_160 = arith.constant 0 : i32
          %dma_start3A_161 = tpu.memref_slice %arg17[%dma_start3A_157, %dma_start3A_158, %dma_start3A_159, %dma_start3A_160] : memref<2x4x128x64xf32, #tpu.memory_space<vmem>> -> memref<1x1x128x64xf32, #tpu.memory_space<vmem>>
          %dma_start3A_162 = tpu.memref_squeeze %dma_start3A_161 : memref<1x1x128x64xf32, #tpu.memory_space<vmem>> -> memref<128x64xf32, #tpu.memory_space<vmem>>
          %dma_start3A_163 = arith.constant 0 : i32
          %dma_start3A_164 = tpu.memref_slice %arg15[%dma_start3A, %dma_start3A_156, %dma_start3A_163] : memref<2x4x128xi32, #tpu.memory_space<vmem>> -> memref<1x1x128xi32, #tpu.memory_space<vmem>>
          %dma_start3A_165 = tpu.memref_squeeze %dma_start3A_164 : memref<1x1x128xi32, #tpu.memory_space<vmem>> -> memref<128xi32, #tpu.memory_space<vmem>>
          %dma_start3A_166 = arith.constant 0 : i32
          %dma_start3A_167 = arith.constant 0 : i32
          %dma_start3A_168 = tpu.memref_slice %arg3[%dma_start3A_166, %dma_start3A_167] : memref<10000x64xf32, #tpu.memory_space<hbm>> -> memref<10000x64xf32, #tpu.memory_space<hbm>>
          tpu.enqueue_indirect_dma source(%dma_start3A_168 : memref<10000x64xf32, #tpu.memory_space<hbm>>) target(%dma_start3A_162 : memref<128x64xf32, #tpu.memory_space<vmem>>) offsets(%dma_start3A_165 : memref<128xi32, #tpu.memory_space<vmem>>) semaphore(%arg20 : memref<!tpu.dma_semaphore, #tpu.memory_space<semaphore_mem>>)
        } else {
        }
        %eq3A_136 = arith.constant 0 : i32
        %eq3A_137 = arith.cmpi eq, %arg0, %eq3A_136 : i32
        %convert_element_type3A_138 = arith.extui %eq3A_137 : i1 to i32
        %cond3A_139 = arith.constant 0 : i32
        %cond3A_140 = arith.cmpi ne, %convert_element_type3A_138, %cond3A_139 : i32
        scf.if %cond3A_140 {
          %dma_start3A = arith.constant 1 : i32
          %dma_start3A_156 = arith.constant 2 : i32
          %dma_start3A_157 = arith.constant 1 : i32
          %dma_start3A_158 = arith.constant 2 : i32
          %dma_start3A_159 = arith.constant 0 : i32
          %dma_start3A_160 = arith.constant 0 : i32
          %dma_start3A_161 = tpu.memref_slice %arg17[%dma_start3A_157, %dma_start3A_158, %dma_start3A_159, %dma_start3A_160] : memref<2x4x128x64xf32, #tpu.memory_space<vmem>> -> memref<1x1x128x64xf32, #tpu.memory_space<vmem>>
          %dma_start3A_162 = tpu.memref_squeeze %dma_start3A_161 : memref<1x1x128x64xf32, #tpu.memory_space<vmem>> -> memref<128x64xf32, #tpu.memory_space<vmem>>
          %dma_start3A_163 = arith.constant 0 : i32
          %dma_start3A_164 = tpu.memref_slice %arg15[%dma_start3A, %dma_start3A_156, %dma_start3A_163] : memref<2x4x128xi32, #tpu.memory_space<vmem>> -> memref<1x1x128xi32, #tpu.memory_space<vmem>>
          %dma_start3A_165 = tpu.memref_squeeze %dma_start3A_164 : memref<1x1x128xi32, #tpu.memory_space<vmem>> -> memref<128xi32, #tpu.memory_space<vmem>>
          %dma_start3A_166 = arith.constant 0 : i32
          %dma_start3A_167 = arith.constant 0 : i32
          %dma_start3A_168 = tpu.memref_slice %arg2[%dma_start3A_166, %dma_start3A_167] : memref<10000x64xf32, #tpu.memory_space<hbm>> -> memref<10000x64xf32, #tpu.memory_space<hbm>>
          tpu.enqueue_indirect_dma source(%dma_start3A_168 : memref<10000x64xf32, #tpu.memory_space<hbm>>) target(%dma_start3A_162 : memref<128x64xf32, #tpu.memory_space<vmem>>) offsets(%dma_start3A_165 : memref<128xi32, #tpu.memory_space<vmem>>) semaphore(%arg20 : memref<!tpu.dma_semaphore, #tpu.memory_space<semaphore_mem>>)
        } else {
        }
        %eq3A_141 = arith.constant 1 : i32
        %eq3A_142 = arith.cmpi eq, %arg0, %eq3A_141 : i32
        %convert_element_type3A_143 = arith.extui %eq3A_142 : i1 to i32
        %cond3A_144 = arith.constant 0 : i32
        %cond3A_145 = arith.cmpi ne, %convert_element_type3A_143, %cond3A_144 : i32
        scf.if %cond3A_145 {
          %dma_start3A = arith.constant 1 : i32
          %dma_start3A_156 = arith.constant 2 : i32
          %dma_start3A_157 = arith.constant 1 : i32
          %dma_start3A_158 = arith.constant 2 : i32
          %dma_start3A_159 = arith.constant 0 : i32
          %dma_start3A_160 = arith.constant 0 : i32
          %dma_start3A_161 = tpu.memref_slice %arg17[%dma_start3A_157, %dma_start3A_158, %dma_start3A_159, %dma_start3A_160] : memref<2x4x128x64xf32, #tpu.memory_space<vmem>> -> memref<1x1x128x64xf32, #tpu.memory_space<vmem>>
          %dma_start3A_162 = tpu.memref_squeeze %dma_start3A_161 : memref<1x1x128x64xf32, #tpu.memory_space<vmem>> -> memref<128x64xf32, #tpu.memory_space<vmem>>
          %dma_start3A_163 = arith.constant 0 : i32
          %dma_start3A_164 = tpu.memref_slice %arg15[%dma_start3A, %dma_start3A_156, %dma_start3A_163] : memref<2x4x128xi32, #tpu.memory_space<vmem>> -> memref<1x1x128xi32, #tpu.memory_space<vmem>>
          %dma_start3A_165 = tpu.memref_squeeze %dma_start3A_164 : memref<1x1x128xi32, #tpu.memory_space<vmem>> -> memref<128xi32, #tpu.memory_space<vmem>>
          %dma_start3A_166 = arith.constant 0 : i32
          %dma_start3A_167 = arith.constant 0 : i32
          %dma_start3A_168 = tpu.memref_slice %arg3[%dma_start3A_166, %dma_start3A_167] : memref<10000x64xf32, #tpu.memory_space<hbm>> -> memref<10000x64xf32, #tpu.memory_space<hbm>>
          tpu.enqueue_indirect_dma source(%dma_start3A_168 : memref<10000x64xf32, #tpu.memory_space<hbm>>) target(%dma_start3A_162 : memref<128x64xf32, #tpu.memory_space<vmem>>) offsets(%dma_start3A_165 : memref<128xi32, #tpu.memory_space<vmem>>) semaphore(%arg20 : memref<!tpu.dma_semaphore, #tpu.memory_space<semaphore_mem>>)
        } else {
        }
        %eq3A_146 = arith.constant 0 : i32
        %eq3A_147 = arith.cmpi eq, %arg0, %eq3A_146 : i32
        %convert_element_type3A_148 = arith.extui %eq3A_147 : i1 to i32
        %cond3A_149 = arith.constant 0 : i32
        %cond3A_150 = arith.cmpi ne, %convert_element_type3A_148, %cond3A_149 : i32
        scf.if %cond3A_150 {
          %dma_start3A = arith.constant 1 : i32
          %dma_start3A_156 = arith.constant 3 : i32
          %dma_start3A_157 = arith.constant 1 : i32
          %dma_start3A_158 = arith.constant 3 : i32
          %dma_start3A_159 = arith.constant 0 : i32
          %dma_start3A_160 = arith.constant 0 : i32
          %dma_start3A_161 = tpu.memref_slice %arg17[%dma_start3A_157, %dma_start3A_158, %dma_start3A_159, %dma_start3A_160] : memref<2x4x128x64xf32, #tpu.memory_space<vmem>> -> memref<1x1x128x64xf32, #tpu.memory_space<vmem>>
          %dma_start3A_162 = tpu.memref_squeeze %dma_start3A_161 : memref<1x1x128x64xf32, #tpu.memory_space<vmem>> -> memref<128x64xf32, #tpu.memory_space<vmem>>
          %dma_start3A_163 = arith.constant 0 : i32
          %dma_start3A_164 = tpu.memref_slice %arg15[%dma_start3A, %dma_start3A_156, %dma_start3A_163] : memref<2x4x128xi32, #tpu.memory_space<vmem>> -> memref<1x1x128xi32, #tpu.memory_space<vmem>>
          %dma_start3A_165 = tpu.memref_squeeze %dma_start3A_164 : memref<1x1x128xi32, #tpu.memory_space<vmem>> -> memref<128xi32, #tpu.memory_space<vmem>>
          %dma_start3A_166 = arith.constant 0 : i32
          %dma_start3A_167 = arith.constant 0 : i32
          %dma_start3A_168 = tpu.memref_slice %arg2[%dma_start3A_166, %dma_start3A_167] : memref<10000x64xf32, #tpu.memory_space<hbm>> -> memref<10000x64xf32, #tpu.memory_space<hbm>>
          tpu.enqueue_indirect_dma source(%dma_start3A_168 : memref<10000x64xf32, #tpu.memory_space<hbm>>) target(%dma_start3A_162 : memref<128x64xf32, #tpu.memory_space<vmem>>) offsets(%dma_start3A_165 : memref<128xi32, #tpu.memory_space<vmem>>) semaphore(%arg20 : memref<!tpu.dma_semaphore, #tpu.memory_space<semaphore_mem>>)
        } else {
        }
        %eq3A_151 = arith.constant 1 : i32
        %eq3A_152 = arith.cmpi eq, %arg0, %eq3A_151 : i32
        %convert_element_type3A_153 = arith.extui %eq3A_152 : i1 to i32
        %cond3A_154 = arith.constant 0 : i32
        %cond3A_155 = arith.cmpi ne, %convert_element_type3A_153, %cond3A_154 : i32
        scf.if %cond3A_155 {
          %dma_start3A = arith.constant 1 : i32
          %dma_start3A_156 = arith.constant 3 : i32
          %dma_start3A_157 = arith.constant 1 : i32
          %dma_start3A_158 = arith.constant 3 : i32
          %dma_start3A_159 = arith.constant 0 : i32
          %dma_start3A_160 = arith.constant 0 : i32
          %dma_start3A_161 = tpu.memref_slice %arg17[%dma_start3A_157, %dma_start3A_158, %dma_start3A_159, %dma_start3A_160] : memref<2x4x128x64xf32, #tpu.memory_space<vmem>> -> memref<1x1x128x64xf32, #tpu.memory_space<vmem>>
          %dma_start3A_162 = tpu.memref_squeeze %dma_start3A_161 : memref<1x1x128x64xf32, #tpu.memory_space<vmem>> -> memref<128x64xf32, #tpu.memory_space<vmem>>
          %dma_start3A_163 = arith.constant 0 : i32
          %dma_start3A_164 = tpu.memref_slice %arg15[%dma_start3A, %dma_start3A_156, %dma_start3A_163] : memref<2x4x128xi32, #tpu.memory_space<vmem>> -> memref<1x1x128xi32, #tpu.memory_space<vmem>>
          %dma_start3A_165 = tpu.memref_squeeze %dma_start3A_164 : memref<1x1x128xi32, #tpu.memory_space<vmem>> -> memref<128xi32, #tpu.memory_space<vmem>>
          %dma_start3A_166 = arith.constant 0 : i32
          %dma_start3A_167 = arith.constant 0 : i32
          %dma_start3A_168 = tpu.memref_slice %arg3[%dma_start3A_166, %dma_start3A_167] : memref<10000x64xf32, #tpu.memory_space<hbm>> -> memref<10000x64xf32, #tpu.memory_space<hbm>>
          tpu.enqueue_indirect_dma source(%dma_start3A_168 : memref<10000x64xf32, #tpu.memory_space<hbm>>) target(%dma_start3A_162 : memref<128x64xf32, #tpu.memory_space<vmem>>) offsets(%dma_start3A_165 : memref<128xi32, #tpu.memory_space<vmem>>) semaphore(%arg20 : memref<!tpu.dma_semaphore, #tpu.memory_space<semaphore_mem>>)
        } else {
        }
      } else {
      }
      %mul3A_68 = arith.constant 4 : i32
      %mul3A_69 = arith.muli %add3A_31, %mul3A_68 : i32
      %add3A_70 = arith.addi %mul3A_2, %mul3A_69 : i32
      %lt3A_71 = arith.constant 2500 : i32
      %lt3A_72 = arith.cmpi slt, %add3A_70, %lt3A_71 : i32
      %convert_element_type3A_73 = arith.extui %lt3A_72 : i1 to i32
      %cond3A_74 = arith.constant 0 : i32
      %cond3A_75 = arith.cmpi ne, %convert_element_type3A_73, %cond3A_74 : i32
      scf.if %cond3A_75 {
        %dma_wait3A = arith.constant 0 : i32
        %dma_wait3A_116 = arith.constant 0 : i32
        %dma_wait3A_117 = arith.constant 0 : i32
        %dma_wait3A_118 = arith.constant 0 : i32
        %dma_wait3A_119 = arith.constant 0 : i32
        %dma_wait3A_120 = arith.constant 0 : i32
        %dma_wait3A_121 = tpu.memref_slice %arg17[%dma_wait3A, %dma_wait3A_116, %dma_wait3A_119, %dma_wait3A_120] : memref<2x4x128x64xf32, #tpu.memory_space<vmem>> -> memref<1x1x128x64xf32, #tpu.memory_space<vmem>>
        %dma_wait3A_122 = tpu.memref_squeeze %dma_wait3A_121 : memref<1x1x128x64xf32, #tpu.memory_space<vmem>> -> memref<128x64xf32, #tpu.memory_space<vmem>>
        %dma_wait3A_123 = arith.constant 0 : i32
        %dma_wait3A_124 = tpu.memref_slice %arg16[%dma_wait3A_117, %dma_wait3A_118, %dma_wait3A_123] : memref<2x4x128xi32, #tpu.memory_space<vmem>> -> memref<1x1x128xi32, #tpu.memory_space<vmem>>
        %dma_wait3A_125 = tpu.memref_squeeze %dma_wait3A_124 : memref<1x1x128xi32, #tpu.memory_space<vmem>> -> memref<128xi32, #tpu.memory_space<vmem>>
        %dma_wait3A_126 = arith.constant 0 : i32
        %dma_wait3A_127 = arith.constant 0 : i32
        %dma_wait3A_128 = tpu.memref_slice %arg13[%dma_wait3A_126, %dma_wait3A_127] : memref<10008x64xf32, #tpu.memory_space<vmem_shared>> -> memref<10008x64xf32, #tpu.memory_space<vmem_shared>>
        tpu.wait_indirect_dma semaphore(%arg21 : memref<!tpu.dma_semaphore, #tpu.memory_space<semaphore_mem>>) src(%dma_wait3A_122 : memref<128x64xf32, #tpu.memory_space<vmem>>) dst(%dma_wait3A_128 : memref<10008x64xf32, #tpu.memory_space<vmem_shared>>)
        %eq3A_129 = arith.constant 0 : i32
        %eq3A_130 = arith.cmpi eq, %arg0, %eq3A_129 : i32
        %convert_element_type3A_131 = arith.extui %eq3A_130 : i1 to i32
        %cond3A_132 = arith.constant 0 : i32
        %cond3A_133 = arith.cmpi ne, %convert_element_type3A_131, %cond3A_132 : i32
        scf.if %cond3A_133 {
          %dma_wait3A_191 = arith.constant 0 : i32
          %dma_wait3A_192 = arith.constant 0 : i32
          %dma_wait3A_193 = arith.constant 0 : i32
          %dma_wait3A_194 = tpu.memref_slice %arg16[%dma_wait3A_191, %dma_wait3A_192, %dma_wait3A_193] : memref<2x4x128xi32, #tpu.memory_space<vmem>> -> memref<1x1x128xi32, #tpu.memory_space<vmem>>
          %dma_wait3A_195 = tpu.memref_squeeze %dma_wait3A_194 : memref<1x1x128xi32, #tpu.memory_space<vmem>> -> memref<128xi32, #tpu.memory_space<vmem>>
          %dma_wait3A_196 = arith.constant 0 : i32
          %dma_wait3A_197 = arith.constant 0 : i32
          %dma_wait3A_198 = tpu.memref_slice %arg14[%dma_wait3A_196, %dma_wait3A_197] : memref<10008x16xf32, #tpu.memory_space<vmem_shared>> -> memref<10008x16xf32, #tpu.memory_space<vmem_shared>>
          tpu.wait_indirect_dma semaphore(%arg23 : memref<!tpu.dma_semaphore, #tpu.memory_space<semaphore_mem>>) src(%arg18 : memref<128x16xf32, #tpu.memory_space<vmem>>) dst(%dma_wait3A_198 : memref<10008x16xf32, #tpu.memory_space<vmem_shared>>)
        } else {
        }
        %dma_wait3A_134 = arith.constant 0 : i32
        %dma_wait3A_135 = arith.constant 1 : i32
        %dma_wait3A_136 = arith.constant 0 : i32
        %dma_wait3A_137 = arith.constant 1 : i32
        %dma_wait3A_138 = arith.constant 0 : i32
        %dma_wait3A_139 = arith.constant 0 : i32
        %dma_wait3A_140 = tpu.memref_slice %arg17[%dma_wait3A_134, %dma_wait3A_135, %dma_wait3A_138, %dma_wait3A_139] : memref<2x4x128x64xf32, #tpu.memory_space<vmem>> -> memref<1x1x128x64xf32, #tpu.memory_space<vmem>>
        %dma_wait3A_141 = tpu.memref_squeeze %dma_wait3A_140 : memref<1x1x128x64xf32, #tpu.memory_space<vmem>> -> memref<128x64xf32, #tpu.memory_space<vmem>>
        %dma_wait3A_142 = arith.constant 0 : i32
        %dma_wait3A_143 = tpu.memref_slice %arg16[%dma_wait3A_136, %dma_wait3A_137, %dma_wait3A_142] : memref<2x4x128xi32, #tpu.memory_space<vmem>> -> memref<1x1x128xi32, #tpu.memory_space<vmem>>
        %dma_wait3A_144 = tpu.memref_squeeze %dma_wait3A_143 : memref<1x1x128xi32, #tpu.memory_space<vmem>> -> memref<128xi32, #tpu.memory_space<vmem>>
        %dma_wait3A_145 = arith.constant 0 : i32
        %dma_wait3A_146 = arith.constant 0 : i32
        %dma_wait3A_147 = tpu.memref_slice %arg13[%dma_wait3A_145, %dma_wait3A_146] : memref<10008x64xf32, #tpu.memory_space<vmem_shared>> -> memref<10008x64xf32, #tpu.memory_space<vmem_shared>>
        tpu.wait_indirect_dma semaphore(%arg21 : memref<!tpu.dma_semaphore, #tpu.memory_space<semaphore_mem>>) src(%dma_wait3A_141 : memref<128x64xf32, #tpu.memory_space<vmem>>) dst(%dma_wait3A_147 : memref<10008x64xf32, #tpu.memory_space<vmem_shared>>)
        %eq3A_148 = arith.constant 1 : i32
        %eq3A_149 = arith.cmpi eq, %arg0, %eq3A_148 : i32
        %convert_element_type3A_150 = arith.extui %eq3A_149 : i1 to i32
        %cond3A_151 = arith.constant 0 : i32
        %cond3A_152 = arith.cmpi ne, %convert_element_type3A_150, %cond3A_151 : i32
        scf.if %cond3A_152 {
          %dma_wait3A_191 = arith.constant 0 : i32
          %dma_wait3A_192 = arith.constant 1 : i32
          %dma_wait3A_193 = arith.constant 0 : i32
          %dma_wait3A_194 = tpu.memref_slice %arg16[%dma_wait3A_191, %dma_wait3A_192, %dma_wait3A_193] : memref<2x4x128xi32, #tpu.memory_space<vmem>> -> memref<1x1x128xi32, #tpu.memory_space<vmem>>
          %dma_wait3A_195 = tpu.memref_squeeze %dma_wait3A_194 : memref<1x1x128xi32, #tpu.memory_space<vmem>> -> memref<128xi32, #tpu.memory_space<vmem>>
          %dma_wait3A_196 = arith.constant 0 : i32
          %dma_wait3A_197 = arith.constant 0 : i32
          %dma_wait3A_198 = tpu.memref_slice %arg14[%dma_wait3A_196, %dma_wait3A_197] : memref<10008x16xf32, #tpu.memory_space<vmem_shared>> -> memref<10008x16xf32, #tpu.memory_space<vmem_shared>>
          tpu.wait_indirect_dma semaphore(%arg23 : memref<!tpu.dma_semaphore, #tpu.memory_space<semaphore_mem>>) src(%arg18 : memref<128x16xf32, #tpu.memory_space<vmem>>) dst(%dma_wait3A_198 : memref<10008x16xf32, #tpu.memory_space<vmem_shared>>)
        } else {
        }
        %dma_wait3A_153 = arith.constant 0 : i32
        %dma_wait3A_154 = arith.constant 2 : i32
        %dma_wait3A_155 = arith.constant 0 : i32
        %dma_wait3A_156 = arith.constant 2 : i32
        %dma_wait3A_157 = arith.constant 0 : i32
        %dma_wait3A_158 = arith.constant 0 : i32
        %dma_wait3A_159 = tpu.memref_slice %arg17[%dma_wait3A_153, %dma_wait3A_154, %dma_wait3A_157, %dma_wait3A_158] : memref<2x4x128x64xf32, #tpu.memory_space<vmem>> -> memref<1x1x128x64xf32, #tpu.memory_space<vmem>>
        %dma_wait3A_160 = tpu.memref_squeeze %dma_wait3A_159 : memref<1x1x128x64xf32, #tpu.memory_space<vmem>> -> memref<128x64xf32, #tpu.memory_space<vmem>>
        %dma_wait3A_161 = arith.constant 0 : i32
        %dma_wait3A_162 = tpu.memref_slice %arg16[%dma_wait3A_155, %dma_wait3A_156, %dma_wait3A_161] : memref<2x4x128xi32, #tpu.memory_space<vmem>> -> memref<1x1x128xi32, #tpu.memory_space<vmem>>
        %dma_wait3A_163 = tpu.memref_squeeze %dma_wait3A_162 : memref<1x1x128xi32, #tpu.memory_space<vmem>> -> memref<128xi32, #tpu.memory_space<vmem>>
        %dma_wait3A_164 = arith.constant 0 : i32
        %dma_wait3A_165 = arith.constant 0 : i32
        %dma_wait3A_166 = tpu.memref_slice %arg13[%dma_wait3A_164, %dma_wait3A_165] : memref<10008x64xf32, #tpu.memory_space<vmem_shared>> -> memref<10008x64xf32, #tpu.memory_space<vmem_shared>>
        tpu.wait_indirect_dma semaphore(%arg21 : memref<!tpu.dma_semaphore, #tpu.memory_space<semaphore_mem>>) src(%dma_wait3A_160 : memref<128x64xf32, #tpu.memory_space<vmem>>) dst(%dma_wait3A_166 : memref<10008x64xf32, #tpu.memory_space<vmem_shared>>)
        %eq3A_167 = arith.constant 0 : i32
        %eq3A_168 = arith.cmpi eq, %arg0, %eq3A_167 : i32
        %convert_element_type3A_169 = arith.extui %eq3A_168 : i1 to i32
        %cond3A_170 = arith.constant 0 : i32
        %cond3A_171 = arith.cmpi ne, %convert_element_type3A_169, %cond3A_170 : i32
        scf.if %cond3A_171 {
          %dma_wait3A_191 = arith.constant 0 : i32
          %dma_wait3A_192 = arith.constant 2 : i32
          %dma_wait3A_193 = arith.constant 0 : i32
          %dma_wait3A_194 = tpu.memref_slice %arg16[%dma_wait3A_191, %dma_wait3A_192, %dma_wait3A_193] : memref<2x4x128xi32, #tpu.memory_space<vmem>> -> memref<1x1x128xi32, #tpu.memory_space<vmem>>
          %dma_wait3A_195 = tpu.memref_squeeze %dma_wait3A_194 : memref<1x1x128xi32, #tpu.memory_space<vmem>> -> memref<128xi32, #tpu.memory_space<vmem>>
          %dma_wait3A_196 = arith.constant 0 : i32
          %dma_wait3A_197 = arith.constant 0 : i32
          %dma_wait3A_198 = tpu.memref_slice %arg14[%dma_wait3A_196, %dma_wait3A_197] : memref<10008x16xf32, #tpu.memory_space<vmem_shared>> -> memref<10008x16xf32, #tpu.memory_space<vmem_shared>>
          tpu.wait_indirect_dma semaphore(%arg23 : memref<!tpu.dma_semaphore, #tpu.memory_space<semaphore_mem>>) src(%arg18 : memref<128x16xf32, #tpu.memory_space<vmem>>) dst(%dma_wait3A_198 : memref<10008x16xf32, #tpu.memory_space<vmem_shared>>)
        } else {
        }
        %dma_wait3A_172 = arith.constant 0 : i32
        %dma_wait3A_173 = arith.constant 3 : i32
        %dma_wait3A_174 = arith.constant 0 : i32
        %dma_wait3A_175 = arith.constant 3 : i32
        %dma_wait3A_176 = arith.constant 0 : i32
        %dma_wait3A_177 = arith.constant 0 : i32
        %dma_wait3A_178 = tpu.memref_slice %arg17[%dma_wait3A_172, %dma_wait3A_173, %dma_wait3A_176, %dma_wait3A_177] : memref<2x4x128x64xf32, #tpu.memory_space<vmem>> -> memref<1x1x128x64xf32, #tpu.memory_space<vmem>>
        %dma_wait3A_179 = tpu.memref_squeeze %dma_wait3A_178 : memref<1x1x128x64xf32, #tpu.memory_space<vmem>> -> memref<128x64xf32, #tpu.memory_space<vmem>>
        %dma_wait3A_180 = arith.constant 0 : i32
        %dma_wait3A_181 = tpu.memref_slice %arg16[%dma_wait3A_174, %dma_wait3A_175, %dma_wait3A_180] : memref<2x4x128xi32, #tpu.memory_space<vmem>> -> memref<1x1x128xi32, #tpu.memory_space<vmem>>
        %dma_wait3A_182 = tpu.memref_squeeze %dma_wait3A_181 : memref<1x1x128xi32, #tpu.memory_space<vmem>> -> memref<128xi32, #tpu.memory_space<vmem>>
        %dma_wait3A_183 = arith.constant 0 : i32
        %dma_wait3A_184 = arith.constant 0 : i32
        %dma_wait3A_185 = tpu.memref_slice %arg13[%dma_wait3A_183, %dma_wait3A_184] : memref<10008x64xf32, #tpu.memory_space<vmem_shared>> -> memref<10008x64xf32, #tpu.memory_space<vmem_shared>>
        tpu.wait_indirect_dma semaphore(%arg21 : memref<!tpu.dma_semaphore, #tpu.memory_space<semaphore_mem>>) src(%dma_wait3A_179 : memref<128x64xf32, #tpu.memory_space<vmem>>) dst(%dma_wait3A_185 : memref<10008x64xf32, #tpu.memory_space<vmem_shared>>)
        %eq3A_186 = arith.constant 1 : i32
        %eq3A_187 = arith.cmpi eq, %arg0, %eq3A_186 : i32
        %convert_element_type3A_188 = arith.extui %eq3A_187 : i1 to i32
        %cond3A_189 = arith.constant 0 : i32
        %cond3A_190 = arith.cmpi ne, %convert_element_type3A_188, %cond3A_189 : i32
        scf.if %cond3A_190 {
          %dma_wait3A_191 = arith.constant 0 : i32
          %dma_wait3A_192 = arith.constant 3 : i32
          %dma_wait3A_193 = arith.constant 0 : i32
          %dma_wait3A_194 = tpu.memref_slice %arg16[%dma_wait3A_191, %dma_wait3A_192, %dma_wait3A_193] : memref<2x4x128xi32, #tpu.memory_space<vmem>> -> memref<1x1x128xi32, #tpu.memory_space<vmem>>
          %dma_wait3A_195 = tpu.memref_squeeze %dma_wait3A_194 : memref<1x1x128xi32, #tpu.memory_space<vmem>> -> memref<128xi32, #tpu.memory_space<vmem>>
          %dma_wait3A_196 = arith.constant 0 : i32
          %dma_wait3A_197 = arith.constant 0 : i32
          %dma_wait3A_198 = tpu.memref_slice %arg14[%dma_wait3A_196, %dma_wait3A_197] : memref<10008x16xf32, #tpu.memory_space<vmem_shared>> -> memref<10008x16xf32, #tpu.memory_space<vmem_shared>>
          tpu.wait_indirect_dma semaphore(%arg23 : memref<!tpu.dma_semaphore, #tpu.memory_space<semaphore_mem>>) src(%arg18 : memref<128x16xf32, #tpu.memory_space<vmem>>) dst(%dma_wait3A_198 : memref<10008x16xf32, #tpu.memory_space<vmem_shared>>)
        } else {
        }
      } else {
      }
      %lt3A_76 = arith.constant 38 : i32
      %lt3A_77 = arith.cmpi slt, %add3A_31, %lt3A_76 : i32
      %convert_element_type3A_78 = arith.extui %lt3A_77 : i1 to i32
      %cond3A_79 = arith.constant 0 : i32
      %cond3A_80 = arith.cmpi ne, %convert_element_type3A_78, %cond3A_79 : i32
      scf.if %cond3A_80 {
        %add3A_116 = arith.constant 2 : i32
        %add3A_117 = arith.addi %add3A_31, %add3A_116 : i32
        %mul3A_118 = arith.constant 4 : i32
        %mul3A_119 = arith.muli %add3A_117, %mul3A_118 : i32
        %add3A_120 = arith.addi %mul3A_2, %mul3A_119 : i32
        %lt3A_121 = arith.constant 2500 : i32
        %lt3A_122 = arith.cmpi slt, %add3A_120, %lt3A_121 : i32
        %convert_element_type3A_123 = arith.extui %lt3A_122 : i1 to i32
        %cond3A_124 = arith.constant 0 : i32
        %cond3A_125 = arith.cmpi ne, %convert_element_type3A_123, %cond3A_124 : i32
        scf.if %cond3A_125 {
          %run_scoped3A = arith.constant 0 : i32
          "tpu.region"() ({
            %run_scoped3A_127 = tpu.sem_alloc : memref<!tpu.dma_semaphore, #tpu.memory_space<semaphore_mem>>
            %dma_start3A = arith.constant 0 : i32
            %dma_start3A_128 = arith.constant 0 : i32
            %dma_start3A_129 = tpu.memref_slice %arg15[%run_scoped3A, %dma_start3A, %dma_start3A_128] : memref<2x4x128xi32, #tpu.memory_space<vmem>> -> memref<1x4x128xi32, #tpu.memory_space<vmem>>
            %dma_start3A_130 = tpu.memref_squeeze %dma_start3A_129 : memref<1x4x128xi32, #tpu.memory_space<vmem>> -> memref<4x128xi32, #tpu.memory_space<vmem>>
            %dma_start3A_131 = arith.constant 0 : i32
            %dma_start3A_132 = tpu.memref_slice %arg4[%add3A_120, %dma_start3A_131] : memref<2500x128xi32, #tpu.memory_space<hbm>> -> memref<4x128xi32, #tpu.memory_space<hbm>>
            %dma_start3A_133 = arith.constant 0 : i32
            %dma_start3A_134 = arith.constant 0 : i32
            %dma_start3A_135 = tpu.memref_slice %arg15[%run_scoped3A, %dma_start3A_133, %dma_start3A_134] : memref<2x4x128xi32, #tpu.memory_space<vmem>> -> memref<1x4x128xi32, #tpu.memory_space<vmem>>
            %dma_start3A_136 = tpu.memref_squeeze %dma_start3A_135 : memref<1x4x128xi32, #tpu.memory_space<vmem>> -> memref<4x128xi32, #tpu.memory_space<vmem>>
            %dma_start3A_137 = arith.constant 0 : i32
            %dma_start3A_138 = tpu.memref_slice %arg4[%add3A_120, %dma_start3A_137] : memref<2500x128xi32, #tpu.memory_space<hbm>> -> memref<4x128xi32, #tpu.memory_space<hbm>>
            tpu.enqueue_dma source(%dma_start3A_138 : memref<4x128xi32, #tpu.memory_space<hbm>>) target(%dma_start3A_136 : memref<4x128xi32, #tpu.memory_space<vmem>>) target_semaphore(%run_scoped3A_127 : memref<!tpu.dma_semaphore, #tpu.memory_space<semaphore_mem>>)
            %dma_wait3A = arith.constant 0 : i32
            %dma_wait3A_139 = arith.constant 0 : i32
            %dma_wait3A_140 = tpu.memref_slice %arg15[%run_scoped3A, %dma_wait3A, %dma_wait3A_139] : memref<2x4x128xi32, #tpu.memory_space<vmem>> -> memref<1x4x128xi32, #tpu.memory_space<vmem>>
            %dma_wait3A_141 = tpu.memref_squeeze %dma_wait3A_140 : memref<1x4x128xi32, #tpu.memory_space<vmem>> -> memref<4x128xi32, #tpu.memory_space<vmem>>
            %dma_wait3A_142 = arith.constant 0 : i32
            %dma_wait3A_143 = tpu.memref_slice %arg4[%add3A_120, %dma_wait3A_142] : memref<2500x128xi32, #tpu.memory_space<hbm>> -> memref<4x128xi32, #tpu.memory_space<hbm>>
            %dma_wait3A_144 = arith.constant 0 : i32
            %dma_wait3A_145 = arith.constant 0 : i32
            %dma_wait3A_146 = tpu.memref_slice %arg15[%run_scoped3A, %dma_wait3A_144, %dma_wait3A_145] : memref<2x4x128xi32, #tpu.memory_space<vmem>> -> memref<1x4x128xi32, #tpu.memory_space<vmem>>
            %dma_wait3A_147 = tpu.memref_squeeze %dma_wait3A_146 : memref<1x4x128xi32, #tpu.memory_space<vmem>> -> memref<4x128xi32, #tpu.memory_space<vmem>>
            %dma_wait3A_148 = arith.constant 0 : i32
            %dma_wait3A_149 = tpu.memref_slice %arg4[%add3A_120, %dma_wait3A_148] : memref<2500x128xi32, #tpu.memory_space<hbm>> -> memref<4x128xi32, #tpu.memory_space<hbm>>
            tpu.wait_dma2 semaphore(%run_scoped3A_127 : memref<!tpu.dma_semaphore, #tpu.memory_space<semaphore_mem>>) src(%dma_wait3A_149 : memref<4x128xi32, #tpu.memory_space<hbm>>) dst(%dma_wait3A_147 : memref<4x128xi32, #tpu.memory_space<vmem>>)
            tpu.yield
          }) : () -> ()
          %run_scoped3A_126 = arith.constant 0 : i32
          "tpu.region"() ({
            %run_scoped3A_127 = tpu.sem_alloc : memref<!tpu.dma_semaphore, #tpu.memory_space<semaphore_mem>>
            %dma_start3A = arith.constant 0 : i32
            %dma_start3A_128 = arith.constant 0 : i32
            %dma_start3A_129 = tpu.memref_slice %arg16[%run_scoped3A_126, %dma_start3A, %dma_start3A_128] : memref<2x4x128xi32, #tpu.memory_space<vmem>> -> memref<1x4x128xi32, #tpu.memory_space<vmem>>
            %dma_start3A_130 = tpu.memref_squeeze %dma_start3A_129 : memref<1x4x128xi32, #tpu.memory_space<vmem>> -> memref<4x128xi32, #tpu.memory_space<vmem>>
            %dma_start3A_131 = arith.constant 0 : i32
            %dma_start3A_132 = tpu.memref_slice %arg5[%add3A_120, %dma_start3A_131] : memref<2500x128xi32, #tpu.memory_space<hbm>> -> memref<4x128xi32, #tpu.memory_space<hbm>>
            %dma_start3A_133 = arith.constant 0 : i32
            %dma_start3A_134 = arith.constant 0 : i32
            %dma_start3A_135 = tpu.memref_slice %arg16[%run_scoped3A_126, %dma_start3A_133, %dma_start3A_134] : memref<2x4x128xi32, #tpu.memory_space<vmem>> -> memref<1x4x128xi32, #tpu.memory_space<vmem>>
            %dma_start3A_136 = tpu.memref_squeeze %dma_start3A_135 : memref<1x4x128xi32, #tpu.memory_space<vmem>> -> memref<4x128xi32, #tpu.memory_space<vmem>>
            %dma_start3A_137 = arith.constant 0 : i32
            %dma_start3A_138 = tpu.memref_slice %arg5[%add3A_120, %dma_start3A_137] : memref<2500x128xi32, #tpu.memory_space<hbm>> -> memref<4x128xi32, #tpu.memory_space<hbm>>
            tpu.enqueue_dma source(%dma_start3A_138 : memref<4x128xi32, #tpu.memory_space<hbm>>) target(%dma_start3A_136 : memref<4x128xi32, #tpu.memory_space<vmem>>) target_semaphore(%run_scoped3A_127 : memref<!tpu.dma_semaphore, #tpu.memory_space<semaphore_mem>>)
            %dma_wait3A = arith.constant 0 : i32
            %dma_wait3A_139 = arith.constant 0 : i32
            %dma_wait3A_140 = tpu.memref_slice %arg16[%run_scoped3A_126, %dma_wait3A, %dma_wait3A_139] : memref<2x4x128xi32, #tpu.memory_space<vmem>> -> memref<1x4x128xi32, #tpu.memory_space<vmem>>
            %dma_wait3A_141 = tpu.memref_squeeze %dma_wait3A_140 : memref<1x4x128xi32, #tpu.memory_space<vmem>> -> memref<4x128xi32, #tpu.memory_space<vmem>>
            %dma_wait3A_142 = arith.constant 0 : i32
            %dma_wait3A_143 = tpu.memref_slice %arg5[%add3A_120, %dma_wait3A_142] : memref<2500x128xi32, #tpu.memory_space<hbm>> -> memref<4x128xi32, #tpu.memory_space<hbm>>
            %dma_wait3A_144 = arith.constant 0 : i32
            %dma_wait3A_145 = arith.constant 0 : i32
            %dma_wait3A_146 = tpu.memref_slice %arg16[%run_scoped3A_126, %dma_wait3A_144, %dma_wait3A_145] : memref<2x4x128xi32, #tpu.memory_space<vmem>> -> memref<1x4x128xi32, #tpu.memory_space<vmem>>
            %dma_wait3A_147 = tpu.memref_squeeze %dma_wait3A_146 : memref<1x4x128xi32, #tpu.memory_space<vmem>> -> memref<4x128xi32, #tpu.memory_space<vmem>>
            %dma_wait3A_148 = arith.constant 0 : i32
            %dma_wait3A_149 = tpu.memref_slice %arg5[%add3A_120, %dma_wait3A_148] : memref<2500x128xi32, #tpu.memory_space<hbm>> -> memref<4x128xi32, #tpu.memory_space<hbm>>
            tpu.wait_dma2 semaphore(%run_scoped3A_127 : memref<!tpu.dma_semaphore, #tpu.memory_space<semaphore_mem>>) src(%dma_wait3A_149 : memref<4x128xi32, #tpu.memory_space<hbm>>) dst(%dma_wait3A_147 : memref<4x128xi32, #tpu.memory_space<vmem>>)
            tpu.yield
          }) : () -> ()
        } else {
        }
      } else {
      }
      %add3A_81 = arith.constant 1 : i32
      %add3A_82 = arith.addi %add3A_31, %add3A_81 : i32
      %mul3A_83 = arith.constant 4 : i32
      %mul3A_84 = arith.muli %add3A_82, %mul3A_83 : i32
      %add3A_85 = arith.addi %mul3A_2, %mul3A_84 : i32
      %lt3A_86 = arith.constant 2500 : i32
      %lt3A_87 = arith.cmpi slt, %add3A_85, %lt3A_86 : i32
      %convert_element_type3A_88 = arith.extui %lt3A_87 : i1 to i32
      %cond3A_89 = arith.constant 0 : i32
      %cond3A_90 = arith.cmpi ne, %convert_element_type3A_88, %cond3A_89 : i32
      scf.if %cond3A_90 {
        %dma_wait3A = arith.constant 1 : i32
        %dma_wait3A_116 = arith.constant 0 : i32
        %dma_wait3A_117 = arith.constant 1 : i32
        %dma_wait3A_118 = arith.constant 0 : i32
        %dma_wait3A_119 = arith.constant 0 : i32
        %dma_wait3A_120 = arith.constant 0 : i32
        %dma_wait3A_121 = tpu.memref_slice %arg17[%dma_wait3A_117, %dma_wait3A_118, %dma_wait3A_119, %dma_wait3A_120] : memref<2x4x128x64xf32, #tpu.memory_space<vmem>> -> memref<1x1x128x64xf32, #tpu.memory_space<vmem>>
        %dma_wait3A_122 = tpu.memref_squeeze %dma_wait3A_121 : memref<1x1x128x64xf32, #tpu.memory_space<vmem>> -> memref<128x64xf32, #tpu.memory_space<vmem>>
        %dma_wait3A_123 = arith.constant 0 : i32
        %dma_wait3A_124 = tpu.memref_slice %arg15[%dma_wait3A, %dma_wait3A_116, %dma_wait3A_123] : memref<2x4x128xi32, #tpu.memory_space<vmem>> -> memref<1x1x128xi32, #tpu.memory_space<vmem>>
        %dma_wait3A_125 = tpu.memref_squeeze %dma_wait3A_124 : memref<1x1x128xi32, #tpu.memory_space<vmem>> -> memref<128xi32, #tpu.memory_space<vmem>>
        %dma_wait3A_126 = arith.constant 0 : i32
        %dma_wait3A_127 = arith.constant 0 : i32
        %dma_wait3A_128 = tpu.memref_slice %arg2[%dma_wait3A_126, %dma_wait3A_127] : memref<10000x64xf32, #tpu.memory_space<hbm>> -> memref<10000x64xf32, #tpu.memory_space<hbm>>
        tpu.wait_indirect_dma semaphore(%arg20 : memref<!tpu.dma_semaphore, #tpu.memory_space<semaphore_mem>>) src(%dma_wait3A_128 : memref<10000x64xf32, #tpu.memory_space<hbm>>) dst(%dma_wait3A_122 : memref<128x64xf32, #tpu.memory_space<vmem>>)
        %dma_wait3A_129 = arith.constant 1 : i32
        %dma_wait3A_130 = arith.constant 1 : i32
        %dma_wait3A_131 = arith.constant 1 : i32
        %dma_wait3A_132 = arith.constant 1 : i32
        %dma_wait3A_133 = arith.constant 0 : i32
        %dma_wait3A_134 = arith.constant 0 : i32
        %dma_wait3A_135 = tpu.memref_slice %arg17[%dma_wait3A_131, %dma_wait3A_132, %dma_wait3A_133, %dma_wait3A_134] : memref<2x4x128x64xf32, #tpu.memory_space<vmem>> -> memref<1x1x128x64xf32, #tpu.memory_space<vmem>>
        %dma_wait3A_136 = tpu.memref_squeeze %dma_wait3A_135 : memref<1x1x128x64xf32, #tpu.memory_space<vmem>> -> memref<128x64xf32, #tpu.memory_space<vmem>>
        %dma_wait3A_137 = arith.constant 0 : i32
        %dma_wait3A_138 = tpu.memref_slice %arg15[%dma_wait3A_129, %dma_wait3A_130, %dma_wait3A_137] : memref<2x4x128xi32, #tpu.memory_space<vmem>> -> memref<1x1x128xi32, #tpu.memory_space<vmem>>
        %dma_wait3A_139 = tpu.memref_squeeze %dma_wait3A_138 : memref<1x1x128xi32, #tpu.memory_space<vmem>> -> memref<128xi32, #tpu.memory_space<vmem>>
        %dma_wait3A_140 = arith.constant 0 : i32
        %dma_wait3A_141 = arith.constant 0 : i32
        %dma_wait3A_142 = tpu.memref_slice %arg2[%dma_wait3A_140, %dma_wait3A_141] : memref<10000x64xf32, #tpu.memory_space<hbm>> -> memref<10000x64xf32, #tpu.memory_space<hbm>>
        tpu.wait_indirect_dma semaphore(%arg20 : memref<!tpu.dma_semaphore, #tpu.memory_space<semaphore_mem>>) src(%dma_wait3A_142 : memref<10000x64xf32, #tpu.memory_space<hbm>>) dst(%dma_wait3A_136 : memref<128x64xf32, #tpu.memory_space<vmem>>)
        %dma_wait3A_143 = arith.constant 1 : i32
        %dma_wait3A_144 = arith.constant 2 : i32
        %dma_wait3A_145 = arith.constant 1 : i32
        %dma_wait3A_146 = arith.constant 2 : i32
        %dma_wait3A_147 = arith.constant 0 : i32
        %dma_wait3A_148 = arith.constant 0 : i32
        %dma_wait3A_149 = tpu.memref_slice %arg17[%dma_wait3A_145, %dma_wait3A_146, %dma_wait3A_147, %dma_wait3A_148] : memref<2x4x128x64xf32, #tpu.memory_space<vmem>> -> memref<1x1x128x64xf32, #tpu.memory_space<vmem>>
        %dma_wait3A_150 = tpu.memref_squeeze %dma_wait3A_149 : memref<1x1x128x64xf32, #tpu.memory_space<vmem>> -> memref<128x64xf32, #tpu.memory_space<vmem>>
        %dma_wait3A_151 = arith.constant 0 : i32
        %dma_wait3A_152 = tpu.memref_slice %arg15[%dma_wait3A_143, %dma_wait3A_144, %dma_wait3A_151] : memref<2x4x128xi32, #tpu.memory_space<vmem>> -> memref<1x1x128xi32, #tpu.memory_space<vmem>>
        %dma_wait3A_153 = tpu.memref_squeeze %dma_wait3A_152 : memref<1x1x128xi32, #tpu.memory_space<vmem>> -> memref<128xi32, #tpu.memory_space<vmem>>
        %dma_wait3A_154 = arith.constant 0 : i32
        %dma_wait3A_155 = arith.constant 0 : i32
        %dma_wait3A_156 = tpu.memref_slice %arg2[%dma_wait3A_154, %dma_wait3A_155] : memref<10000x64xf32, #tpu.memory_space<hbm>> -> memref<10000x64xf32, #tpu.memory_space<hbm>>
        tpu.wait_indirect_dma semaphore(%arg20 : memref<!tpu.dma_semaphore, #tpu.memory_space<semaphore_mem>>) src(%dma_wait3A_156 : memref<10000x64xf32, #tpu.memory_space<hbm>>) dst(%dma_wait3A_150 : memref<128x64xf32, #tpu.memory_space<vmem>>)
        %dma_wait3A_157 = arith.constant 1 : i32
        %dma_wait3A_158 = arith.constant 3 : i32
        %dma_wait3A_159 = arith.constant 1 : i32
        %dma_wait3A_160 = arith.constant 3 : i32
        %dma_wait3A_161 = arith.constant 0 : i32
        %dma_wait3A_162 = arith.constant 0 : i32
        %dma_wait3A_163 = tpu.memref_slice %arg17[%dma_wait3A_159, %dma_wait3A_160, %dma_wait3A_161, %dma_wait3A_162] : memref<2x4x128x64xf32, #tpu.memory_space<vmem>> -> memref<1x1x128x64xf32, #tpu.memory_space<vmem>>
        %dma_wait3A_164 = tpu.memref_squeeze %dma_wait3A_163 : memref<1x1x128x64xf32, #tpu.memory_space<vmem>> -> memref<128x64xf32, #tpu.memory_space<vmem>>
        %dma_wait3A_165 = arith.constant 0 : i32
        %dma_wait3A_166 = tpu.memref_slice %arg15[%dma_wait3A_157, %dma_wait3A_158, %dma_wait3A_165] : memref<2x4x128xi32, #tpu.memory_space<vmem>> -> memref<1x1x128xi32, #tpu.memory_space<vmem>>
        %dma_wait3A_167 = tpu.memref_squeeze %dma_wait3A_166 : memref<1x1x128xi32, #tpu.memory_space<vmem>> -> memref<128xi32, #tpu.memory_space<vmem>>
        %dma_wait3A_168 = arith.constant 0 : i32
        %dma_wait3A_169 = arith.constant 0 : i32
        %dma_wait3A_170 = tpu.memref_slice %arg2[%dma_wait3A_168, %dma_wait3A_169] : memref<10000x64xf32, #tpu.memory_space<hbm>> -> memref<10000x64xf32, #tpu.memory_space<hbm>>
        tpu.wait_indirect_dma semaphore(%arg20 : memref<!tpu.dma_semaphore, #tpu.memory_space<semaphore_mem>>) src(%dma_wait3A_170 : memref<10000x64xf32, #tpu.memory_space<hbm>>) dst(%dma_wait3A_164 : memref<128x64xf32, #tpu.memory_space<vmem>>)
      } else {
      }
      %add3A_91 = arith.constant 1 : i32
      %add3A_92 = arith.addi %add3A_31, %add3A_91 : i32
      %mul3A_93 = arith.constant 4 : i32
      %mul3A_94 = arith.muli %add3A_92, %mul3A_93 : i32
      %add3A_95 = arith.addi %mul3A_2, %mul3A_94 : i32
      %lt3A_96 = arith.constant 2500 : i32
      %lt3A_97 = arith.cmpi slt, %add3A_95, %lt3A_96 : i32
      %convert_element_type3A_98 = arith.extui %lt3A_97 : i1 to i32
      %cond3A_99 = arith.constant 0 : i32
      %cond3A_100 = arith.cmpi ne, %convert_element_type3A_98, %cond3A_99 : i32
      scf.if %cond3A_100 {
        %dma_start3A = arith.constant 1 : i32
        %dma_start3A_116 = arith.constant 0 : i32
        %dma_start3A_117 = arith.constant 1 : i32
        %dma_start3A_118 = arith.constant 0 : i32
        %dma_start3A_119 = arith.constant 0 : i32
        %dma_start3A_120 = arith.constant 0 : i32
        %dma_start3A_121 = tpu.memref_slice %arg17[%dma_start3A, %dma_start3A_116, %dma_start3A_119, %dma_start3A_120] : memref<2x4x128x64xf32, #tpu.memory_space<vmem>> -> memref<1x1x128x64xf32, #tpu.memory_space<vmem>>
        %dma_start3A_122 = tpu.memref_squeeze %dma_start3A_121 : memref<1x1x128x64xf32, #tpu.memory_space<vmem>> -> memref<128x64xf32, #tpu.memory_space<vmem>>
        %dma_start3A_123 = arith.constant 0 : i32
        %dma_start3A_124 = tpu.memref_slice %arg16[%dma_start3A_117, %dma_start3A_118, %dma_start3A_123] : memref<2x4x128xi32, #tpu.memory_space<vmem>> -> memref<1x1x128xi32, #tpu.memory_space<vmem>>
        %dma_start3A_125 = tpu.memref_squeeze %dma_start3A_124 : memref<1x1x128xi32, #tpu.memory_space<vmem>> -> memref<128xi32, #tpu.memory_space<vmem>>
        %dma_start3A_126 = arith.constant 0 : i32
        %dma_start3A_127 = arith.constant 0 : i32
        %dma_start3A_128 = tpu.memref_slice %arg13[%dma_start3A_126, %dma_start3A_127] : memref<10008x64xf32, #tpu.memory_space<vmem_shared>> -> memref<10008x64xf32, #tpu.memory_space<vmem_shared>>
        tpu.enqueue_indirect_dma source(%dma_start3A_122 : memref<128x64xf32, #tpu.memory_space<vmem>>) target(%dma_start3A_128 : memref<10008x64xf32, #tpu.memory_space<vmem_shared>>) offsets(%dma_start3A_125 : memref<128xi32, #tpu.memory_space<vmem>>) semaphore(%arg22 : memref<!tpu.dma_semaphore, #tpu.memory_space<semaphore_mem>>) {add = true}
        %eq3A_129 = arith.constant 0 : i32
        %eq3A_130 = arith.cmpi eq, %arg0, %eq3A_129 : i32
        %convert_element_type3A_131 = arith.extui %eq3A_130 : i1 to i32
        %cond3A_132 = arith.constant 0 : i32
        %cond3A_133 = arith.cmpi ne, %convert_element_type3A_131, %cond3A_132 : i32
        scf.if %cond3A_133 {
          %dma_start3A_191 = arith.constant 1 : i32
          %dma_start3A_192 = arith.constant 0 : i32
          %dma_start3A_193 = arith.constant 0 : i32
          %dma_start3A_194 = tpu.memref_slice %arg16[%dma_start3A_191, %dma_start3A_192, %dma_start3A_193] : memref<2x4x128xi32, #tpu.memory_space<vmem>> -> memref<1x1x128xi32, #tpu.memory_space<vmem>>
          %dma_start3A_195 = tpu.memref_squeeze %dma_start3A_194 : memref<1x1x128xi32, #tpu.memory_space<vmem>> -> memref<128xi32, #tpu.memory_space<vmem>>
          %dma_start3A_196 = arith.constant 0 : i32
          %dma_start3A_197 = arith.constant 0 : i32
          %dma_start3A_198 = tpu.memref_slice %arg14[%dma_start3A_196, %dma_start3A_197] : memref<10008x16xf32, #tpu.memory_space<vmem_shared>> -> memref<10008x16xf32, #tpu.memory_space<vmem_shared>>
          tpu.enqueue_indirect_dma source(%arg18 : memref<128x16xf32, #tpu.memory_space<vmem>>) target(%dma_start3A_198 : memref<10008x16xf32, #tpu.memory_space<vmem_shared>>) offsets(%dma_start3A_195 : memref<128xi32, #tpu.memory_space<vmem>>) semaphore(%arg24 : memref<!tpu.dma_semaphore, #tpu.memory_space<semaphore_mem>>) {add = true}
        } else {
        }
        %dma_start3A_134 = arith.constant 1 : i32
        %dma_start3A_135 = arith.constant 1 : i32
        %dma_start3A_136 = arith.constant 1 : i32
        %dma_start3A_137 = arith.constant 1 : i32
        %dma_start3A_138 = arith.constant 0 : i32
        %dma_start3A_139 = arith.constant 0 : i32
        %dma_start3A_140 = tpu.memref_slice %arg17[%dma_start3A_134, %dma_start3A_135, %dma_start3A_138, %dma_start3A_139] : memref<2x4x128x64xf32, #tpu.memory_space<vmem>> -> memref<1x1x128x64xf32, #tpu.memory_space<vmem>>
        %dma_start3A_141 = tpu.memref_squeeze %dma_start3A_140 : memref<1x1x128x64xf32, #tpu.memory_space<vmem>> -> memref<128x64xf32, #tpu.memory_space<vmem>>
        %dma_start3A_142 = arith.constant 0 : i32
        %dma_start3A_143 = tpu.memref_slice %arg16[%dma_start3A_136, %dma_start3A_137, %dma_start3A_142] : memref<2x4x128xi32, #tpu.memory_space<vmem>> -> memref<1x1x128xi32, #tpu.memory_space<vmem>>
        %dma_start3A_144 = tpu.memref_squeeze %dma_start3A_143 : memref<1x1x128xi32, #tpu.memory_space<vmem>> -> memref<128xi32, #tpu.memory_space<vmem>>
        %dma_start3A_145 = arith.constant 0 : i32
        %dma_start3A_146 = arith.constant 0 : i32
        %dma_start3A_147 = tpu.memref_slice %arg13[%dma_start3A_145, %dma_start3A_146] : memref<10008x64xf32, #tpu.memory_space<vmem_shared>> -> memref<10008x64xf32, #tpu.memory_space<vmem_shared>>
        tpu.enqueue_indirect_dma source(%dma_start3A_141 : memref<128x64xf32, #tpu.memory_space<vmem>>) target(%dma_start3A_147 : memref<10008x64xf32, #tpu.memory_space<vmem_shared>>) offsets(%dma_start3A_144 : memref<128xi32, #tpu.memory_space<vmem>>) semaphore(%arg22 : memref<!tpu.dma_semaphore, #tpu.memory_space<semaphore_mem>>) {add = true}
        %eq3A_148 = arith.constant 1 : i32
        %eq3A_149 = arith.cmpi eq, %arg0, %eq3A_148 : i32
        %convert_element_type3A_150 = arith.extui %eq3A_149 : i1 to i32
        %cond3A_151 = arith.constant 0 : i32
        %cond3A_152 = arith.cmpi ne, %convert_element_type3A_150, %cond3A_151 : i32
        scf.if %cond3A_152 {
          %dma_start3A_191 = arith.constant 1 : i32
          %dma_start3A_192 = arith.constant 1 : i32
          %dma_start3A_193 = arith.constant 0 : i32
          %dma_start3A_194 = tpu.memref_slice %arg16[%dma_start3A_191, %dma_start3A_192, %dma_start3A_193] : memref<2x4x128xi32, #tpu.memory_space<vmem>> -> memref<1x1x128xi32, #tpu.memory_space<vmem>>
          %dma_start3A_195 = tpu.memref_squeeze %dma_start3A_194 : memref<1x1x128xi32, #tpu.memory_space<vmem>> -> memref<128xi32, #tpu.memory_space<vmem>>
          %dma_start3A_196 = arith.constant 0 : i32
          %dma_start3A_197 = arith.constant 0 : i32
          %dma_start3A_198 = tpu.memref_slice %arg14[%dma_start3A_196, %dma_start3A_197] : memref<10008x16xf32, #tpu.memory_space<vmem_shared>> -> memref<10008x16xf32, #tpu.memory_space<vmem_shared>>
          tpu.enqueue_indirect_dma source(%arg18 : memref<128x16xf32, #tpu.memory_space<vmem>>) target(%dma_start3A_198 : memref<10008x16xf32, #tpu.memory_space<vmem_shared>>) offsets(%dma_start3A_195 : memref<128xi32, #tpu.memory_space<vmem>>) semaphore(%arg24 : memref<!tpu.dma_semaphore, #tpu.memory_space<semaphore_mem>>) {add = true}
        } else {
        }
        %dma_start3A_153 = arith.constant 1 : i32
        %dma_start3A_154 = arith.constant 2 : i32
        %dma_start3A_155 = arith.constant 1 : i32
        %dma_start3A_156 = arith.constant 2 : i32
        %dma_start3A_157 = arith.constant 0 : i32
        %dma_start3A_158 = arith.constant 0 : i32
        %dma_start3A_159 = tpu.memref_slice %arg17[%dma_start3A_153, %dma_start3A_154, %dma_start3A_157, %dma_start3A_158] : memref<2x4x128x64xf32, #tpu.memory_space<vmem>> -> memref<1x1x128x64xf32, #tpu.memory_space<vmem>>
        %dma_start3A_160 = tpu.memref_squeeze %dma_start3A_159 : memref<1x1x128x64xf32, #tpu.memory_space<vmem>> -> memref<128x64xf32, #tpu.memory_space<vmem>>
        %dma_start3A_161 = arith.constant 0 : i32
        %dma_start3A_162 = tpu.memref_slice %arg16[%dma_start3A_155, %dma_start3A_156, %dma_start3A_161] : memref<2x4x128xi32, #tpu.memory_space<vmem>> -> memref<1x1x128xi32, #tpu.memory_space<vmem>>
        %dma_start3A_163 = tpu.memref_squeeze %dma_start3A_162 : memref<1x1x128xi32, #tpu.memory_space<vmem>> -> memref<128xi32, #tpu.memory_space<vmem>>
        %dma_start3A_164 = arith.constant 0 : i32
        %dma_start3A_165 = arith.constant 0 : i32
        %dma_start3A_166 = tpu.memref_slice %arg13[%dma_start3A_164, %dma_start3A_165] : memref<10008x64xf32, #tpu.memory_space<vmem_shared>> -> memref<10008x64xf32, #tpu.memory_space<vmem_shared>>
        tpu.enqueue_indirect_dma source(%dma_start3A_160 : memref<128x64xf32, #tpu.memory_space<vmem>>) target(%dma_start3A_166 : memref<10008x64xf32, #tpu.memory_space<vmem_shared>>) offsets(%dma_start3A_163 : memref<128xi32, #tpu.memory_space<vmem>>) semaphore(%arg22 : memref<!tpu.dma_semaphore, #tpu.memory_space<semaphore_mem>>) {add = true}
        %eq3A_167 = arith.constant 0 : i32
        %eq3A_168 = arith.cmpi eq, %arg0, %eq3A_167 : i32
        %convert_element_type3A_169 = arith.extui %eq3A_168 : i1 to i32
        %cond3A_170 = arith.constant 0 : i32
        %cond3A_171 = arith.cmpi ne, %convert_element_type3A_169, %cond3A_170 : i32
        scf.if %cond3A_171 {
          %dma_start3A_191 = arith.constant 1 : i32
          %dma_start3A_192 = arith.constant 2 : i32
          %dma_start3A_193 = arith.constant 0 : i32
          %dma_start3A_194 = tpu.memref_slice %arg16[%dma_start3A_191, %dma_start3A_192, %dma_start3A_193] : memref<2x4x128xi32, #tpu.memory_space<vmem>> -> memref<1x1x128xi32, #tpu.memory_space<vmem>>
          %dma_start3A_195 = tpu.memref_squeeze %dma_start3A_194 : memref<1x1x128xi32, #tpu.memory_space<vmem>> -> memref<128xi32, #tpu.memory_space<vmem>>
          %dma_start3A_196 = arith.constant 0 : i32
          %dma_start3A_197 = arith.constant 0 : i32
          %dma_start3A_198 = tpu.memref_slice %arg14[%dma_start3A_196, %dma_start3A_197] : memref<10008x16xf32, #tpu.memory_space<vmem_shared>> -> memref<10008x16xf32, #tpu.memory_space<vmem_shared>>
          tpu.enqueue_indirect_dma source(%arg18 : memref<128x16xf32, #tpu.memory_space<vmem>>) target(%dma_start3A_198 : memref<10008x16xf32, #tpu.memory_space<vmem_shared>>) offsets(%dma_start3A_195 : memref<128xi32, #tpu.memory_space<vmem>>) semaphore(%arg24 : memref<!tpu.dma_semaphore, #tpu.memory_space<semaphore_mem>>) {add = true}
        } else {
        }
        %dma_start3A_172 = arith.constant 1 : i32
        %dma_start3A_173 = arith.constant 3 : i32
        %dma_start3A_174 = arith.constant 1 : i32
        %dma_start3A_175 = arith.constant 3 : i32
        %dma_start3A_176 = arith.constant 0 : i32
        %dma_start3A_177 = arith.constant 0 : i32
        %dma_start3A_178 = tpu.memref_slice %arg17[%dma_start3A_172, %dma_start3A_173, %dma_start3A_176, %dma_start3A_177] : memref<2x4x128x64xf32, #tpu.memory_space<vmem>> -> memref<1x1x128x64xf32, #tpu.memory_space<vmem>>
        %dma_start3A_179 = tpu.memref_squeeze %dma_start3A_178 : memref<1x1x128x64xf32, #tpu.memory_space<vmem>> -> memref<128x64xf32, #tpu.memory_space<vmem>>
        %dma_start3A_180 = arith.constant 0 : i32
        %dma_start3A_181 = tpu.memref_slice %arg16[%dma_start3A_174, %dma_start3A_175, %dma_start3A_180] : memref<2x4x128xi32, #tpu.memory_space<vmem>> -> memref<1x1x128xi32, #tpu.memory_space<vmem>>
        %dma_start3A_182 = tpu.memref_squeeze %dma_start3A_181 : memref<1x1x128xi32, #tpu.memory_space<vmem>> -> memref<128xi32, #tpu.memory_space<vmem>>
        %dma_start3A_183 = arith.constant 0 : i32
        %dma_start3A_184 = arith.constant 0 : i32
        %dma_start3A_185 = tpu.memref_slice %arg13[%dma_start3A_183, %dma_start3A_184] : memref<10008x64xf32, #tpu.memory_space<vmem_shared>> -> memref<10008x64xf32, #tpu.memory_space<vmem_shared>>
        tpu.enqueue_indirect_dma source(%dma_start3A_179 : memref<128x64xf32, #tpu.memory_space<vmem>>) target(%dma_start3A_185 : memref<10008x64xf32, #tpu.memory_space<vmem_shared>>) offsets(%dma_start3A_182 : memref<128xi32, #tpu.memory_space<vmem>>) semaphore(%arg22 : memref<!tpu.dma_semaphore, #tpu.memory_space<semaphore_mem>>) {add = true}
        %eq3A_186 = arith.constant 1 : i32
        %eq3A_187 = arith.cmpi eq, %arg0, %eq3A_186 : i32
        %convert_element_type3A_188 = arith.extui %eq3A_187 : i1 to i32
        %cond3A_189 = arith.constant 0 : i32
        %cond3A_190 = arith.cmpi ne, %convert_element_type3A_188, %cond3A_189 : i32
        scf.if %cond3A_190 {
          %dma_start3A_191 = arith.constant 1 : i32
          %dma_start3A_192 = arith.constant 3 : i32
          %dma_start3A_193 = arith.constant 0 : i32
          %dma_start3A_194 = tpu.memref_slice %arg16[%dma_start3A_191, %dma_start3A_192, %dma_start3A_193] : memref<2x4x128xi32, #tpu.memory_space<vmem>> -> memref<1x1x128xi32, #tpu.memory_space<vmem>>
          %dma_start3A_195 = tpu.memref_squeeze %dma_start3A_194 : memref<1x1x128xi32, #tpu.memory_space<vmem>> -> memref<128xi32, #tpu.memory_space<vmem>>
          %dma_start3A_196 = arith.constant 0 : i32
          %dma_start3A_197 = arith.constant 0 : i32
          %dma_start3A_198 = tpu.memref_slice %arg14[%dma_start3A_196, %dma_start3A_197] : memref<10008x16xf32, #tpu.memory_space<vmem_shared>> -> memref<10008x16xf32, #tpu.memory_space<vmem_shared>>
          tpu.enqueue_indirect_dma source(%arg18 : memref<128x16xf32, #tpu.memory_space<vmem>>) target(%dma_start3A_198 : memref<10008x16xf32, #tpu.memory_space<vmem_shared>>) offsets(%dma_start3A_195 : memref<128xi32, #tpu.memory_space<vmem>>) semaphore(%arg24 : memref<!tpu.dma_semaphore, #tpu.memory_space<semaphore_mem>>) {add = true}
        } else {
        }
      } else {
      }
      %lt3A_101 = arith.constant 38 : i32
      %lt3A_102 = arith.cmpi slt, %add3A_31, %lt3A_101 : i32
      %convert_element_type3A_103 = arith.extui %lt3A_102 : i1 to i32
      %cond3A_104 = arith.constant 0 : i32
      %cond3A_105 = arith.cmpi ne, %convert_element_type3A_103, %cond3A_104 : i32
      scf.if %cond3A_105 {
        %add3A_116 = arith.constant 2 : i32
        %add3A_117 = arith.addi %add3A_31, %add3A_116 : i32
        %mul3A_118 = arith.constant 4 : i32
        %mul3A_119 = arith.muli %add3A_117, %mul3A_118 : i32
        %add3A_120 = arith.addi %mul3A_2, %mul3A_119 : i32
        %lt3A_121 = arith.constant 2500 : i32
        %lt3A_122 = arith.cmpi slt, %add3A_120, %lt3A_121 : i32
        %convert_element_type3A_123 = arith.extui %lt3A_122 : i1 to i32
        %cond3A_124 = arith.constant 0 : i32
        %cond3A_125 = arith.cmpi ne, %convert_element_type3A_123, %cond3A_124 : i32
        scf.if %cond3A_125 {
          %eq3A_126 = arith.constant 0 : i32
          %eq3A_127 = arith.cmpi eq, %arg0, %eq3A_126 : i32
          %convert_element_type3A_128 = arith.extui %eq3A_127 : i1 to i32
          %cond3A_129 = arith.constant 0 : i32
          %cond3A_130 = arith.cmpi ne, %convert_element_type3A_128, %cond3A_129 : i32
          scf.if %cond3A_130 {
            %dma_start3A = arith.constant 0 : i32
            %dma_start3A_166 = arith.constant 0 : i32
            %dma_start3A_167 = arith.constant 0 : i32
            %dma_start3A_168 = arith.constant 0 : i32
            %dma_start3A_169 = arith.constant 0 : i32
            %dma_start3A_170 = arith.constant 0 : i32
            %dma_start3A_171 = tpu.memref_slice %arg17[%dma_start3A_167, %dma_start3A_168, %dma_start3A_169, %dma_start3A_170] : memref<2x4x128x64xf32, #tpu.memory_space<vmem>> -> memref<1x1x128x64xf32, #tpu.memory_space<vmem>>
            %dma_start3A_172 = tpu.memref_squeeze %dma_start3A_171 : memref<1x1x128x64xf32, #tpu.memory_space<vmem>> -> memref<128x64xf32, #tpu.memory_space<vmem>>
            %dma_start3A_173 = arith.constant 0 : i32
            %dma_start3A_174 = tpu.memref_slice %arg15[%dma_start3A, %dma_start3A_166, %dma_start3A_173] : memref<2x4x128xi32, #tpu.memory_space<vmem>> -> memref<1x1x128xi32, #tpu.memory_space<vmem>>
            %dma_start3A_175 = tpu.memref_squeeze %dma_start3A_174 : memref<1x1x128xi32, #tpu.memory_space<vmem>> -> memref<128xi32, #tpu.memory_space<vmem>>
            %dma_start3A_176 = arith.constant 0 : i32
            %dma_start3A_177 = arith.constant 0 : i32
            %dma_start3A_178 = tpu.memref_slice %arg2[%dma_start3A_176, %dma_start3A_177] : memref<10000x64xf32, #tpu.memory_space<hbm>> -> memref<10000x64xf32, #tpu.memory_space<hbm>>
            tpu.enqueue_indirect_dma source(%dma_start3A_178 : memref<10000x64xf32, #tpu.memory_space<hbm>>) target(%dma_start3A_172 : memref<128x64xf32, #tpu.memory_space<vmem>>) offsets(%dma_start3A_175 : memref<128xi32, #tpu.memory_space<vmem>>) semaphore(%arg19 : memref<!tpu.dma_semaphore, #tpu.memory_space<semaphore_mem>>)
          } else {
          }
          %eq3A_131 = arith.constant 1 : i32
          %eq3A_132 = arith.cmpi eq, %arg0, %eq3A_131 : i32
          %convert_element_type3A_133 = arith.extui %eq3A_132 : i1 to i32
          %cond3A_134 = arith.constant 0 : i32
          %cond3A_135 = arith.cmpi ne, %convert_element_type3A_133, %cond3A_134 : i32
          scf.if %cond3A_135 {
            %dma_start3A = arith.constant 0 : i32
            %dma_start3A_166 = arith.constant 0 : i32
            %dma_start3A_167 = arith.constant 0 : i32
            %dma_start3A_168 = arith.constant 0 : i32
            %dma_start3A_169 = arith.constant 0 : i32
            %dma_start3A_170 = arith.constant 0 : i32
            %dma_start3A_171 = tpu.memref_slice %arg17[%dma_start3A_167, %dma_start3A_168, %dma_start3A_169, %dma_start3A_170] : memref<2x4x128x64xf32, #tpu.memory_space<vmem>> -> memref<1x1x128x64xf32, #tpu.memory_space<vmem>>
            %dma_start3A_172 = tpu.memref_squeeze %dma_start3A_171 : memref<1x1x128x64xf32, #tpu.memory_space<vmem>> -> memref<128x64xf32, #tpu.memory_space<vmem>>
            %dma_start3A_173 = arith.constant 0 : i32
            %dma_start3A_174 = tpu.memref_slice %arg15[%dma_start3A, %dma_start3A_166, %dma_start3A_173] : memref<2x4x128xi32, #tpu.memory_space<vmem>> -> memref<1x1x128xi32, #tpu.memory_space<vmem>>
            %dma_start3A_175 = tpu.memref_squeeze %dma_start3A_174 : memref<1x1x128xi32, #tpu.memory_space<vmem>> -> memref<128xi32, #tpu.memory_space<vmem>>
            %dma_start3A_176 = arith.constant 0 : i32
            %dma_start3A_177 = arith.constant 0 : i32
            %dma_start3A_178 = tpu.memref_slice %arg3[%dma_start3A_176, %dma_start3A_177] : memref<10000x64xf32, #tpu.memory_space<hbm>> -> memref<10000x64xf32, #tpu.memory_space<hbm>>
            tpu.enqueue_indirect_dma source(%dma_start3A_178 : memref<10000x64xf32, #tpu.memory_space<hbm>>) target(%dma_start3A_172 : memref<128x64xf32, #tpu.memory_space<vmem>>) offsets(%dma_start3A_175 : memref<128xi32, #tpu.memory_space<vmem>>) semaphore(%arg19 : memref<!tpu.dma_semaphore, #tpu.memory_space<semaphore_mem>>)
          } else {
          }
          %eq3A_136 = arith.constant 0 : i32
          %eq3A_137 = arith.cmpi eq, %arg0, %eq3A_136 : i32
          %convert_element_type3A_138 = arith.extui %eq3A_137 : i1 to i32
          %cond3A_139 = arith.constant 0 : i32
          %cond3A_140 = arith.cmpi ne, %convert_element_type3A_138, %cond3A_139 : i32
          scf.if %cond3A_140 {
            %dma_start3A = arith.constant 0 : i32
            %dma_start3A_166 = arith.constant 1 : i32
            %dma_start3A_167 = arith.constant 0 : i32
            %dma_start3A_168 = arith.constant 1 : i32
            %dma_start3A_169 = arith.constant 0 : i32
            %dma_start3A_170 = arith.constant 0 : i32
            %dma_start3A_171 = tpu.memref_slice %arg17[%dma_start3A_167, %dma_start3A_168, %dma_start3A_169, %dma_start3A_170] : memref<2x4x128x64xf32, #tpu.memory_space<vmem>> -> memref<1x1x128x64xf32, #tpu.memory_space<vmem>>
            %dma_start3A_172 = tpu.memref_squeeze %dma_start3A_171 : memref<1x1x128x64xf32, #tpu.memory_space<vmem>> -> memref<128x64xf32, #tpu.memory_space<vmem>>
            %dma_start3A_173 = arith.constant 0 : i32
            %dma_start3A_174 = tpu.memref_slice %arg15[%dma_start3A, %dma_start3A_166, %dma_start3A_173] : memref<2x4x128xi32, #tpu.memory_space<vmem>> -> memref<1x1x128xi32, #tpu.memory_space<vmem>>
            %dma_start3A_175 = tpu.memref_squeeze %dma_start3A_174 : memref<1x1x128xi32, #tpu.memory_space<vmem>> -> memref<128xi32, #tpu.memory_space<vmem>>
            %dma_start3A_176 = arith.constant 0 : i32
            %dma_start3A_177 = arith.constant 0 : i32
            %dma_start3A_178 = tpu.memref_slice %arg2[%dma_start3A_176, %dma_start3A_177] : memref<10000x64xf32, #tpu.memory_space<hbm>> -> memref<10000x64xf32, #tpu.memory_space<hbm>>
            tpu.enqueue_indirect_dma source(%dma_start3A_178 : memref<10000x64xf32, #tpu.memory_space<hbm>>) target(%dma_start3A_172 : memref<128x64xf32, #tpu.memory_space<vmem>>) offsets(%dma_start3A_175 : memref<128xi32, #tpu.memory_space<vmem>>) semaphore(%arg19 : memref<!tpu.dma_semaphore, #tpu.memory_space<semaphore_mem>>)
          } else {
          }
          %eq3A_141 = arith.constant 1 : i32
          %eq3A_142 = arith.cmpi eq, %arg0, %eq3A_141 : i32
          %convert_element_type3A_143 = arith.extui %eq3A_142 : i1 to i32
          %cond3A_144 = arith.constant 0 : i32
          %cond3A_145 = arith.cmpi ne, %convert_element_type3A_143, %cond3A_144 : i32
          scf.if %cond3A_145 {
            %dma_start3A = arith.constant 0 : i32
            %dma_start3A_166 = arith.constant 1 : i32
            %dma_start3A_167 = arith.constant 0 : i32
            %dma_start3A_168 = arith.constant 1 : i32
            %dma_start3A_169 = arith.constant 0 : i32
            %dma_start3A_170 = arith.constant 0 : i32
            %dma_start3A_171 = tpu.memref_slice %arg17[%dma_start3A_167, %dma_start3A_168, %dma_start3A_169, %dma_start3A_170] : memref<2x4x128x64xf32, #tpu.memory_space<vmem>> -> memref<1x1x128x64xf32, #tpu.memory_space<vmem>>
            %dma_start3A_172 = tpu.memref_squeeze %dma_start3A_171 : memref<1x1x128x64xf32, #tpu.memory_space<vmem>> -> memref<128x64xf32, #tpu.memory_space<vmem>>
            %dma_start3A_173 = arith.constant 0 : i32
            %dma_start3A_174 = tpu.memref_slice %arg15[%dma_start3A, %dma_start3A_166, %dma_start3A_173] : memref<2x4x128xi32, #tpu.memory_space<vmem>> -> memref<1x1x128xi32, #tpu.memory_space<vmem>>
            %dma_start3A_175 = tpu.memref_squeeze %dma_start3A_174 : memref<1x1x128xi32, #tpu.memory_space<vmem>> -> memref<128xi32, #tpu.memory_space<vmem>>
            %dma_start3A_176 = arith.constant 0 : i32
            %dma_start3A_177 = arith.constant 0 : i32
            %dma_start3A_178 = tpu.memref_slice %arg3[%dma_start3A_176, %dma_start3A_177] : memref<10000x64xf32, #tpu.memory_space<hbm>> -> memref<10000x64xf32, #tpu.memory_space<hbm>>
            tpu.enqueue_indirect_dma source(%dma_start3A_178 : memref<10000x64xf32, #tpu.memory_space<hbm>>) target(%dma_start3A_172 : memref<128x64xf32, #tpu.memory_space<vmem>>) offsets(%dma_start3A_175 : memref<128xi32, #tpu.memory_space<vmem>>) semaphore(%arg19 : memref<!tpu.dma_semaphore, #tpu.memory_space<semaphore_mem>>)
          } else {
          }
          %eq3A_146 = arith.constant 0 : i32
          %eq3A_147 = arith.cmpi eq, %arg0, %eq3A_146 : i32
          %convert_element_type3A_148 = arith.extui %eq3A_147 : i1 to i32
          %cond3A_149 = arith.constant 0 : i32
          %cond3A_150 = arith.cmpi ne, %convert_element_type3A_148, %cond3A_149 : i32
          scf.if %cond3A_150 {
            %dma_start3A = arith.constant 0 : i32
            %dma_start3A_166 = arith.constant 2 : i32
            %dma_start3A_167 = arith.constant 0 : i32
            %dma_start3A_168 = arith.constant 2 : i32
            %dma_start3A_169 = arith.constant 0 : i32
            %dma_start3A_170 = arith.constant 0 : i32
            %dma_start3A_171 = tpu.memref_slice %arg17[%dma_start3A_167, %dma_start3A_168, %dma_start3A_169, %dma_start3A_170] : memref<2x4x128x64xf32, #tpu.memory_space<vmem>> -> memref<1x1x128x64xf32, #tpu.memory_space<vmem>>
            %dma_start3A_172 = tpu.memref_squeeze %dma_start3A_171 : memref<1x1x128x64xf32, #tpu.memory_space<vmem>> -> memref<128x64xf32, #tpu.memory_space<vmem>>
            %dma_start3A_173 = arith.constant 0 : i32
            %dma_start3A_174 = tpu.memref_slice %arg15[%dma_start3A, %dma_start3A_166, %dma_start3A_173] : memref<2x4x128xi32, #tpu.memory_space<vmem>> -> memref<1x1x128xi32, #tpu.memory_space<vmem>>
            %dma_start3A_175 = tpu.memref_squeeze %dma_start3A_174 : memref<1x1x128xi32, #tpu.memory_space<vmem>> -> memref<128xi32, #tpu.memory_space<vmem>>
            %dma_start3A_176 = arith.constant 0 : i32
            %dma_start3A_177 = arith.constant 0 : i32
            %dma_start3A_178 = tpu.memref_slice %arg2[%dma_start3A_176, %dma_start3A_177] : memref<10000x64xf32, #tpu.memory_space<hbm>> -> memref<10000x64xf32, #tpu.memory_space<hbm>>
            tpu.enqueue_indirect_dma source(%dma_start3A_178 : memref<10000x64xf32, #tpu.memory_space<hbm>>) target(%dma_start3A_172 : memref<128x64xf32, #tpu.memory_space<vmem>>) offsets(%dma_start3A_175 : memref<128xi32, #tpu.memory_space<vmem>>) semaphore(%arg19 : memref<!tpu.dma_semaphore, #tpu.memory_space<semaphore_mem>>)
          } else {
          }
          %eq3A_151 = arith.constant 1 : i32
          %eq3A_152 = arith.cmpi eq, %arg0, %eq3A_151 : i32
          %convert_element_type3A_153 = arith.extui %eq3A_152 : i1 to i32
          %cond3A_154 = arith.constant 0 : i32
          %cond3A_155 = arith.cmpi ne, %convert_element_type3A_153, %cond3A_154 : i32
          scf.if %cond3A_155 {
            %dma_start3A = arith.constant 0 : i32
            %dma_start3A_166 = arith.constant 2 : i32
            %dma_start3A_167 = arith.constant 0 : i32
            %dma_start3A_168 = arith.constant 2 : i32
            %dma_start3A_169 = arith.constant 0 : i32
            %dma_start3A_170 = arith.constant 0 : i32
            %dma_start3A_171 = tpu.memref_slice %arg17[%dma_start3A_167, %dma_start3A_168, %dma_start3A_169, %dma_start3A_170] : memref<2x4x128x64xf32, #tpu.memory_space<vmem>> -> memref<1x1x128x64xf32, #tpu.memory_space<vmem>>
            %dma_start3A_172 = tpu.memref_squeeze %dma_start3A_171 : memref<1x1x128x64xf32, #tpu.memory_space<vmem>> -> memref<128x64xf32, #tpu.memory_space<vmem>>
            %dma_start3A_173 = arith.constant 0 : i32
            %dma_start3A_174 = tpu.memref_slice %arg15[%dma_start3A, %dma_start3A_166, %dma_start3A_173] : memref<2x4x128xi32, #tpu.memory_space<vmem>> -> memref<1x1x128xi32, #tpu.memory_space<vmem>>
            %dma_start3A_175 = tpu.memref_squeeze %dma_start3A_174 : memref<1x1x128xi32, #tpu.memory_space<vmem>> -> memref<128xi32, #tpu.memory_space<vmem>>
            %dma_start3A_176 = arith.constant 0 : i32
            %dma_start3A_177 = arith.constant 0 : i32
            %dma_start3A_178 = tpu.memref_slice %arg3[%dma_start3A_176, %dma_start3A_177] : memref<10000x64xf32, #tpu.memory_space<hbm>> -> memref<10000x64xf32, #tpu.memory_space<hbm>>
            tpu.enqueue_indirect_dma source(%dma_start3A_178 : memref<10000x64xf32, #tpu.memory_space<hbm>>) target(%dma_start3A_172 : memref<128x64xf32, #tpu.memory_space<vmem>>) offsets(%dma_start3A_175 : memref<128xi32, #tpu.memory_space<vmem>>) semaphore(%arg19 : memref<!tpu.dma_semaphore, #tpu.memory_space<semaphore_mem>>)
          } else {
          }
          %eq3A_156 = arith.constant 0 : i32
          %eq3A_157 = arith.cmpi eq, %arg0, %eq3A_156 : i32
          %convert_element_type3A_158 = arith.extui %eq3A_157 : i1 to i32
          %cond3A_159 = arith.constant 0 : i32
          %cond3A_160 = arith.cmpi ne, %convert_element_type3A_158, %cond3A_159 : i32
          scf.if %cond3A_160 {
            %dma_start3A = arith.constant 0 : i32
            %dma_start3A_166 = arith.constant 3 : i32
            %dma_start3A_167 = arith.constant 0 : i32
            %dma_start3A_168 = arith.constant 3 : i32
            %dma_start3A_169 = arith.constant 0 : i32
            %dma_start3A_170 = arith.constant 0 : i32
            %dma_start3A_171 = tpu.memref_slice %arg17[%dma_start3A_167, %dma_start3A_168, %dma_start3A_169, %dma_start3A_170] : memref<2x4x128x64xf32, #tpu.memory_space<vmem>> -> memref<1x1x128x64xf32, #tpu.memory_space<vmem>>
            %dma_start3A_172 = tpu.memref_squeeze %dma_start3A_171 : memref<1x1x128x64xf32, #tpu.memory_space<vmem>> -> memref<128x64xf32, #tpu.memory_space<vmem>>
            %dma_start3A_173 = arith.constant 0 : i32
            %dma_start3A_174 = tpu.memref_slice %arg15[%dma_start3A, %dma_start3A_166, %dma_start3A_173] : memref<2x4x128xi32, #tpu.memory_space<vmem>> -> memref<1x1x128xi32, #tpu.memory_space<vmem>>
            %dma_start3A_175 = tpu.memref_squeeze %dma_start3A_174 : memref<1x1x128xi32, #tpu.memory_space<vmem>> -> memref<128xi32, #tpu.memory_space<vmem>>
            %dma_start3A_176 = arith.constant 0 : i32
            %dma_start3A_177 = arith.constant 0 : i32
            %dma_start3A_178 = tpu.memref_slice %arg2[%dma_start3A_176, %dma_start3A_177] : memref<10000x64xf32, #tpu.memory_space<hbm>> -> memref<10000x64xf32, #tpu.memory_space<hbm>>
            tpu.enqueue_indirect_dma source(%dma_start3A_178 : memref<10000x64xf32, #tpu.memory_space<hbm>>) target(%dma_start3A_172 : memref<128x64xf32, #tpu.memory_space<vmem>>) offsets(%dma_start3A_175 : memref<128xi32, #tpu.memory_space<vmem>>) semaphore(%arg19 : memref<!tpu.dma_semaphore, #tpu.memory_space<semaphore_mem>>)
          } else {
          }
          %eq3A_161 = arith.constant 1 : i32
          %eq3A_162 = arith.cmpi eq, %arg0, %eq3A_161 : i32
          %convert_element_type3A_163 = arith.extui %eq3A_162 : i1 to i32
          %cond3A_164 = arith.constant 0 : i32
          %cond3A_165 = arith.cmpi ne, %convert_element_type3A_163, %cond3A_164 : i32
          scf.if %cond3A_165 {
            %dma_start3A = arith.constant 0 : i32
            %dma_start3A_166 = arith.constant 3 : i32
            %dma_start3A_167 = arith.constant 0 : i32
            %dma_start3A_168 = arith.constant 3 : i32
            %dma_start3A_169 = arith.constant 0 : i32
            %dma_start3A_170 = arith.constant 0 : i32
            %dma_start3A_171 = tpu.memref_slice %arg17[%dma_start3A_167, %dma_start3A_168, %dma_start3A_169, %dma_start3A_170] : memref<2x4x128x64xf32, #tpu.memory_space<vmem>> -> memref<1x1x128x64xf32, #tpu.memory_space<vmem>>
            %dma_start3A_172 = tpu.memref_squeeze %dma_start3A_171 : memref<1x1x128x64xf32, #tpu.memory_space<vmem>> -> memref<128x64xf32, #tpu.memory_space<vmem>>
            %dma_start3A_173 = arith.constant 0 : i32
            %dma_start3A_174 = tpu.memref_slice %arg15[%dma_start3A, %dma_start3A_166, %dma_start3A_173] : memref<2x4x128xi32, #tpu.memory_space<vmem>> -> memref<1x1x128xi32, #tpu.memory_space<vmem>>
            %dma_start3A_175 = tpu.memref_squeeze %dma_start3A_174 : memref<1x1x128xi32, #tpu.memory_space<vmem>> -> memref<128xi32, #tpu.memory_space<vmem>>
            %dma_start3A_176 = arith.constant 0 : i32
            %dma_start3A_177 = arith.constant 0 : i32
            %dma_start3A_178 = tpu.memref_slice %arg3[%dma_start3A_176, %dma_start3A_177] : memref<10000x64xf32, #tpu.memory_space<hbm>> -> memref<10000x64xf32, #tpu.memory_space<hbm>>
            tpu.enqueue_indirect_dma source(%dma_start3A_178 : memref<10000x64xf32, #tpu.memory_space<hbm>>) target(%dma_start3A_172 : memref<128x64xf32, #tpu.memory_space<vmem>>) offsets(%dma_start3A_175 : memref<128xi32, #tpu.memory_space<vmem>>) semaphore(%arg19 : memref<!tpu.dma_semaphore, #tpu.memory_space<semaphore_mem>>)
          } else {
          }
        } else {
        }
      } else {
      }
      %add3A_106 = arith.constant 1 : i32
      %add3A_107 = arith.addi %add3A_31, %add3A_106 : i32
      %mul3A_108 = arith.constant 4 : i32
      %mul3A_109 = arith.muli %add3A_107, %mul3A_108 : i32
      %add3A_110 = arith.addi %mul3A_2, %mul3A_109 : i32
      %lt3A_111 = arith.constant 2500 : i32
      %lt3A_112 = arith.cmpi slt, %add3A_110, %lt3A_111 : i32
      %convert_element_type3A_113 = arith.extui %lt3A_112 : i1 to i32
      %cond3A_114 = arith.constant 0 : i32
      %cond3A_115 = arith.cmpi ne, %convert_element_type3A_113, %cond3A_114 : i32
      scf.if %cond3A_115 {
        %dma_wait3A = arith.constant 1 : i32
        %dma_wait3A_116 = arith.constant 0 : i32
        %dma_wait3A_117 = arith.constant 1 : i32
        %dma_wait3A_118 = arith.constant 0 : i32
        %dma_wait3A_119 = arith.constant 0 : i32
        %dma_wait3A_120 = arith.constant 0 : i32
        %dma_wait3A_121 = tpu.memref_slice %arg17[%dma_wait3A, %dma_wait3A_116, %dma_wait3A_119, %dma_wait3A_120] : memref<2x4x128x64xf32, #tpu.memory_space<vmem>> -> memref<1x1x128x64xf32, #tpu.memory_space<vmem>>
        %dma_wait3A_122 = tpu.memref_squeeze %dma_wait3A_121 : memref<1x1x128x64xf32, #tpu.memory_space<vmem>> -> memref<128x64xf32, #tpu.memory_space<vmem>>
        %dma_wait3A_123 = arith.constant 0 : i32
        %dma_wait3A_124 = tpu.memref_slice %arg16[%dma_wait3A_117, %dma_wait3A_118, %dma_wait3A_123] : memref<2x4x128xi32, #tpu.memory_space<vmem>> -> memref<1x1x128xi32, #tpu.memory_space<vmem>>
        %dma_wait3A_125 = tpu.memref_squeeze %dma_wait3A_124 : memref<1x1x128xi32, #tpu.memory_space<vmem>> -> memref<128xi32, #tpu.memory_space<vmem>>
        %dma_wait3A_126 = arith.constant 0 : i32
        %dma_wait3A_127 = arith.constant 0 : i32
        %dma_wait3A_128 = tpu.memref_slice %arg13[%dma_wait3A_126, %dma_wait3A_127] : memref<10008x64xf32, #tpu.memory_space<vmem_shared>> -> memref<10008x64xf32, #tpu.memory_space<vmem_shared>>
        tpu.wait_indirect_dma semaphore(%arg22 : memref<!tpu.dma_semaphore, #tpu.memory_space<semaphore_mem>>) src(%dma_wait3A_122 : memref<128x64xf32, #tpu.memory_space<vmem>>) dst(%dma_wait3A_128 : memref<10008x64xf32, #tpu.memory_space<vmem_shared>>)
        %eq3A_129 = arith.constant 0 : i32
        %eq3A_130 = arith.cmpi eq, %arg0, %eq3A_129 : i32
        %convert_element_type3A_131 = arith.extui %eq3A_130 : i1 to i32
        %cond3A_132 = arith.constant 0 : i32
        %cond3A_133 = arith.cmpi ne, %convert_element_type3A_131, %cond3A_132 : i32
        scf.if %cond3A_133 {
          %dma_wait3A_191 = arith.constant 1 : i32
          %dma_wait3A_192 = arith.constant 0 : i32
          %dma_wait3A_193 = arith.constant 0 : i32
          %dma_wait3A_194 = tpu.memref_slice %arg16[%dma_wait3A_191, %dma_wait3A_192, %dma_wait3A_193] : memref<2x4x128xi32, #tpu.memory_space<vmem>> -> memref<1x1x128xi32, #tpu.memory_space<vmem>>
          %dma_wait3A_195 = tpu.memref_squeeze %dma_wait3A_194 : memref<1x1x128xi32, #tpu.memory_space<vmem>> -> memref<128xi32, #tpu.memory_space<vmem>>
          %dma_wait3A_196 = arith.constant 0 : i32
          %dma_wait3A_197 = arith.constant 0 : i32
          %dma_wait3A_198 = tpu.memref_slice %arg14[%dma_wait3A_196, %dma_wait3A_197] : memref<10008x16xf32, #tpu.memory_space<vmem_shared>> -> memref<10008x16xf32, #tpu.memory_space<vmem_shared>>
          tpu.wait_indirect_dma semaphore(%arg24 : memref<!tpu.dma_semaphore, #tpu.memory_space<semaphore_mem>>) src(%arg18 : memref<128x16xf32, #tpu.memory_space<vmem>>) dst(%dma_wait3A_198 : memref<10008x16xf32, #tpu.memory_space<vmem_shared>>)
        } else {
        }
        %dma_wait3A_134 = arith.constant 1 : i32
        %dma_wait3A_135 = arith.constant 1 : i32
        %dma_wait3A_136 = arith.constant 1 : i32
        %dma_wait3A_137 = arith.constant 1 : i32
        %dma_wait3A_138 = arith.constant 0 : i32
        %dma_wait3A_139 = arith.constant 0 : i32
        %dma_wait3A_140 = tpu.memref_slice %arg17[%dma_wait3A_134, %dma_wait3A_135, %dma_wait3A_138, %dma_wait3A_139] : memref<2x4x128x64xf32, #tpu.memory_space<vmem>> -> memref<1x1x128x64xf32, #tpu.memory_space<vmem>>
        %dma_wait3A_141 = tpu.memref_squeeze %dma_wait3A_140 : memref<1x1x128x64xf32, #tpu.memory_space<vmem>> -> memref<128x64xf32, #tpu.memory_space<vmem>>
        %dma_wait3A_142 = arith.constant 0 : i32
        %dma_wait3A_143 = tpu.memref_slice %arg16[%dma_wait3A_136, %dma_wait3A_137, %dma_wait3A_142] : memref<2x4x128xi32, #tpu.memory_space<vmem>> -> memref<1x1x128xi32, #tpu.memory_space<vmem>>
        %dma_wait3A_144 = tpu.memref_squeeze %dma_wait3A_143 : memref<1x1x128xi32, #tpu.memory_space<vmem>> -> memref<128xi32, #tpu.memory_space<vmem>>
        %dma_wait3A_145 = arith.constant 0 : i32
        %dma_wait3A_146 = arith.constant 0 : i32
        %dma_wait3A_147 = tpu.memref_slice %arg13[%dma_wait3A_145, %dma_wait3A_146] : memref<10008x64xf32, #tpu.memory_space<vmem_shared>> -> memref<10008x64xf32, #tpu.memory_space<vmem_shared>>
        tpu.wait_indirect_dma semaphore(%arg22 : memref<!tpu.dma_semaphore, #tpu.memory_space<semaphore_mem>>) src(%dma_wait3A_141 : memref<128x64xf32, #tpu.memory_space<vmem>>) dst(%dma_wait3A_147 : memref<10008x64xf32, #tpu.memory_space<vmem_shared>>)
        %eq3A_148 = arith.constant 1 : i32
        %eq3A_149 = arith.cmpi eq, %arg0, %eq3A_148 : i32
        %convert_element_type3A_150 = arith.extui %eq3A_149 : i1 to i32
        %cond3A_151 = arith.constant 0 : i32
        %cond3A_152 = arith.cmpi ne, %convert_element_type3A_150, %cond3A_151 : i32
        scf.if %cond3A_152 {
          %dma_wait3A_191 = arith.constant 1 : i32
          %dma_wait3A_192 = arith.constant 1 : i32
          %dma_wait3A_193 = arith.constant 0 : i32
          %dma_wait3A_194 = tpu.memref_slice %arg16[%dma_wait3A_191, %dma_wait3A_192, %dma_wait3A_193] : memref<2x4x128xi32, #tpu.memory_space<vmem>> -> memref<1x1x128xi32, #tpu.memory_space<vmem>>
          %dma_wait3A_195 = tpu.memref_squeeze %dma_wait3A_194 : memref<1x1x128xi32, #tpu.memory_space<vmem>> -> memref<128xi32, #tpu.memory_space<vmem>>
          %dma_wait3A_196 = arith.constant 0 : i32
          %dma_wait3A_197 = arith.constant 0 : i32
          %dma_wait3A_198 = tpu.memref_slice %arg14[%dma_wait3A_196, %dma_wait3A_197] : memref<10008x16xf32, #tpu.memory_space<vmem_shared>> -> memref<10008x16xf32, #tpu.memory_space<vmem_shared>>
          tpu.wait_indirect_dma semaphore(%arg24 : memref<!tpu.dma_semaphore, #tpu.memory_space<semaphore_mem>>) src(%arg18 : memref<128x16xf32, #tpu.memory_space<vmem>>) dst(%dma_wait3A_198 : memref<10008x16xf32, #tpu.memory_space<vmem_shared>>)
        } else {
        }
        %dma_wait3A_153 = arith.constant 1 : i32
        %dma_wait3A_154 = arith.constant 2 : i32
        %dma_wait3A_155 = arith.constant 1 : i32
        %dma_wait3A_156 = arith.constant 2 : i32
        %dma_wait3A_157 = arith.constant 0 : i32
        %dma_wait3A_158 = arith.constant 0 : i32
        %dma_wait3A_159 = tpu.memref_slice %arg17[%dma_wait3A_153, %dma_wait3A_154, %dma_wait3A_157, %dma_wait3A_158] : memref<2x4x128x64xf32, #tpu.memory_space<vmem>> -> memref<1x1x128x64xf32, #tpu.memory_space<vmem>>
        %dma_wait3A_160 = tpu.memref_squeeze %dma_wait3A_159 : memref<1x1x128x64xf32, #tpu.memory_space<vmem>> -> memref<128x64xf32, #tpu.memory_space<vmem>>
        %dma_wait3A_161 = arith.constant 0 : i32
        %dma_wait3A_162 = tpu.memref_slice %arg16[%dma_wait3A_155, %dma_wait3A_156, %dma_wait3A_161] : memref<2x4x128xi32, #tpu.memory_space<vmem>> -> memref<1x1x128xi32, #tpu.memory_space<vmem>>
        %dma_wait3A_163 = tpu.memref_squeeze %dma_wait3A_162 : memref<1x1x128xi32, #tpu.memory_space<vmem>> -> memref<128xi32, #tpu.memory_space<vmem>>
        %dma_wait3A_164 = arith.constant 0 : i32
        %dma_wait3A_165 = arith.constant 0 : i32
        %dma_wait3A_166 = tpu.memref_slice %arg13[%dma_wait3A_164, %dma_wait3A_165] : memref<10008x64xf32, #tpu.memory_space<vmem_shared>> -> memref<10008x64xf32, #tpu.memory_space<vmem_shared>>
        tpu.wait_indirect_dma semaphore(%arg22 : memref<!tpu.dma_semaphore, #tpu.memory_space<semaphore_mem>>) src(%dma_wait3A_160 : memref<128x64xf32, #tpu.memory_space<vmem>>) dst(%dma_wait3A_166 : memref<10008x64xf32, #tpu.memory_space<vmem_shared>>)
        %eq3A_167 = arith.constant 0 : i32
        %eq3A_168 = arith.cmpi eq, %arg0, %eq3A_167 : i32
        %convert_element_type3A_169 = arith.extui %eq3A_168 : i1 to i32
        %cond3A_170 = arith.constant 0 : i32
        %cond3A_171 = arith.cmpi ne, %convert_element_type3A_169, %cond3A_170 : i32
        scf.if %cond3A_171 {
          %dma_wait3A_191 = arith.constant 1 : i32
          %dma_wait3A_192 = arith.constant 2 : i32
          %dma_wait3A_193 = arith.constant 0 : i32
          %dma_wait3A_194 = tpu.memref_slice %arg16[%dma_wait3A_191, %dma_wait3A_192, %dma_wait3A_193] : memref<2x4x128xi32, #tpu.memory_space<vmem>> -> memref<1x1x128xi32, #tpu.memory_space<vmem>>
          %dma_wait3A_195 = tpu.memref_squeeze %dma_wait3A_194 : memref<1x1x128xi32, #tpu.memory_space<vmem>> -> memref<128xi32, #tpu.memory_space<vmem>>
          %dma_wait3A_196 = arith.constant 0 : i32
          %dma_wait3A_197 = arith.constant 0 : i32
          %dma_wait3A_198 = tpu.memref_slice %arg14[%dma_wait3A_196, %dma_wait3A_197] : memref<10008x16xf32, #tpu.memory_space<vmem_shared>> -> memref<10008x16xf32, #tpu.memory_space<vmem_shared>>
          tpu.wait_indirect_dma semaphore(%arg24 : memref<!tpu.dma_semaphore, #tpu.memory_space<semaphore_mem>>) src(%arg18 : memref<128x16xf32, #tpu.memory_space<vmem>>) dst(%dma_wait3A_198 : memref<10008x16xf32, #tpu.memory_space<vmem_shared>>)
        } else {
        }
        %dma_wait3A_172 = arith.constant 1 : i32
        %dma_wait3A_173 = arith.constant 3 : i32
        %dma_wait3A_174 = arith.constant 1 : i32
        %dma_wait3A_175 = arith.constant 3 : i32
        %dma_wait3A_176 = arith.constant 0 : i32
        %dma_wait3A_177 = arith.constant 0 : i32
        %dma_wait3A_178 = tpu.memref_slice %arg17[%dma_wait3A_172, %dma_wait3A_173, %dma_wait3A_176, %dma_wait3A_177] : memref<2x4x128x64xf32, #tpu.memory_space<vmem>> -> memref<1x1x128x64xf32, #tpu.memory_space<vmem>>
        %dma_wait3A_179 = tpu.memref_squeeze %dma_wait3A_178 : memref<1x1x128x64xf32, #tpu.memory_space<vmem>> -> memref<128x64xf32, #tpu.memory_space<vmem>>
        %dma_wait3A_180 = arith.constant 0 : i32
        %dma_wait3A_181 = tpu.memref_slice %arg16[%dma_wait3A_174, %dma_wait3A_175, %dma_wait3A_180] : memref<2x4x128xi32, #tpu.memory_space<vmem>> -> memref<1x1x128xi32, #tpu.memory_space<vmem>>
        %dma_wait3A_182 = tpu.memref_squeeze %dma_wait3A_181 : memref<1x1x128xi32, #tpu.memory_space<vmem>> -> memref<128xi32, #tpu.memory_space<vmem>>
        %dma_wait3A_183 = arith.constant 0 : i32
        %dma_wait3A_184 = arith.constant 0 : i32
        %dma_wait3A_185 = tpu.memref_slice %arg13[%dma_wait3A_183, %dma_wait3A_184] : memref<10008x64xf32, #tpu.memory_space<vmem_shared>> -> memref<10008x64xf32, #tpu.memory_space<vmem_shared>>
        tpu.wait_indirect_dma semaphore(%arg22 : memref<!tpu.dma_semaphore, #tpu.memory_space<semaphore_mem>>) src(%dma_wait3A_179 : memref<128x64xf32, #tpu.memory_space<vmem>>) dst(%dma_wait3A_185 : memref<10008x64xf32, #tpu.memory_space<vmem_shared>>)
        %eq3A_186 = arith.constant 1 : i32
        %eq3A_187 = arith.cmpi eq, %arg0, %eq3A_186 : i32
        %convert_element_type3A_188 = arith.extui %eq3A_187 : i1 to i32
        %cond3A_189 = arith.constant 0 : i32
        %cond3A_190 = arith.cmpi ne, %convert_element_type3A_188, %cond3A_189 : i32
        scf.if %cond3A_190 {
          %dma_wait3A_191 = arith.constant 1 : i32
          %dma_wait3A_192 = arith.constant 3 : i32
          %dma_wait3A_193 = arith.constant 0 : i32
          %dma_wait3A_194 = tpu.memref_slice %arg16[%dma_wait3A_191, %dma_wait3A_192, %dma_wait3A_193] : memref<2x4x128xi32, #tpu.memory_space<vmem>> -> memref<1x1x128xi32, #tpu.memory_space<vmem>>
          %dma_wait3A_195 = tpu.memref_squeeze %dma_wait3A_194 : memref<1x1x128xi32, #tpu.memory_space<vmem>> -> memref<128xi32, #tpu.memory_space<vmem>>
          %dma_wait3A_196 = arith.constant 0 : i32
          %dma_wait3A_197 = arith.constant 0 : i32
          %dma_wait3A_198 = tpu.memref_slice %arg14[%dma_wait3A_196, %dma_wait3A_197] : memref<10008x16xf32, #tpu.memory_space<vmem_shared>> -> memref<10008x16xf32, #tpu.memory_space<vmem_shared>>
          tpu.wait_indirect_dma semaphore(%arg24 : memref<!tpu.dma_semaphore, #tpu.memory_space<semaphore_mem>>) src(%arg18 : memref<128x16xf32, #tpu.memory_space<vmem>>) dst(%dma_wait3A_198 : memref<10008x16xf32, #tpu.memory_space<vmem_shared>>)
        } else {
        }
      } else {
      }
    }
    %scan3A_16 = arith.constant 20 : i32
    %barrier3A_17 = arith.constant 0 : index
    tpu.barrier barrier_id(%barrier3A_17)
    %eq3A = arith.constant 0 : i32
    %eq3A_18 = arith.cmpi eq, %arg0, %eq3A : i32
    %convert_element_type3A_19 = arith.extui %eq3A_18 : i1 to i32
    %cond3A_20 = arith.constant 0 : i32
    %cond3A_21 = arith.cmpi ne, %convert_element_type3A_19, %cond3A_20 : i32
    scf.if %cond3A_21 {
      "tpu.region"() ({
        %run_scoped3A = tpu.sem_alloc : memref<!tpu.dma_semaphore, #tpu.memory_space<semaphore_mem>>
        %dma_start3A = arith.constant 0 : i32
        %dma_start3A_27 = tpu.memref_slice %arg9[%mul3A_0, %dma_start3A] : memref<10000x64xf32, #tpu.memory_space<hbm>> -> memref<625x64xf32, #tpu.memory_space<hbm>>
        %dma_start3A_28 = arith.constant 0 : i32
        %dma_start3A_29 = tpu.memref_slice %arg13[%mul3A_0, %dma_start3A_28] : memref<10008x64xf32, #tpu.memory_space<vmem_shared>> -> memref<625x64xf32, #tpu.memory_space<vmem_shared>>
        tpu.enqueue_dma source(%dma_start3A_29 : memref<625x64xf32, #tpu.memory_space<vmem_shared>>) target(%dma_start3A_27 : memref<625x64xf32, #tpu.memory_space<hbm>>) target_semaphore(%run_scoped3A : memref<!tpu.dma_semaphore, #tpu.memory_space<semaphore_mem>>)
        %dma_wait3A = arith.constant 0 : i32
        %dma_wait3A_30 = tpu.memref_slice %arg9[%mul3A_0, %dma_wait3A] : memref<10000x64xf32, #tpu.memory_space<hbm>> -> memref<625x64xf32, #tpu.memory_space<hbm>>
        %dma_wait3A_31 = arith.constant 0 : i32
        %dma_wait3A_32 = tpu.memref_slice %arg13[%mul3A_0, %dma_wait3A_31] : memref<10008x64xf32, #tpu.memory_space<vmem_shared>> -> memref<625x64xf32, #tpu.memory_space<vmem_shared>>
        tpu.wait_dma2 semaphore(%run_scoped3A : memref<!tpu.dma_semaphore, #tpu.memory_space<semaphore_mem>>) src(%dma_wait3A_32 : memref<625x64xf32, #tpu.memory_space<vmem_shared>>) dst(%dma_wait3A_30 : memref<625x64xf32, #tpu.memory_space<hbm>>)
        tpu.yield
      }) : () -> ()
      "tpu.region"() ({
        %run_scoped3A = tpu.sem_alloc : memref<!tpu.dma_semaphore, #tpu.memory_space<semaphore_mem>>
        %dma_start3A = arith.constant 0 : i32
        %dma_start3A_27 = tpu.memref_slice %arg11[%mul3A_0, %dma_start3A] : memref<10000x16xf32, #tpu.memory_space<hbm>> -> memref<625x16xf32, #tpu.memory_space<hbm>>
        %dma_start3A_28 = arith.constant 0 : i32
        %dma_start3A_29 = tpu.memref_slice %arg14[%mul3A_0, %dma_start3A_28] : memref<10008x16xf32, #tpu.memory_space<vmem_shared>> -> memref<625x16xf32, #tpu.memory_space<vmem_shared>>
        tpu.enqueue_dma source(%dma_start3A_29 : memref<625x16xf32, #tpu.memory_space<vmem_shared>>) target(%dma_start3A_27 : memref<625x16xf32, #tpu.memory_space<hbm>>) target_semaphore(%run_scoped3A : memref<!tpu.dma_semaphore, #tpu.memory_space<semaphore_mem>>)
        %dma_wait3A = arith.constant 0 : i32
        %dma_wait3A_30 = tpu.memref_slice %arg11[%mul3A_0, %dma_wait3A] : memref<10000x16xf32, #tpu.memory_space<hbm>> -> memref<625x16xf32, #tpu.memory_space<hbm>>
        %dma_wait3A_31 = arith.constant 0 : i32
        %dma_wait3A_32 = tpu.memref_slice %arg14[%mul3A_0, %dma_wait3A_31] : memref<10008x16xf32, #tpu.memory_space<vmem_shared>> -> memref<625x16xf32, #tpu.memory_space<vmem_shared>>
        tpu.wait_dma2 semaphore(%run_scoped3A : memref<!tpu.dma_semaphore, #tpu.memory_space<semaphore_mem>>) src(%dma_wait3A_32 : memref<625x16xf32, #tpu.memory_space<vmem_shared>>) dst(%dma_wait3A_30 : memref<625x16xf32, #tpu.memory_space<hbm>>)
        tpu.yield
      }) : () -> ()
    } else {
    }
    %eq3A_22 = arith.constant 1 : i32
    %eq3A_23 = arith.cmpi eq, %arg0, %eq3A_22 : i32
    %convert_element_type3A_24 = arith.extui %eq3A_23 : i1 to i32
    %cond3A_25 = arith.constant 0 : i32
    %cond3A_26 = arith.cmpi ne, %convert_element_type3A_24, %cond3A_25 : i32
    scf.if %cond3A_26 {
      "tpu.region"() ({
        %run_scoped3A = tpu.sem_alloc : memref<!tpu.dma_semaphore, #tpu.memory_space<semaphore_mem>>
        %dma_start3A = arith.constant 0 : i32
        %dma_start3A_27 = tpu.memref_slice %arg10[%mul3A_0, %dma_start3A] : memref<10000x64xf32, #tpu.memory_space<hbm>> -> memref<625x64xf32, #tpu.memory_space<hbm>>
        %dma_start3A_28 = arith.constant 0 : i32
        %dma_start3A_29 = tpu.memref_slice %arg13[%mul3A_0, %dma_start3A_28] : memref<10008x64xf32, #tpu.memory_space<vmem_shared>> -> memref<625x64xf32, #tpu.memory_space<vmem_shared>>
        tpu.enqueue_dma source(%dma_start3A_29 : memref<625x64xf32, #tpu.memory_space<vmem_shared>>) target(%dma_start3A_27 : memref<625x64xf32, #tpu.memory_space<hbm>>) target_semaphore(%run_scoped3A : memref<!tpu.dma_semaphore, #tpu.memory_space<semaphore_mem>>)
        %dma_wait3A = arith.constant 0 : i32
        %dma_wait3A_30 = tpu.memref_slice %arg10[%mul3A_0, %dma_wait3A] : memref<10000x64xf32, #tpu.memory_space<hbm>> -> memref<625x64xf32, #tpu.memory_space<hbm>>
        %dma_wait3A_31 = arith.constant 0 : i32
        %dma_wait3A_32 = tpu.memref_slice %arg13[%mul3A_0, %dma_wait3A_31] : memref<10008x64xf32, #tpu.memory_space<vmem_shared>> -> memref<625x64xf32, #tpu.memory_space<vmem_shared>>
        tpu.wait_dma2 semaphore(%run_scoped3A : memref<!tpu.dma_semaphore, #tpu.memory_space<semaphore_mem>>) src(%dma_wait3A_32 : memref<625x64xf32, #tpu.memory_space<vmem_shared>>) dst(%dma_wait3A_30 : memref<625x64xf32, #tpu.memory_space<hbm>>)
        tpu.yield
      }) : () -> ()
      "tpu.region"() ({
        %run_scoped3A = tpu.sem_alloc : memref<!tpu.dma_semaphore, #tpu.memory_space<semaphore_mem>>
        %dma_start3A = arith.constant 0 : i32
        %dma_start3A_27 = tpu.memref_slice %arg12[%mul3A_0, %dma_start3A] : memref<10000x16xf32, #tpu.memory_space<hbm>> -> memref<625x16xf32, #tpu.memory_space<hbm>>
        %dma_start3A_28 = arith.constant 0 : i32
        %dma_start3A_29 = tpu.memref_slice %arg14[%mul3A_0, %dma_start3A_28] : memref<10008x16xf32, #tpu.memory_space<vmem_shared>> -> memref<625x16xf32, #tpu.memory_space<vmem_shared>>
        tpu.enqueue_dma source(%dma_start3A_29 : memref<625x16xf32, #tpu.memory_space<vmem_shared>>) target(%dma_start3A_27 : memref<625x16xf32, #tpu.memory_space<hbm>>) target_semaphore(%run_scoped3A : memref<!tpu.dma_semaphore, #tpu.memory_space<semaphore_mem>>)
        %dma_wait3A = arith.constant 0 : i32
        %dma_wait3A_30 = tpu.memref_slice %arg12[%mul3A_0, %dma_wait3A] : memref<10000x16xf32, #tpu.memory_space<hbm>> -> memref<625x16xf32, #tpu.memory_space<hbm>>
        %dma_wait3A_31 = arith.constant 0 : i32
        %dma_wait3A_32 = tpu.memref_slice %arg14[%mul3A_0, %dma_wait3A_31] : memref<10008x16xf32, #tpu.memory_space<vmem_shared>> -> memref<625x16xf32, #tpu.memory_space<vmem_shared>>
        tpu.wait_dma2 semaphore(%run_scoped3A : memref<!tpu.dma_semaphore, #tpu.memory_space<semaphore_mem>>) src(%dma_wait3A_32 : memref<625x16xf32, #tpu.memory_space<vmem_shared>>) dst(%dma_wait3A_30 : memref<625x16xf32, #tpu.memory_space<hbm>>)
        tpu.yield
      }) : () -> ()
    } else {
    }
    return
  }
}

module attributes {stable_mosaic.version = 14 : i64} {
  func.func @_sim_body(%arg0: i32, %arg1: memref<1000x64xf32, #tpu.memory_space<vmem>>, %arg2: memref<1000x64xf32, #tpu.memory_space<vmem>>, %arg3: memref<1000x16xf32, #tpu.memory_space<vmem>>, %arg4: memref<1000x16xf32, #tpu.memory_space<vmem>>, %arg5: memref<1000x128xf32, #tpu.memory_space<vmem>>, %arg6: memref<1000x1xf32, #tpu.memory_space<vmem>>) attributes {dimension_semantics = [#tpu.dimension_semantics<arbitrary>], iteration_bounds = array<i64: 10>, scalar_prefetch = 0 : i64, scratch_operands = 0 : i64, tpu.core_type = #tpu.core_type<tc>, window_params = [{transform_indices = @transform_0, window_bounds = array<i64: 1000, 64>}, {transform_indices = @transform_1, window_bounds = array<i64: 1000, 64>}, {transform_indices = @transform_2, window_bounds = array<i64: 1000, 16>}, {transform_indices = @transform_3, window_bounds = array<i64: 1000, 16>}, {transform_indices = @transform_4, window_bounds = array<i64: 1000, 128>}, {transform_indices = @transform_5, window_bounds = array<i64: 1000, 1>}]} {
    %get3A = arith.constant 0 : index
    %get3A_0 = arith.constant 0 : index
    %get3A_1 = vector.load %arg3[%get3A, %get3A_0] : memref<1000x16xf32, #tpu.memory_space<vmem>>, vector<1000x1xf32>
    %get3A_2 = arith.constant 0 : index
    %get3A_3 = arith.constant 0 : index
    %get3A_4 = vector.load %arg4[%get3A_2, %get3A_3] : memref<1000x16xf32, #tpu.memory_space<vmem>>, vector<1000x1xf32>
    %add3A = arith.addf %get3A_1, %get3A_4 : vector<1000x1xf32>
    %max3A = arith.constant 1.000000e+00 : f32
    %max3A_5 = vector.broadcast %max3A : f32 to vector<1000x1xf32>
    %max3A_6 = arith.maximumf %add3A, %max3A_5 : vector<1000x1xf32>
    %get3A_7 = arith.constant 0 : index
    %get3A_8 = arith.constant 0 : index
    %get3A_9 = vector.load %arg1[%get3A_7, %get3A_8] : memref<1000x64xf32, #tpu.memory_space<vmem>>, vector<1000x64xf32>
    %div3A = vector.broadcast %max3A_6 : vector<1000x1xf32> to vector<1000x64xf32>
    %div3A_10 = arith.divf %get3A_9, %div3A : vector<1000x64xf32>
    %get3A_11 = arith.constant 0 : index
    %get3A_12 = arith.constant 0 : index
    %get3A_13 = vector.load %arg2[%get3A_11, %get3A_12] : memref<1000x64xf32, #tpu.memory_space<vmem>>, vector<1000x64xf32>
    %div3A_14 = vector.broadcast %max3A_6 : vector<1000x1xf32> to vector<1000x64xf32>
    %div3A_15 = arith.divf %get3A_13, %div3A_14 : vector<1000x64xf32>
    %get3A_16 = arith.constant 0 : index
    %get3A_17 = arith.constant 0 : index
    %get3A_18 = vector.load %arg5[%get3A_16, %get3A_17] : memref<1000x128xf32, #tpu.memory_space<vmem>>, vector<1000x128xf32>
    %slice3A = vector.extract_strided_slice %get3A_18 {offsets = [0, 0], sizes = [1000, 64], strides = [1, 1]} : vector<1000x128xf32> to vector<1000x64xf32>
    %slice3A_19 = vector.extract_strided_slice %get3A_18 {offsets = [0, 64], sizes = [1000, 64], strides = [1, 1]} : vector<1000x128xf32> to vector<1000x64xf32>
    %mul3A = arith.mulf %div3A_10, %slice3A : vector<1000x64xf32>
    %reduce_sum3A = arith.constant dense<0.000000e+00> : vector<1000xf32>
    %reduce_sum3A_20 = vector.multi_reduction <add>, %mul3A, %reduce_sum3A [1] : vector<1000x64xf32> to vector<1000xf32>
    %broadcast_in_dim3A = vector.shape_cast %reduce_sum3A_20 : vector<1000xf32> to vector<1000x1xf32>
    %mul3A_21 = arith.mulf %div3A_15, %slice3A_19 : vector<1000x64xf32>
    %reduce_sum3A_22 = arith.constant dense<0.000000e+00> : vector<1000xf32>
    %reduce_sum3A_23 = vector.multi_reduction <add>, %mul3A_21, %reduce_sum3A_22 [1] : vector<1000x64xf32> to vector<1000xf32>
    %broadcast_in_dim3A_24 = vector.shape_cast %reduce_sum3A_23 : vector<1000xf32> to vector<1000x1xf32>
    %add3A_25 = arith.addf %broadcast_in_dim3A, %broadcast_in_dim3A_24 : vector<1000x1xf32>
    %mul3A_26 = arith.mulf %div3A_10, %div3A_10 : vector<1000x64xf32>
    %reduce_sum3A_27 = arith.constant dense<0.000000e+00> : vector<1000xf32>
    %reduce_sum3A_28 = vector.multi_reduction <add>, %mul3A_26, %reduce_sum3A_27 [1] : vector<1000x64xf32> to vector<1000xf32>
    %broadcast_in_dim3A_29 = vector.shape_cast %reduce_sum3A_28 : vector<1000xf32> to vector<1000x1xf32>
    %mul3A_30 = arith.mulf %div3A_15, %div3A_15 : vector<1000x64xf32>
    %reduce_sum3A_31 = arith.constant dense<0.000000e+00> : vector<1000xf32>
    %reduce_sum3A_32 = vector.multi_reduction <add>, %mul3A_30, %reduce_sum3A_31 [1] : vector<1000x64xf32> to vector<1000xf32>
    %broadcast_in_dim3A_33 = vector.shape_cast %reduce_sum3A_32 : vector<1000xf32> to vector<1000x1xf32>
    %add3A_34 = arith.addf %broadcast_in_dim3A_29, %broadcast_in_dim3A_33 : vector<1000x1xf32>
    %mul3A_35 = arith.mulf %get3A_18, %get3A_18 : vector<1000x128xf32>
    %reduce_sum3A_36 = arith.constant dense<0.000000e+00> : vector<1000xf32>
    %reduce_sum3A_37 = vector.multi_reduction <add>, %mul3A_35, %reduce_sum3A_36 [1] : vector<1000x128xf32> to vector<1000xf32>
    %broadcast_in_dim3A_38 = vector.shape_cast %reduce_sum3A_37 : vector<1000xf32> to vector<1000x1xf32>
    %add3A_39 = arith.constant 9.99999996E-13 : f32
    %add3A_40 = vector.broadcast %add3A_39 : f32 to vector<1000x1xf32>
    %add3A_41 = arith.addf %add3A_34, %add3A_40 : vector<1000x1xf32>
    %sqrt3A = math.sqrt %add3A_41 : vector<1000x1xf32>
    %add3A_42 = arith.constant 9.99999996E-13 : f32
    %add3A_43 = vector.broadcast %add3A_42 : f32 to vector<1000x1xf32>
    %add3A_44 = arith.addf %broadcast_in_dim3A_38, %add3A_43 : vector<1000x1xf32>
    %sqrt3A_45 = math.sqrt %add3A_44 : vector<1000x1xf32>
    %mul3A_46 = arith.mulf %sqrt3A, %sqrt3A_45 : vector<1000x1xf32>
    %add3A_47 = arith.constant 9.99999993E-9 : f32
    %add3A_48 = vector.broadcast %add3A_47 : f32 to vector<1000x1xf32>
    %add3A_49 = arith.addf %mul3A_46, %add3A_48 : vector<1000x1xf32>
    %div3A_50 = arith.divf %add3A_25, %add3A_49 : vector<1000x1xf32>
    %swap3A = arith.constant 0 : index
    %swap3A_51 = arith.constant 0 : index
    %swap3A_52 = vector.load %arg6[%swap3A, %swap3A_51] : memref<1000x1xf32, #tpu.memory_space<vmem>>, vector<1000x1xf32>
    tpu.vector_store %arg6[%swap3A, %swap3A_51], %div3A_50 {strides = array<i32>} : memref<1000x1xf32, #tpu.memory_space<vmem>>, vector<1000x1xf32>,
    return
  }
  func.func @transform_0(%arg0: i32) -> (i32, i32) {
    %c0_i32 = arith.constant 0 : i32
    %c0_i32_0 = arith.constant 0 : i32
    return %arg0, %c0_i32 : i32, i32
  }
  func.func @transform_1(%arg0: i32) -> (i32, i32) {
    %c0_i32 = arith.constant 0 : i32
    %c0_i32_0 = arith.constant 0 : i32
    return %arg0, %c0_i32 : i32, i32
  }
  func.func @transform_2(%arg0: i32) -> (i32, i32) {
    %c0_i32 = arith.constant 0 : i32
    %c0_i32_0 = arith.constant 0 : i32
    return %arg0, %c0_i32 : i32, i32
  }
  func.func @transform_3(%arg0: i32) -> (i32, i32) {
    %c0_i32 = arith.constant 0 : i32
    %c0_i32_0 = arith.constant 0 : i32
    return %arg0, %c0_i32 : i32, i32
  }
  func.func @transform_4(%arg0: i32) -> (i32, i32) {
    %c0_i32 = arith.constant 0 : i32
    %c0_i32_0 = arith.constant 0 : i32
    return %arg0, %c0_i32 : i32, i32
  }
  func.func @transform_5(%arg0: i32) -> (i32, i32) {
    %c0_i32 = arith.constant 0 : i32
    %c0_i32_0 = arith.constant 0 : i32
    return %arg0, %c0_i32 : i32, i32
  }
}

module attributes {stable_mosaic.version = 14 : i64} {
  func.func @_mask_body(%arg0: memref<80x128xf32, #tpu.memory_space<vmem>>, %arg1: memref<80x128xf32, #tpu.memory_space<vmem>>) attributes {dimension_semantics = [], scalar_prefetch = 0 : i64, scratch_operands = 0 : i64, tpu.core_type = #tpu.core_type<tc>} {
    %get3A = arith.constant 0 : index
    %get3A_0 = arith.constant 0 : index
    %get3A_1 = vector.load %arg0[%get3A, %get3A_0] : memref<80x128xf32, #tpu.memory_space<vmem>>, vector<80x128xf32>
    %bitcast_convert_type3A = tpu.bitcast %get3A_1 : vector<80x128xf32> -> vector<80x128xi32>
    %lt3A = arith.constant 0 : i32
    %lt3A_2 = vector.broadcast %lt3A : i32 to vector<80x128xi32>
    %lt3A_3 = arith.cmpi slt, %bitcast_convert_type3A, %lt3A_2 : vector<80x128xi32>
    %xor3A = arith.constant 2147483647 : i32
    %xor3A_4 = vector.broadcast %xor3A : i32 to vector<80x128xi32>
    %xor3A_5 = arith.xori %bitcast_convert_type3A, %xor3A_4 : vector<80x128xi32>
    %select_n3A = arith.select %lt3A_3, %xor3A_5, %bitcast_convert_type3A : vector<80x128xi1>, vector<80x128xi32>
    %bitcast_convert_type3A_6 = tpu.bitcast %select_n3A : vector<80x128xi32> -> vector<80x128xi32>
    %xor3A_7 = arith.constant -2147483648 : i32
    %xor3A_8 = vector.broadcast %xor3A_7 : i32 to vector<80x128xi32>
    %xor3A_9 = arith.xori %bitcast_convert_type3A_6, %xor3A_8 : vector<80x128xi32>
    %scan3A = arith.constant 0 : i32
    %scan3A_10 = arith.constant 0 : i32
    %scan3A_11 = arith.constant 32 : i32
    %scan3A_12 = arith.addi %scan3A_10, %scan3A_11 : i32
    %scan3A_13 = arith.constant 1 : i32
    %scan3A_14 = scf.for %scan3A_40 = %scan3A_10 to %scan3A_12 step %scan3A_13 iter_args(%scan3A_41 = %scan3A) -> (i32)  : i32 {
      %sub3A_42 = arith.constant 31 : i32
      %sub3A_43 = arith.subi %sub3A_42, %scan3A_40 : i32
      %shift_left3A = arith.constant 1 : i32
      %shift_left3A_44 = arith.shli %shift_left3A, %sub3A_43 : i32
      %or3A_45 = arith.ori %scan3A_41, %shift_left3A_44 : i32
      %ge3A = vector.broadcast %or3A_45 : i32 to vector<80x128xi32>
      %ge3A_46 = arith.cmpi uge, %xor3A_9, %ge3A : vector<80x128xi32>
      %convert_element_type3A_47 = arith.extui %ge3A_46 : vector<80x128xi1> to vector<80x128xi32>
      %reduce_sum3A_48 = vector.shape_cast %convert_element_type3A_47 : vector<80x128xi32> to vector<1x80x128xi32>
      %reduce_sum3A_49 = arith.constant dense<0> : vector<1xi32>
      %reduce_sum3A_50 = vector.multi_reduction <add>, %reduce_sum3A_48, %reduce_sum3A_49 [1, 2] : vector<1x80x128xi32> to vector<1xi32>
      %reduce_sum3A_51 = vector.shape_cast %reduce_sum3A_50 : vector<1xi32> to vector<1x1x1xi32>
      %reduce_sum3A_52 = vector.extract %reduce_sum3A_51[0, 0, 0] : i32 from vector<1x1x1xi32>
      %ge3A_53 = arith.constant 5000 : i32
      %ge3A_54 = arith.cmpi sge, %reduce_sum3A_52, %ge3A_53 : i32
      %select_n3A_55 = arith.select %ge3A_54, %or3A_45, %scan3A_41 : i32
      scf.yield %select_n3A_55 : i32
    }
    %scan3A_15 = arith.constant 32 : i32
    %gt3A = vector.broadcast %scan3A_14 : i32 to vector<80x128xi32>
    %gt3A_16 = arith.cmpi ugt, %xor3A_9, %gt3A : vector<80x128xi32>
    %convert_element_type3A = arith.extui %gt3A_16 : vector<80x128xi1> to vector<80x128xi32>
    %reduce_sum3A = vector.shape_cast %convert_element_type3A : vector<80x128xi32> to vector<1x80x128xi32>
    %reduce_sum3A_17 = arith.constant dense<0> : vector<1xi32>
    %reduce_sum3A_18 = vector.multi_reduction <add>, %reduce_sum3A, %reduce_sum3A_17 [1, 2] : vector<1x80x128xi32> to vector<1xi32>
    %reduce_sum3A_19 = vector.shape_cast %reduce_sum3A_18 : vector<1xi32> to vector<1x1x1xi32>
    %reduce_sum3A_20 = vector.extract %reduce_sum3A_19[0, 0, 0] : i32 from vector<1x1x1xi32>
    %sub3A = arith.constant 5000 : i32
    %sub3A_21 = arith.subi %sub3A, %reduce_sum3A_20 : i32
    %eq3A = vector.broadcast %scan3A_14 : i32 to vector<80x128xi32>
    %eq3A_22 = arith.cmpi eq, %xor3A_9, %eq3A : vector<80x128xi32>
    %iota3A = tpu.iota {dimensions = array<i32: 0>} : vector<80x128xi32>
    %mul3A = arith.constant 128 : i32
    %mul3A_23 = vector.broadcast %mul3A : i32 to vector<80x128xi32>
    %mul3A_24 = arith.muli %iota3A, %mul3A_23 : vector<80x128xi32>
    %iota3A_25 = tpu.iota {dimensions = array<i32: 1>} : vector<80x128xi32>
    %add3A = arith.addi %mul3A_24, %iota3A_25 : vector<80x128xi32>
    %scan3A_26 = arith.constant 0 : i32
    %scan3A_27 = arith.constant 0 : i32
    %scan3A_28 = arith.constant 14 : i32
    %scan3A_29 = arith.addi %scan3A_27, %scan3A_28 : i32
    %scan3A_30 = arith.constant 1 : i32
    %scan3A_31 = scf.for %scan3A_40 = %scan3A_27 to %scan3A_29 step %scan3A_30 iter_args(%scan3A_41 = %scan3A_26) -> (i32)  : i32 {
      %sub3A_42 = arith.constant 13 : i32
      %sub3A_43 = arith.subi %sub3A_42, %scan3A_40 : i32
      %shift_left3A = arith.constant 1 : i32
      %shift_left3A_44 = arith.shli %shift_left3A, %sub3A_43 : i32
      %or3A_45 = arith.ori %scan3A_41, %shift_left3A_44 : i32
      %lt3A_46 = vector.broadcast %or3A_45 : i32 to vector<80x128xi32>
      %lt3A_47 = arith.cmpi slt, %add3A, %lt3A_46 : vector<80x128xi32>
      %and3A_48 = arith.andi %eq3A_22, %lt3A_47 : vector<80x128xi1>
      %convert_element_type3A_49 = arith.extui %and3A_48 : vector<80x128xi1> to vector<80x128xi32>
      %reduce_sum3A_50 = vector.shape_cast %convert_element_type3A_49 : vector<80x128xi32> to vector<1x80x128xi32>
      %reduce_sum3A_51 = arith.constant dense<0> : vector<1xi32>
      %reduce_sum3A_52 = vector.multi_reduction <add>, %reduce_sum3A_50, %reduce_sum3A_51 [1, 2] : vector<1x80x128xi32> to vector<1xi32>
      %reduce_sum3A_53 = vector.shape_cast %reduce_sum3A_52 : vector<1xi32> to vector<1x1x1xi32>
      %reduce_sum3A_54 = vector.extract %reduce_sum3A_53[0, 0, 0] : i32 from vector<1x1x1xi32>
      %lt3A_55 = arith.cmpi slt, %reduce_sum3A_54, %sub3A_21 : i32
      %select_n3A_56 = arith.select %lt3A_55, %or3A_45, %scan3A_41 : i32
      scf.yield %select_n3A_56 : i32
    }
    %scan3A_32 = arith.constant 14 : i32
    %gt3A_33 = vector.broadcast %scan3A_14 : i32 to vector<80x128xi32>
    %gt3A_34 = arith.cmpi ugt, %xor3A_9, %gt3A_33 : vector<80x128xi32>
    %le3A = vector.broadcast %scan3A_31 : i32 to vector<80x128xi32>
    %le3A_35 = arith.cmpi sle, %add3A, %le3A : vector<80x128xi32>
    %and3A = arith.andi %eq3A_22, %le3A_35 : vector<80x128xi1>
    %or3A = arith.ori %gt3A_34, %and3A : vector<80x128xi1>
    %convert_element_type3A_36 = arith.extui %or3A : vector<80x128xi1> to vector<80x128xi32>
    %convert_element_type3A_37 = arith.sitofp %convert_element_type3A_36 : vector<80x128xi32> to vector<80x128xf32>
    %swap3A = arith.constant 0 : index
    %swap3A_38 = arith.constant 0 : index
    %swap3A_39 = vector.load %arg1[%swap3A, %swap3A_38] : memref<80x128xf32, #tpu.memory_space<vmem>>, vector<80x128xf32>
    tpu.vector_store %arg1[%swap3A, %swap3A_38], %convert_element_type3A_37 {strides = array<i32>} : memref<80x128xf32, #tpu.memory_space<vmem>>, vector<80x128xf32>,
    return
  }
}

module attributes {stable_mosaic.version = 14 : i64} {
  func.func @_sel_body(%arg0: i32, %arg1: memref<1000x64xf32, #tpu.memory_space<vmem>>, %arg2: memref<1000x64xf32, #tpu.memory_space<vmem>>, %arg3: memref<1000x16xf32, #tpu.memory_space<vmem>>, %arg4: memref<1000x16xf32, #tpu.memory_space<vmem>>, %arg5: memref<1000x1xf32, #tpu.memory_space<vmem>>, %arg6: memref<1000x64xf32, #tpu.memory_space<vmem>>, %arg7: memref<1000x64xf32, #tpu.memory_space<vmem>>, %arg8: memref<1000x64xf32, #tpu.memory_space<vmem>>, %arg9: memref<1000x64xf32, #tpu.memory_space<vmem>>) attributes {dimension_semantics = [#tpu.dimension_semantics<arbitrary>], iteration_bounds = array<i64: 10>, scalar_prefetch = 0 : i64, scratch_operands = 0 : i64, tpu.core_type = #tpu.core_type<tc>, window_params = [{transform_indices = @transform_0, window_bounds = array<i64: 1000, 64>}, {transform_indices = @transform_1, window_bounds = array<i64: 1000, 64>}, {transform_indices = @transform_2, window_bounds = array<i64: 1000, 16>}, {transform_indices = @transform_3, window_bounds = array<i64: 1000, 16>}, {transform_indices = @transform_4, window_bounds = array<i64: 1000, 1>}, {transform_indices = @transform_5, window_bounds = array<i64: 1000, 64>}, {transform_indices = @transform_6, window_bounds = array<i64: 1000, 64>}, {transform_indices = @transform_7, window_bounds = array<i64: 1000, 64>}, {transform_indices = @transform_8, window_bounds = array<i64: 1000, 64>}]} {
    %get3A = arith.constant 0 : index
    %get3A_0 = arith.constant 0 : index
    %get3A_1 = vector.load %arg3[%get3A, %get3A_0] : memref<1000x16xf32, #tpu.memory_space<vmem>>, vector<1000x1xf32>
    %get3A_2 = arith.constant 0 : index
    %get3A_3 = arith.constant 0 : index
    %get3A_4 = vector.load %arg4[%get3A_2, %get3A_3] : memref<1000x16xf32, #tpu.memory_space<vmem>>, vector<1000x1xf32>
    %add3A = arith.addf %get3A_1, %get3A_4 : vector<1000x1xf32>
    %max3A = arith.constant 1.000000e+00 : f32
    %max3A_5 = vector.broadcast %max3A : f32 to vector<1000x1xf32>
    %max3A_6 = arith.maximumf %add3A, %max3A_5 : vector<1000x1xf32>
    %get3A_7 = arith.constant 0 : index
    %get3A_8 = arith.constant 0 : index
    %get3A_9 = vector.load %arg5[%get3A_7, %get3A_8] : memref<1000x1xf32, #tpu.memory_space<vmem>>, vector<1000x1xf32>
    %gt3A = arith.constant 0.000000e+00 : f32
    %gt3A_10 = vector.broadcast %gt3A : f32 to vector<1000x1xf32>
    %gt3A_11 = arith.cmpf ogt, %get3A_9, %gt3A_10 : vector<1000x1xf32>
    %get3A_12 = arith.constant 0 : index
    %get3A_13 = arith.constant 0 : index
    %get3A_14 = vector.load %arg1[%get3A_12, %get3A_13] : memref<1000x64xf32, #tpu.memory_space<vmem>>, vector<1000x64xf32>
    %div3A = vector.broadcast %max3A_6 : vector<1000x1xf32> to vector<1000x64xf32>
    %div3A_15 = arith.divf %get3A_14, %div3A : vector<1000x64xf32>
    %get3A_16 = arith.constant 0 : index
    %get3A_17 = arith.constant 0 : index
    %get3A_18 = vector.load %arg6[%get3A_16, %get3A_17] : memref<1000x64xf32, #tpu.memory_space<vmem>>, vector<1000x64xf32>
    %broadcast_in_dim3A = vector.shape_cast %gt3A_11 : vector<1000x1xi1> to vector<1000x1xi1>
    %broadcast_in_dim3A_19 = vector.broadcast %broadcast_in_dim3A : vector<1000x1xi1> to vector<1000x64xi1>
    %select_n3A = arith.select %broadcast_in_dim3A_19, %div3A_15, %get3A_18 : vector<1000x64xi1>, vector<1000x64xf32>
    %swap3A = arith.constant 0 : index
    %swap3A_20 = arith.constant 0 : index
    %swap3A_21 = vector.load %arg8[%swap3A, %swap3A_20] : memref<1000x64xf32, #tpu.memory_space<vmem>>, vector<1000x64xf32>
    tpu.vector_store %arg8[%swap3A, %swap3A_20], %select_n3A {strides = array<i32>} : memref<1000x64xf32, #tpu.memory_space<vmem>>, vector<1000x64xf32>,
    %get3A_22 = arith.constant 0 : index
    %get3A_23 = arith.constant 0 : index
    %get3A_24 = vector.load %arg2[%get3A_22, %get3A_23] : memref<1000x64xf32, #tpu.memory_space<vmem>>, vector<1000x64xf32>
    %div3A_25 = vector.broadcast %max3A_6 : vector<1000x1xf32> to vector<1000x64xf32>
    %div3A_26 = arith.divf %get3A_24, %div3A_25 : vector<1000x64xf32>
    %get3A_27 = arith.constant 0 : index
    %get3A_28 = arith.constant 0 : index
    %get3A_29 = vector.load %arg7[%get3A_27, %get3A_28] : memref<1000x64xf32, #tpu.memory_space<vmem>>, vector<1000x64xf32>
    %broadcast_in_dim3A_30 = vector.shape_cast %gt3A_11 : vector<1000x1xi1> to vector<1000x1xi1>
    %broadcast_in_dim3A_31 = vector.broadcast %broadcast_in_dim3A_30 : vector<1000x1xi1> to vector<1000x64xi1>
    %select_n3A_32 = arith.select %broadcast_in_dim3A_31, %div3A_26, %get3A_29 : vector<1000x64xi1>, vector<1000x64xf32>
    %swap3A_33 = arith.constant 0 : index
    %swap3A_34 = arith.constant 0 : index
    %swap3A_35 = vector.load %arg9[%swap3A_33, %swap3A_34] : memref<1000x64xf32, #tpu.memory_space<vmem>>, vector<1000x64xf32>
    tpu.vector_store %arg9[%swap3A_33, %swap3A_34], %select_n3A_32 {strides = array<i32>} : memref<1000x64xf32, #tpu.memory_space<vmem>>, vector<1000x64xf32>,
    return
  }
  func.func @transform_0(%arg0: i32) -> (i32, i32) {
    %c0_i32 = arith.constant 0 : i32
    %c0_i32_0 = arith.constant 0 : i32
    return %arg0, %c0_i32 : i32, i32
  }
  func.func @transform_1(%arg0: i32) -> (i32, i32) {
    %c0_i32 = arith.constant 0 : i32
    %c0_i32_0 = arith.constant 0 : i32
    return %arg0, %c0_i32 : i32, i32
  }
  func.func @transform_2(%arg0: i32) -> (i32, i32) {
    %c0_i32 = arith.constant 0 : i32
    %c0_i32_0 = arith.constant 0 : i32
    return %arg0, %c0_i32 : i32, i32
  }
  func.func @transform_3(%arg0: i32) -> (i32, i32) {
    %c0_i32 = arith.constant 0 : i32
    %c0_i32_0 = arith.constant 0 : i32
    return %arg0, %c0_i32 : i32, i32
  }
  func.func @transform_4(%arg0: i32) -> (i32, i32) {
    %c0_i32 = arith.constant 0 : i32
    %c0_i32_0 = arith.constant 0 : i32
    return %arg0, %c0_i32 : i32, i32
  }
  func.func @transform_5(%arg0: i32) -> (i32, i32) {
    %c0_i32 = arith.constant 0 : i32
    %c0_i32_0 = arith.constant 0 : i32
    return %arg0, %c0_i32 : i32, i32
  }
  func.func @transform_6(%arg0: i32) -> (i32, i32) {
    %c0_i32 = arith.constant 0 : i32
    %c0_i32_0 = arith.constant 0 : i32
    return %arg0, %c0_i32 : i32, i32
  }
  func.func @transform_7(%arg0: i32) -> (i32, i32) {
    %c0_i32 = arith.constant 0 : i32
    %c0_i32_0 = arith.constant 0 : i32
    return %arg0, %c0_i32 : i32, i32
  }
  func.func @transform_8(%arg0: i32) -> (i32, i32) {
    %c0_i32 = arith.constant 0 : i32
    %c0_i32_0 = arith.constant 0 : i32
    return %arg0, %c0_i32 : i32, i32
  }
}

</mosaic_0001>

<sc_bundles>
// kernel: kernel.10.cloned.1.call-start
scs
__scs_entry_jumppad:
0x0: {  	(pc) =	sbr.rel $0x88, $3  }
0x1: {  	(tag) =	ssettag $0x0;
	lr =	simm.s32 $0x1  }
0x2: {  	[smem:$0x3F9F] =	sst lr;
	_ =	strace $0xD0000000  }
0x3: {  	_ = 	snop  }
0x4: {  	_ = 	snop  }
0x5: {  	_ = 	snop  }
0x6: {  	_ = 	snop  }
0x7: {  	_ = 	snop  }
__scs_overlays_trampoline_lowered:
0x8: {  	[smem:$0x3FAE] =	sst s0  }
0x9: {  	[smem:$0x3FAF] =	sst s1  }
0xa: {  	[smem:$0x3FB0] =	sst s2  }
0xb: {  	[smem:$0x3FB1] =	sst s3  }
0xc: {  	[smem:$0x3FB2] =	sst s4  }
0xd: {  	[smem:$0x3FB3] =	sst s5  }
0xe: {  	[smem:$0x3FB4] =	sst s6  }
0xf: {  	[smem:$0x3FB5] =	sst s7  }
0x10: {  	[smem:$0x3FB6] =	sst s8  }
0x11: {  	[smem:$0x3FB7] =	sst s9;
	s0 =	simm.s32 @!p0 $0x0  }
0x12: {  	s1 =	sld [smem:$0x3F9D];
	s0 =	simm.s32 @p0 $0x1  }
0x13: {  	[smem:$0x3FB8] =	sst s0;
	s0 =	simm.s32 @!p1 $0x0  }
0x14: {  	s2 =	sld [smem:$0x3F9C];
	s0 =	simm.s32 @p1 $0x1  }
0x15: {  	[smem:$0x3FB9] =	sst s0;
	s0 =	simm.s32 @!p2 $0x0  }
0x16: {  	s3 =	sld [smem:$0x3FDB];
	s0 =	simm.s32 @p2 $0x1  }
0x17: {  	s4 =	simm.s32 $0x1BF5;
	[smem:$0x3FBB] =	sst s0  }
0x18: {  	s0 =	sld [smem:$0x3F9E];
	_ =	swait.ge [sflag:s4], $0x0  }
0x19: {  	s7 =	sld [smem:$0x3F9F]  }
0x1a: {  	s8 =	sadd.s32 $0xFFFFE003, lr  }
0x1b: {  	s9 =	sadd.s32 $0xFFFFFEF7, lr;
	s5 =	simm.s32 $0xFFFFFFFF;
	p2 =	slt.u32 s8, $0xFFFFF086  }
0x1c: {  	p1 =	slt.u32 s9, $0xF7A;
	s5 =	simm.s32 @!p2 $0x0  }
0x1d: {  	s5 =	simm.s32 @p1 $0x1;
	p0 =	seq.s32 s7, s2  }
0x1e: {  	s7 =	smul.u32 @!p0 $0xF7A, s2;
	p2 =	seq.s32 @!p0 s5, $0x0  }
0x1f: {  	s9 =	smul.u32 $0xF7A, s1;
	s8 =	simm.s32 @!p0 $0x1BF5;
	p2 =	por !p2, p0  }
0x20: {  	[sflag:s8] =	ssyncset.s32 @!p0 $0xFFFFF086;
	s6 =	sadd.s32 @!p0 s3, s7;
	s7 =	simm.s32 @!p0 $0x108  }
0x21: {  	s3 =	sadd.s32 s3, s9;
	s6 =	sadd.s32 @!p0 $0x88, s6;
	s7 =	simm.s32 @p2 $0x1082  }
0x22: {  	[simem:s7], [sflag:s8] =	dma.local @!p0 [hbm:s6], $0xF7A  }
0x23: {  	s9 =	sor.u32 $0xD0000000, s2;
	s6 =	simm.s32 $0x108;
	_ =	swait.ge @!p0 [sflag:s8], $0x0  }
0x24: {  	s3 =	sadd.s32 $0x88, s3;
	s6 =	simm.s32 @!p1 $0x1082;
	[sflag:s4] =	ssyncset.s32 $0xFFFFF086  }
0x25: {  	[simem:s6], [sflag:s4] =	dma.local [hbm:s3], $0xF7A  }
0x26: {  	[smem:$0x3F9F] =	sst s1;
	(tag) =	ssettag s2;
	_ =	strace s9  }
0x27: {  	s1 =	sld [smem:$0x3FAF]  }
0x28: {  	s2 =	sld [smem:$0x3FB0]  }
0x29: {  	s4 =	sld [smem:$0x3FB2]  }
0x2a: {  	p0 =	seq.s32 s5, $0x0;
	s5 =	sld [smem:$0x3FB3]  }
0x2b: {  	s6 =	sld [smem:$0x3FB4]  }
0x2c: {  	s7 =	sld [smem:$0x3FB5]  }
0x2d: {  	s3 =	simm.s32 $0x108;
	s8 =	sld [smem:$0x3FB6]  }
0x2e: {  	s3 =	simm.s32 @!p0 $0x1082;
	s9 =	sld [smem:$0x3FB7]  }
0x2f: {  	lr =	sadd.s32 s0, s3;
	s0 =	sld [smem:$0x3FAE]  }
0x30: {  	s3 =	sld [smem:$0x3FB1]  }
0x31: {  	[smem:$0x3FBA] =	sst s10  }
0x32: {  	s10 =	sld [smem:$0x3FB8];
	_ =	sdelay $0x3  }
0x33: {  	p0 =	seq.s32 s10, $0x1;
	s10 =	sld [smem:$0x3FBA];
	_ =	sdelay $0x3  }
0x34: {  	[smem:$0x3FBA] =	sst s10  }
0x35: {  	s10 =	sld [smem:$0x3FB9];
	_ =	sdelay $0x3  }
0x36: {  	p1 =	seq.s32 s10, $0x1;
	s10 =	sld [smem:$0x3FBA];
	_ =	sdelay $0x3  }
0x37: {  	[smem:$0x3FBA] =	sst s10  }
0x38: {  	s10 =	sld [smem:$0x3FBB]  }
0x39: {  	_ = 	snop;
	(pc) =	sbr.ind lr, $3  }
0x3a: {  	_ = 	snop  }
0x3b: {  	_ = 	snop  }
0x3c: {  	p2 =	seq.s32 s10, $0x1;
	s10 =	sld [smem:$0x3FBA]  }
0x3d: {  	_ =	shalt  }
0x3e: {  	_ =	shalt  }
0x3f: {  	_ =	shalt  }
0x40: {  	_ =	shalt  }
0x41: {  	_ =	shalt  }
0x42: {  	_ =	shalt  }
0x43: {  	_ =	shalt  }
0x44: {  	_ =	shalt  }
0x45: {  	_ =	shalt  }
0x46: {  	_ =	shalt  }
0x47: {  	_ =	shalt  }
0x48: {  	_ =	shalt  }
0x49: {  	_ =	shalt  }
0x4a: {  	_ =	shalt  }
0x4b: {  	_ =	shalt  }
0x4c: {  	_ =	shalt  }
0x4d: {  	_ =	shalt  }
0x4e: {  	_ =	shalt  }
0x4f: {  	_ =	shalt  }
0x50: {  	_ =	shalt  }
0x51: {  	_ =	shalt  }
0x52: {  	_ =	shalt  }
0x53: {  	_ =	shalt  }
0x54: {  	_ =	shalt  }
0x55: {  	_ =	shalt  }
0x56: {  	_ =	shalt  }
0x57: {  	_ =	shalt  }
0x58: {  	_ =	shalt  }
0x59: {  	_ =	shalt  }
0x5a: {  	_ =	shalt  }
0x5b: {  	_ =	shalt  }
0x5c: {  	_ =	shalt  }
0x5d: {  	_ =	shalt  }
0x5e: {  	_ =	shalt  }
0x5f: {  	_ =	shalt  }
0x60: {  	_ =	shalt  }
0x61: {  	_ =	shalt  }
0x62: {  	_ =	shalt  }
0x63: {  	_ =	shalt  }
0x64: {  	_ =	shalt  }
0x65: {  	_ =	shalt  }
0x66: {  	_ =	shalt  }
0x67: {  	_ =	shalt  }
0x68: {  	_ =	shalt  }
0x69: {  	_ =	shalt  }
0x6a: {  	_ =	shalt  }
0x6b: {  	_ =	shalt  }
0x6c: {  	_ =	shalt  }
0x6d: {  	_ =	shalt  }
0x6e: {  	_ =	shalt  }
0x6f: {  	_ =	shalt  }
0x70: {  	_ =	shalt  }
0x71: {  	_ =	shalt  }
0x72: {  	_ =	shalt  }
0x73: {  	_ =	shalt  }
0x74: {  	_ =	shalt  }
0x75: {  	_ =	shalt  }
0x76: {  	_ =	shalt  }
0x77: {  	_ =	shalt  }
0x78: {  	_ =	shalt  }
0x79: {  	_ =	shalt  }
0x7a: {  	_ =	shalt  }
0x7b: {  	_ =	shalt  }
0x7c: {  	_ =	shalt  }
0x7d: {  	_ =	shalt  }
0x7e: {  	_ =	shalt  }
0x7f: {  	_ =	shalt  }
0x80: {  	_ =	shalt  }
0x81: {  	_ =	shalt  }
0x82: {  	_ =	shalt  }
0x83: {  	_ =	shalt  }
0x84: {  	_ =	shalt  }
0x85: {  	_ =	shalt  }
0x86: {  	_ =	shalt  }
0x87: {  	_ =	shalt  }
.Lfunc_end0:
.L_simem_size_0:
called_computation_lowered:
.L_overlay_start_0:
0x88: {  	s2 =	sld [smem:$0x3FD9]  }
0x89: {  	s3 =	sld [smem:$0x3FFE];
	_ =	sdelay $0x1  }
0x8a: {  	s1 =	srdreg.scid  }
0x8b: {  	s0 =	sand.u32 $0x1, s1  }
0x8c: {  	s17 =	sshll.u32 s0, $0xA;
	s2 =	sadd.s32 s3, s2  }
0x8d: {  	s2 =	sadd.s32 s2, s17  }
0x8e: {  	[smem:$0x3FC6] =	sst s2  }
0x8f: {  	_ = 	snop  }
0x90: {  	s2 =	sld [smem:$0x3FD0];
	(tm) =	ssettm $0x1  }
0x91: {  	s18 =	sld [smem:$0x3FFB];
	_ =	sdelay $0x3  }
0x92: {  	_ =	strace s18  }
0x93: {  	s3 =	sld [smem:$0x3FFC];
	_ =	sdelay $0x3  }
0x94: {  	_ =	strace s3  }
0x95: {  	s3 =	sld [smem:$0x3FFD];
	_ =	sdelay $0x3  }
0x96: {  	_ =	strace s3  }
0x97: {  	_ =	strace $0x8FFFFFFF  }
0x98: {  	s19 =	sld [smem:$0x3FDB];
	_ =	sdelay $0x1  }
0x99: {  	s4 =	simm.s32 $_scs_section_size  }
0x9a: {  	s5 =	simm.s32 $_size__tile_overlayer_lowered;
	s6 =	simm.s32 $_tile_overlayer_lowered  }
0x9b: {  	s22 =	simm.s32 $0x1BFF;
	s21 =	sshll.u32 s6, $0x1;
	s3 =	sadd.s32 s4, s19  }
0x9c: {  	s7 =	simm.s32 $0x0;
	s20 =	sshll.u32 s5, $0x1;
	s5 =	sadd.s32 s21, s3  }
0x9d: {  	[timem:s7], [sflag:s22] =	dma.local [hbm:s5], s20  }
0x9e: {  	_ =	swait.ge [sflag:s22], s20  }
0x9f: {  	s4 =	ssub.s32 $0x0, s20;
	[sflag:s22] =	ssyncset.done $0x0  }
0xa0: {  	[sflag:s22] =	ssyncadd.s32 s4;
	_ =	sdelay $0x1  }
0xa1: {  	s23 =	simm.s32 $0x1B8B  }
0xa2: {  	_ =	swait.ge [sflag:s23], $0x1  }
0xa3: {  	[sflag:s23] =	ssyncset.done $0x0  }
0xa4: {  	s25 =	simm.s32 $0x1B8E;
	s24 =	sld [smem:$0x3FFE];
	[sflag:s23] =	ssyncadd.s32 $0xFFFFFFFF  }
0xa5: {  	s26 =	simm.s32 $execute0_lowered;
	[smem:$0x3FD2] =	sst s25  }
0xa6: {  	s5 =	sshll.u32 s26, $0x1;
	_ =	strace $0x80000046;
	[dreg:$0x1] =	wrdreg $0xFFFFFFFF  }
0xa7: {  	s28 =	simm.s32 $_size_execute0_lowered;
	s3 =	sadd.s32 s3, s5;
	[dreg:$0x0] =	wrdreg $0x0  }
0xa8: {  	s5 =	sshll.u32 s28, $0x1;
	[dreg:$0x2] =	wrdreg s3  }
0xa9: {  	[dreg:$0x3] =	wrdreg s5  }
0xaa: {  	[dreg:$0x4] =	wrdreg $0xC0  }
0xab: {  	_ =	task [dreg:s7], $0x5FFFF  }
0xac: {  	[dreg:$0x1] =	wrdreg $0xFFFFFFFF  }
0xad: {  	[dreg:$0x0] =	wrdreg $0x60  }
0xae: {  	[dreg:$0x2] =	wrdreg s2  }
0xaf: {  	[dreg:$0x3] =	wrdreg s24  }
0xb0: {  	[dreg:$0x4] =	wrdreg $0x0  }
0xb1: {  	[dreg:$0x5] =	wrdreg $0x9C600  }
0xb2: {  	[dreg:$0x6] =	wrdreg $0x9  }
0xb3: {  	_ =	task.clear_ibuf [dreg:s7], $0x7FFFF;
	_ =	strace $0x90000046  }
0xb4: {  	s29 =	simm.s32 $0x9;
	_ =	strace $0x80000048  }
0xb5: {  	_ =	swait.ge [sflag:s29], $0x1  }
0xb6: {  	[sflag:s29] =	ssyncadd.s32 $0xFFFFFFFF  }
0xb7: {  	_ =	strace $0x90000048  }
0xb8: {  	_ =	sfence  }
0xb9: {  	s30 =	sld [smem:$0x0];
	_ =	sdelay $0x2  }
0xba: {  	s31 =	sshll.u32 s1, $0xD;
	s1 =	sshrl.u32 s1, $0x2  }
0xbb: {  	s3 =	sand.u32 $0x4000, s31;
	s1 =	sadd.s32 s1, s30  }
0xbc: {  	s0 =	sor.u32 s3, s0;
	s1 =	sshll.u32 s1, $0x11  }
0xbd: {  	s0 =	sor.u32 s1, s0  }
0xbe: {  	s0 =	sadd.s32 $0x8F2B, s0  }
0xbf: {  	[sflag:s0] =	ssyncadd.remote.s32 $0x1  }
0xc0: {  	_ =	sfence.sel $0xFFFF  }
0xc1: {  	[dreg:$0x0] =	wrdreg $0xFFFFFFFF;
	(pc) =	sbr.abs _section_cstart, $3  }
0xc2: {  	[dreg:$0x1] =	wrdreg $0xFFFFFFFF  }
0xc3: {  	_ =	task.clear_ibuf [dreg:s7], $0x2FFFF;
	_ =	strace $0x9FFFFFFF  }
0xc4: {  	(tm) =	ssettm $0x7FFFFFFF  }
0xc5: {  	_ =	shalt  }
tec
execute0_lowered:
.L_overlay_start_1:
0x0: {  	(tag) =	ssettag $0x1  }
0x1: {  	s2 =	rddreg [dreg:$0x0]  }
0x2: {  	s0 =	rddreg [dreg:$0x1]  }
0x3: {  	s3 =	rddreg [dreg:$0x2]  }
0x4: {  	s4 =	rddreg [dreg:$0x3]  }
0x5: {  	s12 =	stileid.u32;
	s5 =	simm.s32 $0x0;
	s23 =	srdreg.scid  }
0x6: {  	s19 =	simm.s32 $0x7;
	s21 =	simm.s32 $0x1CB78;
	s28 =	simm.s32 $0xEB78  }
0x7: {  	s30 =	simm.s32 $0x10B78;
	s20 =	simm.s32 $0x4;
	s29 =	simm.s32 $0x0  }
0x8: {  	s1 =	smul.u32 $0xA00, s12;
	[smem:$0x7FF] =	sst s5;
	s6 =	sadd.s32 $0x76E00, s0  }
0x9: {  	s7 =	sadd.s32 $0x8AE00, s0;
	s22 =	sadd.s32 $0x8A800, s0;
	s8 =	sadd.s32 $0x1000, s0  }
0xa: {  	s9 =	sadd.s32 $0x8C200, s0;
	s13 =	smul.u32 $0x9C40, s12;
	s14 =	sadd.s32 $0xB3600, s0  }
0xb: {  	s15 =	smul.u32 $0x2710, s12;
	_ =	strace $0x80000047;
	[dreg:$0x5] =	wrdreg s7  }
0xc: {  	s24 =	sshll.u32 s12, $0x6;
	s18 =	smul.u32 $0xA0, s12;
	[dreg:$0x6] =	wrdreg s22  }
0xd: {  	s5 =	simm.s32 $0xCAF8;
	[dreg:$0x7] =	wrdreg s8;
	s8 =	sadd.s32 $0x9FC00, s0  }
0xe: {  	s7 =	sand.u32 $0x1, s23;
	s22 =	sor.u32 $0x1C07, s24;
	s23 =	simm.s32 $0xC778  }
0xf: {  	s24 =	simm.s32 $0x80;
	s1 =	sadd.s32 s1, s0;
	s10 =	ssub.s32 $0x2, s7  }
0x10: {  	s0 =	sadd.s32 $0xB8600, s0;
	s16 =	sadd.s32 s13, s3;
	s17 =	sadd.s32 s15, s4  }
0x11: {  	p0 =	seq.s32 s7, $0x0;
	p1 =	seq.s32 s7, $0x1;
	s25 =	sshrl.u32 s13, $0x3  }
0x12: {  	s26 =	sshrl.u32 s15, $0x3;
	s31 =	sor.u32 $0x8, s18;
	s13 =	simm.s32 $0xC878  }
0x13: {  	s15 =	simm.s32 $0xC8F8;
	s18 =	simm.s32 $0x2;
	[dreg:$0x8] =	wrdreg s22  }
0x14: {  	s11 =	sshrl.u32 s10, $0x1;
	s12 =	sadd.s32 $0x1200, s1;
	s8 =	smov.u32 @p1 s9  }
0x15: {  	s14 =	smov.u32 @p1 s0;
	[dreg:$0xd] =	wrdreg s31;
	p1 =	sne.s32 s7, $0x0  }
0x16: {  	s7 =	simm.s32 $0xC978;
	s9 =	simm.s32 $0xC7F8;
	s10 =	ssub.s32 s10, s11  }
0x17: {  	s11 =	sadd.s32 $0xB000, s1;
	s1 =	sadd.s32 s8, s25;
	s0 =	sadd.s32 s14, s26  }
0x18: {  	s14 =	sshrl.u32 s17, $0x3;
	s25 =	simm.s32 $0xCB78;
	[dreg:$0xb] =	wrdreg s1  }
.Ltmp0:
0x19: {  	s10 =	smax.u32 s10, $0x1;
	[dreg:$0xc] =	wrdreg s0;
	(pc) =	sbr.rel .LBB2_1-.Ltmp0, $4  }
0x1a: {  	s8 =	simm.s32 $0x1;
	[dreg:$0x9] =	wrdreg s10;
	s10 =	smov.u32 s6  }
0x1b: {  	s17 =	simm.s32 $0x5;
	[dreg:$0xf] =	wrdreg s14;
	s10 =	smov.u32 @p0 s2  }
0x1c: {  	s26 =	simm.s32 $0x6;
	[dreg:$0xa] =	wrdreg s10;
	s10 =	sshrl.u32 s16, $0x3  }
0x1d: {  	s0 =	simm.s32 $0x12B78;
	s16 =	simm.s32 $0x3;
	[dreg:$0xe] =	wrdreg s10  }
.LBB2_18:
0x1e: {  	[bflag:$0x0] =	sbarrier.arrive $0xFFFF  }
0x1f: {  	s22 =	rddreg [dreg:$0x8]  }
0x20: {  	s1 =	rddreg [dreg:$0xb]  }
0x21: {  	s10 =	rddreg [dreg:$0xe]  }
0x22: {  	[hbm:s1], [sflag:s22] =	dma.local [spmem:s10], $0x1388  }
0x23: {  	_ =	swait.ge [sflag:s19], $0x1388  }
0x24: {  	[sflag:s19] =	ssyncset.done $0x0;
	s31 =	rddreg [dreg:$0xc]  }
0x25: {  	s14 =	rddreg [dreg:$0xf];
	[sflag:s19] =	ssyncadd.s32 $0xFFFFEC78  }
0x26: {  	[hbm:s31], [sflag:s22] =	dma.local [spmem:s14], $0x4E2  }
0x27: {  	_ =	swait.ge [sflag:s19], $0x4E2  }
0x28: {  	s29 =	rddreg [dreg:$0x10]  }
0x29: {  	s31 =	rddreg [dreg:$0x9];
	s29 =	sadd.s32 $0x1, s29  }
0x2a: {  	p2 =	sne.s32 s29, s31  }
.Ltmp1:
0x2b: {  	_ = 	snop;
	(pc) =	sbr.rel @!p2 .LBB2_19-.Ltmp1, $3  }
0x2c: {  	_ =	sdelay $0x1  }
0x2d: {  	[sflag:s19] =	ssyncset.done $0x0  }
0x2e: {  	[sflag:s19] =	ssyncadd.s32 $0xFFFFFB1E  }
.LBB2_1:
0x2f: {  	[dreg:$0x10] =	wrdreg s29  }
0x30: {  	s1 =	rddreg [dreg:$0x5]  }
0x31: {  	[spmem:s10], [sflag:s22] =	dma.local [hbm:s1], $0x1388  }
0x32: {  	_ =	swait.ge [sflag:s19], $0x1388  }
0x33: {  	[sflag:s19] =	ssyncset.done $0x0  }
0x34: {  	s10 =	rddreg [dreg:$0x6];
	[sflag:s19] =	ssyncadd.s32 $0xFFFFEC78  }
0x35: {  	[spmem:s14], [sflag:s22] =	dma.local [hbm:s10], $0x4E2  }
0x36: {  	_ =	swait.ge [sflag:s19], $0x4E2  }
0x37: {  	[sflag:s19] =	ssyncset.done $0x0  }
0x38: {  	s10 =	simm.s32 $0x0;
	s22 =	rddreg [dreg:$0x7];
	[sflag:s19] =	ssyncadd.s32 $0xFFFFFB1E  }
0x39: {  	[tilespmem:s21], [sflag:$0x7] =	stream.linear.gather [hbm4b:s22+s10], $0x800, $0x38;
	[tilespmem:$0x1D378] =	vst v63  }
0x3a: {  	_ =	swait.ge [sflag:s19], $0x800  }
0x3b: {  	[sflag:s19] =	ssyncset.done $0x0  }
0x3c: {  	[sflag:s19] =	ssyncadd.s32 $0xFFFFF800  }
0x3d: {  	s22 =	simm.s32 $0xC378;
	[bflag:$0x0] =	sbarrier.arrive $0xFFFF  }
0x3e: {  	[tilespmem:s22], [sflag:$0x7] =	stream.linear.gather [hbm4b:s11+s10], $0x200, $0x38;
	[tilespmem:$0x1D378] =	vst v63  }
0x3f: {  	_ =	swait.ge [sflag:s19], $0x200  }
0x40: {  	[sflag:s19] =	ssyncset.done $0x0  }
0x41: {  	[sflag:s19] =	ssyncadd.s32 $0xFFFFFE00  }
0x42: {  	[tilespmem:s23], [sflag:$0x7] =	stream.linear.gather [hbm4b:s12+s10], $0x200, $0x38;
	[tilespmem:$0x1D378] =	vst v63  }
0x43: {  	_ =	swait.ge [sflag:s19], $0x200  }
0x44: {  	[sflag:s19] =	ssyncset.done $0x0  }
0x45: {  	s1 =	rddreg [dreg:$0xa];
	[sflag:s19] =	ssyncadd.s32 $0xFFFFFE00  }
0x46: {  	[tilespmem:s25], [sflag:$0x1] =	stream.indirect.gather [hbm4b:s1+s24], $0x40, s22, s24, $0xb8;
	[tilespmem:$0x1D378] =	vst v63  }
0x47: {  	s22 =	simm.s32 $0xC3F8  }
0x48: {  	[tilespmem:s28], [sflag:$0x1] =	stream.indirect.gather [hbm4b:s1+s24], $0x40, s22, s24, $0xb8;
	[tilespmem:$0x1D378] =	vst v63  }
.Ltmp2:
0x49: {  	_ = 	snop;
	(pc) =	sbr.rel .LBB2_2-.Ltmp2, $4  }
0x4a: {  	s14 =	simm.s32 $0xC478  }
0x4b: {  	[tilespmem:s30], [sflag:$0x1] =	stream.indirect.gather [hbm4b:s1+s24], $0x40, s14, s24, $0xb8;
	[tilespmem:$0x1D378] =	vst v63  }
0x4c: {  	s31 =	simm.s32 $0x0;
	s29 =	rddreg [dreg:$0xd];
	s22 =	simm.s32 $0xC4F8  }
0x4d: {  	[tilespmem:s0], [sflag:$0x1] =	stream.indirect.gather [hbm4b:s1+s24], $0x40, s22, s24, $0xb8;
	[tilespmem:$0x1D378] =	vst v63  }
.LBB2_20:
0x4e: {  	s1 =	simm.s32 $0xC378  }
0x4f: {  	[tilespmem:s25], [sflag:$0x1] =	stream.indirect.gather [hbm4b:s6+s24], $0x40, s1, s24, $0xb8;
	[tilespmem:$0x1D378] =	vst v63  }
0x50: {  	s10 =	simm.s32 $0xC3F8  }
0x51: {  	[tilespmem:s28], [sflag:$0x1] =	stream.indirect.gather [hbm4b:s6+s24], $0x40, s10, s24, $0xb8;
	[tilespmem:$0x1D378] =	vst v63  }
0x52: {  	s14 =	simm.s32 $0xC478  }
0x53: {  	[tilespmem:s30], [sflag:$0x1] =	stream.indirect.gather [hbm4b:s6+s24], $0x40, s14, s24, $0xb8;
	[tilespmem:$0x1D378] =	vst v63  }
0x54: {  	s22 =	simm.s32 $0xC4F8  }
0x55: {  	[tilespmem:s0], [sflag:$0x1] =	stream.indirect.gather [hbm4b:s6+s24], $0x40, s22, s24, $0xb8;
	[tilespmem:$0x1D378] =	vst v63  }
.LBB2_16:
0x56: {  	_ =	swait.ge [sflag:s20], $0x2000  }
0x57: {  	[sflag:s20] =	ssyncset.done $0x0  }
0x58: {  	[sflag:s20] =	ssyncadd.s32 $0xFFFFE000  }
0x59: {  	_ =	swait.ge [sflag:s20], $0x2000  }
0x5a: {  	[sflag:s20] =	ssyncset.done $0x0  }
0x5b: {  	[sflag:s20] =	ssyncadd.s32 $0xFFFFE000  }
0x5c: {  	_ =	swait.ge [sflag:s26], $0x800  }
0x5d: {  	[sflag:s26] =	ssyncset.done $0x0  }
0x5e: {  	[sflag:s26] =	ssyncadd.s32 $0xFFFFF800  }
0x5f: {  	_ =	swait.ge [sflag:s20], $0x2000  }
0x60: {  	[sflag:s20] =	ssyncset.done $0x0  }
0x61: {  	[sflag:s20] =	ssyncadd.s32 $0xFFFFE000  }
0x62: {  	_ =	swait.ge [sflag:s20], $0x2000  }
0x63: {  	[sflag:s20] =	ssyncset.done $0x0  }
0x64: {  	[sflag:s20] =	ssyncadd.s32 $0xFFFFE000  }
0x65: {  	_ =	swait.ge [sflag:s26], $0x800  }
0x66: {  	[sflag:s26] =	ssyncset.done $0x0  }
0x67: {  	[sflag:s26] =	ssyncadd.s32 $0xFFFFF800  }
.LBB2_17:
0x68: {  	s31 =	sadd.s32 $0x80, s31  }
0x69: {  	p2 =	sne.s32 s31, $0xA00  }
.Ltmp3:
0x6a: {  	_ = 	snop;
	(pc) =	sbr.rel @!p2 .LBB2_18-.Ltmp3, $2  }
0x6b: {  	_ =	sdelay $0x2  }
0x6c: {  	s29 =	sadd.s32 $0x8, s29  }
.LBB2_2:
0x6d: {  	s22 =	sadd.s32 $0xFFFFFFFC, s29  }
0x6e: {  	p2 =	sgt.u32 s22, $0x9C3  }
.Ltmp4:
0x6f: {  	_ = 	snop;
	(pc) =	sbr.rel @p2 .LBB2_4-.Ltmp4, $1  }
0x70: {  	_ =	sdelay $0x3  }
0x71: {  	s10 =	sadd.s32 s31, s11  }
0x72: {  	s1 =	simm.s32 $0xC578;
	s14 =	simm.s32 $0x0;
	s10 =	sadd.s32 $0x40, s10  }
0x73: {  	[tilespmem:s1], [sflag:$0x7] =	stream.linear.gather [hbm4b:s10+s14], $0x200, $0x38;
	[tilespmem:$0x1D378] =	vst v63  }
0x74: {  	_ =	swait.ge [sflag:s19], $0x200  }
0x75: {  	s1 =	sadd.s32 s31, s12;
	[sflag:s19] =	ssyncset.done $0x0  }
.Ltmp5:
0x76: {  	s10 =	sadd.s32 $0x40, s1;
	[sflag:s19] =	ssyncadd.s32 $0xFFFFFE00;
	(pc) =	sbr.rel .LBB2_5-.Ltmp5, $4  }
0x77: {  	[tilespmem:s7], [sflag:$0x7] =	stream.linear.gather [hbm4b:s10+s14], $0x200, $0x38;
	[tilespmem:$0x1D378] =	vst v63  }
0x78: {  	_ =	swait.ge [sflag:s19], $0x200  }
0x79: {  	[sflag:s19] =	ssyncset.done $0x0  }
0x7a: {  	[sflag:s19] =	ssyncadd.s32 $0xFFFFFE00  }
.LBB2_4:
0x7b: {  	s10 =	sadd.s32 $0xFFFFFFF8, s29  }
0x7c: {  	p3 =	sgt.u32 s10, $0x9C3  }
.Ltmp6:
0x7d: {  	_ = 	snop;
	(pc) =	sbr.rel @p3 .LBB2_8-.Ltmp6, $1  }
0x7e: {  	_ =	sdelay $0x3  }
.LBB2_5:
0x7f: {  	_ =	swait.ge [sflag:s8], $0x2000  }
0x80: {  	[sflag:s8] =	ssyncset.done $0x0  }
0x81: {  	[sflag:s8] =	ssyncadd.s32 $0xFFFFE000  }
0x82: {  	_ =	swait.ge [sflag:s8], $0x2000  }
0x83: {  	[sflag:s8] =	ssyncset.done $0x0  }
0x84: {  	[sflag:s8] =	ssyncadd.s32 $0xFFFFE000  }
0x85: {  	_ =	swait.ge [sflag:s8], $0x2000  }
0x86: {  	[sflag:s8] =	ssyncset.done $0x0  }
.Ltmp7:
0x87: {  	[sflag:s8] =	ssyncadd.s32 $0xFFFFE000;
	(pc) =	sbr.rel @p1 .LBB2_7-.Ltmp7, $4  }
0x88: {  	_ =	swait.ge [sflag:s8], $0x2000  }
0x89: {  	[sflag:s8] =	ssyncset.done $0x0  }
0x8a: {  	p3 =	slt.u32 s22, $0x9C4;
	[sflag:s8] =	ssyncadd.s32 $0xFFFFE000  }
0x8b: {  	[spmem:s3] =	stream.indirect.scatter.add.f32 [tilespmem:s25], [sflag:$0x3], $0x40, s23, s24, $0xb8;
	[tilespmem:$0x1D378] =	vst v63  }
0x8c: {  	[spmem:s4] =	stream.indirect.scatter.add.f32 [tilespmem:s21], [sflag:$0x5], $0x10, s23, s24, $0xb8;
	[tilespmem:$0x1D378] =	vst v63  }
0x8d: {  	_ = 	snop  }
0x8e: {  	[spmem:s3] =	stream.indirect.scatter.add.f32 [tilespmem:s28], [sflag:$0x3], $0x40, s9, s24, $0xb8;
	[tilespmem:$0x1D378] =	vst v63  }
0x8f: {  	_ = 	snop  }
0x90: {  	[spmem:s3] =	stream.indirect.scatter.add.f32 [tilespmem:s30], [sflag:$0x3], $0x40, s13, s24, $0xb8;
	[tilespmem:$0x1D378] =	vst v63  }
0x91: {  	_ = 	snop  }
0x92: {  	[spmem:s4] =	stream.indirect.scatter.add.f32 [tilespmem:s21], [sflag:$0x5], $0x10, s13, s24, $0xb8;
	[tilespmem:$0x1D378] =	vst v63  }
0x93: {  	_ = 	snop  }
0x94: {  	[spmem:s3] =	stream.indirect.scatter.add.f32 [tilespmem:s0], [sflag:$0x3], $0x40, s15, s24, $0xb8;
	[tilespmem:$0x1D378] =	vst v63  }
0x95: {  	s10 =	simm.s32 @p3 $0x80;
	s22 =	simm.s32 @p3 $0xC578;
	s1 =	simm.s32 @p3 $0x14B78  }
0x96: {  	[tilespmem:s1], [sflag:$0x2] =	stream.indirect.gather @p3 [hbm4b:s2+s10], $0x40, s22, s10, $0xb8;
	[tilespmem:$0x1D378] =	vst v63  }
0x97: {  	s1 =	simm.s32 @p3 $0xC5F8;
	s22 =	simm.s32 @p3 $0x16B78  }
0x98: {  	[tilespmem:s22], [sflag:$0x2] =	stream.indirect.gather @p3 [hbm4b:s2+s10], $0x40, s1, s10, $0xb8;
	[tilespmem:$0x1D378] =	vst v63  }
0x99: {  	s1 =	simm.s32 @p3 $0xC678;
	s22 =	simm.s32 @p3 $0x18B78  }
0x9a: {  	[tilespmem:s22], [sflag:$0x2] =	stream.indirect.gather @p3 [hbm4b:s2+s10], $0x40, s1, s10, $0xb8;
	[tilespmem:$0x1D378] =	vst v63  }
0x9b: {  	s1 =	simm.s32 @p3 $0xC6F8;
	s22 =	simm.s32 @p3 $0x1AB78  }
0x9c: {  	[tilespmem:s22], [sflag:$0x2] =	stream.indirect.gather @p3 [hbm4b:s2+s10], $0x40, s1, s10, $0xb8;
	[tilespmem:$0x1D378] =	vst v63  }
0x9d: {  	_ =	swait.ge [sflag:s16], $0x2000  }
0x9e: {  	[sflag:s16] =	ssyncset.done $0x0  }
0x9f: {  	[sflag:s16] =	ssyncadd.s32 $0xFFFFE000  }
0xa0: {  	_ =	swait.ge [sflag:s17], $0x800  }
0xa1: {  	[sflag:s17] =	ssyncset.done $0x0  }
0xa2: {  	[sflag:s17] =	ssyncadd.s32 $0xFFFFF800  }
0xa3: {  	_ =	swait.ge [sflag:s16], $0x2000  }
0xa4: {  	[sflag:s16] =	ssyncset.done $0x0  }
0xa5: {  	[sflag:s16] =	ssyncadd.s32 $0xFFFFE000  }
0xa6: {  	_ =	swait.ge [sflag:s16], $0x2000  }
0xa7: {  	[sflag:s16] =	ssyncset.done $0x0  }
0xa8: {  	[sflag:s16] =	ssyncadd.s32 $0xFFFFE000  }
0xa9: {  	_ =	swait.ge [sflag:s17], $0x800  }
.Ltmp8:
0xaa: {  	[sflag:s17] =	ssyncset.done $0x0;
	(pc) =	sbr.rel .LBB2_8-.Ltmp8, $4  }
0xab: {  	[sflag:s17] =	ssyncadd.s32 $0xFFFFF800  }
0xac: {  	_ =	swait.ge [sflag:s16], $0x2000  }
0xad: {  	[sflag:s16] =	ssyncset.done $0x0  }
0xae: {  	[sflag:s16] =	ssyncadd.s32 $0xFFFFE000  }
.LBB2_7:
0xaf: {  	[spmem:s3] =	stream.indirect.scatter.add.f32 [tilespmem:s28], [sflag:$0x3], $0x40, s9, s24, $0xb8;
	[tilespmem:$0x1D378] =	vst v63  }
0xb0: {  	_ = 	snop  }
0xb1: {  	[spmem:s4] =	stream.indirect.scatter.add.f32 [tilespmem:s21], [sflag:$0x5], $0x10, s9, s24, $0xb8;
	[tilespmem:$0x1D378] =	vst v63  }
0xb2: {  	_ = 	snop  }
0xb3: {  	[spmem:s3] =	stream.indirect.scatter.add.f32 [tilespmem:s30], [sflag:$0x3], $0x40, s13, s24, $0xb8;
	[tilespmem:$0x1D378] =	vst v63  }
0xb4: {  	_ = 	snop  }
0xb5: {  	[spmem:s3] =	stream.indirect.scatter.add.f32 [tilespmem:s0], [sflag:$0x3], $0x40, s15, s24, $0xb8;
	[tilespmem:$0x1D378] =	vst v63  }
0xb6: {  	_ = 	snop  }
0xb7: {  	[spmem:s4] =	stream.indirect.scatter.add.f32 [tilespmem:s21], [sflag:$0x5], $0x10, s15, s24, $0xb8;
	[tilespmem:$0x1D378] =	vst v63  }
0xb8: {  	s1 =	simm.s32 @p3 $0x80;
	s10 =	simm.s32 @p3 $0xC578;
	s22 =	simm.s32 @p3 $0x14B78  }
0xb9: {  	[tilespmem:s22], [sflag:$0x2] =	stream.indirect.gather @p3 [hbm4b:s6+s1], $0x40, s10, s1, $0xb8;
	[tilespmem:$0x1D378] =	vst v63  }
0xba: {  	s10 =	simm.s32 @p3 $0xC5F8;
	s22 =	simm.s32 @p3 $0x16B78  }
0xbb: {  	[tilespmem:s22], [sflag:$0x2] =	stream.indirect.gather @p3 [hbm4b:s6+s1], $0x40, s10, s1, $0xb8;
	[tilespmem:$0x1D378] =	vst v63  }
0xbc: {  	s10 =	simm.s32 @p3 $0xC678;
	s22 =	simm.s32 @p3 $0x18B78  }
0xbd: {  	[tilespmem:s22], [sflag:$0x2] =	stream.indirect.gather @p3 [hbm4b:s6+s1], $0x40, s10, s1, $0xb8;
	[tilespmem:$0x1D378] =	vst v63  }
0xbe: {  	s10 =	simm.s32 @p3 $0xC6F8;
	s22 =	simm.s32 @p3 $0x1AB78  }
0xbf: {  	[tilespmem:s22], [sflag:$0x2] =	stream.indirect.gather @p3 [hbm4b:s6+s1], $0x40, s10, s1, $0xb8;
	[tilespmem:$0x1D378] =	vst v63  }
0xc0: {  	_ =	swait.ge [sflag:s16], $0x2000  }
0xc1: {  	[sflag:s16] =	ssyncset.done $0x0  }
0xc2: {  	[sflag:s16] =	ssyncadd.s32 $0xFFFFE000  }
0xc3: {  	_ =	swait.ge [sflag:s16], $0x2000  }
0xc4: {  	[sflag:s16] =	ssyncset.done $0x0  }
0xc5: {  	[sflag:s16] =	ssyncadd.s32 $0xFFFFE000  }
0xc6: {  	_ =	swait.ge [sflag:s17], $0x800  }
0xc7: {  	[sflag:s17] =	ssyncset.done $0x0  }
0xc8: {  	[sflag:s17] =	ssyncadd.s32 $0xFFFFF800  }
0xc9: {  	_ =	swait.ge [sflag:s16], $0x2000  }
0xca: {  	[sflag:s16] =	ssyncset.done $0x0  }
0xcb: {  	[sflag:s16] =	ssyncadd.s32 $0xFFFFE000  }
0xcc: {  	_ =	swait.ge [sflag:s16], $0x2000  }
0xcd: {  	[sflag:s16] =	ssyncset.done $0x0  }
0xce: {  	[sflag:s16] =	ssyncadd.s32 $0xFFFFE000  }
0xcf: {  	_ =	swait.ge [sflag:s17], $0x800  }
0xd0: {  	[sflag:s17] =	ssyncset.done $0x0  }
0xd1: {  	[sflag:s17] =	ssyncadd.s32 $0xFFFFF800  }
.LBB2_8:
0xd2: {  	p3 =	seq.s32 s31, $0x980  }
0xd3: {  	p4 =	sgt.u32 @!p3 s29, $0x9C3  }
0xd4: {  	p4 =	por p4, p3  }
0xd5: {  	s1 =	sadd.s32 @!p4 s31, s11  }
0xd6: {  	s10 =	simm.s32 @!p4 $0x0;
	s22 =	simm.s32 @!p4 $0xC378;
	s1 =	sadd.s32 @!p4 $0x80, s1  }
0xd7: {  	[tilespmem:s22], [sflag:$0x7] =	stream.linear.gather @!p4 [hbm4b:s1+s10], $0x200, $0x38;
	[tilespmem:$0x1D378] =	vst v63  }
0xd8: {  	s1 =	simm.s32 @!p4 $0x7  }
0xd9: {  	_ =	swait.ge @!p4 [sflag:s1], $0x200  }
0xda: {  	s14 =	simm.s32 @!p4 $0xC778;
	s22 =	sadd.s32 @!p4 s31, s12;
	[sflag:s1] =	ssyncset.done @!p4 $0x0  }
.Ltmp9:
0xdb: {  	s22 =	sadd.s32 @!p4 $0x80, s22;
	[sflag:s1] =	ssyncadd.s32 @!p4 $0xFFFFFE00;
	(pc) =	sbr.rel @p2 .LBB2_11-.Ltmp9, $4  }
0xdc: {  	[tilespmem:s14], [sflag:$0x7] =	stream.linear.gather @!p4 [hbm4b:s22+s10], $0x200, $0x38;
	[tilespmem:$0x1D378] =	vst v63  }
0xdd: {  	_ =	swait.ge @!p4 [sflag:s1], $0x200  }
0xde: {  	[sflag:s1] =	ssyncset.done @!p4 $0x0  }
0xdf: {  	[sflag:s1] =	ssyncadd.s32 @!p4 $0xFFFFFE00  }
0xe0: {  	_ =	swait.ge [sflag:s18], $0x2000  }
0xe1: {  	[sflag:s18] =	ssyncset.done $0x0  }
0xe2: {  	[sflag:s18] =	ssyncadd.s32 $0xFFFFE000  }
0xe3: {  	_ =	swait.ge [sflag:s18], $0x2000  }
0xe4: {  	[sflag:s18] =	ssyncset.done $0x0  }
0xe5: {  	[sflag:s18] =	ssyncadd.s32 $0xFFFFE000  }
0xe6: {  	_ =	swait.ge [sflag:s18], $0x2000  }
0xe7: {  	[sflag:s18] =	ssyncset.done $0x0  }
.Ltmp10:
0xe8: {  	[sflag:s18] =	ssyncadd.s32 $0xFFFFE000;
	(pc) =	sbr.rel @!p0 .LBB2_15-.Ltmp10, $4  }
0xe9: {  	p2 =	sne.s32 s31, $0x980;
	p3 =	slt.u32 s29, $0x9C4;
	_ =	swait.ge [sflag:s18], $0x2000  }
0xea: {  	p2 =	por !p2, !p3;
	[sflag:s18] =	ssyncset.done $0x0  }
0xeb: {  	s1 =	simm.s32 $0x14B78;
	p2 =	por !p2, !p2;
	[sflag:s18] =	ssyncadd.s32 $0xFFFFE000  }
0xec: {  	[spmem:s3] =	stream.indirect.scatter.add.f32 [tilespmem:s1], [sflag:$0x4], $0x40, s7, s24, $0xb8;
	[tilespmem:$0x1D378] =	vst v63  }
0xed: {  	[spmem:s4] =	stream.indirect.scatter.add.f32 [tilespmem:s21], [sflag:$0x6], $0x10, s7, s24, $0xb8;
	[tilespmem:$0x1D378] =	vst v63  }
0xee: {  	s1 =	simm.s32 $0x16B78;
	s10 =	simm.s32 $0xC9F8  }
0xef: {  	[spmem:s3] =	stream.indirect.scatter.add.f32 [tilespmem:s1], [sflag:$0x4], $0x40, s10, s24, $0xb8;
	[tilespmem:$0x1D378] =	vst v63  }
0xf0: {  	s22 =	simm.s32 $0xCA78;
	s14 =	simm.s32 $0x18B78  }
0xf1: {  	[spmem:s3] =	stream.indirect.scatter.add.f32 [tilespmem:s14], [sflag:$0x4], $0x40, s22, s24, $0xb8;
	[tilespmem:$0x1D378] =	vst v63  }
.Ltmp11:
0xf2: {  	_ = 	snop;
	(pc) =	sbr.rel @p2 .LBB2_13-.Ltmp11, $4  }
.Ltmp12:
0xf3: {  	_ = 	snop;
	(pc) =	sbr.rel @!p2 .LBB2_14-.Ltmp12, $4  }
0xf4: {  	[spmem:s4] =	stream.indirect.scatter.add.f32 [tilespmem:s21], [sflag:$0x6], $0x10, s22, s24, $0xb8;
	[tilespmem:$0x1D378] =	vst v63  }
0xf5: {  	s22 =	simm.s32 $0x1AB78  }
0xf6: {  	[spmem:s3] =	stream.indirect.scatter.add.f32 [tilespmem:s22], [sflag:$0x4], $0x40, s5, s24, $0xb8;
	[tilespmem:$0x1D378] =	vst v63  }
0xf7: {  	_ = 	snop  }
.LBB2_11:
0xf8: {  	p2 =	slt.u32 @!p3 s29, $0x9C4  }
0xf9: {  	p2 =	por p3, !p2  }
.Ltmp13:
0xfa: {  	_ = 	snop;
	(pc) =	sbr.rel @p2 .LBB2_17-.Ltmp13, $1  }
0xfb: {  	_ =	sdelay $0x3  }
.Ltmp14:
0xfc: {  	(pc) =	sbr.rel @p1 .LBB2_20-.Ltmp14, $1  }
0xfd: {  	_ =	sdelay $0x3  }
.LBB2_13:
0xfe: {  	s1 =	simm.s32 $0xC378  }
0xff: {  	[tilespmem:s25], [sflag:$0x1] =	stream.indirect.gather [hbm4b:s2+s24], $0x40, s1, s24, $0xb8;
	[tilespmem:$0x1D378] =	vst v63  }
0x100: {  	s10 =	simm.s32 $0xC3F8  }
0x101: {  	[tilespmem:s28], [sflag:$0x1] =	stream.indirect.gather [hbm4b:s2+s24], $0x40, s10, s24, $0xb8;
	[tilespmem:$0x1D378] =	vst v63  }
0x102: {  	s14 =	simm.s32 $0xC478  }
0x103: {  	[tilespmem:s30], [sflag:$0x1] =	stream.indirect.gather [hbm4b:s2+s24], $0x40, s14, s24, $0xb8;
	[tilespmem:$0x1D378] =	vst v63  }
0x104: {  	s22 =	simm.s32 $0xC4F8  }
0x105: {  	[tilespmem:s0], [sflag:$0x1] =	stream.indirect.gather [hbm4b:s2+s24], $0x40, s22, s24, $0xb8;
	[tilespmem:$0x1D378] =	vst v63  }
.LBB2_14:
0x106: {  	_ =	swait.ge [sflag:s20], $0x2000  }
0x107: {  	[sflag:s20] =	ssyncset.done $0x0  }
0x108: {  	[sflag:s20] =	ssyncadd.s32 $0xFFFFE000  }
0x109: {  	_ =	swait.ge [sflag:s26], $0x800  }
0x10a: {  	[sflag:s26] =	ssyncset.done $0x0  }
0x10b: {  	[sflag:s26] =	ssyncadd.s32 $0xFFFFF800  }
0x10c: {  	_ =	swait.ge [sflag:s20], $0x2000  }
0x10d: {  	[sflag:s20] =	ssyncset.done $0x0  }
0x10e: {  	[sflag:s20] =	ssyncadd.s32 $0xFFFFE000  }
0x10f: {  	_ =	swait.ge [sflag:s20], $0x2000  }
0x110: {  	[sflag:s20] =	ssyncset.done $0x0  }
0x111: {  	[sflag:s20] =	ssyncadd.s32 $0xFFFFE000  }
0x112: {  	_ =	swait.ge [sflag:s26], $0x800  }
.Ltmp15:
0x113: {  	[sflag:s26] =	ssyncset.done $0x0;
	(pc) =	sbr.rel .LBB2_17-.Ltmp15, $4  }
0x114: {  	[sflag:s26] =	ssyncadd.s32 $0xFFFFF800  }
0x115: {  	_ =	swait.ge [sflag:s20], $0x2000  }
0x116: {  	[sflag:s20] =	ssyncset.done $0x0  }
0x117: {  	[sflag:s20] =	ssyncadd.s32 $0xFFFFE000  }
.LBB2_15:
0x118: {  	s1 =	simm.s32 $0xC9F8;
	s5 =	simm.s32 $0x16B78  }
0x119: {  	[spmem:s3] =	stream.indirect.scatter.add.f32 [tilespmem:s5], [sflag:$0x4], $0x40, s1, s24, $0xb8;
	[tilespmem:$0x1D378] =	vst v63  }
0x11a: {  	_ = 	snop  }
0x11b: {  	[spmem:s4] =	stream.indirect.scatter.add.f32 [tilespmem:s21], [sflag:$0x6], $0x10, s1, s24, $0xb8;
	[tilespmem:$0x1D378] =	vst v63  }
0x11c: {  	s10 =	simm.s32 $0x18B78;
	s5 =	simm.s32 $0xCA78  }
0x11d: {  	[spmem:s3] =	stream.indirect.scatter.add.f32 [tilespmem:s10], [sflag:$0x4], $0x40, s5, s24, $0xb8;
	[tilespmem:$0x1D378] =	vst v63  }
.Ltmp16:
0x11e: {  	_ = 	snop;
	(pc) =	sbr.rel @p2 .LBB2_20-.Ltmp16, $4  }
.Ltmp17:
0x11f: {  	s14 =	simm.s32 $0xCAF8;
	s22 =	simm.s32 $0x1AB78;
	(pc) =	sbr.rel @!p2 .LBB2_16-.Ltmp17, $4  }
0x120: {  	[spmem:s3] =	stream.indirect.scatter.add.f32 [tilespmem:s22], [sflag:$0x4], $0x40, s14, s24, $0xb8;
	[tilespmem:$0x1D378] =	vst v63  }
0x121: {  	s5 =	simm.s32 $0xCAF8  }
0x122: {  	[spmem:s4] =	stream.indirect.scatter.add.f32 [tilespmem:s21], [sflag:$0x6], $0x10, s14, s24, $0xb8;
	[tilespmem:$0x1D378] =	vst v63  }
0x123: {  	_ = 	snop  }
.LBB2_19:
0x124: {  	_ =	sfence.sel $0x180000  }
0x125: {  	[bflag:$0x0] =	sbarrier.arrive $0xFFFF  }
0x126: {  	_ =	strace $0x90000047  }
0x127: {  	s0 =	stileid.u32;
	[bflag:$0x2] =	sbarrier.arrive $0xFFFF  }
0x128: {  	p0 =	sne.s32 s0, $0x0;
	s0 =	rddreg [dreg:$0x4]  }
0x129: {  	s0 =	sadd.s32 @!p0 $0x100000, s0  }
0x12a: {  	[sflag:s0] =	ssyncadd.tile.s32 @!p0 $0x1;
	_ =	shalt  }
.Lfunc_end2:
_tile_overlayer_lowered:
.L_overlay_start_2:
0x12b: {  	(tag) =	ssettag $0x2  }
0x12c: {  	s0 =	rddreg [dreg:$0x0];
	s2 =	stileid.u32  }
0x12d: {  	s1 =	rddreg [dreg:$0x1];
	p0 =	sne.s32 s2, $0x0  }
0x12e: {  	s3 =	rddreg [dreg:$0x2];
	[bflag:$0x3] =	sbarrier.arrive $0xFFFF;
	s2 =	simm.s32 @!p0 $0x1C07  }
0x12f: {  	[timem:s3], [sflag:s2] =	dma.local @!p0 [hbm:s0], s1  }
0x130: {  	s0 =	simm.s32 @!p0 $0x7  }
0x131: {  	_ =	swait.ge @!p0 [sflag:s0], s1  }
0x132: {  	s1 =	ssub.s32 @!p0 $0x0, s1;
	[sflag:s0] =	ssyncset.done @!p0 $0x0  }
0x133: {  	[sflag:s0] =	ssyncadd.s32 @!p0 s1  }
0x134: {  	[bflag:$0x3] =	sbarrier.arrive $0xFFFF  }
0x135: {  	_ =	shalt  }

// kernel: kernel.13.cloned.1.call-start
scs
__scs_entry_jumppad:
0x0: {  	(pc) =	sbr.rel $0x88, $3  }
0x1: {  	(tag) =	ssettag $0x0;
	lr =	simm.s32 $0x1  }
0x2: {  	[smem:$0x3F9F] =	sst lr;
	_ =	strace $0xD0000000  }
0x3: {  	_ = 	snop  }
0x4: {  	_ = 	snop  }
0x5: {  	_ = 	snop  }
0x6: {  	_ = 	snop  }
0x7: {  	_ = 	snop  }
__scs_overlays_trampoline_lowered:
0x8: {  	[smem:$0x3FAE] =	sst s0  }
0x9: {  	[smem:$0x3FAF] =	sst s1  }
0xa: {  	[smem:$0x3FB0] =	sst s2  }
0xb: {  	[smem:$0x3FB1] =	sst s3  }
0xc: {  	[smem:$0x3FB2] =	sst s4  }
0xd: {  	[smem:$0x3FB3] =	sst s5  }
0xe: {  	[smem:$0x3FB4] =	sst s6  }
0xf: {  	[smem:$0x3FB5] =	sst s7  }
0x10: {  	[smem:$0x3FB6] =	sst s8  }
0x11: {  	[smem:$0x3FB7] =	sst s9;
	s0 =	simm.s32 @!p0 $0x0  }
0x12: {  	s1 =	sld [smem:$0x3F9D];
	s0 =	simm.s32 @p0 $0x1  }
0x13: {  	[smem:$0x3FB8] =	sst s0;
	s0 =	simm.s32 @!p1 $0x0  }
0x14: {  	s2 =	sld [smem:$0x3F9C];
	s0 =	simm.s32 @p1 $0x1  }
0x15: {  	[smem:$0x3FB9] =	sst s0;
	s0 =	simm.s32 @!p2 $0x0  }
0x16: {  	s3 =	sld [smem:$0x3FDB];
	s0 =	simm.s32 @p2 $0x1  }
0x17: {  	s4 =	simm.s32 $0x1BF5;
	[smem:$0x3FBB] =	sst s0  }
0x18: {  	s0 =	sld [smem:$0x3F9E];
	_ =	swait.ge [sflag:s4], $0x0  }
0x19: {  	s7 =	sld [smem:$0x3F9F]  }
0x1a: {  	s8 =	sadd.s32 $0xFFFFE003, lr  }
0x1b: {  	s9 =	sadd.s32 $0xFFFFFEF7, lr;
	s5 =	simm.s32 $0xFFFFFFFF;
	p2 =	slt.u32 s8, $0xFFFFF086  }
0x1c: {  	p1 =	slt.u32 s9, $0xF7A;
	s5 =	simm.s32 @!p2 $0x0  }
0x1d: {  	s5 =	simm.s32 @p1 $0x1;
	p0 =	seq.s32 s7, s2  }
0x1e: {  	s7 =	smul.u32 @!p0 $0xF7A, s2;
	p2 =	seq.s32 @!p0 s5, $0x0  }
0x1f: {  	s9 =	smul.u32 $0xF7A, s1;
	s8 =	simm.s32 @!p0 $0x1BF5;
	p2 =	por !p2, p0  }
0x20: {  	[sflag:s8] =	ssyncset.s32 @!p0 $0xFFFFF086;
	s6 =	sadd.s32 @!p0 s3, s7;
	s7 =	simm.s32 @!p0 $0x108  }
0x21: {  	s3 =	sadd.s32 s3, s9;
	s6 =	sadd.s32 @!p0 $0x88, s6;
	s7 =	simm.s32 @p2 $0x1082  }
0x22: {  	[simem:s7], [sflag:s8] =	dma.local @!p0 [hbm:s6], $0xF7A  }
0x23: {  	s9 =	sor.u32 $0xD0000000, s2;
	s6 =	simm.s32 $0x108;
	_ =	swait.ge @!p0 [sflag:s8], $0x0  }
0x24: {  	s3 =	sadd.s32 $0x88, s3;
	s6 =	simm.s32 @!p1 $0x1082;
	[sflag:s4] =	ssyncset.s32 $0xFFFFF086  }
0x25: {  	[simem:s6], [sflag:s4] =	dma.local [hbm:s3], $0xF7A  }
0x26: {  	[smem:$0x3F9F] =	sst s1;
	(tag) =	ssettag s2;
	_ =	strace s9  }
0x27: {  	s1 =	sld [smem:$0x3FAF]  }
0x28: {  	s2 =	sld [smem:$0x3FB0]  }
0x29: {  	s4 =	sld [smem:$0x3FB2]  }
0x2a: {  	p0 =	seq.s32 s5, $0x0;
	s5 =	sld [smem:$0x3FB3]  }
0x2b: {  	s6 =	sld [smem:$0x3FB4]  }
0x2c: {  	s7 =	sld [smem:$0x3FB5]  }
0x2d: {  	s3 =	simm.s32 $0x108;
	s8 =	sld [smem:$0x3FB6]  }
0x2e: {  	s3 =	simm.s32 @!p0 $0x1082;
	s9 =	sld [smem:$0x3FB7]  }
0x2f: {  	lr =	sadd.s32 s0, s3;
	s0 =	sld [smem:$0x3FAE]  }
0x30: {  	s3 =	sld [smem:$0x3FB1]  }
0x31: {  	[smem:$0x3FBA] =	sst s10  }
0x32: {  	s10 =	sld [smem:$0x3FB8];
	_ =	sdelay $0x3  }
0x33: {  	p0 =	seq.s32 s10, $0x1;
	s10 =	sld [smem:$0x3FBA];
	_ =	sdelay $0x3  }
0x34: {  	[smem:$0x3FBA] =	sst s10  }
0x35: {  	s10 =	sld [smem:$0x3FB9];
	_ =	sdelay $0x3  }
0x36: {  	p1 =	seq.s32 s10, $0x1;
	s10 =	sld [smem:$0x3FBA];
	_ =	sdelay $0x3  }
0x37: {  	[smem:$0x3FBA] =	sst s10  }
0x38: {  	s10 =	sld [smem:$0x3FBB]  }
0x39: {  	_ = 	snop;
	(pc) =	sbr.ind lr, $3  }
0x3a: {  	_ = 	snop  }
0x3b: {  	_ = 	snop  }
0x3c: {  	p2 =	seq.s32 s10, $0x1;
	s10 =	sld [smem:$0x3FBA]  }
0x3d: {  	_ =	shalt  }
0x3e: {  	_ =	shalt  }
0x3f: {  	_ =	shalt  }
0x40: {  	_ =	shalt  }
0x41: {  	_ =	shalt  }
0x42: {  	_ =	shalt  }
0x43: {  	_ =	shalt  }
0x44: {  	_ =	shalt  }
0x45: {  	_ =	shalt  }
0x46: {  	_ =	shalt  }
0x47: {  	_ =	shalt  }
0x48: {  	_ =	shalt  }
0x49: {  	_ =	shalt  }
0x4a: {  	_ =	shalt  }
0x4b: {  	_ =	shalt  }
0x4c: {  	_ =	shalt  }
0x4d: {  	_ =	shalt  }
0x4e: {  	_ =	shalt  }
0x4f: {  	_ =	shalt  }
0x50: {  	_ =	shalt  }
0x51: {  	_ =	shalt  }
0x52: {  	_ =	shalt  }
0x53: {  	_ =	shalt  }
0x54: {  	_ =	shalt  }
0x55: {  	_ =	shalt  }
0x56: {  	_ =	shalt  }
0x57: {  	_ =	shalt  }
0x58: {  	_ =	shalt  }
0x59: {  	_ =	shalt  }
0x5a: {  	_ =	shalt  }
0x5b: {  	_ =	shalt  }
0x5c: {  	_ =	shalt  }
0x5d: {  	_ =	shalt  }
0x5e: {  	_ =	shalt  }
0x5f: {  	_ =	shalt  }
0x60: {  	_ =	shalt  }
0x61: {  	_ =	shalt  }
0x62: {  	_ =	shalt  }
0x63: {  	_ =	shalt  }
0x64: {  	_ =	shalt  }
0x65: {  	_ =	shalt  }
0x66: {  	_ =	shalt  }
0x67: {  	_ =	shalt  }
0x68: {  	_ =	shalt  }
0x69: {  	_ =	shalt  }
0x6a: {  	_ =	shalt  }
0x6b: {  	_ =	shalt  }
0x6c: {  	_ =	shalt  }
0x6d: {  	_ =	shalt  }
0x6e: {  	_ =	shalt  }
0x6f: {  	_ =	shalt  }
0x70: {  	_ =	shalt  }
0x71: {  	_ =	shalt  }
0x72: {  	_ =	shalt  }
0x73: {  	_ =	shalt  }
0x74: {  	_ =	shalt  }
0x75: {  	_ =	shalt  }
0x76: {  	_ =	shalt  }
0x77: {  	_ =	shalt  }
0x78: {  	_ =	shalt  }
0x79: {  	_ =	shalt  }
0x7a: {  	_ =	shalt  }
0x7b: {  	_ =	shalt  }
0x7c: {  	_ =	shalt  }
0x7d: {  	_ =	shalt  }
0x7e: {  	_ =	shalt  }
0x7f: {  	_ =	shalt  }
0x80: {  	_ =	shalt  }
0x81: {  	_ =	shalt  }
0x82: {  	_ =	shalt  }
0x83: {  	_ =	shalt  }
0x84: {  	_ =	shalt  }
0x85: {  	_ =	shalt  }
0x86: {  	_ =	shalt  }
0x87: {  	_ =	shalt  }
.Lfunc_end0:
.L_simem_size_0:
called_computation.1_lowered:
.L_overlay_start_0:
0x88: {  	s2 =	sld [smem:$0x3FD9]  }
0x89: {  	s3 =	sld [smem:$0x3FFE];
	_ =	sdelay $0x1  }
0x8a: {  	s1 =	srdreg.scid  }
0x8b: {  	s0 =	sand.u32 $0x1, s1  }
0x8c: {  	s17 =	sshll.u32 s0, $0xA;
	s2 =	sadd.s32 s3, s2  }
0x8d: {  	s2 =	sadd.s32 s2, s17  }
0x8e: {  	[smem:$0x3FC6] =	sst s2  }
0x8f: {  	_ = 	snop  }
0x90: {  	s2 =	sld [smem:$0x3FD0];
	(tm) =	ssettm $0x1  }
0x91: {  	s18 =	sld [smem:$0x3FFB];
	_ =	sdelay $0x3  }
0x92: {  	_ =	strace s18  }
0x93: {  	s3 =	sld [smem:$0x3FFC];
	_ =	sdelay $0x3  }
0x94: {  	_ =	strace s3  }
0x95: {  	s3 =	sld [smem:$0x3FFD];
	_ =	sdelay $0x3  }
0x96: {  	_ =	strace s3  }
0x97: {  	_ =	strace $0x8FFFFFFF  }
0x98: {  	s19 =	sld [smem:$0x3FDB];
	_ =	sdelay $0x1  }
0x99: {  	s4 =	simm.s32 $_scs_section_size  }
0x9a: {  	s5 =	simm.s32 $_size__tile_overlayer_lowered;
	s6 =	simm.s32 $_tile_overlayer_lowered  }
0x9b: {  	s22 =	simm.s32 $0x1BFF;
	s21 =	sshll.u32 s6, $0x1;
	s3 =	sadd.s32 s4, s19  }
0x9c: {  	s7 =	simm.s32 $0x0;
	s20 =	sshll.u32 s5, $0x1;
	s5 =	sadd.s32 s21, s3  }
0x9d: {  	[timem:s7], [sflag:s22] =	dma.local [hbm:s5], s20  }
0x9e: {  	_ =	swait.ge [sflag:s22], s20  }
0x9f: {  	s4 =	ssub.s32 $0x0, s20;
	[sflag:s22] =	ssyncset.done $0x0  }
0xa0: {  	[sflag:s22] =	ssyncadd.s32 s4;
	_ =	sdelay $0x1  }
0xa1: {  	s23 =	simm.s32 $0x1B8B  }
0xa2: {  	_ =	swait.ge [sflag:s23], $0x1  }
0xa3: {  	[sflag:s23] =	ssyncset.done $0x0  }
0xa4: {  	s25 =	simm.s32 $0x1B8E;
	s24 =	sld [smem:$0x3FFE];
	[sflag:s23] =	ssyncadd.s32 $0xFFFFFFFF  }
0xa5: {  	s26 =	simm.s32 $execute0_lowered;
	[smem:$0x3FD2] =	sst s25  }
0xa6: {  	s5 =	sshll.u32 s26, $0x1;
	_ =	strace $0x80000049;
	[dreg:$0x1] =	wrdreg $0xFFFFFFFF  }
0xa7: {  	s28 =	simm.s32 $_size_execute0_lowered;
	s3 =	sadd.s32 s3, s5;
	[dreg:$0x0] =	wrdreg $0x0  }
0xa8: {  	s5 =	sshll.u32 s28, $0x1;
	[dreg:$0x2] =	wrdreg s3  }
0xa9: {  	[dreg:$0x3] =	wrdreg s5  }
0xaa: {  	[dreg:$0x4] =	wrdreg $0xC0  }
0xab: {  	_ =	task [dreg:s7], $0x5FFFF  }
0xac: {  	[dreg:$0x1] =	wrdreg $0xFFFFFFFF  }
0xad: {  	[dreg:$0x0] =	wrdreg $0x60  }
0xae: {  	[dreg:$0x2] =	wrdreg s2  }
0xaf: {  	[dreg:$0x3] =	wrdreg s24  }
0xb0: {  	[dreg:$0x4] =	wrdreg $0x0  }
0xb1: {  	[dreg:$0x5] =	wrdreg $0x9C600  }
0xb2: {  	[dreg:$0x6] =	wrdreg $0x9  }
0xb3: {  	_ =	task.clear_ibuf [dreg:s7], $0x7FFFF;
	_ =	strace $0x90000049  }
0xb4: {  	s29 =	simm.s32 $0x9;
	_ =	strace $0x8000004B  }
0xb5: {  	_ =	swait.ge [sflag:s29], $0x1  }
0xb6: {  	[sflag:s29] =	ssyncadd.s32 $0xFFFFFFFF  }
0xb7: {  	_ =	strace $0x9000004B  }
0xb8: {  	_ =	sfence  }
0xb9: {  	s30 =	sld [smem:$0x0];
	_ =	sdelay $0x2  }
0xba: {  	s31 =	sshll.u32 s1, $0xD;
	s1 =	sshrl.u32 s1, $0x2  }
0xbb: {  	s3 =	sand.u32 $0x4000, s31;
	s1 =	sadd.s32 s1, s30  }
0xbc: {  	s0 =	sor.u32 s3, s0;
	s1 =	sshll.u32 s1, $0x11  }
0xbd: {  	s0 =	sor.u32 s1, s0  }
0xbe: {  	s0 =	sadd.s32 $0x8F2B, s0  }
0xbf: {  	[sflag:s0] =	ssyncadd.remote.s32 $0x1  }
0xc0: {  	_ =	sfence.sel $0xFFFF  }
0xc1: {  	[dreg:$0x0] =	wrdreg $0xFFFFFFFF;
	(pc) =	sbr.abs _section_cstart, $3  }
0xc2: {  	[dreg:$0x1] =	wrdreg $0xFFFFFFFF  }
0xc3: {  	_ =	task.clear_ibuf [dreg:s7], $0x2FFFF;
	_ =	strace $0x9FFFFFFF  }
0xc4: {  	(tm) =	ssettm $0x7FFFFFFF  }
0xc5: {  	_ =	shalt  }
tec
execute0_lowered:
.L_overlay_start_1:
0x0: {  	(tag) =	ssettag $0x1  }
0x1: {  	s2 =	rddreg [dreg:$0x0]  }
0x2: {  	s0 =	rddreg [dreg:$0x1]  }
0x3: {  	s3 =	rddreg [dreg:$0x2]  }
0x4: {  	s4 =	rddreg [dreg:$0x3]  }
0x5: {  	s12 =	stileid.u32;
	s5 =	simm.s32 $0x0;
	s23 =	srdreg.scid  }
0x6: {  	s19 =	simm.s32 $0x7;
	s21 =	simm.s32 $0x1CB78;
	s28 =	simm.s32 $0xEB78  }
0x7: {  	s30 =	simm.s32 $0x10B78;
	s20 =	simm.s32 $0x4;
	s29 =	simm.s32 $0x0  }
0x8: {  	s1 =	smul.u32 $0xA00, s12;
	[smem:$0x7FF] =	sst s5;
	s6 =	sadd.s32 $0x76E00, s0  }
0x9: {  	s7 =	sadd.s32 $0x8AE00, s0;
	s22 =	sadd.s32 $0x8A800, s0;
	s8 =	sadd.s32 $0x1000, s0  }
0xa: {  	s9 =	sadd.s32 $0x1200, s0;
	s13 =	smul.u32 $0x9C40, s12;
	s14 =	sadd.s32 $0x9FC00, s0  }
0xb: {  	s15 =	smul.u32 $0x2710, s12;
	_ =	strace $0x8000004A;
	[dreg:$0x5] =	wrdreg s7  }
0xc: {  	s24 =	sshll.u32 s12, $0x6;
	s18 =	smul.u32 $0xA0, s12;
	[dreg:$0x6] =	wrdreg s22  }
0xd: {  	s5 =	simm.s32 $0xCAF8;
	[dreg:$0x7] =	wrdreg s8;
	s8 =	sadd.s32 $0x8C200, s0  }
0xe: {  	s7 =	sand.u32 $0x1, s23;
	s22 =	sor.u32 $0x1C07, s24;
	s23 =	simm.s32 $0xC778  }
0xf: {  	s24 =	simm.s32 $0x80;
	s1 =	sadd.s32 s1, s0;
	s10 =	ssub.s32 $0x2, s7  }
0x10: {  	s0 =	sadd.s32 $0xA4C00, s0;
	s16 =	sadd.s32 s13, s3;
	s17 =	sadd.s32 s15, s4  }
0x11: {  	p0 =	seq.s32 s7, $0x0;
	p1 =	seq.s32 s7, $0x1;
	s25 =	sshrl.u32 s13, $0x3  }
0x12: {  	s26 =	sshrl.u32 s15, $0x3;
	s31 =	sor.u32 $0x8, s18;
	s13 =	simm.s32 $0xC878  }
0x13: {  	s15 =	simm.s32 $0xC8F8;
	s18 =	simm.s32 $0x2;
	[dreg:$0x8] =	wrdreg s22  }
0x14: {  	s11 =	sshrl.u32 s10, $0x1;
	s12 =	sadd.s32 $0x14E00, s1;
	s8 =	smov.u32 @p1 s9  }
0x15: {  	s14 =	smov.u32 @p1 s0;
	[dreg:$0xd] =	wrdreg s31;
	p1 =	sne.s32 s7, $0x0  }
0x16: {  	s7 =	simm.s32 $0xC978;
	s9 =	simm.s32 $0xC7F8;
	s10 =	ssub.s32 s10, s11  }
0x17: {  	s11 =	sadd.s32 $0x1EC00, s1;
	s1 =	sadd.s32 s8, s25;
	s0 =	sadd.s32 s14, s26  }
0x18: {  	s14 =	sshrl.u32 s17, $0x3;
	s25 =	simm.s32 $0xCB78;
	[dreg:$0xb] =	wrdreg s1  }
.Ltmp0:
0x19: {  	s10 =	smax.u32 s10, $0x1;
	[dreg:$0xc] =	wrdreg s0;
	(pc) =	sbr.rel .LBB2_1-.Ltmp0, $4  }
0x1a: {  	s8 =	simm.s32 $0x1;
	[dreg:$0x9] =	wrdreg s10;
	s10 =	smov.u32 s6  }
0x1b: {  	s17 =	simm.s32 $0x5;
	[dreg:$0xf] =	wrdreg s14;
	s10 =	smov.u32 @p0 s2  }
0x1c: {  	s26 =	simm.s32 $0x6;
	[dreg:$0xa] =	wrdreg s10;
	s10 =	sshrl.u32 s16, $0x3  }
0x1d: {  	s0 =	simm.s32 $0x12B78;
	s16 =	simm.s32 $0x3;
	[dreg:$0xe] =	wrdreg s10  }
.LBB2_18:
0x1e: {  	[bflag:$0x0] =	sbarrier.arrive $0xFFFF  }
0x1f: {  	s22 =	rddreg [dreg:$0x8]  }
0x20: {  	s1 =	rddreg [dreg:$0xb]  }
0x21: {  	s10 =	rddreg [dreg:$0xe]  }
0x22: {  	[hbm:s1], [sflag:s22] =	dma.local [spmem:s10], $0x1388  }
0x23: {  	_ =	swait.ge [sflag:s19], $0x1388  }
0x24: {  	[sflag:s19] =	ssyncset.done $0x0;
	s31 =	rddreg [dreg:$0xc]  }
0x25: {  	s14 =	rddreg [dreg:$0xf];
	[sflag:s19] =	ssyncadd.s32 $0xFFFFEC78  }
0x26: {  	[hbm:s31], [sflag:s22] =	dma.local [spmem:s14], $0x4E2  }
0x27: {  	_ =	swait.ge [sflag:s19], $0x4E2  }
0x28: {  	s29 =	rddreg [dreg:$0x10]  }
0x29: {  	s31 =	rddreg [dreg:$0x9];
	s29 =	sadd.s32 $0x1, s29  }
0x2a: {  	p2 =	sne.s32 s29, s31  }
.Ltmp1:
0x2b: {  	_ = 	snop;
	(pc) =	sbr.rel @!p2 .LBB2_19-.Ltmp1, $3  }
0x2c: {  	_ =	sdelay $0x1  }
0x2d: {  	[sflag:s19] =	ssyncset.done $0x0  }
0x2e: {  	[sflag:s19] =	ssyncadd.s32 $0xFFFFFB1E  }
.LBB2_1:
0x2f: {  	[dreg:$0x10] =	wrdreg s29  }
0x30: {  	s1 =	rddreg [dreg:$0x5]  }
0x31: {  	[spmem:s10], [sflag:s22] =	dma.local [hbm:s1], $0x1388  }
0x32: {  	_ =	swait.ge [sflag:s19], $0x1388  }
0x33: {  	[sflag:s19] =	ssyncset.done $0x0  }
0x34: {  	s10 =	rddreg [dreg:$0x6];
	[sflag:s19] =	ssyncadd.s32 $0xFFFFEC78  }
0x35: {  	[spmem:s14], [sflag:s22] =	dma.local [hbm:s10], $0x4E2  }
0x36: {  	_ =	swait.ge [sflag:s19], $0x4E2  }
0x37: {  	[sflag:s19] =	ssyncset.done $0x0  }
0x38: {  	s10 =	simm.s32 $0x0;
	s22 =	rddreg [dreg:$0x7];
	[sflag:s19] =	ssyncadd.s32 $0xFFFFFB1E  }
0x39: {  	[tilespmem:s21], [sflag:$0x7] =	stream.linear.gather [hbm4b:s22+s10], $0x800, $0x38;
	[tilespmem:$0x1D378] =	vst v63  }
0x3a: {  	_ =	swait.ge [sflag:s19], $0x800  }
0x3b: {  	[sflag:s19] =	ssyncset.done $0x0  }
0x3c: {  	[sflag:s19] =	ssyncadd.s32 $0xFFFFF800  }
0x3d: {  	s22 =	simm.s32 $0xC378;
	[bflag:$0x0] =	sbarrier.arrive $0xFFFF  }
0x3e: {  	[tilespmem:s22], [sflag:$0x7] =	stream.linear.gather [hbm4b:s11+s10], $0x200, $0x38;
	[tilespmem:$0x1D378] =	vst v63  }
0x3f: {  	_ =	swait.ge [sflag:s19], $0x200  }
0x40: {  	[sflag:s19] =	ssyncset.done $0x0  }
0x41: {  	[sflag:s19] =	ssyncadd.s32 $0xFFFFFE00  }
0x42: {  	[tilespmem:s23], [sflag:$0x7] =	stream.linear.gather [hbm4b:s12+s10], $0x200, $0x38;
	[tilespmem:$0x1D378] =	vst v63  }
0x43: {  	_ =	swait.ge [sflag:s19], $0x200  }
0x44: {  	[sflag:s19] =	ssyncset.done $0x0  }
0x45: {  	s1 =	rddreg [dreg:$0xa];
	[sflag:s19] =	ssyncadd.s32 $0xFFFFFE00  }
0x46: {  	[tilespmem:s25], [sflag:$0x1] =	stream.indirect.gather [hbm4b:s1+s24], $0x40, s22, s24, $0xb8;
	[tilespmem:$0x1D378] =	vst v63  }
0x47: {  	s22 =	simm.s32 $0xC3F8  }
0x48: {  	[tilespmem:s28], [sflag:$0x1] =	stream.indirect.gather [hbm4b:s1+s24], $0x40, s22, s24, $0xb8;
	[tilespmem:$0x1D378] =	vst v63  }
.Ltmp2:
0x49: {  	_ = 	snop;
	(pc) =	sbr.rel .LBB2_2-.Ltmp2, $4  }
0x4a: {  	s14 =	simm.s32 $0xC478  }
0x4b: {  	[tilespmem:s30], [sflag:$0x1] =	stream.indirect.gather [hbm4b:s1+s24], $0x40, s14, s24, $0xb8;
	[tilespmem:$0x1D378] =	vst v63  }
0x4c: {  	s31 =	simm.s32 $0x0;
	s29 =	rddreg [dreg:$0xd];
	s22 =	simm.s32 $0xC4F8  }
0x4d: {  	[tilespmem:s0], [sflag:$0x1] =	stream.indirect.gather [hbm4b:s1+s24], $0x40, s22, s24, $0xb8;
	[tilespmem:$0x1D378] =	vst v63  }
.LBB2_20:
0x4e: {  	s1 =	simm.s32 $0xC378  }
0x4f: {  	[tilespmem:s25], [sflag:$0x1] =	stream.indirect.gather [hbm4b:s6+s24], $0x40, s1, s24, $0xb8;
	[tilespmem:$0x1D378] =	vst v63  }
0x50: {  	s10 =	simm.s32 $0xC3F8  }
0x51: {  	[tilespmem:s28], [sflag:$0x1] =	stream.indirect.gather [hbm4b:s6+s24], $0x40, s10, s24, $0xb8;
	[tilespmem:$0x1D378] =	vst v63  }
0x52: {  	s14 =	simm.s32 $0xC478  }
0x53: {  	[tilespmem:s30], [sflag:$0x1] =	stream.indirect.gather [hbm4b:s6+s24], $0x40, s14, s24, $0xb8;
	[tilespmem:$0x1D378] =	vst v63  }
0x54: {  	s22 =	simm.s32 $0xC4F8  }
0x55: {  	[tilespmem:s0], [sflag:$0x1] =	stream.indirect.gather [hbm4b:s6+s24], $0x40, s22, s24, $0xb8;
	[tilespmem:$0x1D378] =	vst v63  }
.LBB2_16:
0x56: {  	_ =	swait.ge [sflag:s20], $0x2000  }
0x57: {  	[sflag:s20] =	ssyncset.done $0x0  }
0x58: {  	[sflag:s20] =	ssyncadd.s32 $0xFFFFE000  }
0x59: {  	_ =	swait.ge [sflag:s20], $0x2000  }
0x5a: {  	[sflag:s20] =	ssyncset.done $0x0  }
0x5b: {  	[sflag:s20] =	ssyncadd.s32 $0xFFFFE000  }
0x5c: {  	_ =	swait.ge [sflag:s26], $0x800  }
0x5d: {  	[sflag:s26] =	ssyncset.done $0x0  }
0x5e: {  	[sflag:s26] =	ssyncadd.s32 $0xFFFFF800  }
0x5f: {  	_ =	swait.ge [sflag:s20], $0x2000  }
0x60: {  	[sflag:s20] =	ssyncset.done $0x0  }
0x61: {  	[sflag:s20] =	ssyncadd.s32 $0xFFFFE000  }
0x62: {  	_ =	swait.ge [sflag:s20], $0x2000  }
0x63: {  	[sflag:s20] =	ssyncset.done $0x0  }
0x64: {  	[sflag:s20] =	ssyncadd.s32 $0xFFFFE000  }
0x65: {  	_ =	swait.ge [sflag:s26], $0x800  }
0x66: {  	[sflag:s26] =	ssyncset.done $0x0  }
0x67: {  	[sflag:s26] =	ssyncadd.s32 $0xFFFFF800  }
.LBB2_17:
0x68: {  	s31 =	sadd.s32 $0x80, s31  }
0x69: {  	p2 =	sne.s32 s31, $0xA00  }
.Ltmp3:
0x6a: {  	_ = 	snop;
	(pc) =	sbr.rel @!p2 .LBB2_18-.Ltmp3, $2  }
0x6b: {  	_ =	sdelay $0x2  }
0x6c: {  	s29 =	sadd.s32 $0x8, s29  }
.LBB2_2:
0x6d: {  	s22 =	sadd.s32 $0xFFFFFFFC, s29  }
0x6e: {  	p2 =	sgt.u32 s22, $0x9C3  }
.Ltmp4:
0x6f: {  	_ = 	snop;
	(pc) =	sbr.rel @p2 .LBB2_4-.Ltmp4, $1  }
0x70: {  	_ =	sdelay $0x3  }
0x71: {  	s10 =	sadd.s32 s31, s11  }
0x72: {  	s1 =	simm.s32 $0xC578;
	s14 =	simm.s32 $0x0;
	s10 =	sadd.s32 $0x40, s10  }
0x73: {  	[tilespmem:s1], [sflag:$0x7] =	stream.linear.gather [hbm4b:s10+s14], $0x200, $0x38;
	[tilespmem:$0x1D378] =	vst v63  }
0x74: {  	_ =	swait.ge [sflag:s19], $0x200  }
0x75: {  	s1 =	sadd.s32 s31, s12;
	[sflag:s19] =	ssyncset.done $0x0  }
.Ltmp5:
0x76: {  	s10 =	sadd.s32 $0x40, s1;
	[sflag:s19] =	ssyncadd.s32 $0xFFFFFE00;
	(pc) =	sbr.rel .LBB2_5-.Ltmp5, $4  }
0x77: {  	[tilespmem:s7], [sflag:$0x7] =	stream.linear.gather [hbm4b:s10+s14], $0x200, $0x38;
	[tilespmem:$0x1D378] =	vst v63  }
0x78: {  	_ =	swait.ge [sflag:s19], $0x200  }
0x79: {  	[sflag:s19] =	ssyncset.done $0x0  }
0x7a: {  	[sflag:s19] =	ssyncadd.s32 $0xFFFFFE00  }
.LBB2_4:
0x7b: {  	s10 =	sadd.s32 $0xFFFFFFF8, s29  }
0x7c: {  	p3 =	sgt.u32 s10, $0x9C3  }
.Ltmp6:
0x7d: {  	_ = 	snop;
	(pc) =	sbr.rel @p3 .LBB2_8-.Ltmp6, $1  }
0x7e: {  	_ =	sdelay $0x3  }
.LBB2_5:
0x7f: {  	_ =	swait.ge [sflag:s8], $0x2000  }
0x80: {  	[sflag:s8] =	ssyncset.done $0x0  }
0x81: {  	[sflag:s8] =	ssyncadd.s32 $0xFFFFE000  }
0x82: {  	_ =	swait.ge [sflag:s8], $0x2000  }
0x83: {  	[sflag:s8] =	ssyncset.done $0x0  }
0x84: {  	[sflag:s8] =	ssyncadd.s32 $0xFFFFE000  }
0x85: {  	_ =	swait.ge [sflag:s8], $0x2000  }
0x86: {  	[sflag:s8] =	ssyncset.done $0x0  }
.Ltmp7:
0x87: {  	[sflag:s8] =	ssyncadd.s32 $0xFFFFE000;
	(pc) =	sbr.rel @p1 .LBB2_7-.Ltmp7, $4  }
0x88: {  	_ =	swait.ge [sflag:s8], $0x2000  }
0x89: {  	[sflag:s8] =	ssyncset.done $0x0  }
0x8a: {  	p3 =	slt.u32 s22, $0x9C4;
	[sflag:s8] =	ssyncadd.s32 $0xFFFFE000  }
0x8b: {  	[spmem:s3] =	stream.indirect.scatter.add.f32 [tilespmem:s25], [sflag:$0x3], $0x40, s23, s24, $0xb8;
	[tilespmem:$0x1D378] =	vst v63  }
0x8c: {  	[spmem:s4] =	stream.indirect.scatter.add.f32 [tilespmem:s21], [sflag:$0x5], $0x10, s23, s24, $0xb8;
	[tilespmem:$0x1D378] =	vst v63  }
0x8d: {  	_ = 	snop  }
0x8e: {  	[spmem:s3] =	stream.indirect.scatter.add.f32 [tilespmem:s28], [sflag:$0x3], $0x40, s9, s24, $0xb8;
	[tilespmem:$0x1D378] =	vst v63  }
0x8f: {  	_ = 	snop  }
0x90: {  	[spmem:s3] =	stream.indirect.scatter.add.f32 [tilespmem:s30], [sflag:$0x3], $0x40, s13, s24, $0xb8;
	[tilespmem:$0x1D378] =	vst v63  }
0x91: {  	_ = 	snop  }
0x92: {  	[spmem:s4] =	stream.indirect.scatter.add.f32 [tilespmem:s21], [sflag:$0x5], $0x10, s13, s24, $0xb8;
	[tilespmem:$0x1D378] =	vst v63  }
0x93: {  	_ = 	snop  }
0x94: {  	[spmem:s3] =	stream.indirect.scatter.add.f32 [tilespmem:s0], [sflag:$0x3], $0x40, s15, s24, $0xb8;
	[tilespmem:$0x1D378] =	vst v63  }
0x95: {  	s10 =	simm.s32 @p3 $0x80;
	s22 =	simm.s32 @p3 $0xC578;
	s1 =	simm.s32 @p3 $0x14B78  }
0x96: {  	[tilespmem:s1], [sflag:$0x2] =	stream.indirect.gather @p3 [hbm4b:s2+s10], $0x40, s22, s10, $0xb8;
	[tilespmem:$0x1D378] =	vst v63  }
0x97: {  	s1 =	simm.s32 @p3 $0xC5F8;
	s22 =	simm.s32 @p3 $0x16B78  }
0x98: {  	[tilespmem:s22], [sflag:$0x2] =	stream.indirect.gather @p3 [hbm4b:s2+s10], $0x40, s1, s10, $0xb8;
	[tilespmem:$0x1D378] =	vst v63  }
0x99: {  	s1 =	simm.s32 @p3 $0xC678;
	s22 =	simm.s32 @p3 $0x18B78  }
0x9a: {  	[tilespmem:s22], [sflag:$0x2] =	stream.indirect.gather @p3 [hbm4b:s2+s10], $0x40, s1, s10, $0xb8;
	[tilespmem:$0x1D378] =	vst v63  }
0x9b: {  	s1 =	simm.s32 @p3 $0xC6F8;
	s22 =	simm.s32 @p3 $0x1AB78  }
0x9c: {  	[tilespmem:s22], [sflag:$0x2] =	stream.indirect.gather @p3 [hbm4b:s2+s10], $0x40, s1, s10, $0xb8;
	[tilespmem:$0x1D378] =	vst v63  }
0x9d: {  	_ =	swait.ge [sflag:s16], $0x2000  }
0x9e: {  	[sflag:s16] =	ssyncset.done $0x0  }
0x9f: {  	[sflag:s16] =	ssyncadd.s32 $0xFFFFE000  }
0xa0: {  	_ =	swait.ge [sflag:s17], $0x800  }
0xa1: {  	[sflag:s17] =	ssyncset.done $0x0  }
0xa2: {  	[sflag:s17] =	ssyncadd.s32 $0xFFFFF800  }
0xa3: {  	_ =	swait.ge [sflag:s16], $0x2000  }
0xa4: {  	[sflag:s16] =	ssyncset.done $0x0  }
0xa5: {  	[sflag:s16] =	ssyncadd.s32 $0xFFFFE000  }
0xa6: {  	_ =	swait.ge [sflag:s16], $0x2000  }
0xa7: {  	[sflag:s16] =	ssyncset.done $0x0  }
0xa8: {  	[sflag:s16] =	ssyncadd.s32 $0xFFFFE000  }
0xa9: {  	_ =	swait.ge [sflag:s17], $0x800  }
.Ltmp8:
0xaa: {  	[sflag:s17] =	ssyncset.done $0x0;
	(pc) =	sbr.rel .LBB2_8-.Ltmp8, $4  }
0xab: {  	[sflag:s17] =	ssyncadd.s32 $0xFFFFF800  }
0xac: {  	_ =	swait.ge [sflag:s16], $0x2000  }
0xad: {  	[sflag:s16] =	ssyncset.done $0x0  }
0xae: {  	[sflag:s16] =	ssyncadd.s32 $0xFFFFE000  }
.LBB2_7:
0xaf: {  	[spmem:s3] =	stream.indirect.scatter.add.f32 [tilespmem:s28], [sflag:$0x3], $0x40, s9, s24, $0xb8;
	[tilespmem:$0x1D378] =	vst v63  }
0xb0: {  	_ = 	snop  }
0xb1: {  	[spmem:s4] =	stream.indirect.scatter.add.f32 [tilespmem:s21], [sflag:$0x5], $0x10, s9, s24, $0xb8;
	[tilespmem:$0x1D378] =	vst v63  }
0xb2: {  	_ = 	snop  }
0xb3: {  	[spmem:s3] =	stream.indirect.scatter.add.f32 [tilespmem:s30], [sflag:$0x3], $0x40, s13, s24, $0xb8;
	[tilespmem:$0x1D378] =	vst v63  }
0xb4: {  	_ = 	snop  }
0xb5: {  	[spmem:s3] =	stream.indirect.scatter.add.f32 [tilespmem:s0], [sflag:$0x3], $0x40, s15, s24, $0xb8;
	[tilespmem:$0x1D378] =	vst v63  }
0xb6: {  	_ = 	snop  }
0xb7: {  	[spmem:s4] =	stream.indirect.scatter.add.f32 [tilespmem:s21], [sflag:$0x5], $0x10, s15, s24, $0xb8;
	[tilespmem:$0x1D378] =	vst v63  }
0xb8: {  	s1 =	simm.s32 @p3 $0x80;
	s10 =	simm.s32 @p3 $0xC578;
	s22 =	simm.s32 @p3 $0x14B78  }
0xb9: {  	[tilespmem:s22], [sflag:$0x2] =	stream.indirect.gather @p3 [hbm4b:s6+s1], $0x40, s10, s1, $0xb8;
	[tilespmem:$0x1D378] =	vst v63  }
0xba: {  	s10 =	simm.s32 @p3 $0xC5F8;
	s22 =	simm.s32 @p3 $0x16B78  }
0xbb: {  	[tilespmem:s22], [sflag:$0x2] =	stream.indirect.gather @p3 [hbm4b:s6+s1], $0x40, s10, s1, $0xb8;
	[tilespmem:$0x1D378] =	vst v63  }
0xbc: {  	s10 =	simm.s32 @p3 $0xC678;
	s22 =	simm.s32 @p3 $0x18B78  }
0xbd: {  	[tilespmem:s22], [sflag:$0x2] =	stream.indirect.gather @p3 [hbm4b:s6+s1], $0x40, s10, s1, $0xb8;
	[tilespmem:$0x1D378] =	vst v63  }
0xbe: {  	s10 =	simm.s32 @p3 $0xC6F8;
	s22 =	simm.s32 @p3 $0x1AB78  }
0xbf: {  	[tilespmem:s22], [sflag:$0x2] =	stream.indirect.gather @p3 [hbm4b:s6+s1], $0x40, s10, s1, $0xb8;
	[tilespmem:$0x1D378] =	vst v63  }
0xc0: {  	_ =	swait.ge [sflag:s16], $0x2000  }
0xc1: {  	[sflag:s16] =	ssyncset.done $0x0  }
0xc2: {  	[sflag:s16] =	ssyncadd.s32 $0xFFFFE000  }
0xc3: {  	_ =	swait.ge [sflag:s16], $0x2000  }
0xc4: {  	[sflag:s16] =	ssyncset.done $0x0  }
0xc5: {  	[sflag:s16] =	ssyncadd.s32 $0xFFFFE000  }
0xc6: {  	_ =	swait.ge [sflag:s17], $0x800  }
0xc7: {  	[sflag:s17] =	ssyncset.done $0x0  }
0xc8: {  	[sflag:s17] =	ssyncadd.s32 $0xFFFFF800  }
0xc9: {  	_ =	swait.ge [sflag:s16], $0x2000  }
0xca: {  	[sflag:s16] =	ssyncset.done $0x0  }
0xcb: {  	[sflag:s16] =	ssyncadd.s32 $0xFFFFE000  }
0xcc: {  	_ =	swait.ge [sflag:s16], $0x2000  }
0xcd: {  	[sflag:s16] =	ssyncset.done $0x0  }
0xce: {  	[sflag:s16] =	ssyncadd.s32 $0xFFFFE000  }
0xcf: {  	_ =	swait.ge [sflag:s17], $0x800  }
0xd0: {  	[sflag:s17] =	ssyncset.done $0x0  }
0xd1: {  	[sflag:s17] =	ssyncadd.s32 $0xFFFFF800  }
.LBB2_8:
0xd2: {  	p3 =	seq.s32 s31, $0x980  }
0xd3: {  	p4 =	sgt.u32 @!p3 s29, $0x9C3  }
0xd4: {  	p4 =	por p4, p3  }
0xd5: {  	s1 =	sadd.s32 @!p4 s31, s11  }
0xd6: {  	s10 =	simm.s32 @!p4 $0x0;
	s22 =	simm.s32 @!p4 $0xC378;
	s1 =	sadd.s32 @!p4 $0x80, s1  }
0xd7: {  	[tilespmem:s22], [sflag:$0x7] =	stream.linear.gather @!p4 [hbm4b:s1+s10], $0x200, $0x38;
	[tilespmem:$0x1D378] =	vst v63  }
0xd8: {  	s1 =	simm.s32 @!p4 $0x7  }
0xd9: {  	_ =	swait.ge @!p4 [sflag:s1], $0x200  }
0xda: {  	s14 =	simm.s32 @!p4 $0xC778;
	s22 =	sadd.s32 @!p4 s31, s12;
	[sflag:s1] =	ssyncset.done @!p4 $0x0  }
.Ltmp9:
0xdb: {  	s22 =	sadd.s32 @!p4 $0x80, s22;
	[sflag:s1] =	ssyncadd.s32 @!p4 $0xFFFFFE00;
	(pc) =	sbr.rel @p2 .LBB2_11-.Ltmp9, $4  }
0xdc: {  	[tilespmem:s14], [sflag:$0x7] =	stream.linear.gather @!p4 [hbm4b:s22+s10], $0x200, $0x38;
	[tilespmem:$0x1D378] =	vst v63  }
0xdd: {  	_ =	swait.ge @!p4 [sflag:s1], $0x200  }
0xde: {  	[sflag:s1] =	ssyncset.done @!p4 $0x0  }
0xdf: {  	[sflag:s1] =	ssyncadd.s32 @!p4 $0xFFFFFE00  }
0xe0: {  	_ =	swait.ge [sflag:s18], $0x2000  }
0xe1: {  	[sflag:s18] =	ssyncset.done $0x0  }
0xe2: {  	[sflag:s18] =	ssyncadd.s32 $0xFFFFE000  }
0xe3: {  	_ =	swait.ge [sflag:s18], $0x2000  }
0xe4: {  	[sflag:s18] =	ssyncset.done $0x0  }
0xe5: {  	[sflag:s18] =	ssyncadd.s32 $0xFFFFE000  }
0xe6: {  	_ =	swait.ge [sflag:s18], $0x2000  }
0xe7: {  	[sflag:s18] =	ssyncset.done $0x0  }
.Ltmp10:
0xe8: {  	[sflag:s18] =	ssyncadd.s32 $0xFFFFE000;
	(pc) =	sbr.rel @!p0 .LBB2_15-.Ltmp10, $4  }
0xe9: {  	p2 =	sne.s32 s31, $0x980;
	p3 =	slt.u32 s29, $0x9C4;
	_ =	swait.ge [sflag:s18], $0x2000  }
0xea: {  	p2 =	por !p2, !p3;
	[sflag:s18] =	ssyncset.done $0x0  }
0xeb: {  	s1 =	simm.s32 $0x14B78;
	p2 =	por !p2, !p2;
	[sflag:s18] =	ssyncadd.s32 $0xFFFFE000  }
0xec: {  	[spmem:s3] =	stream.indirect.scatter.add.f32 [tilespmem:s1], [sflag:$0x4], $0x40, s7, s24, $0xb8;
	[tilespmem:$0x1D378] =	vst v63  }
0xed: {  	[spmem:s4] =	stream.indirect.scatter.add.f32 [tilespmem:s21], [sflag:$0x6], $0x10, s7, s24, $0xb8;
	[tilespmem:$0x1D378] =	vst v63  }
0xee: {  	s1 =	simm.s32 $0x16B78;
	s10 =	simm.s32 $0xC9F8  }
0xef: {  	[spmem:s3] =	stream.indirect.scatter.add.f32 [tilespmem:s1], [sflag:$0x4], $0x40, s10, s24, $0xb8;
	[tilespmem:$0x1D378] =	vst v63  }
0xf0: {  	s22 =	simm.s32 $0xCA78;
	s14 =	simm.s32 $0x18B78  }
0xf1: {  	[spmem:s3] =	stream.indirect.scatter.add.f32 [tilespmem:s14], [sflag:$0x4], $0x40, s22, s24, $0xb8;
	[tilespmem:$0x1D378] =	vst v63  }
.Ltmp11:
0xf2: {  	_ = 	snop;
	(pc) =	sbr.rel @p2 .LBB2_13-.Ltmp11, $4  }
.Ltmp12:
0xf3: {  	_ = 	snop;
	(pc) =	sbr.rel @!p2 .LBB2_14-.Ltmp12, $4  }
0xf4: {  	[spmem:s4] =	stream.indirect.scatter.add.f32 [tilespmem:s21], [sflag:$0x6], $0x10, s22, s24, $0xb8;
	[tilespmem:$0x1D378] =	vst v63  }
0xf5: {  	s22 =	simm.s32 $0x1AB78  }
0xf6: {  	[spmem:s3] =	stream.indirect.scatter.add.f32 [tilespmem:s22], [sflag:$0x4], $0x40, s5, s24, $0xb8;
	[tilespmem:$0x1D378] =	vst v63  }
0xf7: {  	_ = 	snop  }
.LBB2_11:
0xf8: {  	p2 =	slt.u32 @!p3 s29, $0x9C4  }
0xf9: {  	p2 =	por p3, !p2  }
.Ltmp13:
0xfa: {  	_ = 	snop;
	(pc) =	sbr.rel @p2 .LBB2_17-.Ltmp13, $1  }
0xfb: {  	_ =	sdelay $0x3  }
.Ltmp14:
0xfc: {  	(pc) =	sbr.rel @p1 .LBB2_20-.Ltmp14, $1  }
0xfd: {  	_ =	sdelay $0x3  }
.LBB2_13:
0xfe: {  	s1 =	simm.s32 $0xC378  }
0xff: {  	[tilespmem:s25], [sflag:$0x1] =	stream.indirect.gather [hbm4b:s2+s24], $0x40, s1, s24, $0xb8;
	[tilespmem:$0x1D378] =	vst v63  }
0x100: {  	s10 =	simm.s32 $0xC3F8  }
0x101: {  	[tilespmem:s28], [sflag:$0x1] =	stream.indirect.gather [hbm4b:s2+s24], $0x40, s10, s24, $0xb8;
	[tilespmem:$0x1D378] =	vst v63  }
0x102: {  	s14 =	simm.s32 $0xC478  }
0x103: {  	[tilespmem:s30], [sflag:$0x1] =	stream.indirect.gather [hbm4b:s2+s24], $0x40, s14, s24, $0xb8;
	[tilespmem:$0x1D378] =	vst v63  }
0x104: {  	s22 =	simm.s32 $0xC4F8  }
0x105: {  	[tilespmem:s0], [sflag:$0x1] =	stream.indirect.gather [hbm4b:s2+s24], $0x40, s22, s24, $0xb8;
	[tilespmem:$0x1D378] =	vst v63  }
.LBB2_14:
0x106: {  	_ =	swait.ge [sflag:s20], $0x2000  }
0x107: {  	[sflag:s20] =	ssyncset.done $0x0  }
0x108: {  	[sflag:s20] =	ssyncadd.s32 $0xFFFFE000  }
0x109: {  	_ =	swait.ge [sflag:s26], $0x800  }
0x10a: {  	[sflag:s26] =	ssyncset.done $0x0  }
0x10b: {  	[sflag:s26] =	ssyncadd.s32 $0xFFFFF800  }
0x10c: {  	_ =	swait.ge [sflag:s20], $0x2000  }
0x10d: {  	[sflag:s20] =	ssyncset.done $0x0  }
0x10e: {  	[sflag:s20] =	ssyncadd.s32 $0xFFFFE000  }
0x10f: {  	_ =	swait.ge [sflag:s20], $0x2000  }
0x110: {  	[sflag:s20] =	ssyncset.done $0x0  }
0x111: {  	[sflag:s20] =	ssyncadd.s32 $0xFFFFE000  }
0x112: {  	_ =	swait.ge [sflag:s26], $0x800  }
.Ltmp15:
0x113: {  	[sflag:s26] =	ssyncset.done $0x0;
	(pc) =	sbr.rel .LBB2_17-.Ltmp15, $4  }
0x114: {  	[sflag:s26] =	ssyncadd.s32 $0xFFFFF800  }
0x115: {  	_ =	swait.ge [sflag:s20], $0x2000  }
0x116: {  	[sflag:s20] =	ssyncset.done $0x0  }
0x117: {  	[sflag:s20] =	ssyncadd.s32 $0xFFFFE000  }
.LBB2_15:
0x118: {  	s1 =	simm.s32 $0xC9F8;
	s5 =	simm.s32 $0x16B78  }
0x119: {  	[spmem:s3] =	stream.indirect.scatter.add.f32 [tilespmem:s5], [sflag:$0x4], $0x40, s1, s24, $0xb8;
	[tilespmem:$0x1D378] =	vst v63  }
0x11a: {  	_ = 	snop  }
0x11b: {  	[spmem:s4] =	stream.indirect.scatter.add.f32 [tilespmem:s21], [sflag:$0x6], $0x10, s1, s24, $0xb8;
	[tilespmem:$0x1D378] =	vst v63  }
0x11c: {  	s10 =	simm.s32 $0x18B78;
	s5 =	simm.s32 $0xCA78  }
0x11d: {  	[spmem:s3] =	stream.indirect.scatter.add.f32 [tilespmem:s10], [sflag:$0x4], $0x40, s5, s24, $0xb8;
	[tilespmem:$0x1D378] =	vst v63  }
.Ltmp16:
0x11e: {  	_ = 	snop;
	(pc) =	sbr.rel @p2 .LBB2_20-.Ltmp16, $4  }
.Ltmp17:
0x11f: {  	s14 =	simm.s32 $0xCAF8;
	s22 =	simm.s32 $0x1AB78;
	(pc) =	sbr.rel @!p2 .LBB2_16-.Ltmp17, $4  }
0x120: {  	[spmem:s3] =	stream.indirect.scatter.add.f32 [tilespmem:s22], [sflag:$0x4], $0x40, s14, s24, $0xb8;
	[tilespmem:$0x1D378] =	vst v63  }
0x121: {  	s5 =	simm.s32 $0xCAF8  }
0x122: {  	[spmem:s4] =	stream.indirect.scatter.add.f32 [tilespmem:s21], [sflag:$0x6], $0x10, s14, s24, $0xb8;
	[tilespmem:$0x1D378] =	vst v63  }
0x123: {  	_ = 	snop  }
.LBB2_19:
0x124: {  	_ =	sfence.sel $0x180000  }
0x125: {  	[bflag:$0x0] =	sbarrier.arrive $0xFFFF  }
0x126: {  	_ =	strace $0x9000004A  }
0x127: {  	s0 =	stileid.u32;
	[bflag:$0x2] =	sbarrier.arrive $0xFFFF  }
0x128: {  	p0 =	sne.s32 s0, $0x0;
	s0 =	rddreg [dreg:$0x4]  }
0x129: {  	s0 =	sadd.s32 @!p0 $0x100000, s0  }
0x12a: {  	[sflag:s0] =	ssyncadd.tile.s32 @!p0 $0x1;
	_ =	shalt  }
.Lfunc_end2:
_tile_overlayer_lowered:
.L_overlay_start_2:
0x12b: {  	(tag) =	ssettag $0x2  }
0x12c: {  	s0 =	rddreg [dreg:$0x0];
	s2 =	stileid.u32  }
0x12d: {  	s1 =	rddreg [dreg:$0x1];
	p0 =	sne.s32 s2, $0x0  }
0x12e: {  	s3 =	rddreg [dreg:$0x2];
	[bflag:$0x3] =	sbarrier.arrive $0xFFFF;
	s2 =	simm.s32 @!p0 $0x1C07  }
0x12f: {  	[timem:s3], [sflag:s2] =	dma.local @!p0 [hbm:s0], s1  }
0x130: {  	s0 =	simm.s32 @!p0 $0x7  }
0x131: {  	_ =	swait.ge @!p0 [sflag:s0], s1  }
0x132: {  	s1 =	ssub.s32 @!p0 $0x0, s1;
	[sflag:s0] =	ssyncset.done @!p0 $0x0  }
0x133: {  	[sflag:s0] =	ssyncadd.s32 @!p0 s1  }
0x134: {  	[bflag:$0x3] =	sbarrier.arrive $0xFFFF  }
0x135: {  	_ =	shalt  }

</sc_bundles>
